<compile_context>
chip_gen: v7x
topology: tpu7x:2x2x1
jax: 0.10.2.dev20260603
libtpu: 0.0.44.dev20260713+nightly
codegen_flags: <defaults>
</compile_context>

<pallas_src>
import functools

import jax
import jax.numpy as jnp
from jax import lax
from jax.experimental import pallas as pl
from jax.experimental.pallas import tpu as pltpu
from jax.experimental.pallas import tpu_sc as plsc

EMB_DIM = 64
NUM_CORES = 2
NUM_SUBCORES = 16
NUM_WORKERS = NUM_CORES * NUM_SUBCORES
BTILE = 128
LANES = 16
NBUF = 4


@functools.partial(jax.jit, static_argnames=("batch", "seq"))
def _emb_gather(ids_t, table, batch, seq):
    n_btiles = batch // BTILE
    mesh = plsc.VectorSubcoreMesh(
        core_axis_name="c", subcore_axis_name="s",
        num_cores=NUM_CORES, num_subcores=NUM_SUBCORES)

    @functools.partial(
        pl.kernel,
        out_type=jax.ShapeDtypeStruct(
            (seq, EMB_DIM // 8, n_btiles, 8, BTILE), jnp.float32),
        mesh=mesh,
        scratch_types=[
            pltpu.VMEM((seq, BTILE), jnp.int32),
            [pltpu.VMEM((BTILE, EMB_DIM), jnp.float32) for _ in range(NBUF)],
            [pltpu.VMEM((EMB_DIM // 8, 8, BTILE + 1), jnp.float32)
             for _ in range(NBUF)],
            [pltpu.SemaphoreType.DMA for _ in range(NBUF)],
            [pltpu.SemaphoreType.DMA for _ in range(NBUF)],
        ],
        compiler_params=pltpu.CompilerParams(
            use_tc_tiling_on_sc=False, needs_layout_passes=False),
    )
    def gather_kernel(ids_hbm, table_hbm, out_hbm,
                      slab_v, rows, outb, gsem, wsem):
        wid = lax.axis_index("s") * NUM_CORES + lax.axis_index("c")
        lane = jax.lax.iota(jnp.int32, LANES)
        klane = [lane + 16 * k for k in range(BTILE // LANES)]
        e1c = [lax.shift_right_logical(klane[j], 3)
               for j in range(EMB_DIM // LANES)]
        e2c = [lax.bitwise_and(klane[j], 7) for j in range(EMB_DIM // LANES)]

        pltpu.sync_copy(ids_hbm.at[:, pl.ds(wid * BTILE, BTILE)], slab_v)

        def gcp(s, b):
            return pltpu.make_async_copy(
                table_hbm.at[slab_v.at[s]], rows[b], gsem[b])

        def wcp(s, b):
            return pltpu.make_async_copy(
                outb[b].at[:, :, pl.ds(0, BTILE)], out_hbm.at[s, :, wid],
                wsem[b])

        def transpose(b):
            rv, ov = rows[b], outb[b]

            @plsc.parallel_loop(0, BTILE, unroll=4)
            def tbody(bb):
                bvec = jnp.full((LANES,), bb, jnp.int32)
                for j in range(EMB_DIM // LANES):
                    v = rv[bb, pl.ds(16 * j, LANES)]
                    plsc.store_scatter(ov, [e1c[j], e2c[j], bvec], v)

        for b in range(NBUF):
            gcp(b, b).start()

        for b in range(NBUF):
            gcp(b, b).wait()
            transpose(b)
            wcp(b, b).start()
            gcp(b + NBUF, b).start()

        def sbody(q, carry):
            s0 = q * NBUF
            for b in range(NBUF):
                s = s0 + b
                gcp(s, b).wait()
                wcp(s - NBUF, b).wait()
                transpose(b)
                wcp(s, b).start()
                gcp(s + NBUF, b).start()
            return carry

        lax.fori_loop(1, seq // NBUF - 1, sbody, 0)

        for b in range(NBUF):
            s = seq - NBUF + b
            gcp(s, b).wait()
            wcp(s - NBUF, b).wait()
            transpose(b)
            wcp(s, b).start()
        for b in range(NBUF):
            wcp(seq - NBUF + b, b).wait()

    return gather_kernel(ids_t, table)


def kernel(input_ids, emb_matrix):
    batch, seq = input_ids.shape
    ids_t = input_ids.T.astype(jnp.int32)
    out5 = _emb_gather(ids_t, emb_matrix, batch, seq)
    return out5.transpose(2, 4, 0, 1, 3).reshape(batch, seq, EMB_DIM)

# --- scband reference (transcript-rebuilt; emitter-appended) ---
"""Pipeline reference for scband-slmodel-20658792694422 (READ-ONLY COPY).

The authoritative reference and input builder live on the scoring server;
editing this copy changes nothing except your own understanding.
"""

import jax, jax.numpy as jnp
import numpy as np

VOCAB = 100000
EMB_DIM = 64
BATCH = 4096
SEQ = 200

def setup_inputs(seed: int = 0) -> dict:
    key = jax.random.key(seed)
    k1, k2 = jax.random.split(key)
    input_ids = jax.random.randint(k1, (BATCH, SEQ), 0, VOCAB, dtype=jnp.int64)
    emb_matrix = jax.random.normal(k2, (VOCAB, EMB_DIM), dtype=jnp.float32)
    # padding_idx=0: pad row is conventionally zeros in the pretrained table
    emb_matrix = emb_matrix.at[0].set(0.0)
    return {"input_ids": input_ids, "emb_matrix": emb_matrix}

def reference(input_ids, emb_matrix):
    # nn.Embedding.from_pretrained(emb_matrix, freeze=False, padding_idx=0)(input_ids)
    # -> plain row gather from the embedding table
    out = jnp.take(emb_matrix, input_ids, axis=0)
    return out

if __name__ == "__main__":
    import jax
    _d = setup_inputs()
    print(jax.jit(kernel)(*tuple(_d.values())))

</pallas_src>

<mosaic_0001>
#map = affine_map<(d0, d1) -> (0, 0)>
#map1 = affine_map<(d0, d1) -> (0, 0, 0, 0, 0)>
module attributes {stable_mosaic.version = 14 : i64} {
  func.func @gather_kernel(%arg0: i32, %arg1: i32, %arg2: memref<200x4096xi32, #tpu.memory_space<hbm>>, %arg3: memref<100000x64xf32, #tpu.memory_space<hbm>>, %arg4: memref<200x8x32x8x128xf32, #tpu.memory_space<hbm>>, %arg5: memref<200x128xi32, #tpu.memory_space<vmem>>, %arg6: memref<128x64xf32, #tpu.memory_space<vmem>>, %arg7: memref<128x64xf32, #tpu.memory_space<vmem>>, %arg8: memref<128x64xf32, #tpu.memory_space<vmem>>, %arg9: memref<128x64xf32, #tpu.memory_space<vmem>>, %arg10: memref<8x8x129xf32, #tpu.memory_space<vmem>>, %arg11: memref<8x8x129xf32, #tpu.memory_space<vmem>>, %arg12: memref<8x8x129xf32, #tpu.memory_space<vmem>>, %arg13: memref<8x8x129xf32, #tpu.memory_space<vmem>>, %arg14: memref<!tpu.dma_semaphore, #tpu.memory_space<semaphore_mem>>, %arg15: memref<!tpu.dma_semaphore, #tpu.memory_space<semaphore_mem>>, %arg16: memref<!tpu.dma_semaphore, #tpu.memory_space<semaphore_mem>>, %arg17: memref<!tpu.dma_semaphore, #tpu.memory_space<semaphore_mem>>, %arg18: memref<!tpu.dma_semaphore, #tpu.memory_space<semaphore_mem>>, %arg19: memref<!tpu.dma_semaphore, #tpu.memory_space<semaphore_mem>>, %arg20: memref<!tpu.dma_semaphore, #tpu.memory_space<semaphore_mem>>, %arg21: memref<!tpu.dma_semaphore, #tpu.memory_space<semaphore_mem>>) attributes {dimension_semantics = [#tpu.dimension_semantics<core_parallel>, #tpu.dimension_semantics<subcore_parallel>], iteration_bounds = array<i64: 2, 16>, scalar_prefetch = 0 : i64, scratch_operands = 17 : i64, tpu.core_type = #tpu.core_type<sc_vector_subcore>, window_params = [{transform_indices = #map}, {transform_indices = #map}, {transform_indices = #map1}]} {
    %mul3A = arith.constant 2 : i32
    %mul3A_0 = arith.muli %arg1, %mul3A : i32
    %add3A = arith.addi %mul3A_0, %arg0 : i32
    %iota3A = tpu.iota {dimensions = array<i32: 0>} : vector<16xi32>
    %add3A_1 = arith.constant 0 : i32
    %add3A_2 = vector.broadcast %add3A_1 : i32 to vector<16xi32>
    %add3A_3 = arith.addi %iota3A, %add3A_2 : vector<16xi32>
    %add3A_4 = arith.constant 16 : i32
    %add3A_5 = vector.broadcast %add3A_4 : i32 to vector<16xi32>
    %add3A_6 = arith.addi %iota3A, %add3A_5 : vector<16xi32>
    %add3A_7 = arith.constant 32 : i32
    %add3A_8 = vector.broadcast %add3A_7 : i32 to vector<16xi32>
    %add3A_9 = arith.addi %iota3A, %add3A_8 : vector<16xi32>
    %add3A_10 = arith.constant 48 : i32
    %add3A_11 = vector.broadcast %add3A_10 : i32 to vector<16xi32>
    %add3A_12 = arith.addi %iota3A, %add3A_11 : vector<16xi32>
    %add3A_13 = arith.constant 64 : i32
    %add3A_14 = vector.broadcast %add3A_13 : i32 to vector<16xi32>
    %add3A_15 = arith.addi %iota3A, %add3A_14 : vector<16xi32>
    %add3A_16 = arith.constant 80 : i32
    %add3A_17 = vector.broadcast %add3A_16 : i32 to vector<16xi32>
    %add3A_18 = arith.addi %iota3A, %add3A_17 : vector<16xi32>
    %add3A_19 = arith.constant 96 : i32
    %add3A_20 = vector.broadcast %add3A_19 : i32 to vector<16xi32>
    %add3A_21 = arith.addi %iota3A, %add3A_20 : vector<16xi32>
    %add3A_22 = arith.constant 112 : i32
    %add3A_23 = vector.broadcast %add3A_22 : i32 to vector<16xi32>
    %add3A_24 = arith.addi %iota3A, %add3A_23 : vector<16xi32>
    %shift_right_logical3A = arith.constant 3 : i32
    %shift_right_logical3A_25 = vector.broadcast %shift_right_logical3A : i32 to vector<16xi32>
    %shift_right_logical3A_26 = arith.shrui %add3A_3, %shift_right_logical3A_25 : vector<16xi32>
    %shift_right_logical3A_27 = arith.constant 3 : i32
    %shift_right_logical3A_28 = vector.broadcast %shift_right_logical3A_27 : i32 to vector<16xi32>
    %shift_right_logical3A_29 = arith.shrui %add3A_6, %shift_right_logical3A_28 : vector<16xi32>
    %shift_right_logical3A_30 = arith.constant 3 : i32
    %shift_right_logical3A_31 = vector.broadcast %shift_right_logical3A_30 : i32 to vector<16xi32>
    %shift_right_logical3A_32 = arith.shrui %add3A_9, %shift_right_logical3A_31 : vector<16xi32>
    %shift_right_logical3A_33 = arith.constant 3 : i32
    %shift_right_logical3A_34 = vector.broadcast %shift_right_logical3A_33 : i32 to vector<16xi32>
    %shift_right_logical3A_35 = arith.shrui %add3A_12, %shift_right_logical3A_34 : vector<16xi32>
    %and3A = arith.constant 7 : i32
    %and3A_36 = vector.broadcast %and3A : i32 to vector<16xi32>
    %and3A_37 = arith.andi %add3A_3, %and3A_36 : vector<16xi32>
    %and3A_38 = arith.constant 7 : i32
    %and3A_39 = vector.broadcast %and3A_38 : i32 to vector<16xi32>
    %and3A_40 = arith.andi %add3A_6, %and3A_39 : vector<16xi32>
    %and3A_41 = arith.constant 7 : i32
    %and3A_42 = vector.broadcast %and3A_41 : i32 to vector<16xi32>
    %and3A_43 = arith.andi %add3A_9, %and3A_42 : vector<16xi32>
    %and3A_44 = arith.constant 7 : i32
    %and3A_45 = vector.broadcast %and3A_44 : i32 to vector<16xi32>
    %and3A_46 = arith.andi %add3A_12, %and3A_45 : vector<16xi32>
    %mul3A_47 = arith.constant 128 : i32
    %mul3A_48 = arith.muli %add3A, %mul3A_47 : i32
    "tpu.region"() ({
      %run_scoped3A = tpu.sem_alloc : memref<!tpu.dma_semaphore, #tpu.memory_space<semaphore_mem>>
      %dma_start3A_491 = arith.constant 0 : i32
      %dma_start3A_492 = tpu.memref_slice %arg2[%dma_start3A_491, %mul3A_48] : memref<200x4096xi32, #tpu.memory_space<hbm>> -> memref<200x128xi32, #tpu.memory_space<hbm>>
      %dma_start3A_493 = arith.constant 0 : i32
      %dma_start3A_494 = tpu.memref_slice %arg2[%dma_start3A_493, %mul3A_48] : memref<200x4096xi32, #tpu.memory_space<hbm>> -> memref<200x128xi32, #tpu.memory_space<hbm>>
      tpu.enqueue_dma source(%dma_start3A_494 : memref<200x128xi32, #tpu.memory_space<hbm>>) target(%arg5 : memref<200x128xi32, #tpu.memory_space<vmem>>) target_semaphore(%run_scoped3A : memref<!tpu.dma_semaphore, #tpu.memory_space<semaphore_mem>>)
      %dma_wait3A_495 = arith.constant 0 : i32
      %dma_wait3A_496 = tpu.memref_slice %arg2[%dma_wait3A_495, %mul3A_48] : memref<200x4096xi32, #tpu.memory_space<hbm>> -> memref<200x128xi32, #tpu.memory_space<hbm>>
      %dma_wait3A_497 = arith.constant 0 : i32
      %dma_wait3A_498 = tpu.memref_slice %arg2[%dma_wait3A_497, %mul3A_48] : memref<200x4096xi32, #tpu.memory_space<hbm>> -> memref<200x128xi32, #tpu.memory_space<hbm>>
      tpu.wait_dma2 semaphore(%run_scoped3A : memref<!tpu.dma_semaphore, #tpu.memory_space<semaphore_mem>>) src(%dma_wait3A_498 : memref<200x128xi32, #tpu.memory_space<hbm>>) dst(%arg5 : memref<200x128xi32, #tpu.memory_space<vmem>>)
      tpu.yield
    }) : () -> ()
    %dma_start3A = arith.constant 0 : i32
    %dma_start3A_49 = arith.constant 0 : i32
    %dma_start3A_50 = tpu.memref_slice %arg5[%dma_start3A, %dma_start3A_49] : memref<200x128xi32, #tpu.memory_space<vmem>> -> memref<1x128xi32, #tpu.memory_space<vmem>>
    %dma_start3A_51 = tpu.memref_squeeze %dma_start3A_50 : memref<1x128xi32, #tpu.memory_space<vmem>> -> memref<128xi32, #tpu.memory_space<vmem>>
    %dma_start3A_52 = arith.constant 0 : i32
    %dma_start3A_53 = arith.constant 0 : i32
    %dma_start3A_54 = tpu.memref_slice %arg3[%dma_start3A_52, %dma_start3A_53] : memref<100000x64xf32, #tpu.memory_space<hbm>> -> memref<100000x64xf32, #tpu.memory_space<hbm>>
    tpu.enqueue_indirect_dma source(%dma_start3A_54 : memref<100000x64xf32, #tpu.memory_space<hbm>>) target(%arg6 : memref<128x64xf32, #tpu.memory_space<vmem>>) offsets(%dma_start3A_51 : memref<128xi32, #tpu.memory_space<vmem>>) semaphore(%arg14 : memref<!tpu.dma_semaphore, #tpu.memory_space<semaphore_mem>>)
    %dma_start3A_55 = arith.constant 1 : i32
    %dma_start3A_56 = arith.constant 0 : i32
    %dma_start3A_57 = tpu.memref_slice %arg5[%dma_start3A_55, %dma_start3A_56] : memref<200x128xi32, #tpu.memory_space<vmem>> -> memref<1x128xi32, #tpu.memory_space<vmem>>
    %dma_start3A_58 = tpu.memref_squeeze %dma_start3A_57 : memref<1x128xi32, #tpu.memory_space<vmem>> -> memref<128xi32, #tpu.memory_space<vmem>>
    %dma_start3A_59 = arith.constant 0 : i32
    %dma_start3A_60 = arith.constant 0 : i32
    %dma_start3A_61 = tpu.memref_slice %arg3[%dma_start3A_59, %dma_start3A_60] : memref<100000x64xf32, #tpu.memory_space<hbm>> -> memref<100000x64xf32, #tpu.memory_space<hbm>>
    tpu.enqueue_indirect_dma source(%dma_start3A_61 : memref<100000x64xf32, #tpu.memory_space<hbm>>) target(%arg7 : memref<128x64xf32, #tpu.memory_space<vmem>>) offsets(%dma_start3A_58 : memref<128xi32, #tpu.memory_space<vmem>>) semaphore(%arg15 : memref<!tpu.dma_semaphore, #tpu.memory_space<semaphore_mem>>)
    %dma_start3A_62 = arith.constant 2 : i32
    %dma_start3A_63 = arith.constant 0 : i32
    %dma_start3A_64 = tpu.memref_slice %arg5[%dma_start3A_62, %dma_start3A_63] : memref<200x128xi32, #tpu.memory_space<vmem>> -> memref<1x128xi32, #tpu.memory_space<vmem>>
    %dma_start3A_65 = tpu.memref_squeeze %dma_start3A_64 : memref<1x128xi32, #tpu.memory_space<vmem>> -> memref<128xi32, #tpu.memory_space<vmem>>
    %dma_start3A_66 = arith.constant 0 : i32
    %dma_start3A_67 = arith.constant 0 : i32
    %dma_start3A_68 = tpu.memref_slice %arg3[%dma_start3A_66, %dma_start3A_67] : memref<100000x64xf32, #tpu.memory_space<hbm>> -> memref<100000x64xf32, #tpu.memory_space<hbm>>
    tpu.enqueue_indirect_dma source(%dma_start3A_68 : memref<100000x64xf32, #tpu.memory_space<hbm>>) target(%arg8 : memref<128x64xf32, #tpu.memory_space<vmem>>) offsets(%dma_start3A_65 : memref<128xi32, #tpu.memory_space<vmem>>) semaphore(%arg16 : memref<!tpu.dma_semaphore, #tpu.memory_space<semaphore_mem>>)
    %dma_start3A_69 = arith.constant 3 : i32
    %dma_start3A_70 = arith.constant 0 : i32
    %dma_start3A_71 = tpu.memref_slice %arg5[%dma_start3A_69, %dma_start3A_70] : memref<200x128xi32, #tpu.memory_space<vmem>> -> memref<1x128xi32, #tpu.memory_space<vmem>>
    %dma_start3A_72 = tpu.memref_squeeze %dma_start3A_71 : memref<1x128xi32, #tpu.memory_space<vmem>> -> memref<128xi32, #tpu.memory_space<vmem>>
    %dma_start3A_73 = arith.constant 0 : i32
    %dma_start3A_74 = arith.constant 0 : i32
    %dma_start3A_75 = tpu.memref_slice %arg3[%dma_start3A_73, %dma_start3A_74] : memref<100000x64xf32, #tpu.memory_space<hbm>> -> memref<100000x64xf32, #tpu.memory_space<hbm>>
    tpu.enqueue_indirect_dma source(%dma_start3A_75 : memref<100000x64xf32, #tpu.memory_space<hbm>>) target(%arg9 : memref<128x64xf32, #tpu.memory_space<vmem>>) offsets(%dma_start3A_72 : memref<128xi32, #tpu.memory_space<vmem>>) semaphore(%arg17 : memref<!tpu.dma_semaphore, #tpu.memory_space<semaphore_mem>>)
    %dma_wait3A = arith.constant 0 : i32
    %dma_wait3A_76 = arith.constant 0 : i32
    %dma_wait3A_77 = tpu.memref_slice %arg5[%dma_wait3A, %dma_wait3A_76] : memref<200x128xi32, #tpu.memory_space<vmem>> -> memref<1x128xi32, #tpu.memory_space<vmem>>
    %dma_wait3A_78 = tpu.memref_squeeze %dma_wait3A_77 : memref<1x128xi32, #tpu.memory_space<vmem>> -> memref<128xi32, #tpu.memory_space<vmem>>
    %dma_wait3A_79 = arith.constant 0 : i32
    %dma_wait3A_80 = arith.constant 0 : i32
    %dma_wait3A_81 = tpu.memref_slice %arg3[%dma_wait3A_79, %dma_wait3A_80] : memref<100000x64xf32, #tpu.memory_space<hbm>> -> memref<100000x64xf32, #tpu.memory_space<hbm>>
    tpu.wait_indirect_dma semaphore(%arg14 : memref<!tpu.dma_semaphore, #tpu.memory_space<semaphore_mem>>) src(%dma_wait3A_81 : memref<100000x64xf32, #tpu.memory_space<hbm>>) dst(%arg6 : memref<128x64xf32, #tpu.memory_space<vmem>>)
    %parallel_loop3A = arith.constant 0 : i32
    %parallel_loop3A_82 = arith.constant 128 : i32
    %parallel_loop3A_83 = arith.constant 1 : i32
    scf.for %parallel_loop3A_491 = %parallel_loop3A to %parallel_loop3A_82 step %parallel_loop3A_83  : i32 {
      %parallel_loop3A_492 = vector.broadcast %parallel_loop3A_491 : i32 to vector<16xi32>
      %parallel_loop3A_493 = arith.index_cast %parallel_loop3A_491 : i32 to index
      %parallel_loop3A_494 = arith.constant 0 : index
      %parallel_loop3A_495 = tpu.vector_load %arg6[%parallel_loop3A_493, %parallel_loop3A_494] {strides = array<i32>} : memref<128x64xf32, #tpu.memory_space<vmem>>, vector<16xf32>,
      tpu.vector_store_idx %arg10[%shift_right_logical3A_26, %and3A_37, %parallel_loop3A_492], %parallel_loop3A_495 : memref<8x8x129xf32, #tpu.memory_space<vmem>>[vector<16xi32>, vector<16xi32>, vector<16xi32>], vector<16xf32>,
      %parallel_loop3A_496 = arith.index_cast %parallel_loop3A_491 : i32 to index
      %parallel_loop3A_497 = arith.constant 16 : index
      %parallel_loop3A_498 = tpu.vector_load %arg6[%parallel_loop3A_496, %parallel_loop3A_497] {strides = array<i32>} : memref<128x64xf32, #tpu.memory_space<vmem>>, vector<16xf32>,
      tpu.vector_store_idx %arg10[%shift_right_logical3A_29, %and3A_40, %parallel_loop3A_492], %parallel_loop3A_498 : memref<8x8x129xf32, #tpu.memory_space<vmem>>[vector<16xi32>, vector<16xi32>, vector<16xi32>], vector<16xf32>,
      %parallel_loop3A_499 = arith.index_cast %parallel_loop3A_491 : i32 to index
      %parallel_loop3A_500 = arith.constant 32 : index
      %parallel_loop3A_501 = tpu.vector_load %arg6[%parallel_loop3A_499, %parallel_loop3A_500] {strides = array<i32>} : memref<128x64xf32, #tpu.memory_space<vmem>>, vector<16xf32>,
      tpu.vector_store_idx %arg10[%shift_right_logical3A_32, %and3A_43, %parallel_loop3A_492], %parallel_loop3A_501 : memref<8x8x129xf32, #tpu.memory_space<vmem>>[vector<16xi32>, vector<16xi32>, vector<16xi32>], vector<16xf32>,
      %parallel_loop3A_502 = arith.index_cast %parallel_loop3A_491 : i32 to index
      %parallel_loop3A_503 = arith.constant 48 : index
      %parallel_loop3A_504 = tpu.vector_load %arg6[%parallel_loop3A_502, %parallel_loop3A_503] {strides = array<i32>} : memref<128x64xf32, #tpu.memory_space<vmem>>, vector<16xf32>,
      tpu.vector_store_idx %arg10[%shift_right_logical3A_35, %and3A_46, %parallel_loop3A_492], %parallel_loop3A_504 : memref<8x8x129xf32, #tpu.memory_space<vmem>>[vector<16xi32>, vector<16xi32>, vector<16xi32>], vector<16xf32>,
    } {sc.loop_unroll_factor = 4 : i64, sc.parallel_access}
    %dma_start3A_84 = arith.constant 0 : i32
    %dma_start3A_85 = arith.constant 0 : i32
    %dma_start3A_86 = arith.constant 0 : i32
    %dma_start3A_87 = arith.constant 0 : i32
    %dma_start3A_88 = tpu.memref_slice %arg10[%dma_start3A_85, %dma_start3A_86, %dma_start3A_87] : memref<8x8x129xf32, #tpu.memory_space<vmem>> -> memref<8x8x128xf32, #tpu.memory_space<vmem>>
    %dma_start3A_89 = arith.constant 0 : i32
    %dma_start3A_90 = arith.constant 0 : i32
    %dma_start3A_91 = arith.constant 0 : i32
    %dma_start3A_92 = tpu.memref_slice %arg4[%dma_start3A_84, %dma_start3A_89, %add3A, %dma_start3A_90, %dma_start3A_91] : memref<200x8x32x8x128xf32, #tpu.memory_space<hbm>> -> memref<1x8x1x8x128xf32, #tpu.memory_space<hbm>>
    %dma_start3A_93 = tpu.memref_squeeze %dma_start3A_92 : memref<1x8x1x8x128xf32, #tpu.memory_space<hbm>> -> memref<8x8x128xf32, #tpu.memory_space<hbm>>
    %dma_start3A_94 = arith.constant 0 : i32
    %dma_start3A_95 = arith.constant 0 : i32
    %dma_start3A_96 = arith.constant 0 : i32
    %dma_start3A_97 = tpu.memref_slice %arg4[%dma_start3A_84, %dma_start3A_94, %add3A, %dma_start3A_95, %dma_start3A_96] : memref<200x8x32x8x128xf32, #tpu.memory_space<hbm>> -> memref<1x8x1x8x128xf32, #tpu.memory_space<hbm>>
    %dma_start3A_98 = tpu.memref_squeeze %dma_start3A_97 : memref<1x8x1x8x128xf32, #tpu.memory_space<hbm>> -> memref<8x8x128xf32, #tpu.memory_space<hbm>>
    %dma_start3A_99 = arith.constant 0 : i32
    %dma_start3A_100 = arith.constant 0 : i32
    %dma_start3A_101 = arith.constant 0 : i32
    %dma_start3A_102 = tpu.memref_slice %arg10[%dma_start3A_99, %dma_start3A_100, %dma_start3A_101] : memref<8x8x129xf32, #tpu.memory_space<vmem>> -> memref<8x8x128xf32, #tpu.memory_space<vmem>>
    tpu.enqueue_dma source(%dma_start3A_102 : memref<8x8x128xf32, #tpu.memory_space<vmem>>) target(%dma_start3A_98 : memref<8x8x128xf32, #tpu.memory_space<hbm>>) target_semaphore(%arg18 : memref<!tpu.dma_semaphore, #tpu.memory_space<semaphore_mem>>)
    %dma_start3A_103 = arith.constant 4 : i32
    %dma_start3A_104 = arith.constant 0 : i32
    %dma_start3A_105 = tpu.memref_slice %arg5[%dma_start3A_103, %dma_start3A_104] : memref<200x128xi32, #tpu.memory_space<vmem>> -> memref<1x128xi32, #tpu.memory_space<vmem>>
    %dma_start3A_106 = tpu.memref_squeeze %dma_start3A_105 : memref<1x128xi32, #tpu.memory_space<vmem>> -> memref<128xi32, #tpu.memory_space<vmem>>
    %dma_start3A_107 = arith.constant 0 : i32
    %dma_start3A_108 = arith.constant 0 : i32
    %dma_start3A_109 = tpu.memref_slice %arg3[%dma_start3A_107, %dma_start3A_108] : memref<100000x64xf32, #tpu.memory_space<hbm>> -> memref<100000x64xf32, #tpu.memory_space<hbm>>
    tpu.enqueue_indirect_dma source(%dma_start3A_109 : memref<100000x64xf32, #tpu.memory_space<hbm>>) target(%arg6 : memref<128x64xf32, #tpu.memory_space<vmem>>) offsets(%dma_start3A_106 : memref<128xi32, #tpu.memory_space<vmem>>) semaphore(%arg14 : memref<!tpu.dma_semaphore, #tpu.memory_space<semaphore_mem>>)
    %dma_wait3A_110 = arith.constant 1 : i32
    %dma_wait3A_111 = arith.constant 0 : i32
    %dma_wait3A_112 = tpu.memref_slice %arg5[%dma_wait3A_110, %dma_wait3A_111] : memref<200x128xi32, #tpu.memory_space<vmem>> -> memref<1x128xi32, #tpu.memory_space<vmem>>
    %dma_wait3A_113 = tpu.memref_squeeze %dma_wait3A_112 : memref<1x128xi32, #tpu.memory_space<vmem>> -> memref<128xi32, #tpu.memory_space<vmem>>
    %dma_wait3A_114 = arith.constant 0 : i32
    %dma_wait3A_115 = arith.constant 0 : i32
    %dma_wait3A_116 = tpu.memref_slice %arg3[%dma_wait3A_114, %dma_wait3A_115] : memref<100000x64xf32, #tpu.memory_space<hbm>> -> memref<100000x64xf32, #tpu.memory_space<hbm>>
    tpu.wait_indirect_dma semaphore(%arg15 : memref<!tpu.dma_semaphore, #tpu.memory_space<semaphore_mem>>) src(%dma_wait3A_116 : memref<100000x64xf32, #tpu.memory_space<hbm>>) dst(%arg7 : memref<128x64xf32, #tpu.memory_space<vmem>>)
    %parallel_loop3A_117 = arith.constant 0 : i32
    %parallel_loop3A_118 = arith.constant 128 : i32
    %parallel_loop3A_119 = arith.constant 1 : i32
    scf.for %parallel_loop3A_491 = %parallel_loop3A_117 to %parallel_loop3A_118 step %parallel_loop3A_119  : i32 {
      %parallel_loop3A_492 = vector.broadcast %parallel_loop3A_491 : i32 to vector<16xi32>
      %parallel_loop3A_493 = arith.index_cast %parallel_loop3A_491 : i32 to index
      %parallel_loop3A_494 = arith.constant 0 : index
      %parallel_loop3A_495 = tpu.vector_load %arg7[%parallel_loop3A_493, %parallel_loop3A_494] {strides = array<i32>} : memref<128x64xf32, #tpu.memory_space<vmem>>, vector<16xf32>,
      tpu.vector_store_idx %arg11[%shift_right_logical3A_26, %and3A_37, %parallel_loop3A_492], %parallel_loop3A_495 : memref<8x8x129xf32, #tpu.memory_space<vmem>>[vector<16xi32>, vector<16xi32>, vector<16xi32>], vector<16xf32>,
      %parallel_loop3A_496 = arith.index_cast %parallel_loop3A_491 : i32 to index
      %parallel_loop3A_497 = arith.constant 16 : index
      %parallel_loop3A_498 = tpu.vector_load %arg7[%parallel_loop3A_496, %parallel_loop3A_497] {strides = array<i32>} : memref<128x64xf32, #tpu.memory_space<vmem>>, vector<16xf32>,
      tpu.vector_store_idx %arg11[%shift_right_logical3A_29, %and3A_40, %parallel_loop3A_492], %parallel_loop3A_498 : memref<8x8x129xf32, #tpu.memory_space<vmem>>[vector<16xi32>, vector<16xi32>, vector<16xi32>], vector<16xf32>,
      %parallel_loop3A_499 = arith.index_cast %parallel_loop3A_491 : i32 to index
      %parallel_loop3A_500 = arith.constant 32 : index
      %parallel_loop3A_501 = tpu.vector_load %arg7[%parallel_loop3A_499, %parallel_loop3A_500] {strides = array<i32>} : memref<128x64xf32, #tpu.memory_space<vmem>>, vector<16xf32>,
      tpu.vector_store_idx %arg11[%shift_right_logical3A_32, %and3A_43, %parallel_loop3A_492], %parallel_loop3A_501 : memref<8x8x129xf32, #tpu.memory_space<vmem>>[vector<16xi32>, vector<16xi32>, vector<16xi32>], vector<16xf32>,
      %parallel_loop3A_502 = arith.index_cast %parallel_loop3A_491 : i32 to index
      %parallel_loop3A_503 = arith.constant 48 : index
      %parallel_loop3A_504 = tpu.vector_load %arg7[%parallel_loop3A_502, %parallel_loop3A_503] {strides = array<i32>} : memref<128x64xf32, #tpu.memory_space<vmem>>, vector<16xf32>,
      tpu.vector_store_idx %arg11[%shift_right_logical3A_35, %and3A_46, %parallel_loop3A_492], %parallel_loop3A_504 : memref<8x8x129xf32, #tpu.memory_space<vmem>>[vector<16xi32>, vector<16xi32>, vector<16xi32>], vector<16xf32>,
    } {sc.loop_unroll_factor = 4 : i64, sc.parallel_access}
    %dma_start3A_120 = arith.constant 1 : i32
    %dma_start3A_121 = arith.constant 0 : i32
    %dma_start3A_122 = arith.constant 0 : i32
    %dma_start3A_123 = arith.constant 0 : i32
    %dma_start3A_124 = tpu.memref_slice %arg11[%dma_start3A_121, %dma_start3A_122, %dma_start3A_123] : memref<8x8x129xf32, #tpu.memory_space<vmem>> -> memref<8x8x128xf32, #tpu.memory_space<vmem>>
    %dma_start3A_125 = arith.constant 0 : i32
    %dma_start3A_126 = arith.constant 0 : i32
    %dma_start3A_127 = arith.constant 0 : i32
    %dma_start3A_128 = tpu.memref_slice %arg4[%dma_start3A_120, %dma_start3A_125, %add3A, %dma_start3A_126, %dma_start3A_127] : memref<200x8x32x8x128xf32, #tpu.memory_space<hbm>> -> memref<1x8x1x8x128xf32, #tpu.memory_space<hbm>>
    %dma_start3A_129 = tpu.memref_squeeze %dma_start3A_128 : memref<1x8x1x8x128xf32, #tpu.memory_space<hbm>> -> memref<8x8x128xf32, #tpu.memory_space<hbm>>
    %dma_start3A_130 = arith.constant 0 : i32
    %dma_start3A_131 = arith.constant 0 : i32
    %dma_start3A_132 = arith.constant 0 : i32
    %dma_start3A_133 = tpu.memref_slice %arg4[%dma_start3A_120, %dma_start3A_130, %add3A, %dma_start3A_131, %dma_start3A_132] : memref<200x8x32x8x128xf32, #tpu.memory_space<hbm>> -> memref<1x8x1x8x128xf32, #tpu.memory_space<hbm>>
    %dma_start3A_134 = tpu.memref_squeeze %dma_start3A_133 : memref<1x8x1x8x128xf32, #tpu.memory_space<hbm>> -> memref<8x8x128xf32, #tpu.memory_space<hbm>>
    %dma_start3A_135 = arith.constant 0 : i32
    %dma_start3A_136 = arith.constant 0 : i32
    %dma_start3A_137 = arith.constant 0 : i32
    %dma_start3A_138 = tpu.memref_slice %arg11[%dma_start3A_135, %dma_start3A_136, %dma_start3A_137] : memref<8x8x129xf32, #tpu.memory_space<vmem>> -> memref<8x8x128xf32, #tpu.memory_space<vmem>>
    tpu.enqueue_dma source(%dma_start3A_138 : memref<8x8x128xf32, #tpu.memory_space<vmem>>) target(%dma_start3A_134 : memref<8x8x128xf32, #tpu.memory_space<hbm>>) target_semaphore(%arg19 : memref<!tpu.dma_semaphore, #tpu.memory_space<semaphore_mem>>)
    %dma_start3A_139 = arith.constant 5 : i32
    %dma_start3A_140 = arith.constant 0 : i32
    %dma_start3A_141 = tpu.memref_slice %arg5[%dma_start3A_139, %dma_start3A_140] : memref<200x128xi32, #tpu.memory_space<vmem>> -> memref<1x128xi32, #tpu.memory_space<vmem>>
    %dma_start3A_142 = tpu.memref_squeeze %dma_start3A_141 : memref<1x128xi32, #tpu.memory_space<vmem>> -> memref<128xi32, #tpu.memory_space<vmem>>
    %dma_start3A_143 = arith.constant 0 : i32
    %dma_start3A_144 = arith.constant 0 : i32
    %dma_start3A_145 = tpu.memref_slice %arg3[%dma_start3A_143, %dma_start3A_144] : memref<100000x64xf32, #tpu.memory_space<hbm>> -> memref<100000x64xf32, #tpu.memory_space<hbm>>
    tpu.enqueue_indirect_dma source(%dma_start3A_145 : memref<100000x64xf32, #tpu.memory_space<hbm>>) target(%arg7 : memref<128x64xf32, #tpu.memory_space<vmem>>) offsets(%dma_start3A_142 : memref<128xi32, #tpu.memory_space<vmem>>) semaphore(%arg15 : memref<!tpu.dma_semaphore, #tpu.memory_space<semaphore_mem>>)
    %dma_wait3A_146 = arith.constant 2 : i32
    %dma_wait3A_147 = arith.constant 0 : i32
    %dma_wait3A_148 = tpu.memref_slice %arg5[%dma_wait3A_146, %dma_wait3A_147] : memref<200x128xi32, #tpu.memory_space<vmem>> -> memref<1x128xi32, #tpu.memory_space<vmem>>
    %dma_wait3A_149 = tpu.memref_squeeze %dma_wait3A_148 : memref<1x128xi32, #tpu.memory_space<vmem>> -> memref<128xi32, #tpu.memory_space<vmem>>
    %dma_wait3A_150 = arith.constant 0 : i32
    %dma_wait3A_151 = arith.constant 0 : i32
    %dma_wait3A_152 = tpu.memref_slice %arg3[%dma_wait3A_150, %dma_wait3A_151] : memref<100000x64xf32, #tpu.memory_space<hbm>> -> memref<100000x64xf32, #tpu.memory_space<hbm>>
    tpu.wait_indirect_dma semaphore(%arg16 : memref<!tpu.dma_semaphore, #tpu.memory_space<semaphore_mem>>) src(%dma_wait3A_152 : memref<100000x64xf32, #tpu.memory_space<hbm>>) dst(%arg8 : memref<128x64xf32, #tpu.memory_space<vmem>>)
    %parallel_loop3A_153 = arith.constant 0 : i32
    %parallel_loop3A_154 = arith.constant 128 : i32
    %parallel_loop3A_155 = arith.constant 1 : i32
    scf.for %parallel_loop3A_491 = %parallel_loop3A_153 to %parallel_loop3A_154 step %parallel_loop3A_155  : i32 {
      %parallel_loop3A_492 = vector.broadcast %parallel_loop3A_491 : i32 to vector<16xi32>
      %parallel_loop3A_493 = arith.index_cast %parallel_loop3A_491 : i32 to index
      %parallel_loop3A_494 = arith.constant 0 : index
      %parallel_loop3A_495 = tpu.vector_load %arg8[%parallel_loop3A_493, %parallel_loop3A_494] {strides = array<i32>} : memref<128x64xf32, #tpu.memory_space<vmem>>, vector<16xf32>,
      tpu.vector_store_idx %arg12[%shift_right_logical3A_26, %and3A_37, %parallel_loop3A_492], %parallel_loop3A_495 : memref<8x8x129xf32, #tpu.memory_space<vmem>>[vector<16xi32>, vector<16xi32>, vector<16xi32>], vector<16xf32>,
      %parallel_loop3A_496 = arith.index_cast %parallel_loop3A_491 : i32 to index
      %parallel_loop3A_497 = arith.constant 16 : index
      %parallel_loop3A_498 = tpu.vector_load %arg8[%parallel_loop3A_496, %parallel_loop3A_497] {strides = array<i32>} : memref<128x64xf32, #tpu.memory_space<vmem>>, vector<16xf32>,
      tpu.vector_store_idx %arg12[%shift_right_logical3A_29, %and3A_40, %parallel_loop3A_492], %parallel_loop3A_498 : memref<8x8x129xf32, #tpu.memory_space<vmem>>[vector<16xi32>, vector<16xi32>, vector<16xi32>], vector<16xf32>,
      %parallel_loop3A_499 = arith.index_cast %parallel_loop3A_491 : i32 to index
      %parallel_loop3A_500 = arith.constant 32 : index
      %parallel_loop3A_501 = tpu.vector_load %arg8[%parallel_loop3A_499, %parallel_loop3A_500] {strides = array<i32>} : memref<128x64xf32, #tpu.memory_space<vmem>>, vector<16xf32>,
      tpu.vector_store_idx %arg12[%shift_right_logical3A_32, %and3A_43, %parallel_loop3A_492], %parallel_loop3A_501 : memref<8x8x129xf32, #tpu.memory_space<vmem>>[vector<16xi32>, vector<16xi32>, vector<16xi32>], vector<16xf32>,
      %parallel_loop3A_502 = arith.index_cast %parallel_loop3A_491 : i32 to index
      %parallel_loop3A_503 = arith.constant 48 : index
      %parallel_loop3A_504 = tpu.vector_load %arg8[%parallel_loop3A_502, %parallel_loop3A_503] {strides = array<i32>} : memref<128x64xf32, #tpu.memory_space<vmem>>, vector<16xf32>,
      tpu.vector_store_idx %arg12[%shift_right_logical3A_35, %and3A_46, %parallel_loop3A_492], %parallel_loop3A_504 : memref<8x8x129xf32, #tpu.memory_space<vmem>>[vector<16xi32>, vector<16xi32>, vector<16xi32>], vector<16xf32>,
    } {sc.loop_unroll_factor = 4 : i64, sc.parallel_access}
    %dma_start3A_156 = arith.constant 2 : i32
    %dma_start3A_157 = arith.constant 0 : i32
    %dma_start3A_158 = arith.constant 0 : i32
    %dma_start3A_159 = arith.constant 0 : i32
    %dma_start3A_160 = tpu.memref_slice %arg12[%dma_start3A_157, %dma_start3A_158, %dma_start3A_159] : memref<8x8x129xf32, #tpu.memory_space<vmem>> -> memref<8x8x128xf32, #tpu.memory_space<vmem>>
    %dma_start3A_161 = arith.constant 0 : i32
    %dma_start3A_162 = arith.constant 0 : i32
    %dma_start3A_163 = arith.constant 0 : i32
    %dma_start3A_164 = tpu.memref_slice %arg4[%dma_start3A_156, %dma_start3A_161, %add3A, %dma_start3A_162, %dma_start3A_163] : memref<200x8x32x8x128xf32, #tpu.memory_space<hbm>> -> memref<1x8x1x8x128xf32, #tpu.memory_space<hbm>>
    %dma_start3A_165 = tpu.memref_squeeze %dma_start3A_164 : memref<1x8x1x8x128xf32, #tpu.memory_space<hbm>> -> memref<8x8x128xf32, #tpu.memory_space<hbm>>
    %dma_start3A_166 = arith.constant 0 : i32
    %dma_start3A_167 = arith.constant 0 : i32
    %dma_start3A_168 = arith.constant 0 : i32
    %dma_start3A_169 = tpu.memref_slice %arg4[%dma_start3A_156, %dma_start3A_166, %add3A, %dma_start3A_167, %dma_start3A_168] : memref<200x8x32x8x128xf32, #tpu.memory_space<hbm>> -> memref<1x8x1x8x128xf32, #tpu.memory_space<hbm>>
    %dma_start3A_170 = tpu.memref_squeeze %dma_start3A_169 : memref<1x8x1x8x128xf32, #tpu.memory_space<hbm>> -> memref<8x8x128xf32, #tpu.memory_space<hbm>>
    %dma_start3A_171 = arith.constant 0 : i32
    %dma_start3A_172 = arith.constant 0 : i32
    %dma_start3A_173 = arith.constant 0 : i32
    %dma_start3A_174 = tpu.memref_slice %arg12[%dma_start3A_171, %dma_start3A_172, %dma_start3A_173] : memref<8x8x129xf32, #tpu.memory_space<vmem>> -> memref<8x8x128xf32, #tpu.memory_space<vmem>>
    tpu.enqueue_dma source(%dma_start3A_174 : memref<8x8x128xf32, #tpu.memory_space<vmem>>) target(%dma_start3A_170 : memref<8x8x128xf32, #tpu.memory_space<hbm>>) target_semaphore(%arg20 : memref<!tpu.dma_semaphore, #tpu.memory_space<semaphore_mem>>)
    %dma_start3A_175 = arith.constant 6 : i32
    %dma_start3A_176 = arith.constant 0 : i32
    %dma_start3A_177 = tpu.memref_slice %arg5[%dma_start3A_175, %dma_start3A_176] : memref<200x128xi32, #tpu.memory_space<vmem>> -> memref<1x128xi32, #tpu.memory_space<vmem>>
    %dma_start3A_178 = tpu.memref_squeeze %dma_start3A_177 : memref<1x128xi32, #tpu.memory_space<vmem>> -> memref<128xi32, #tpu.memory_space<vmem>>
    %dma_start3A_179 = arith.constant 0 : i32
    %dma_start3A_180 = arith.constant 0 : i32
    %dma_start3A_181 = tpu.memref_slice %arg3[%dma_start3A_179, %dma_start3A_180] : memref<100000x64xf32, #tpu.memory_space<hbm>> -> memref<100000x64xf32, #tpu.memory_space<hbm>>
    tpu.enqueue_indirect_dma source(%dma_start3A_181 : memref<100000x64xf32, #tpu.memory_space<hbm>>) target(%arg8 : memref<128x64xf32, #tpu.memory_space<vmem>>) offsets(%dma_start3A_178 : memref<128xi32, #tpu.memory_space<vmem>>) semaphore(%arg16 : memref<!tpu.dma_semaphore, #tpu.memory_space<semaphore_mem>>)
    %dma_wait3A_182 = arith.constant 3 : i32
    %dma_wait3A_183 = arith.constant 0 : i32
    %dma_wait3A_184 = tpu.memref_slice %arg5[%dma_wait3A_182, %dma_wait3A_183] : memref<200x128xi32, #tpu.memory_space<vmem>> -> memref<1x128xi32, #tpu.memory_space<vmem>>
    %dma_wait3A_185 = tpu.memref_squeeze %dma_wait3A_184 : memref<1x128xi32, #tpu.memory_space<vmem>> -> memref<128xi32, #tpu.memory_space<vmem>>
    %dma_wait3A_186 = arith.constant 0 : i32
    %dma_wait3A_187 = arith.constant 0 : i32
    %dma_wait3A_188 = tpu.memref_slice %arg3[%dma_wait3A_186, %dma_wait3A_187] : memref<100000x64xf32, #tpu.memory_space<hbm>> -> memref<100000x64xf32, #tpu.memory_space<hbm>>
    tpu.wait_indirect_dma semaphore(%arg17 : memref<!tpu.dma_semaphore, #tpu.memory_space<semaphore_mem>>) src(%dma_wait3A_188 : memref<100000x64xf32, #tpu.memory_space<hbm>>) dst(%arg9 : memref<128x64xf32, #tpu.memory_space<vmem>>)
    %parallel_loop3A_189 = arith.constant 0 : i32
    %parallel_loop3A_190 = arith.constant 128 : i32
    %parallel_loop3A_191 = arith.constant 1 : i32
    scf.for %parallel_loop3A_491 = %parallel_loop3A_189 to %parallel_loop3A_190 step %parallel_loop3A_191  : i32 {
      %parallel_loop3A_492 = vector.broadcast %parallel_loop3A_491 : i32 to vector<16xi32>
      %parallel_loop3A_493 = arith.index_cast %parallel_loop3A_491 : i32 to index
      %parallel_loop3A_494 = arith.constant 0 : index
      %parallel_loop3A_495 = tpu.vector_load %arg9[%parallel_loop3A_493, %parallel_loop3A_494] {strides = array<i32>} : memref<128x64xf32, #tpu.memory_space<vmem>>, vector<16xf32>,
      tpu.vector_store_idx %arg13[%shift_right_logical3A_26, %and3A_37, %parallel_loop3A_492], %parallel_loop3A_495 : memref<8x8x129xf32, #tpu.memory_space<vmem>>[vector<16xi32>, vector<16xi32>, vector<16xi32>], vector<16xf32>,
      %parallel_loop3A_496 = arith.index_cast %parallel_loop3A_491 : i32 to index
      %parallel_loop3A_497 = arith.constant 16 : index
      %parallel_loop3A_498 = tpu.vector_load %arg9[%parallel_loop3A_496, %parallel_loop3A_497] {strides = array<i32>} : memref<128x64xf32, #tpu.memory_space<vmem>>, vector<16xf32>,
      tpu.vector_store_idx %arg13[%shift_right_logical3A_29, %and3A_40, %parallel_loop3A_492], %parallel_loop3A_498 : memref<8x8x129xf32, #tpu.memory_space<vmem>>[vector<16xi32>, vector<16xi32>, vector<16xi32>], vector<16xf32>,
      %parallel_loop3A_499 = arith.index_cast %parallel_loop3A_491 : i32 to index
      %parallel_loop3A_500 = arith.constant 32 : index
      %parallel_loop3A_501 = tpu.vector_load %arg9[%parallel_loop3A_499, %parallel_loop3A_500] {strides = array<i32>} : memref<128x64xf32, #tpu.memory_space<vmem>>, vector<16xf32>,
      tpu.vector_store_idx %arg13[%shift_right_logical3A_32, %and3A_43, %parallel_loop3A_492], %parallel_loop3A_501 : memref<8x8x129xf32, #tpu.memory_space<vmem>>[vector<16xi32>, vector<16xi32>, vector<16xi32>], vector<16xf32>,
      %parallel_loop3A_502 = arith.index_cast %parallel_loop3A_491 : i32 to index
      %parallel_loop3A_503 = arith.constant 48 : index
      %parallel_loop3A_504 = tpu.vector_load %arg9[%parallel_loop3A_502, %parallel_loop3A_503] {strides = array<i32>} : memref<128x64xf32, #tpu.memory_space<vmem>>, vector<16xf32>,
      tpu.vector_store_idx %arg13[%shift_right_logical3A_35, %and3A_46, %parallel_loop3A_492], %parallel_loop3A_504 : memref<8x8x129xf32, #tpu.memory_space<vmem>>[vector<16xi32>, vector<16xi32>, vector<16xi32>], vector<16xf32>,
    } {sc.loop_unroll_factor = 4 : i64, sc.parallel_access}
    %dma_start3A_192 = arith.constant 3 : i32
    %dma_start3A_193 = arith.constant 0 : i32
    %dma_start3A_194 = arith.constant 0 : i32
    %dma_start3A_195 = arith.constant 0 : i32
    %dma_start3A_196 = tpu.memref_slice %arg13[%dma_start3A_193, %dma_start3A_194, %dma_start3A_195] : memref<8x8x129xf32, #tpu.memory_space<vmem>> -> memref<8x8x128xf32, #tpu.memory_space<vmem>>
    %dma_start3A_197 = arith.constant 0 : i32
    %dma_start3A_198 = arith.constant 0 : i32
    %dma_start3A_199 = arith.constant 0 : i32
    %dma_start3A_200 = tpu.memref_slice %arg4[%dma_start3A_192, %dma_start3A_197, %add3A, %dma_start3A_198, %dma_start3A_199] : memref<200x8x32x8x128xf32, #tpu.memory_space<hbm>> -> memref<1x8x1x8x128xf32, #tpu.memory_space<hbm>>
    %dma_start3A_201 = tpu.memref_squeeze %dma_start3A_200 : memref<1x8x1x8x128xf32, #tpu.memory_space<hbm>> -> memref<8x8x128xf32, #tpu.memory_space<hbm>>
    %dma_start3A_202 = arith.constant 0 : i32
    %dma_start3A_203 = arith.constant 0 : i32
    %dma_start3A_204 = arith.constant 0 : i32
    %dma_start3A_205 = tpu.memref_slice %arg4[%dma_start3A_192, %dma_start3A_202, %add3A, %dma_start3A_203, %dma_start3A_204] : memref<200x8x32x8x128xf32, #tpu.memory_space<hbm>> -> memref<1x8x1x8x128xf32, #tpu.memory_space<hbm>>
    %dma_start3A_206 = tpu.memref_squeeze %dma_start3A_205 : memref<1x8x1x8x128xf32, #tpu.memory_space<hbm>> -> memref<8x8x128xf32, #tpu.memory_space<hbm>>
    %dma_start3A_207 = arith.constant 0 : i32
    %dma_start3A_208 = arith.constant 0 : i32
    %dma_start3A_209 = arith.constant 0 : i32
    %dma_start3A_210 = tpu.memref_slice %arg13[%dma_start3A_207, %dma_start3A_208, %dma_start3A_209] : memref<8x8x129xf32, #tpu.memory_space<vmem>> -> memref<8x8x128xf32, #tpu.memory_space<vmem>>
    tpu.enqueue_dma source(%dma_start3A_210 : memref<8x8x128xf32, #tpu.memory_space<vmem>>) target(%dma_start3A_206 : memref<8x8x128xf32, #tpu.memory_space<hbm>>) target_semaphore(%arg21 : memref<!tpu.dma_semaphore, #tpu.memory_space<semaphore_mem>>)
    %dma_start3A_211 = arith.constant 7 : i32
    %dma_start3A_212 = arith.constant 0 : i32
    %dma_start3A_213 = tpu.memref_slice %arg5[%dma_start3A_211, %dma_start3A_212] : memref<200x128xi32, #tpu.memory_space<vmem>> -> memref<1x128xi32, #tpu.memory_space<vmem>>
    %dma_start3A_214 = tpu.memref_squeeze %dma_start3A_213 : memref<1x128xi32, #tpu.memory_space<vmem>> -> memref<128xi32, #tpu.memory_space<vmem>>
    %dma_start3A_215 = arith.constant 0 : i32
    %dma_start3A_216 = arith.constant 0 : i32
    %dma_start3A_217 = tpu.memref_slice %arg3[%dma_start3A_215, %dma_start3A_216] : memref<100000x64xf32, #tpu.memory_space<hbm>> -> memref<100000x64xf32, #tpu.memory_space<hbm>>
    tpu.enqueue_indirect_dma source(%dma_start3A_217 : memref<100000x64xf32, #tpu.memory_space<hbm>>) target(%arg9 : memref<128x64xf32, #tpu.memory_space<vmem>>) offsets(%dma_start3A_214 : memref<128xi32, #tpu.memory_space<vmem>>) semaphore(%arg17 : memref<!tpu.dma_semaphore, #tpu.memory_space<semaphore_mem>>)
    %scan3A = arith.constant 0 : i32
    %scan3A_218 = arith.constant 1 : i32
    %scan3A_219 = arith.constant 48 : i32
    %scan3A_220 = arith.addi %scan3A_218, %scan3A_219 : i32
    %scan3A_221 = arith.constant 1 : i32
    scf.for %scan3A_491 = %scan3A_218 to %scan3A_220 step %scan3A_221  : i32 {
      %mul3A_492 = arith.constant 4 : i32
      %mul3A_493 = arith.muli %scan3A_491, %mul3A_492 : i32
      %add3A_494 = arith.constant 0 : i32
      %add3A_495 = arith.addi %mul3A_493, %add3A_494 : i32
      %dma_wait3A_496 = arith.constant 0 : i32
      %dma_wait3A_497 = tpu.memref_slice %arg5[%add3A_495, %dma_wait3A_496] : memref<200x128xi32, #tpu.memory_space<vmem>> -> memref<1x128xi32, #tpu.memory_space<vmem>>
      %dma_wait3A_498 = tpu.memref_squeeze %dma_wait3A_497 : memref<1x128xi32, #tpu.memory_space<vmem>> -> memref<128xi32, #tpu.memory_space<vmem>>
      %dma_wait3A_499 = arith.constant 0 : i32
      %dma_wait3A_500 = arith.constant 0 : i32
      %dma_wait3A_501 = tpu.memref_slice %arg3[%dma_wait3A_499, %dma_wait3A_500] : memref<100000x64xf32, #tpu.memory_space<hbm>> -> memref<100000x64xf32, #tpu.memory_space<hbm>>
      tpu.wait_indirect_dma semaphore(%arg14 : memref<!tpu.dma_semaphore, #tpu.memory_space<semaphore_mem>>) src(%dma_wait3A_501 : memref<100000x64xf32, #tpu.memory_space<hbm>>) dst(%arg6 : memref<128x64xf32, #tpu.memory_space<vmem>>)
      %sub3A = arith.constant 4 : i32
      %sub3A_502 = arith.subi %add3A_495, %sub3A : i32
      %dma_wait3A_503 = arith.constant 0 : i32
      %dma_wait3A_504 = arith.constant 0 : i32
      %dma_wait3A_505 = arith.constant 0 : i32
      %dma_wait3A_506 = tpu.memref_slice %arg10[%dma_wait3A_503, %dma_wait3A_504, %dma_wait3A_505] : memref<8x8x129xf32, #tpu.memory_space<vmem>> -> memref<8x8x128xf32, #tpu.memory_space<vmem>>
      %dma_wait3A_507 = arith.constant 0 : i32
      %dma_wait3A_508 = arith.constant 0 : i32
      %dma_wait3A_509 = arith.constant 0 : i32
      %dma_wait3A_510 = tpu.memref_slice %arg4[%sub3A_502, %dma_wait3A_507, %add3A, %dma_wait3A_508, %dma_wait3A_509] : memref<200x8x32x8x128xf32, #tpu.memory_space<hbm>> -> memref<1x8x1x8x128xf32, #tpu.memory_space<hbm>>
      %dma_wait3A_511 = tpu.memref_squeeze %dma_wait3A_510 : memref<1x8x1x8x128xf32, #tpu.memory_space<hbm>> -> memref<8x8x128xf32, #tpu.memory_space<hbm>>
      %dma_wait3A_512 = arith.constant 0 : i32
      %dma_wait3A_513 = arith.constant 0 : i32
      %dma_wait3A_514 = arith.constant 0 : i32
      %dma_wait3A_515 = tpu.memref_slice %arg4[%sub3A_502, %dma_wait3A_512, %add3A, %dma_wait3A_513, %dma_wait3A_514] : memref<200x8x32x8x128xf32, #tpu.memory_space<hbm>> -> memref<1x8x1x8x128xf32, #tpu.memory_space<hbm>>
      %dma_wait3A_516 = tpu.memref_squeeze %dma_wait3A_515 : memref<1x8x1x8x128xf32, #tpu.memory_space<hbm>> -> memref<8x8x128xf32, #tpu.memory_space<hbm>>
      %dma_wait3A_517 = arith.constant 0 : i32
      %dma_wait3A_518 = arith.constant 0 : i32
      %dma_wait3A_519 = arith.constant 0 : i32
      %dma_wait3A_520 = tpu.memref_slice %arg10[%dma_wait3A_517, %dma_wait3A_518, %dma_wait3A_519] : memref<8x8x129xf32, #tpu.memory_space<vmem>> -> memref<8x8x128xf32, #tpu.memory_space<vmem>>
      tpu.wait_dma2 semaphore(%arg18 : memref<!tpu.dma_semaphore, #tpu.memory_space<semaphore_mem>>) src(%dma_wait3A_520 : memref<8x8x128xf32, #tpu.memory_space<vmem>>) dst(%dma_wait3A_516 : memref<8x8x128xf32, #tpu.memory_space<hbm>>)
      %parallel_loop3A_521 = arith.constant 0 : i32
      %parallel_loop3A_522 = arith.constant 128 : i32
      %parallel_loop3A_523 = arith.constant 1 : i32
      scf.for %parallel_loop3A_721 = %parallel_loop3A_521 to %parallel_loop3A_522 step %parallel_loop3A_523  : i32 {
        %parallel_loop3A_722 = vector.broadcast %parallel_loop3A_721 : i32 to vector<16xi32>
        %parallel_loop3A_723 = arith.index_cast %parallel_loop3A_721 : i32 to index
        %parallel_loop3A_724 = arith.constant 0 : index
        %parallel_loop3A_725 = tpu.vector_load %arg6[%parallel_loop3A_723, %parallel_loop3A_724] {strides = array<i32>} : memref<128x64xf32, #tpu.memory_space<vmem>>, vector<16xf32>,
        tpu.vector_store_idx %arg10[%shift_right_logical3A_26, %and3A_37, %parallel_loop3A_722], %parallel_loop3A_725 : memref<8x8x129xf32, #tpu.memory_space<vmem>>[vector<16xi32>, vector<16xi32>, vector<16xi32>], vector<16xf32>,
        %parallel_loop3A_726 = arith.index_cast %parallel_loop3A_721 : i32 to index
        %parallel_loop3A_727 = arith.constant 16 : index
        %parallel_loop3A_728 = tpu.vector_load %arg6[%parallel_loop3A_726, %parallel_loop3A_727] {strides = array<i32>} : memref<128x64xf32, #tpu.memory_space<vmem>>, vector<16xf32>,
        tpu.vector_store_idx %arg10[%shift_right_logical3A_29, %and3A_40, %parallel_loop3A_722], %parallel_loop3A_728 : memref<8x8x129xf32, #tpu.memory_space<vmem>>[vector<16xi32>, vector<16xi32>, vector<16xi32>], vector<16xf32>,
        %parallel_loop3A_729 = arith.index_cast %parallel_loop3A_721 : i32 to index
        %parallel_loop3A_730 = arith.constant 32 : index
        %parallel_loop3A_731 = tpu.vector_load %arg6[%parallel_loop3A_729, %parallel_loop3A_730] {strides = array<i32>} : memref<128x64xf32, #tpu.memory_space<vmem>>, vector<16xf32>,
        tpu.vector_store_idx %arg10[%shift_right_logical3A_32, %and3A_43, %parallel_loop3A_722], %parallel_loop3A_731 : memref<8x8x129xf32, #tpu.memory_space<vmem>>[vector<16xi32>, vector<16xi32>, vector<16xi32>], vector<16xf32>,
        %parallel_loop3A_732 = arith.index_cast %parallel_loop3A_721 : i32 to index
        %parallel_loop3A_733 = arith.constant 48 : index
        %parallel_loop3A_734 = tpu.vector_load %arg6[%parallel_loop3A_732, %parallel_loop3A_733] {strides = array<i32>} : memref<128x64xf32, #tpu.memory_space<vmem>>, vector<16xf32>,
        tpu.vector_store_idx %arg10[%shift_right_logical3A_35, %and3A_46, %parallel_loop3A_722], %parallel_loop3A_734 : memref<8x8x129xf32, #tpu.memory_space<vmem>>[vector<16xi32>, vector<16xi32>, vector<16xi32>], vector<16xf32>,
      } {sc.loop_unroll_factor = 4 : i64, sc.parallel_access}
      %dma_start3A_524 = arith.constant 0 : i32
      %dma_start3A_525 = arith.constant 0 : i32
      %dma_start3A_526 = arith.constant 0 : i32
      %dma_start3A_527 = tpu.memref_slice %arg10[%dma_start3A_524, %dma_start3A_525, %dma_start3A_526] : memref<8x8x129xf32, #tpu.memory_space<vmem>> -> memref<8x8x128xf32, #tpu.memory_space<vmem>>
      %dma_start3A_528 = arith.constant 0 : i32
      %dma_start3A_529 = arith.constant 0 : i32
      %dma_start3A_530 = arith.constant 0 : i32
      %dma_start3A_531 = tpu.memref_slice %arg4[%add3A_495, %dma_start3A_528, %add3A, %dma_start3A_529, %dma_start3A_530] : memref<200x8x32x8x128xf32, #tpu.memory_space<hbm>> -> memref<1x8x1x8x128xf32, #tpu.memory_space<hbm>>
      %dma_start3A_532 = tpu.memref_squeeze %dma_start3A_531 : memref<1x8x1x8x128xf32, #tpu.memory_space<hbm>> -> memref<8x8x128xf32, #tpu.memory_space<hbm>>
      %dma_start3A_533 = arith.constant 0 : i32
      %dma_start3A_534 = arith.constant 0 : i32
      %dma_start3A_535 = arith.constant 0 : i32
      %dma_start3A_536 = tpu.memref_slice %arg4[%add3A_495, %dma_start3A_533, %add3A, %dma_start3A_534, %dma_start3A_535] : memref<200x8x32x8x128xf32, #tpu.memory_space<hbm>> -> memref<1x8x1x8x128xf32, #tpu.memory_space<hbm>>
      %dma_start3A_537 = tpu.memref_squeeze %dma_start3A_536 : memref<1x8x1x8x128xf32, #tpu.memory_space<hbm>> -> memref<8x8x128xf32, #tpu.memory_space<hbm>>
      %dma_start3A_538 = arith.constant 0 : i32
      %dma_start3A_539 = arith.constant 0 : i32
      %dma_start3A_540 = arith.constant 0 : i32
      %dma_start3A_541 = tpu.memref_slice %arg10[%dma_start3A_538, %dma_start3A_539, %dma_start3A_540] : memref<8x8x129xf32, #tpu.memory_space<vmem>> -> memref<8x8x128xf32, #tpu.memory_space<vmem>>
      tpu.enqueue_dma source(%dma_start3A_541 : memref<8x8x128xf32, #tpu.memory_space<vmem>>) target(%dma_start3A_537 : memref<8x8x128xf32, #tpu.memory_space<hbm>>) target_semaphore(%arg18 : memref<!tpu.dma_semaphore, #tpu.memory_space<semaphore_mem>>)
      %add3A_542 = arith.constant 4 : i32
      %add3A_543 = arith.addi %add3A_495, %add3A_542 : i32
      %dma_start3A_544 = arith.constant 0 : i32
      %dma_start3A_545 = tpu.memref_slice %arg5[%add3A_543, %dma_start3A_544] : memref<200x128xi32, #tpu.memory_space<vmem>> -> memref<1x128xi32, #tpu.memory_space<vmem>>
      %dma_start3A_546 = tpu.memref_squeeze %dma_start3A_545 : memref<1x128xi32, #tpu.memory_space<vmem>> -> memref<128xi32, #tpu.memory_space<vmem>>
      %dma_start3A_547 = arith.constant 0 : i32
      %dma_start3A_548 = arith.constant 0 : i32
      %dma_start3A_549 = tpu.memref_slice %arg3[%dma_start3A_547, %dma_start3A_548] : memref<100000x64xf32, #tpu.memory_space<hbm>> -> memref<100000x64xf32, #tpu.memory_space<hbm>>
      tpu.enqueue_indirect_dma source(%dma_start3A_549 : memref<100000x64xf32, #tpu.memory_space<hbm>>) target(%arg6 : memref<128x64xf32, #tpu.memory_space<vmem>>) offsets(%dma_start3A_546 : memref<128xi32, #tpu.memory_space<vmem>>) semaphore(%arg14 : memref<!tpu.dma_semaphore, #tpu.memory_space<semaphore_mem>>)
      %add3A_550 = arith.constant 1 : i32
      %add3A_551 = arith.addi %mul3A_493, %add3A_550 : i32
      %dma_wait3A_552 = arith.constant 0 : i32
      %dma_wait3A_553 = tpu.memref_slice %arg5[%add3A_551, %dma_wait3A_552] : memref<200x128xi32, #tpu.memory_space<vmem>> -> memref<1x128xi32, #tpu.memory_space<vmem>>
      %dma_wait3A_554 = tpu.memref_squeeze %dma_wait3A_553 : memref<1x128xi32, #tpu.memory_space<vmem>> -> memref<128xi32, #tpu.memory_space<vmem>>
      %dma_wait3A_555 = arith.constant 0 : i32
      %dma_wait3A_556 = arith.constant 0 : i32
      %dma_wait3A_557 = tpu.memref_slice %arg3[%dma_wait3A_555, %dma_wait3A_556] : memref<100000x64xf32, #tpu.memory_space<hbm>> -> memref<100000x64xf32, #tpu.memory_space<hbm>>
      tpu.wait_indirect_dma semaphore(%arg15 : memref<!tpu.dma_semaphore, #tpu.memory_space<semaphore_mem>>) src(%dma_wait3A_557 : memref<100000x64xf32, #tpu.memory_space<hbm>>) dst(%arg7 : memref<128x64xf32, #tpu.memory_space<vmem>>)
      %sub3A_558 = arith.constant 4 : i32
      %sub3A_559 = arith.subi %add3A_551, %sub3A_558 : i32
      %dma_wait3A_560 = arith.constant 0 : i32
      %dma_wait3A_561 = arith.constant 0 : i32
      %dma_wait3A_562 = arith.constant 0 : i32
      %dma_wait3A_563 = tpu.memref_slice %arg11[%dma_wait3A_560, %dma_wait3A_561, %dma_wait3A_562] : memref<8x8x129xf32, #tpu.memory_space<vmem>> -> memref<8x8x128xf32, #tpu.memory_space<vmem>>
      %dma_wait3A_564 = arith.constant 0 : i32
      %dma_wait3A_565 = arith.constant 0 : i32
      %dma_wait3A_566 = arith.constant 0 : i32
      %dma_wait3A_567 = tpu.memref_slice %arg4[%sub3A_559, %dma_wait3A_564, %add3A, %dma_wait3A_565, %dma_wait3A_566] : memref<200x8x32x8x128xf32, #tpu.memory_space<hbm>> -> memref<1x8x1x8x128xf32, #tpu.memory_space<hbm>>
      %dma_wait3A_568 = tpu.memref_squeeze %dma_wait3A_567 : memref<1x8x1x8x128xf32, #tpu.memory_space<hbm>> -> memref<8x8x128xf32, #tpu.memory_space<hbm>>
      %dma_wait3A_569 = arith.constant 0 : i32
      %dma_wait3A_570 = arith.constant 0 : i32
      %dma_wait3A_571 = arith.constant 0 : i32
      %dma_wait3A_572 = tpu.memref_slice %arg4[%sub3A_559, %dma_wait3A_569, %add3A, %dma_wait3A_570, %dma_wait3A_571] : memref<200x8x32x8x128xf32, #tpu.memory_space<hbm>> -> memref<1x8x1x8x128xf32, #tpu.memory_space<hbm>>
      %dma_wait3A_573 = tpu.memref_squeeze %dma_wait3A_572 : memref<1x8x1x8x128xf32, #tpu.memory_space<hbm>> -> memref<8x8x128xf32, #tpu.memory_space<hbm>>
      %dma_wait3A_574 = arith.constant 0 : i32
      %dma_wait3A_575 = arith.constant 0 : i32
      %dma_wait3A_576 = arith.constant 0 : i32
      %dma_wait3A_577 = tpu.memref_slice %arg11[%dma_wait3A_574, %dma_wait3A_575, %dma_wait3A_576] : memref<8x8x129xf32, #tpu.memory_space<vmem>> -> memref<8x8x128xf32, #tpu.memory_space<vmem>>
      tpu.wait_dma2 semaphore(%arg19 : memref<!tpu.dma_semaphore, #tpu.memory_space<semaphore_mem>>) src(%dma_wait3A_577 : memref<8x8x128xf32, #tpu.memory_space<vmem>>) dst(%dma_wait3A_573 : memref<8x8x128xf32, #tpu.memory_space<hbm>>)
      %parallel_loop3A_578 = arith.constant 0 : i32
      %parallel_loop3A_579 = arith.constant 128 : i32
      %parallel_loop3A_580 = arith.constant 1 : i32
      scf.for %parallel_loop3A_721 = %parallel_loop3A_578 to %parallel_loop3A_579 step %parallel_loop3A_580  : i32 {
        %parallel_loop3A_722 = vector.broadcast %parallel_loop3A_721 : i32 to vector<16xi32>
        %parallel_loop3A_723 = arith.index_cast %parallel_loop3A_721 : i32 to index
        %parallel_loop3A_724 = arith.constant 0 : index
        %parallel_loop3A_725 = tpu.vector_load %arg7[%parallel_loop3A_723, %parallel_loop3A_724] {strides = array<i32>} : memref<128x64xf32, #tpu.memory_space<vmem>>, vector<16xf32>,
        tpu.vector_store_idx %arg11[%shift_right_logical3A_26, %and3A_37, %parallel_loop3A_722], %parallel_loop3A_725 : memref<8x8x129xf32, #tpu.memory_space<vmem>>[vector<16xi32>, vector<16xi32>, vector<16xi32>], vector<16xf32>,
        %parallel_loop3A_726 = arith.index_cast %parallel_loop3A_721 : i32 to index
        %parallel_loop3A_727 = arith.constant 16 : index
        %parallel_loop3A_728 = tpu.vector_load %arg7[%parallel_loop3A_726, %parallel_loop3A_727] {strides = array<i32>} : memref<128x64xf32, #tpu.memory_space<vmem>>, vector<16xf32>,
        tpu.vector_store_idx %arg11[%shift_right_logical3A_29, %and3A_40, %parallel_loop3A_722], %parallel_loop3A_728 : memref<8x8x129xf32, #tpu.memory_space<vmem>>[vector<16xi32>, vector<16xi32>, vector<16xi32>], vector<16xf32>,
        %parallel_loop3A_729 = arith.index_cast %parallel_loop3A_721 : i32 to index
        %parallel_loop3A_730 = arith.constant 32 : index
        %parallel_loop3A_731 = tpu.vector_load %arg7[%parallel_loop3A_729, %parallel_loop3A_730] {strides = array<i32>} : memref<128x64xf32, #tpu.memory_space<vmem>>, vector<16xf32>,
        tpu.vector_store_idx %arg11[%shift_right_logical3A_32, %and3A_43, %parallel_loop3A_722], %parallel_loop3A_731 : memref<8x8x129xf32, #tpu.memory_space<vmem>>[vector<16xi32>, vector<16xi32>, vector<16xi32>], vector<16xf32>,
        %parallel_loop3A_732 = arith.index_cast %parallel_loop3A_721 : i32 to index
        %parallel_loop3A_733 = arith.constant 48 : index
        %parallel_loop3A_734 = tpu.vector_load %arg7[%parallel_loop3A_732, %parallel_loop3A_733] {strides = array<i32>} : memref<128x64xf32, #tpu.memory_space<vmem>>, vector<16xf32>,
        tpu.vector_store_idx %arg11[%shift_right_logical3A_35, %and3A_46, %parallel_loop3A_722], %parallel_loop3A_734 : memref<8x8x129xf32, #tpu.memory_space<vmem>>[vector<16xi32>, vector<16xi32>, vector<16xi32>], vector<16xf32>,
      } {sc.loop_unroll_factor = 4 : i64, sc.parallel_access}
      %dma_start3A_581 = arith.constant 0 : i32
      %dma_start3A_582 = arith.constant 0 : i32
      %dma_start3A_583 = arith.constant 0 : i32
      %dma_start3A_584 = tpu.memref_slice %arg11[%dma_start3A_581, %dma_start3A_582, %dma_start3A_583] : memref<8x8x129xf32, #tpu.memory_space<vmem>> -> memref<8x8x128xf32, #tpu.memory_space<vmem>>
      %dma_start3A_585 = arith.constant 0 : i32
      %dma_start3A_586 = arith.constant 0 : i32
      %dma_start3A_587 = arith.constant 0 : i32
      %dma_start3A_588 = tpu.memref_slice %arg4[%add3A_551, %dma_start3A_585, %add3A, %dma_start3A_586, %dma_start3A_587] : memref<200x8x32x8x128xf32, #tpu.memory_space<hbm>> -> memref<1x8x1x8x128xf32, #tpu.memory_space<hbm>>
      %dma_start3A_589 = tpu.memref_squeeze %dma_start3A_588 : memref<1x8x1x8x128xf32, #tpu.memory_space<hbm>> -> memref<8x8x128xf32, #tpu.memory_space<hbm>>
      %dma_start3A_590 = arith.constant 0 : i32
      %dma_start3A_591 = arith.constant 0 : i32
      %dma_start3A_592 = arith.constant 0 : i32
      %dma_start3A_593 = tpu.memref_slice %arg4[%add3A_551, %dma_start3A_590, %add3A, %dma_start3A_591, %dma_start3A_592] : memref<200x8x32x8x128xf32, #tpu.memory_space<hbm>> -> memref<1x8x1x8x128xf32, #tpu.memory_space<hbm>>
      %dma_start3A_594 = tpu.memref_squeeze %dma_start3A_593 : memref<1x8x1x8x128xf32, #tpu.memory_space<hbm>> -> memref<8x8x128xf32, #tpu.memory_space<hbm>>
      %dma_start3A_595 = arith.constant 0 : i32
      %dma_start3A_596 = arith.constant 0 : i32
      %dma_start3A_597 = arith.constant 0 : i32
      %dma_start3A_598 = tpu.memref_slice %arg11[%dma_start3A_595, %dma_start3A_596, %dma_start3A_597] : memref<8x8x129xf32, #tpu.memory_space<vmem>> -> memref<8x8x128xf32, #tpu.memory_space<vmem>>
      tpu.enqueue_dma source(%dma_start3A_598 : memref<8x8x128xf32, #tpu.memory_space<vmem>>) target(%dma_start3A_594 : memref<8x8x128xf32, #tpu.memory_space<hbm>>) target_semaphore(%arg19 : memref<!tpu.dma_semaphore, #tpu.memory_space<semaphore_mem>>)
      %add3A_599 = arith.constant 4 : i32
      %add3A_600 = arith.addi %add3A_551, %add3A_599 : i32
      %dma_start3A_601 = arith.constant 0 : i32
      %dma_start3A_602 = tpu.memref_slice %arg5[%add3A_600, %dma_start3A_601] : memref<200x128xi32, #tpu.memory_space<vmem>> -> memref<1x128xi32, #tpu.memory_space<vmem>>
      %dma_start3A_603 = tpu.memref_squeeze %dma_start3A_602 : memref<1x128xi32, #tpu.memory_space<vmem>> -> memref<128xi32, #tpu.memory_space<vmem>>
      %dma_start3A_604 = arith.constant 0 : i32
      %dma_start3A_605 = arith.constant 0 : i32
      %dma_start3A_606 = tpu.memref_slice %arg3[%dma_start3A_604, %dma_start3A_605] : memref<100000x64xf32, #tpu.memory_space<hbm>> -> memref<100000x64xf32, #tpu.memory_space<hbm>>
      tpu.enqueue_indirect_dma source(%dma_start3A_606 : memref<100000x64xf32, #tpu.memory_space<hbm>>) target(%arg7 : memref<128x64xf32, #tpu.memory_space<vmem>>) offsets(%dma_start3A_603 : memref<128xi32, #tpu.memory_space<vmem>>) semaphore(%arg15 : memref<!tpu.dma_semaphore, #tpu.memory_space<semaphore_mem>>)
      %add3A_607 = arith.constant 2 : i32
      %add3A_608 = arith.addi %mul3A_493, %add3A_607 : i32
      %dma_wait3A_609 = arith.constant 0 : i32
      %dma_wait3A_610 = tpu.memref_slice %arg5[%add3A_608, %dma_wait3A_609] : memref<200x128xi32, #tpu.memory_space<vmem>> -> memref<1x128xi32, #tpu.memory_space<vmem>>
      %dma_wait3A_611 = tpu.memref_squeeze %dma_wait3A_610 : memref<1x128xi32, #tpu.memory_space<vmem>> -> memref<128xi32, #tpu.memory_space<vmem>>
      %dma_wait3A_612 = arith.constant 0 : i32
      %dma_wait3A_613 = arith.constant 0 : i32
      %dma_wait3A_614 = tpu.memref_slice %arg3[%dma_wait3A_612, %dma_wait3A_613] : memref<100000x64xf32, #tpu.memory_space<hbm>> -> memref<100000x64xf32, #tpu.memory_space<hbm>>
      tpu.wait_indirect_dma semaphore(%arg16 : memref<!tpu.dma_semaphore, #tpu.memory_space<semaphore_mem>>) src(%dma_wait3A_614 : memref<100000x64xf32, #tpu.memory_space<hbm>>) dst(%arg8 : memref<128x64xf32, #tpu.memory_space<vmem>>)
      %sub3A_615 = arith.constant 4 : i32
      %sub3A_616 = arith.subi %add3A_608, %sub3A_615 : i32
      %dma_wait3A_617 = arith.constant 0 : i32
      %dma_wait3A_618 = arith.constant 0 : i32
      %dma_wait3A_619 = arith.constant 0 : i32
      %dma_wait3A_620 = tpu.memref_slice %arg12[%dma_wait3A_617, %dma_wait3A_618, %dma_wait3A_619] : memref<8x8x129xf32, #tpu.memory_space<vmem>> -> memref<8x8x128xf32, #tpu.memory_space<vmem>>
      %dma_wait3A_621 = arith.constant 0 : i32
      %dma_wait3A_622 = arith.constant 0 : i32
      %dma_wait3A_623 = arith.constant 0 : i32
      %dma_wait3A_624 = tpu.memref_slice %arg4[%sub3A_616, %dma_wait3A_621, %add3A, %dma_wait3A_622, %dma_wait3A_623] : memref<200x8x32x8x128xf32, #tpu.memory_space<hbm>> -> memref<1x8x1x8x128xf32, #tpu.memory_space<hbm>>
      %dma_wait3A_625 = tpu.memref_squeeze %dma_wait3A_624 : memref<1x8x1x8x128xf32, #tpu.memory_space<hbm>> -> memref<8x8x128xf32, #tpu.memory_space<hbm>>
      %dma_wait3A_626 = arith.constant 0 : i32
      %dma_wait3A_627 = arith.constant 0 : i32
      %dma_wait3A_628 = arith.constant 0 : i32
      %dma_wait3A_629 = tpu.memref_slice %arg4[%sub3A_616, %dma_wait3A_626, %add3A, %dma_wait3A_627, %dma_wait3A_628] : memref<200x8x32x8x128xf32, #tpu.memory_space<hbm>> -> memref<1x8x1x8x128xf32, #tpu.memory_space<hbm>>
      %dma_wait3A_630 = tpu.memref_squeeze %dma_wait3A_629 : memref<1x8x1x8x128xf32, #tpu.memory_space<hbm>> -> memref<8x8x128xf32, #tpu.memory_space<hbm>>
      %dma_wait3A_631 = arith.constant 0 : i32
      %dma_wait3A_632 = arith.constant 0 : i32
      %dma_wait3A_633 = arith.constant 0 : i32
      %dma_wait3A_634 = tpu.memref_slice %arg12[%dma_wait3A_631, %dma_wait3A_632, %dma_wait3A_633] : memref<8x8x129xf32, #tpu.memory_space<vmem>> -> memref<8x8x128xf32, #tpu.memory_space<vmem>>
      tpu.wait_dma2 semaphore(%arg20 : memref<!tpu.dma_semaphore, #tpu.memory_space<semaphore_mem>>) src(%dma_wait3A_634 : memref<8x8x128xf32, #tpu.memory_space<vmem>>) dst(%dma_wait3A_630 : memref<8x8x128xf32, #tpu.memory_space<hbm>>)
      %parallel_loop3A_635 = arith.constant 0 : i32
      %parallel_loop3A_636 = arith.constant 128 : i32
      %parallel_loop3A_637 = arith.constant 1 : i32
      scf.for %parallel_loop3A_721 = %parallel_loop3A_635 to %parallel_loop3A_636 step %parallel_loop3A_637  : i32 {
        %parallel_loop3A_722 = vector.broadcast %parallel_loop3A_721 : i32 to vector<16xi32>
        %parallel_loop3A_723 = arith.index_cast %parallel_loop3A_721 : i32 to index
        %parallel_loop3A_724 = arith.constant 0 : index
        %parallel_loop3A_725 = tpu.vector_load %arg8[%parallel_loop3A_723, %parallel_loop3A_724] {strides = array<i32>} : memref<128x64xf32, #tpu.memory_space<vmem>>, vector<16xf32>,
        tpu.vector_store_idx %arg12[%shift_right_logical3A_26, %and3A_37, %parallel_loop3A_722], %parallel_loop3A_725 : memref<8x8x129xf32, #tpu.memory_space<vmem>>[vector<16xi32>, vector<16xi32>, vector<16xi32>], vector<16xf32>,
        %parallel_loop3A_726 = arith.index_cast %parallel_loop3A_721 : i32 to index
        %parallel_loop3A_727 = arith.constant 16 : index
        %parallel_loop3A_728 = tpu.vector_load %arg8[%parallel_loop3A_726, %parallel_loop3A_727] {strides = array<i32>} : memref<128x64xf32, #tpu.memory_space<vmem>>, vector<16xf32>,
        tpu.vector_store_idx %arg12[%shift_right_logical3A_29, %and3A_40, %parallel_loop3A_722], %parallel_loop3A_728 : memref<8x8x129xf32, #tpu.memory_space<vmem>>[vector<16xi32>, vector<16xi32>, vector<16xi32>], vector<16xf32>,
        %parallel_loop3A_729 = arith.index_cast %parallel_loop3A_721 : i32 to index
        %parallel_loop3A_730 = arith.constant 32 : index
        %parallel_loop3A_731 = tpu.vector_load %arg8[%parallel_loop3A_729, %parallel_loop3A_730] {strides = array<i32>} : memref<128x64xf32, #tpu.memory_space<vmem>>, vector<16xf32>,
        tpu.vector_store_idx %arg12[%shift_right_logical3A_32, %and3A_43, %parallel_loop3A_722], %parallel_loop3A_731 : memref<8x8x129xf32, #tpu.memory_space<vmem>>[vector<16xi32>, vector<16xi32>, vector<16xi32>], vector<16xf32>,
        %parallel_loop3A_732 = arith.index_cast %parallel_loop3A_721 : i32 to index
        %parallel_loop3A_733 = arith.constant 48 : index
        %parallel_loop3A_734 = tpu.vector_load %arg8[%parallel_loop3A_732, %parallel_loop3A_733] {strides = array<i32>} : memref<128x64xf32, #tpu.memory_space<vmem>>, vector<16xf32>,
        tpu.vector_store_idx %arg12[%shift_right_logical3A_35, %and3A_46, %parallel_loop3A_722], %parallel_loop3A_734 : memref<8x8x129xf32, #tpu.memory_space<vmem>>[vector<16xi32>, vector<16xi32>, vector<16xi32>], vector<16xf32>,
      } {sc.loop_unroll_factor = 4 : i64, sc.parallel_access}
      %dma_start3A_638 = arith.constant 0 : i32
      %dma_start3A_639 = arith.constant 0 : i32
      %dma_start3A_640 = arith.constant 0 : i32
      %dma_start3A_641 = tpu.memref_slice %arg12[%dma_start3A_638, %dma_start3A_639, %dma_start3A_640] : memref<8x8x129xf32, #tpu.memory_space<vmem>> -> memref<8x8x128xf32, #tpu.memory_space<vmem>>
      %dma_start3A_642 = arith.constant 0 : i32
      %dma_start3A_643 = arith.constant 0 : i32
      %dma_start3A_644 = arith.constant 0 : i32
      %dma_start3A_645 = tpu.memref_slice %arg4[%add3A_608, %dma_start3A_642, %add3A, %dma_start3A_643, %dma_start3A_644] : memref<200x8x32x8x128xf32, #tpu.memory_space<hbm>> -> memref<1x8x1x8x128xf32, #tpu.memory_space<hbm>>
      %dma_start3A_646 = tpu.memref_squeeze %dma_start3A_645 : memref<1x8x1x8x128xf32, #tpu.memory_space<hbm>> -> memref<8x8x128xf32, #tpu.memory_space<hbm>>
      %dma_start3A_647 = arith.constant 0 : i32
      %dma_start3A_648 = arith.constant 0 : i32
      %dma_start3A_649 = arith.constant 0 : i32
      %dma_start3A_650 = tpu.memref_slice %arg4[%add3A_608, %dma_start3A_647, %add3A, %dma_start3A_648, %dma_start3A_649] : memref<200x8x32x8x128xf32, #tpu.memory_space<hbm>> -> memref<1x8x1x8x128xf32, #tpu.memory_space<hbm>>
      %dma_start3A_651 = tpu.memref_squeeze %dma_start3A_650 : memref<1x8x1x8x128xf32, #tpu.memory_space<hbm>> -> memref<8x8x128xf32, #tpu.memory_space<hbm>>
      %dma_start3A_652 = arith.constant 0 : i32
      %dma_start3A_653 = arith.constant 0 : i32
      %dma_start3A_654 = arith.constant 0 : i32
      %dma_start3A_655 = tpu.memref_slice %arg12[%dma_start3A_652, %dma_start3A_653, %dma_start3A_654] : memref<8x8x129xf32, #tpu.memory_space<vmem>> -> memref<8x8x128xf32, #tpu.memory_space<vmem>>
      tpu.enqueue_dma source(%dma_start3A_655 : memref<8x8x128xf32, #tpu.memory_space<vmem>>) target(%dma_start3A_651 : memref<8x8x128xf32, #tpu.memory_space<hbm>>) target_semaphore(%arg20 : memref<!tpu.dma_semaphore, #tpu.memory_space<semaphore_mem>>)
      %add3A_656 = arith.constant 4 : i32
      %add3A_657 = arith.addi %add3A_608, %add3A_656 : i32
      %dma_start3A_658 = arith.constant 0 : i32
      %dma_start3A_659 = tpu.memref_slice %arg5[%add3A_657, %dma_start3A_658] : memref<200x128xi32, #tpu.memory_space<vmem>> -> memref<1x128xi32, #tpu.memory_space<vmem>>
      %dma_start3A_660 = tpu.memref_squeeze %dma_start3A_659 : memref<1x128xi32, #tpu.memory_space<vmem>> -> memref<128xi32, #tpu.memory_space<vmem>>
      %dma_start3A_661 = arith.constant 0 : i32
      %dma_start3A_662 = arith.constant 0 : i32
      %dma_start3A_663 = tpu.memref_slice %arg3[%dma_start3A_661, %dma_start3A_662] : memref<100000x64xf32, #tpu.memory_space<hbm>> -> memref<100000x64xf32, #tpu.memory_space<hbm>>
      tpu.enqueue_indirect_dma source(%dma_start3A_663 : memref<100000x64xf32, #tpu.memory_space<hbm>>) target(%arg8 : memref<128x64xf32, #tpu.memory_space<vmem>>) offsets(%dma_start3A_660 : memref<128xi32, #tpu.memory_space<vmem>>) semaphore(%arg16 : memref<!tpu.dma_semaphore, #tpu.memory_space<semaphore_mem>>)
      %add3A_664 = arith.constant 3 : i32
      %add3A_665 = arith.addi %mul3A_493, %add3A_664 : i32
      %dma_wait3A_666 = arith.constant 0 : i32
      %dma_wait3A_667 = tpu.memref_slice %arg5[%add3A_665, %dma_wait3A_666] : memref<200x128xi32, #tpu.memory_space<vmem>> -> memref<1x128xi32, #tpu.memory_space<vmem>>
      %dma_wait3A_668 = tpu.memref_squeeze %dma_wait3A_667 : memref<1x128xi32, #tpu.memory_space<vmem>> -> memref<128xi32, #tpu.memory_space<vmem>>
      %dma_wait3A_669 = arith.constant 0 : i32
      %dma_wait3A_670 = arith.constant 0 : i32
      %dma_wait3A_671 = tpu.memref_slice %arg3[%dma_wait3A_669, %dma_wait3A_670] : memref<100000x64xf32, #tpu.memory_space<hbm>> -> memref<100000x64xf32, #tpu.memory_space<hbm>>
      tpu.wait_indirect_dma semaphore(%arg17 : memref<!tpu.dma_semaphore, #tpu.memory_space<semaphore_mem>>) src(%dma_wait3A_671 : memref<100000x64xf32, #tpu.memory_space<hbm>>) dst(%arg9 : memref<128x64xf32, #tpu.memory_space<vmem>>)
      %sub3A_672 = arith.constant 4 : i32
      %sub3A_673 = arith.subi %add3A_665, %sub3A_672 : i32
      %dma_wait3A_674 = arith.constant 0 : i32
      %dma_wait3A_675 = arith.constant 0 : i32
      %dma_wait3A_676 = arith.constant 0 : i32
      %dma_wait3A_677 = tpu.memref_slice %arg13[%dma_wait3A_674, %dma_wait3A_675, %dma_wait3A_676] : memref<8x8x129xf32, #tpu.memory_space<vmem>> -> memref<8x8x128xf32, #tpu.memory_space<vmem>>
      %dma_wait3A_678 = arith.constant 0 : i32
      %dma_wait3A_679 = arith.constant 0 : i32
      %dma_wait3A_680 = arith.constant 0 : i32
      %dma_wait3A_681 = tpu.memref_slice %arg4[%sub3A_673, %dma_wait3A_678, %add3A, %dma_wait3A_679, %dma_wait3A_680] : memref<200x8x32x8x128xf32, #tpu.memory_space<hbm>> -> memref<1x8x1x8x128xf32, #tpu.memory_space<hbm>>
      %dma_wait3A_682 = tpu.memref_squeeze %dma_wait3A_681 : memref<1x8x1x8x128xf32, #tpu.memory_space<hbm>> -> memref<8x8x128xf32, #tpu.memory_space<hbm>>
      %dma_wait3A_683 = arith.constant 0 : i32
      %dma_wait3A_684 = arith.constant 0 : i32
      %dma_wait3A_685 = arith.constant 0 : i32
      %dma_wait3A_686 = tpu.memref_slice %arg4[%sub3A_673, %dma_wait3A_683, %add3A, %dma_wait3A_684, %dma_wait3A_685] : memref<200x8x32x8x128xf32, #tpu.memory_space<hbm>> -> memref<1x8x1x8x128xf32, #tpu.memory_space<hbm>>
      %dma_wait3A_687 = tpu.memref_squeeze %dma_wait3A_686 : memref<1x8x1x8x128xf32, #tpu.memory_space<hbm>> -> memref<8x8x128xf32, #tpu.memory_space<hbm>>
      %dma_wait3A_688 = arith.constant 0 : i32
      %dma_wait3A_689 = arith.constant 0 : i32
      %dma_wait3A_690 = arith.constant 0 : i32
      %dma_wait3A_691 = tpu.memref_slice %arg13[%dma_wait3A_688, %dma_wait3A_689, %dma_wait3A_690] : memref<8x8x129xf32, #tpu.memory_space<vmem>> -> memref<8x8x128xf32, #tpu.memory_space<vmem>>
      tpu.wait_dma2 semaphore(%arg21 : memref<!tpu.dma_semaphore, #tpu.memory_space<semaphore_mem>>) src(%dma_wait3A_691 : memref<8x8x128xf32, #tpu.memory_space<vmem>>) dst(%dma_wait3A_687 : memref<8x8x128xf32, #tpu.memory_space<hbm>>)
      %parallel_loop3A_692 = arith.constant 0 : i32
      %parallel_loop3A_693 = arith.constant 128 : i32
      %parallel_loop3A_694 = arith.constant 1 : i32
      scf.for %parallel_loop3A_721 = %parallel_loop3A_692 to %parallel_loop3A_693 step %parallel_loop3A_694  : i32 {
        %parallel_loop3A_722 = vector.broadcast %parallel_loop3A_721 : i32 to vector<16xi32>
        %parallel_loop3A_723 = arith.index_cast %parallel_loop3A_721 : i32 to index
        %parallel_loop3A_724 = arith.constant 0 : index
        %parallel_loop3A_725 = tpu.vector_load %arg9[%parallel_loop3A_723, %parallel_loop3A_724] {strides = array<i32>} : memref<128x64xf32, #tpu.memory_space<vmem>>, vector<16xf32>,
        tpu.vector_store_idx %arg13[%shift_right_logical3A_26, %and3A_37, %parallel_loop3A_722], %parallel_loop3A_725 : memref<8x8x129xf32, #tpu.memory_space<vmem>>[vector<16xi32>, vector<16xi32>, vector<16xi32>], vector<16xf32>,
        %parallel_loop3A_726 = arith.index_cast %parallel_loop3A_721 : i32 to index
        %parallel_loop3A_727 = arith.constant 16 : index
        %parallel_loop3A_728 = tpu.vector_load %arg9[%parallel_loop3A_726, %parallel_loop3A_727] {strides = array<i32>} : memref<128x64xf32, #tpu.memory_space<vmem>>, vector<16xf32>,
        tpu.vector_store_idx %arg13[%shift_right_logical3A_29, %and3A_40, %parallel_loop3A_722], %parallel_loop3A_728 : memref<8x8x129xf32, #tpu.memory_space<vmem>>[vector<16xi32>, vector<16xi32>, vector<16xi32>], vector<16xf32>,
        %parallel_loop3A_729 = arith.index_cast %parallel_loop3A_721 : i32 to index
        %parallel_loop3A_730 = arith.constant 32 : index
        %parallel_loop3A_731 = tpu.vector_load %arg9[%parallel_loop3A_729, %parallel_loop3A_730] {strides = array<i32>} : memref<128x64xf32, #tpu.memory_space<vmem>>, vector<16xf32>,
        tpu.vector_store_idx %arg13[%shift_right_logical3A_32, %and3A_43, %parallel_loop3A_722], %parallel_loop3A_731 : memref<8x8x129xf32, #tpu.memory_space<vmem>>[vector<16xi32>, vector<16xi32>, vector<16xi32>], vector<16xf32>,
        %parallel_loop3A_732 = arith.index_cast %parallel_loop3A_721 : i32 to index
        %parallel_loop3A_733 = arith.constant 48 : index
        %parallel_loop3A_734 = tpu.vector_load %arg9[%parallel_loop3A_732, %parallel_loop3A_733] {strides = array<i32>} : memref<128x64xf32, #tpu.memory_space<vmem>>, vector<16xf32>,
        tpu.vector_store_idx %arg13[%shift_right_logical3A_35, %and3A_46, %parallel_loop3A_722], %parallel_loop3A_734 : memref<8x8x129xf32, #tpu.memory_space<vmem>>[vector<16xi32>, vector<16xi32>, vector<16xi32>], vector<16xf32>,
      } {sc.loop_unroll_factor = 4 : i64, sc.parallel_access}
      %dma_start3A_695 = arith.constant 0 : i32
      %dma_start3A_696 = arith.constant 0 : i32
      %dma_start3A_697 = arith.constant 0 : i32
      %dma_start3A_698 = tpu.memref_slice %arg13[%dma_start3A_695, %dma_start3A_696, %dma_start3A_697] : memref<8x8x129xf32, #tpu.memory_space<vmem>> -> memref<8x8x128xf32, #tpu.memory_space<vmem>>
      %dma_start3A_699 = arith.constant 0 : i32
      %dma_start3A_700 = arith.constant 0 : i32
      %dma_start3A_701 = arith.constant 0 : i32
      %dma_start3A_702 = tpu.memref_slice %arg4[%add3A_665, %dma_start3A_699, %add3A, %dma_start3A_700, %dma_start3A_701] : memref<200x8x32x8x128xf32, #tpu.memory_space<hbm>> -> memref<1x8x1x8x128xf32, #tpu.memory_space<hbm>>
      %dma_start3A_703 = tpu.memref_squeeze %dma_start3A_702 : memref<1x8x1x8x128xf32, #tpu.memory_space<hbm>> -> memref<8x8x128xf32, #tpu.memory_space<hbm>>
      %dma_start3A_704 = arith.constant 0 : i32
      %dma_start3A_705 = arith.constant 0 : i32
      %dma_start3A_706 = arith.constant 0 : i32
      %dma_start3A_707 = tpu.memref_slice %arg4[%add3A_665, %dma_start3A_704, %add3A, %dma_start3A_705, %dma_start3A_706] : memref<200x8x32x8x128xf32, #tpu.memory_space<hbm>> -> memref<1x8x1x8x128xf32, #tpu.memory_space<hbm>>
      %dma_start3A_708 = tpu.memref_squeeze %dma_start3A_707 : memref<1x8x1x8x128xf32, #tpu.memory_space<hbm>> -> memref<8x8x128xf32, #tpu.memory_space<hbm>>
      %dma_start3A_709 = arith.constant 0 : i32
      %dma_start3A_710 = arith.constant 0 : i32
      %dma_start3A_711 = arith.constant 0 : i32
      %dma_start3A_712 = tpu.memref_slice %arg13[%dma_start3A_709, %dma_start3A_710, %dma_start3A_711] : memref<8x8x129xf32, #tpu.memory_space<vmem>> -> memref<8x8x128xf32, #tpu.memory_space<vmem>>
      tpu.enqueue_dma source(%dma_start3A_712 : memref<8x8x128xf32, #tpu.memory_space<vmem>>) target(%dma_start3A_708 : memref<8x8x128xf32, #tpu.memory_space<hbm>>) target_semaphore(%arg21 : memref<!tpu.dma_semaphore, #tpu.memory_space<semaphore_mem>>)
      %add3A_713 = arith.constant 4 : i32
      %add3A_714 = arith.addi %add3A_665, %add3A_713 : i32
      %dma_start3A_715 = arith.constant 0 : i32
      %dma_start3A_716 = tpu.memref_slice %arg5[%add3A_714, %dma_start3A_715] : memref<200x128xi32, #tpu.memory_space<vmem>> -> memref<1x128xi32, #tpu.memory_space<vmem>>
      %dma_start3A_717 = tpu.memref_squeeze %dma_start3A_716 : memref<1x128xi32, #tpu.memory_space<vmem>> -> memref<128xi32, #tpu.memory_space<vmem>>
      %dma_start3A_718 = arith.constant 0 : i32
      %dma_start3A_719 = arith.constant 0 : i32
      %dma_start3A_720 = tpu.memref_slice %arg3[%dma_start3A_718, %dma_start3A_719] : memref<100000x64xf32, #tpu.memory_space<hbm>> -> memref<100000x64xf32, #tpu.memory_space<hbm>>
      tpu.enqueue_indirect_dma source(%dma_start3A_720 : memref<100000x64xf32, #tpu.memory_space<hbm>>) target(%arg9 : memref<128x64xf32, #tpu.memory_space<vmem>>) offsets(%dma_start3A_717 : memref<128xi32, #tpu.memory_space<vmem>>) semaphore(%arg17 : memref<!tpu.dma_semaphore, #tpu.memory_space<semaphore_mem>>)
    }
    %scan3A_222 = arith.constant 48 : i32
    %dma_wait3A_223 = arith.constant 196 : i32
    %dma_wait3A_224 = arith.constant 0 : i32
    %dma_wait3A_225 = tpu.memref_slice %arg5[%dma_wait3A_223, %dma_wait3A_224] : memref<200x128xi32, #tpu.memory_space<vmem>> -> memref<1x128xi32, #tpu.memory_space<vmem>>
    %dma_wait3A_226 = tpu.memref_squeeze %dma_wait3A_225 : memref<1x128xi32, #tpu.memory_space<vmem>> -> memref<128xi32, #tpu.memory_space<vmem>>
    %dma_wait3A_227 = arith.constant 0 : i32
    %dma_wait3A_228 = arith.constant 0 : i32
    %dma_wait3A_229 = tpu.memref_slice %arg3[%dma_wait3A_227, %dma_wait3A_228] : memref<100000x64xf32, #tpu.memory_space<hbm>> -> memref<100000x64xf32, #tpu.memory_space<hbm>>
    tpu.wait_indirect_dma semaphore(%arg14 : memref<!tpu.dma_semaphore, #tpu.memory_space<semaphore_mem>>) src(%dma_wait3A_229 : memref<100000x64xf32, #tpu.memory_space<hbm>>) dst(%arg6 : memref<128x64xf32, #tpu.memory_space<vmem>>)
    %dma_wait3A_230 = arith.constant 192 : i32
    %dma_wait3A_231 = arith.constant 0 : i32
    %dma_wait3A_232 = arith.constant 0 : i32
    %dma_wait3A_233 = arith.constant 0 : i32
    %dma_wait3A_234 = tpu.memref_slice %arg10[%dma_wait3A_231, %dma_wait3A_232, %dma_wait3A_233] : memref<8x8x129xf32, #tpu.memory_space<vmem>> -> memref<8x8x128xf32, #tpu.memory_space<vmem>>
    %dma_wait3A_235 = arith.constant 0 : i32
    %dma_wait3A_236 = arith.constant 0 : i32
    %dma_wait3A_237 = arith.constant 0 : i32
    %dma_wait3A_238 = tpu.memref_slice %arg4[%dma_wait3A_230, %dma_wait3A_235, %add3A, %dma_wait3A_236, %dma_wait3A_237] : memref<200x8x32x8x128xf32, #tpu.memory_space<hbm>> -> memref<1x8x1x8x128xf32, #tpu.memory_space<hbm>>
    %dma_wait3A_239 = tpu.memref_squeeze %dma_wait3A_238 : memref<1x8x1x8x128xf32, #tpu.memory_space<hbm>> -> memref<8x8x128xf32, #tpu.memory_space<hbm>>
    %dma_wait3A_240 = arith.constant 0 : i32
    %dma_wait3A_241 = arith.constant 0 : i32
    %dma_wait3A_242 = arith.constant 0 : i32
    %dma_wait3A_243 = tpu.memref_slice %arg4[%dma_wait3A_230, %dma_wait3A_240, %add3A, %dma_wait3A_241, %dma_wait3A_242] : memref<200x8x32x8x128xf32, #tpu.memory_space<hbm>> -> memref<1x8x1x8x128xf32, #tpu.memory_space<hbm>>
    %dma_wait3A_244 = tpu.memref_squeeze %dma_wait3A_243 : memref<1x8x1x8x128xf32, #tpu.memory_space<hbm>> -> memref<8x8x128xf32, #tpu.memory_space<hbm>>
    %dma_wait3A_245 = arith.constant 0 : i32
    %dma_wait3A_246 = arith.constant 0 : i32
    %dma_wait3A_247 = arith.constant 0 : i32
    %dma_wait3A_248 = tpu.memref_slice %arg10[%dma_wait3A_245, %dma_wait3A_246, %dma_wait3A_247] : memref<8x8x129xf32, #tpu.memory_space<vmem>> -> memref<8x8x128xf32, #tpu.memory_space<vmem>>
    tpu.wait_dma2 semaphore(%arg18 : memref<!tpu.dma_semaphore, #tpu.memory_space<semaphore_mem>>) src(%dma_wait3A_248 : memref<8x8x128xf32, #tpu.memory_space<vmem>>) dst(%dma_wait3A_244 : memref<8x8x128xf32, #tpu.memory_space<hbm>>)
    %parallel_loop3A_249 = arith.constant 0 : i32
    %parallel_loop3A_250 = arith.constant 128 : i32
    %parallel_loop3A_251 = arith.constant 1 : i32
    scf.for %parallel_loop3A_491 = %parallel_loop3A_249 to %parallel_loop3A_250 step %parallel_loop3A_251  : i32 {
      %parallel_loop3A_492 = vector.broadcast %parallel_loop3A_491 : i32 to vector<16xi32>
      %parallel_loop3A_493 = arith.index_cast %parallel_loop3A_491 : i32 to index
      %parallel_loop3A_494 = arith.constant 0 : index
      %parallel_loop3A_495 = tpu.vector_load %arg6[%parallel_loop3A_493, %parallel_loop3A_494] {strides = array<i32>} : memref<128x64xf32, #tpu.memory_space<vmem>>, vector<16xf32>,
      tpu.vector_store_idx %arg10[%shift_right_logical3A_26, %and3A_37, %parallel_loop3A_492], %parallel_loop3A_495 : memref<8x8x129xf32, #tpu.memory_space<vmem>>[vector<16xi32>, vector<16xi32>, vector<16xi32>], vector<16xf32>,
      %parallel_loop3A_496 = arith.index_cast %parallel_loop3A_491 : i32 to index
      %parallel_loop3A_497 = arith.constant 16 : index
      %parallel_loop3A_498 = tpu.vector_load %arg6[%parallel_loop3A_496, %parallel_loop3A_497] {strides = array<i32>} : memref<128x64xf32, #tpu.memory_space<vmem>>, vector<16xf32>,
      tpu.vector_store_idx %arg10[%shift_right_logical3A_29, %and3A_40, %parallel_loop3A_492], %parallel_loop3A_498 : memref<8x8x129xf32, #tpu.memory_space<vmem>>[vector<16xi32>, vector<16xi32>, vector<16xi32>], vector<16xf32>,
      %parallel_loop3A_499 = arith.index_cast %parallel_loop3A_491 : i32 to index
      %parallel_loop3A_500 = arith.constant 32 : index
      %parallel_loop3A_501 = tpu.vector_load %arg6[%parallel_loop3A_499, %parallel_loop3A_500] {strides = array<i32>} : memref<128x64xf32, #tpu.memory_space<vmem>>, vector<16xf32>,
      tpu.vector_store_idx %arg10[%shift_right_logical3A_32, %and3A_43, %parallel_loop3A_492], %parallel_loop3A_501 : memref<8x8x129xf32, #tpu.memory_space<vmem>>[vector<16xi32>, vector<16xi32>, vector<16xi32>], vector<16xf32>,
      %parallel_loop3A_502 = arith.index_cast %parallel_loop3A_491 : i32 to index
      %parallel_loop3A_503 = arith.constant 48 : index
      %parallel_loop3A_504 = tpu.vector_load %arg6[%parallel_loop3A_502, %parallel_loop3A_503] {strides = array<i32>} : memref<128x64xf32, #tpu.memory_space<vmem>>, vector<16xf32>,
      tpu.vector_store_idx %arg10[%shift_right_logical3A_35, %and3A_46, %parallel_loop3A_492], %parallel_loop3A_504 : memref<8x8x129xf32, #tpu.memory_space<vmem>>[vector<16xi32>, vector<16xi32>, vector<16xi32>], vector<16xf32>,
    } {sc.loop_unroll_factor = 4 : i64, sc.parallel_access}
    %dma_start3A_252 = arith.constant 196 : i32
    %dma_start3A_253 = arith.constant 0 : i32
    %dma_start3A_254 = arith.constant 0 : i32
    %dma_start3A_255 = arith.constant 0 : i32
    %dma_start3A_256 = tpu.memref_slice %arg10[%dma_start3A_253, %dma_start3A_254, %dma_start3A_255] : memref<8x8x129xf32, #tpu.memory_space<vmem>> -> memref<8x8x128xf32, #tpu.memory_space<vmem>>
    %dma_start3A_257 = arith.constant 0 : i32
    %dma_start3A_258 = arith.constant 0 : i32
    %dma_start3A_259 = arith.constant 0 : i32
    %dma_start3A_260 = tpu.memref_slice %arg4[%dma_start3A_252, %dma_start3A_257, %add3A, %dma_start3A_258, %dma_start3A_259] : memref<200x8x32x8x128xf32, #tpu.memory_space<hbm>> -> memref<1x8x1x8x128xf32, #tpu.memory_space<hbm>>
    %dma_start3A_261 = tpu.memref_squeeze %dma_start3A_260 : memref<1x8x1x8x128xf32, #tpu.memory_space<hbm>> -> memref<8x8x128xf32, #tpu.memory_space<hbm>>
    %dma_start3A_262 = arith.constant 0 : i32
    %dma_start3A_263 = arith.constant 0 : i32
    %dma_start3A_264 = arith.constant 0 : i32
    %dma_start3A_265 = tpu.memref_slice %arg4[%dma_start3A_252, %dma_start3A_262, %add3A, %dma_start3A_263, %dma_start3A_264] : memref<200x8x32x8x128xf32, #tpu.memory_space<hbm>> -> memref<1x8x1x8x128xf32, #tpu.memory_space<hbm>>
    %dma_start3A_266 = tpu.memref_squeeze %dma_start3A_265 : memref<1x8x1x8x128xf32, #tpu.memory_space<hbm>> -> memref<8x8x128xf32, #tpu.memory_space<hbm>>
    %dma_start3A_267 = arith.constant 0 : i32
    %dma_start3A_268 = arith.constant 0 : i32
    %dma_start3A_269 = arith.constant 0 : i32
    %dma_start3A_270 = tpu.memref_slice %arg10[%dma_start3A_267, %dma_start3A_268, %dma_start3A_269] : memref<8x8x129xf32, #tpu.memory_space<vmem>> -> memref<8x8x128xf32, #tpu.memory_space<vmem>>
    tpu.enqueue_dma source(%dma_start3A_270 : memref<8x8x128xf32, #tpu.memory_space<vmem>>) target(%dma_start3A_266 : memref<8x8x128xf32, #tpu.memory_space<hbm>>) target_semaphore(%arg18 : memref<!tpu.dma_semaphore, #tpu.memory_space<semaphore_mem>>)
    %dma_wait3A_271 = arith.constant 197 : i32
    %dma_wait3A_272 = arith.constant 0 : i32
    %dma_wait3A_273 = tpu.memref_slice %arg5[%dma_wait3A_271, %dma_wait3A_272] : memref<200x128xi32, #tpu.memory_space<vmem>> -> memref<1x128xi32, #tpu.memory_space<vmem>>
    %dma_wait3A_274 = tpu.memref_squeeze %dma_wait3A_273 : memref<1x128xi32, #tpu.memory_space<vmem>> -> memref<128xi32, #tpu.memory_space<vmem>>
    %dma_wait3A_275 = arith.constant 0 : i32
    %dma_wait3A_276 = arith.constant 0 : i32
    %dma_wait3A_277 = tpu.memref_slice %arg3[%dma_wait3A_275, %dma_wait3A_276] : memref<100000x64xf32, #tpu.memory_space<hbm>> -> memref<100000x64xf32, #tpu.memory_space<hbm>>
    tpu.wait_indirect_dma semaphore(%arg15 : memref<!tpu.dma_semaphore, #tpu.memory_space<semaphore_mem>>) src(%dma_wait3A_277 : memref<100000x64xf32, #tpu.memory_space<hbm>>) dst(%arg7 : memref<128x64xf32, #tpu.memory_space<vmem>>)
    %dma_wait3A_278 = arith.constant 193 : i32
    %dma_wait3A_279 = arith.constant 0 : i32
    %dma_wait3A_280 = arith.constant 0 : i32
    %dma_wait3A_281 = arith.constant 0 : i32
    %dma_wait3A_282 = tpu.memref_slice %arg11[%dma_wait3A_279, %dma_wait3A_280, %dma_wait3A_281] : memref<8x8x129xf32, #tpu.memory_space<vmem>> -> memref<8x8x128xf32, #tpu.memory_space<vmem>>
    %dma_wait3A_283 = arith.constant 0 : i32
    %dma_wait3A_284 = arith.constant 0 : i32
    %dma_wait3A_285 = arith.constant 0 : i32
    %dma_wait3A_286 = tpu.memref_slice %arg4[%dma_wait3A_278, %dma_wait3A_283, %add3A, %dma_wait3A_284, %dma_wait3A_285] : memref<200x8x32x8x128xf32, #tpu.memory_space<hbm>> -> memref<1x8x1x8x128xf32, #tpu.memory_space<hbm>>
    %dma_wait3A_287 = tpu.memref_squeeze %dma_wait3A_286 : memref<1x8x1x8x128xf32, #tpu.memory_space<hbm>> -> memref<8x8x128xf32, #tpu.memory_space<hbm>>
    %dma_wait3A_288 = arith.constant 0 : i32
    %dma_wait3A_289 = arith.constant 0 : i32
    %dma_wait3A_290 = arith.constant 0 : i32
    %dma_wait3A_291 = tpu.memref_slice %arg4[%dma_wait3A_278, %dma_wait3A_288, %add3A, %dma_wait3A_289, %dma_wait3A_290] : memref<200x8x32x8x128xf32, #tpu.memory_space<hbm>> -> memref<1x8x1x8x128xf32, #tpu.memory_space<hbm>>
    %dma_wait3A_292 = tpu.memref_squeeze %dma_wait3A_291 : memref<1x8x1x8x128xf32, #tpu.memory_space<hbm>> -> memref<8x8x128xf32, #tpu.memory_space<hbm>>
    %dma_wait3A_293 = arith.constant 0 : i32
    %dma_wait3A_294 = arith.constant 0 : i32
    %dma_wait3A_295 = arith.constant 0 : i32
    %dma_wait3A_296 = tpu.memref_slice %arg11[%dma_wait3A_293, %dma_wait3A_294, %dma_wait3A_295] : memref<8x8x129xf32, #tpu.memory_space<vmem>> -> memref<8x8x128xf32, #tpu.memory_space<vmem>>
    tpu.wait_dma2 semaphore(%arg19 : memref<!tpu.dma_semaphore, #tpu.memory_space<semaphore_mem>>) src(%dma_wait3A_296 : memref<8x8x128xf32, #tpu.memory_space<vmem>>) dst(%dma_wait3A_292 : memref<8x8x128xf32, #tpu.memory_space<hbm>>)
    %parallel_loop3A_297 = arith.constant 0 : i32
    %parallel_loop3A_298 = arith.constant 128 : i32
    %parallel_loop3A_299 = arith.constant 1 : i32
    scf.for %parallel_loop3A_491 = %parallel_loop3A_297 to %parallel_loop3A_298 step %parallel_loop3A_299  : i32 {
      %parallel_loop3A_492 = vector.broadcast %parallel_loop3A_491 : i32 to vector<16xi32>
      %parallel_loop3A_493 = arith.index_cast %parallel_loop3A_491 : i32 to index
      %parallel_loop3A_494 = arith.constant 0 : index
      %parallel_loop3A_495 = tpu.vector_load %arg7[%parallel_loop3A_493, %parallel_loop3A_494] {strides = array<i32>} : memref<128x64xf32, #tpu.memory_space<vmem>>, vector<16xf32>,
      tpu.vector_store_idx %arg11[%shift_right_logical3A_26, %and3A_37, %parallel_loop3A_492], %parallel_loop3A_495 : memref<8x8x129xf32, #tpu.memory_space<vmem>>[vector<16xi32>, vector<16xi32>, vector<16xi32>], vector<16xf32>,
      %parallel_loop3A_496 = arith.index_cast %parallel_loop3A_491 : i32 to index
      %parallel_loop3A_497 = arith.constant 16 : index
      %parallel_loop3A_498 = tpu.vector_load %arg7[%parallel_loop3A_496, %parallel_loop3A_497] {strides = array<i32>} : memref<128x64xf32, #tpu.memory_space<vmem>>, vector<16xf32>,
      tpu.vector_store_idx %arg11[%shift_right_logical3A_29, %and3A_40, %parallel_loop3A_492], %parallel_loop3A_498 : memref<8x8x129xf32, #tpu.memory_space<vmem>>[vector<16xi32>, vector<16xi32>, vector<16xi32>], vector<16xf32>,
      %parallel_loop3A_499 = arith.index_cast %parallel_loop3A_491 : i32 to index
      %parallel_loop3A_500 = arith.constant 32 : index
      %parallel_loop3A_501 = tpu.vector_load %arg7[%parallel_loop3A_499, %parallel_loop3A_500] {strides = array<i32>} : memref<128x64xf32, #tpu.memory_space<vmem>>, vector<16xf32>,
      tpu.vector_store_idx %arg11[%shift_right_logical3A_32, %and3A_43, %parallel_loop3A_492], %parallel_loop3A_501 : memref<8x8x129xf32, #tpu.memory_space<vmem>>[vector<16xi32>, vector<16xi32>, vector<16xi32>], vector<16xf32>,
      %parallel_loop3A_502 = arith.index_cast %parallel_loop3A_491 : i32 to index
      %parallel_loop3A_503 = arith.constant 48 : index
      %parallel_loop3A_504 = tpu.vector_load %arg7[%parallel_loop3A_502, %parallel_loop3A_503] {strides = array<i32>} : memref<128x64xf32, #tpu.memory_space<vmem>>, vector<16xf32>,
      tpu.vector_store_idx %arg11[%shift_right_logical3A_35, %and3A_46, %parallel_loop3A_492], %parallel_loop3A_504 : memref<8x8x129xf32, #tpu.memory_space<vmem>>[vector<16xi32>, vector<16xi32>, vector<16xi32>], vector<16xf32>,
    } {sc.loop_unroll_factor = 4 : i64, sc.parallel_access}
    %dma_start3A_300 = arith.constant 197 : i32
    %dma_start3A_301 = arith.constant 0 : i32
    %dma_start3A_302 = arith.constant 0 : i32
    %dma_start3A_303 = arith.constant 0 : i32
    %dma_start3A_304 = tpu.memref_slice %arg11[%dma_start3A_301, %dma_start3A_302, %dma_start3A_303] : memref<8x8x129xf32, #tpu.memory_space<vmem>> -> memref<8x8x128xf32, #tpu.memory_space<vmem>>
    %dma_start3A_305 = arith.constant 0 : i32
    %dma_start3A_306 = arith.constant 0 : i32
    %dma_start3A_307 = arith.constant 0 : i32
    %dma_start3A_308 = tpu.memref_slice %arg4[%dma_start3A_300, %dma_start3A_305, %add3A, %dma_start3A_306, %dma_start3A_307] : memref<200x8x32x8x128xf32, #tpu.memory_space<hbm>> -> memref<1x8x1x8x128xf32, #tpu.memory_space<hbm>>
    %dma_start3A_309 = tpu.memref_squeeze %dma_start3A_308 : memref<1x8x1x8x128xf32, #tpu.memory_space<hbm>> -> memref<8x8x128xf32, #tpu.memory_space<hbm>>
    %dma_start3A_310 = arith.constant 0 : i32
    %dma_start3A_311 = arith.constant 0 : i32
    %dma_start3A_312 = arith.constant 0 : i32
    %dma_start3A_313 = tpu.memref_slice %arg4[%dma_start3A_300, %dma_start3A_310, %add3A, %dma_start3A_311, %dma_start3A_312] : memref<200x8x32x8x128xf32, #tpu.memory_space<hbm>> -> memref<1x8x1x8x128xf32, #tpu.memory_space<hbm>>
    %dma_start3A_314 = tpu.memref_squeeze %dma_start3A_313 : memref<1x8x1x8x128xf32, #tpu.memory_space<hbm>> -> memref<8x8x128xf32, #tpu.memory_space<hbm>>
    %dma_start3A_315 = arith.constant 0 : i32
    %dma_start3A_316 = arith.constant 0 : i32
    %dma_start3A_317 = arith.constant 0 : i32
    %dma_start3A_318 = tpu.memref_slice %arg11[%dma_start3A_315, %dma_start3A_316, %dma_start3A_317] : memref<8x8x129xf32, #tpu.memory_space<vmem>> -> memref<8x8x128xf32, #tpu.memory_space<vmem>>
    tpu.enqueue_dma source(%dma_start3A_318 : memref<8x8x128xf32, #tpu.memory_space<vmem>>) target(%dma_start3A_314 : memref<8x8x128xf32, #tpu.memory_space<hbm>>) target_semaphore(%arg19 : memref<!tpu.dma_semaphore, #tpu.memory_space<semaphore_mem>>)
    %dma_wait3A_319 = arith.constant 198 : i32
    %dma_wait3A_320 = arith.constant 0 : i32
    %dma_wait3A_321 = tpu.memref_slice %arg5[%dma_wait3A_319, %dma_wait3A_320] : memref<200x128xi32, #tpu.memory_space<vmem>> -> memref<1x128xi32, #tpu.memory_space<vmem>>
    %dma_wait3A_322 = tpu.memref_squeeze %dma_wait3A_321 : memref<1x128xi32, #tpu.memory_space<vmem>> -> memref<128xi32, #tpu.memory_space<vmem>>
    %dma_wait3A_323 = arith.constant 0 : i32
    %dma_wait3A_324 = arith.constant 0 : i32
    %dma_wait3A_325 = tpu.memref_slice %arg3[%dma_wait3A_323, %dma_wait3A_324] : memref<100000x64xf32, #tpu.memory_space<hbm>> -> memref<100000x64xf32, #tpu.memory_space<hbm>>
    tpu.wait_indirect_dma semaphore(%arg16 : memref<!tpu.dma_semaphore, #tpu.memory_space<semaphore_mem>>) src(%dma_wait3A_325 : memref<100000x64xf32, #tpu.memory_space<hbm>>) dst(%arg8 : memref<128x64xf32, #tpu.memory_space<vmem>>)
    %dma_wait3A_326 = arith.constant 194 : i32
    %dma_wait3A_327 = arith.constant 0 : i32
    %dma_wait3A_328 = arith.constant 0 : i32
    %dma_wait3A_329 = arith.constant 0 : i32
    %dma_wait3A_330 = tpu.memref_slice %arg12[%dma_wait3A_327, %dma_wait3A_328, %dma_wait3A_329] : memref<8x8x129xf32, #tpu.memory_space<vmem>> -> memref<8x8x128xf32, #tpu.memory_space<vmem>>
    %dma_wait3A_331 = arith.constant 0 : i32
    %dma_wait3A_332 = arith.constant 0 : i32
    %dma_wait3A_333 = arith.constant 0 : i32
    %dma_wait3A_334 = tpu.memref_slice %arg4[%dma_wait3A_326, %dma_wait3A_331, %add3A, %dma_wait3A_332, %dma_wait3A_333] : memref<200x8x32x8x128xf32, #tpu.memory_space<hbm>> -> memref<1x8x1x8x128xf32, #tpu.memory_space<hbm>>
    %dma_wait3A_335 = tpu.memref_squeeze %dma_wait3A_334 : memref<1x8x1x8x128xf32, #tpu.memory_space<hbm>> -> memref<8x8x128xf32, #tpu.memory_space<hbm>>
    %dma_wait3A_336 = arith.constant 0 : i32
    %dma_wait3A_337 = arith.constant 0 : i32
    %dma_wait3A_338 = arith.constant 0 : i32
    %dma_wait3A_339 = tpu.memref_slice %arg4[%dma_wait3A_326, %dma_wait3A_336, %add3A, %dma_wait3A_337, %dma_wait3A_338] : memref<200x8x32x8x128xf32, #tpu.memory_space<hbm>> -> memref<1x8x1x8x128xf32, #tpu.memory_space<hbm>>
    %dma_wait3A_340 = tpu.memref_squeeze %dma_wait3A_339 : memref<1x8x1x8x128xf32, #tpu.memory_space<hbm>> -> memref<8x8x128xf32, #tpu.memory_space<hbm>>
    %dma_wait3A_341 = arith.constant 0 : i32
    %dma_wait3A_342 = arith.constant 0 : i32
    %dma_wait3A_343 = arith.constant 0 : i32
    %dma_wait3A_344 = tpu.memref_slice %arg12[%dma_wait3A_341, %dma_wait3A_342, %dma_wait3A_343] : memref<8x8x129xf32, #tpu.memory_space<vmem>> -> memref<8x8x128xf32, #tpu.memory_space<vmem>>
    tpu.wait_dma2 semaphore(%arg20 : memref<!tpu.dma_semaphore, #tpu.memory_space<semaphore_mem>>) src(%dma_wait3A_344 : memref<8x8x128xf32, #tpu.memory_space<vmem>>) dst(%dma_wait3A_340 : memref<8x8x128xf32, #tpu.memory_space<hbm>>)
    %parallel_loop3A_345 = arith.constant 0 : i32
    %parallel_loop3A_346 = arith.constant 128 : i32
    %parallel_loop3A_347 = arith.constant 1 : i32
    scf.for %parallel_loop3A_491 = %parallel_loop3A_345 to %parallel_loop3A_346 step %parallel_loop3A_347  : i32 {
      %parallel_loop3A_492 = vector.broadcast %parallel_loop3A_491 : i32 to vector<16xi32>
      %parallel_loop3A_493 = arith.index_cast %parallel_loop3A_491 : i32 to index
      %parallel_loop3A_494 = arith.constant 0 : index
      %parallel_loop3A_495 = tpu.vector_load %arg8[%parallel_loop3A_493, %parallel_loop3A_494] {strides = array<i32>} : memref<128x64xf32, #tpu.memory_space<vmem>>, vector<16xf32>,
      tpu.vector_store_idx %arg12[%shift_right_logical3A_26, %and3A_37, %parallel_loop3A_492], %parallel_loop3A_495 : memref<8x8x129xf32, #tpu.memory_space<vmem>>[vector<16xi32>, vector<16xi32>, vector<16xi32>], vector<16xf32>,
      %parallel_loop3A_496 = arith.index_cast %parallel_loop3A_491 : i32 to index
      %parallel_loop3A_497 = arith.constant 16 : index
      %parallel_loop3A_498 = tpu.vector_load %arg8[%parallel_loop3A_496, %parallel_loop3A_497] {strides = array<i32>} : memref<128x64xf32, #tpu.memory_space<vmem>>, vector<16xf32>,
      tpu.vector_store_idx %arg12[%shift_right_logical3A_29, %and3A_40, %parallel_loop3A_492], %parallel_loop3A_498 : memref<8x8x129xf32, #tpu.memory_space<vmem>>[vector<16xi32>, vector<16xi32>, vector<16xi32>], vector<16xf32>,
      %parallel_loop3A_499 = arith.index_cast %parallel_loop3A_491 : i32 to index
      %parallel_loop3A_500 = arith.constant 32 : index
      %parallel_loop3A_501 = tpu.vector_load %arg8[%parallel_loop3A_499, %parallel_loop3A_500] {strides = array<i32>} : memref<128x64xf32, #tpu.memory_space<vmem>>, vector<16xf32>,
      tpu.vector_store_idx %arg12[%shift_right_logical3A_32, %and3A_43, %parallel_loop3A_492], %parallel_loop3A_501 : memref<8x8x129xf32, #tpu.memory_space<vmem>>[vector<16xi32>, vector<16xi32>, vector<16xi32>], vector<16xf32>,
      %parallel_loop3A_502 = arith.index_cast %parallel_loop3A_491 : i32 to index
      %parallel_loop3A_503 = arith.constant 48 : index
      %parallel_loop3A_504 = tpu.vector_load %arg8[%parallel_loop3A_502, %parallel_loop3A_503] {strides = array<i32>} : memref<128x64xf32, #tpu.memory_space<vmem>>, vector<16xf32>,
      tpu.vector_store_idx %arg12[%shift_right_logical3A_35, %and3A_46, %parallel_loop3A_492], %parallel_loop3A_504 : memref<8x8x129xf32, #tpu.memory_space<vmem>>[vector<16xi32>, vector<16xi32>, vector<16xi32>], vector<16xf32>,
    } {sc.loop_unroll_factor = 4 : i64, sc.parallel_access}
    %dma_start3A_348 = arith.constant 198 : i32
    %dma_start3A_349 = arith.constant 0 : i32
    %dma_start3A_350 = arith.constant 0 : i32
    %dma_start3A_351 = arith.constant 0 : i32
    %dma_start3A_352 = tpu.memref_slice %arg12[%dma_start3A_349, %dma_start3A_350, %dma_start3A_351] : memref<8x8x129xf32, #tpu.memory_space<vmem>> -> memref<8x8x128xf32, #tpu.memory_space<vmem>>
    %dma_start3A_353 = arith.constant 0 : i32
    %dma_start3A_354 = arith.constant 0 : i32
    %dma_start3A_355 = arith.constant 0 : i32
    %dma_start3A_356 = tpu.memref_slice %arg4[%dma_start3A_348, %dma_start3A_353, %add3A, %dma_start3A_354, %dma_start3A_355] : memref<200x8x32x8x128xf32, #tpu.memory_space<hbm>> -> memref<1x8x1x8x128xf32, #tpu.memory_space<hbm>>
    %dma_start3A_357 = tpu.memref_squeeze %dma_start3A_356 : memref<1x8x1x8x128xf32, #tpu.memory_space<hbm>> -> memref<8x8x128xf32, #tpu.memory_space<hbm>>
    %dma_start3A_358 = arith.constant 0 : i32
    %dma_start3A_359 = arith.constant 0 : i32
    %dma_start3A_360 = arith.constant 0 : i32
    %dma_start3A_361 = tpu.memref_slice %arg4[%dma_start3A_348, %dma_start3A_358, %add3A, %dma_start3A_359, %dma_start3A_360] : memref<200x8x32x8x128xf32, #tpu.memory_space<hbm>> -> memref<1x8x1x8x128xf32, #tpu.memory_space<hbm>>
    %dma_start3A_362 = tpu.memref_squeeze %dma_start3A_361 : memref<1x8x1x8x128xf32, #tpu.memory_space<hbm>> -> memref<8x8x128xf32, #tpu.memory_space<hbm>>
    %dma_start3A_363 = arith.constant 0 : i32
    %dma_start3A_364 = arith.constant 0 : i32
    %dma_start3A_365 = arith.constant 0 : i32
    %dma_start3A_366 = tpu.memref_slice %arg12[%dma_start3A_363, %dma_start3A_364, %dma_start3A_365] : memref<8x8x129xf32, #tpu.memory_space<vmem>> -> memref<8x8x128xf32, #tpu.memory_space<vmem>>
    tpu.enqueue_dma source(%dma_start3A_366 : memref<8x8x128xf32, #tpu.memory_space<vmem>>) target(%dma_start3A_362 : memref<8x8x128xf32, #tpu.memory_space<hbm>>) target_semaphore(%arg20 : memref<!tpu.dma_semaphore, #tpu.memory_space<semaphore_mem>>)
    %dma_wait3A_367 = arith.constant 199 : i32
    %dma_wait3A_368 = arith.constant 0 : i32
    %dma_wait3A_369 = tpu.memref_slice %arg5[%dma_wait3A_367, %dma_wait3A_368] : memref<200x128xi32, #tpu.memory_space<vmem>> -> memref<1x128xi32, #tpu.memory_space<vmem>>
    %dma_wait3A_370 = tpu.memref_squeeze %dma_wait3A_369 : memref<1x128xi32, #tpu.memory_space<vmem>> -> memref<128xi32, #tpu.memory_space<vmem>>
    %dma_wait3A_371 = arith.constant 0 : i32
    %dma_wait3A_372 = arith.constant 0 : i32
    %dma_wait3A_373 = tpu.memref_slice %arg3[%dma_wait3A_371, %dma_wait3A_372] : memref<100000x64xf32, #tpu.memory_space<hbm>> -> memref<100000x64xf32, #tpu.memory_space<hbm>>
    tpu.wait_indirect_dma semaphore(%arg17 : memref<!tpu.dma_semaphore, #tpu.memory_space<semaphore_mem>>) src(%dma_wait3A_373 : memref<100000x64xf32, #tpu.memory_space<hbm>>) dst(%arg9 : memref<128x64xf32, #tpu.memory_space<vmem>>)
    %dma_wait3A_374 = arith.constant 195 : i32
    %dma_wait3A_375 = arith.constant 0 : i32
    %dma_wait3A_376 = arith.constant 0 : i32
    %dma_wait3A_377 = arith.constant 0 : i32
    %dma_wait3A_378 = tpu.memref_slice %arg13[%dma_wait3A_375, %dma_wait3A_376, %dma_wait3A_377] : memref<8x8x129xf32, #tpu.memory_space<vmem>> -> memref<8x8x128xf32, #tpu.memory_space<vmem>>
    %dma_wait3A_379 = arith.constant 0 : i32
    %dma_wait3A_380 = arith.constant 0 : i32
    %dma_wait3A_381 = arith.constant 0 : i32
    %dma_wait3A_382 = tpu.memref_slice %arg4[%dma_wait3A_374, %dma_wait3A_379, %add3A, %dma_wait3A_380, %dma_wait3A_381] : memref<200x8x32x8x128xf32, #tpu.memory_space<hbm>> -> memref<1x8x1x8x128xf32, #tpu.memory_space<hbm>>
    %dma_wait3A_383 = tpu.memref_squeeze %dma_wait3A_382 : memref<1x8x1x8x128xf32, #tpu.memory_space<hbm>> -> memref<8x8x128xf32, #tpu.memory_space<hbm>>
    %dma_wait3A_384 = arith.constant 0 : i32
    %dma_wait3A_385 = arith.constant 0 : i32
    %dma_wait3A_386 = arith.constant 0 : i32
    %dma_wait3A_387 = tpu.memref_slice %arg4[%dma_wait3A_374, %dma_wait3A_384, %add3A, %dma_wait3A_385, %dma_wait3A_386] : memref<200x8x32x8x128xf32, #tpu.memory_space<hbm>> -> memref<1x8x1x8x128xf32, #tpu.memory_space<hbm>>
    %dma_wait3A_388 = tpu.memref_squeeze %dma_wait3A_387 : memref<1x8x1x8x128xf32, #tpu.memory_space<hbm>> -> memref<8x8x128xf32, #tpu.memory_space<hbm>>
    %dma_wait3A_389 = arith.constant 0 : i32
    %dma_wait3A_390 = arith.constant 0 : i32
    %dma_wait3A_391 = arith.constant 0 : i32
    %dma_wait3A_392 = tpu.memref_slice %arg13[%dma_wait3A_389, %dma_wait3A_390, %dma_wait3A_391] : memref<8x8x129xf32, #tpu.memory_space<vmem>> -> memref<8x8x128xf32, #tpu.memory_space<vmem>>
    tpu.wait_dma2 semaphore(%arg21 : memref<!tpu.dma_semaphore, #tpu.memory_space<semaphore_mem>>) src(%dma_wait3A_392 : memref<8x8x128xf32, #tpu.memory_space<vmem>>) dst(%dma_wait3A_388 : memref<8x8x128xf32, #tpu.memory_space<hbm>>)
    %parallel_loop3A_393 = arith.constant 0 : i32
    %parallel_loop3A_394 = arith.constant 128 : i32
    %parallel_loop3A_395 = arith.constant 1 : i32
    scf.for %parallel_loop3A_491 = %parallel_loop3A_393 to %parallel_loop3A_394 step %parallel_loop3A_395  : i32 {
      %parallel_loop3A_492 = vector.broadcast %parallel_loop3A_491 : i32 to vector<16xi32>
      %parallel_loop3A_493 = arith.index_cast %parallel_loop3A_491 : i32 to index
      %parallel_loop3A_494 = arith.constant 0 : index
      %parallel_loop3A_495 = tpu.vector_load %arg9[%parallel_loop3A_493, %parallel_loop3A_494] {strides = array<i32>} : memref<128x64xf32, #tpu.memory_space<vmem>>, vector<16xf32>,
      tpu.vector_store_idx %arg13[%shift_right_logical3A_26, %and3A_37, %parallel_loop3A_492], %parallel_loop3A_495 : memref<8x8x129xf32, #tpu.memory_space<vmem>>[vector<16xi32>, vector<16xi32>, vector<16xi32>], vector<16xf32>,
      %parallel_loop3A_496 = arith.index_cast %parallel_loop3A_491 : i32 to index
      %parallel_loop3A_497 = arith.constant 16 : index
      %parallel_loop3A_498 = tpu.vector_load %arg9[%parallel_loop3A_496, %parallel_loop3A_497] {strides = array<i32>} : memref<128x64xf32, #tpu.memory_space<vmem>>, vector<16xf32>,
      tpu.vector_store_idx %arg13[%shift_right_logical3A_29, %and3A_40, %parallel_loop3A_492], %parallel_loop3A_498 : memref<8x8x129xf32, #tpu.memory_space<vmem>>[vector<16xi32>, vector<16xi32>, vector<16xi32>], vector<16xf32>,
      %parallel_loop3A_499 = arith.index_cast %parallel_loop3A_491 : i32 to index
      %parallel_loop3A_500 = arith.constant 32 : index
      %parallel_loop3A_501 = tpu.vector_load %arg9[%parallel_loop3A_499, %parallel_loop3A_500] {strides = array<i32>} : memref<128x64xf32, #tpu.memory_space<vmem>>, vector<16xf32>,
      tpu.vector_store_idx %arg13[%shift_right_logical3A_32, %and3A_43, %parallel_loop3A_492], %parallel_loop3A_501 : memref<8x8x129xf32, #tpu.memory_space<vmem>>[vector<16xi32>, vector<16xi32>, vector<16xi32>], vector<16xf32>,
      %parallel_loop3A_502 = arith.index_cast %parallel_loop3A_491 : i32 to index
      %parallel_loop3A_503 = arith.constant 48 : index
      %parallel_loop3A_504 = tpu.vector_load %arg9[%parallel_loop3A_502, %parallel_loop3A_503] {strides = array<i32>} : memref<128x64xf32, #tpu.memory_space<vmem>>, vector<16xf32>,
      tpu.vector_store_idx %arg13[%shift_right_logical3A_35, %and3A_46, %parallel_loop3A_492], %parallel_loop3A_504 : memref<8x8x129xf32, #tpu.memory_space<vmem>>[vector<16xi32>, vector<16xi32>, vector<16xi32>], vector<16xf32>,
    } {sc.loop_unroll_factor = 4 : i64, sc.parallel_access}
    %dma_start3A_396 = arith.constant 199 : i32
    %dma_start3A_397 = arith.constant 0 : i32
    %dma_start3A_398 = arith.constant 0 : i32
    %dma_start3A_399 = arith.constant 0 : i32
    %dma_start3A_400 = tpu.memref_slice %arg13[%dma_start3A_397, %dma_start3A_398, %dma_start3A_399] : memref<8x8x129xf32, #tpu.memory_space<vmem>> -> memref<8x8x128xf32, #tpu.memory_space<vmem>>
    %dma_start3A_401 = arith.constant 0 : i32
    %dma_start3A_402 = arith.constant 0 : i32
    %dma_start3A_403 = arith.constant 0 : i32
    %dma_start3A_404 = tpu.memref_slice %arg4[%dma_start3A_396, %dma_start3A_401, %add3A, %dma_start3A_402, %dma_start3A_403] : memref<200x8x32x8x128xf32, #tpu.memory_space<hbm>> -> memref<1x8x1x8x128xf32, #tpu.memory_space<hbm>>
    %dma_start3A_405 = tpu.memref_squeeze %dma_start3A_404 : memref<1x8x1x8x128xf32, #tpu.memory_space<hbm>> -> memref<8x8x128xf32, #tpu.memory_space<hbm>>
    %dma_start3A_406 = arith.constant 0 : i32
    %dma_start3A_407 = arith.constant 0 : i32
    %dma_start3A_408 = arith.constant 0 : i32
    %dma_start3A_409 = tpu.memref_slice %arg4[%dma_start3A_396, %dma_start3A_406, %add3A, %dma_start3A_407, %dma_start3A_408] : memref<200x8x32x8x128xf32, #tpu.memory_space<hbm>> -> memref<1x8x1x8x128xf32, #tpu.memory_space<hbm>>
    %dma_start3A_410 = tpu.memref_squeeze %dma_start3A_409 : memref<1x8x1x8x128xf32, #tpu.memory_space<hbm>> -> memref<8x8x128xf32, #tpu.memory_space<hbm>>
    %dma_start3A_411 = arith.constant 0 : i32
    %dma_start3A_412 = arith.constant 0 : i32
    %dma_start3A_413 = arith.constant 0 : i32
    %dma_start3A_414 = tpu.memref_slice %arg13[%dma_start3A_411, %dma_start3A_412, %dma_start3A_413] : memref<8x8x129xf32, #tpu.memory_space<vmem>> -> memref<8x8x128xf32, #tpu.memory_space<vmem>>
    tpu.enqueue_dma source(%dma_start3A_414 : memref<8x8x128xf32, #tpu.memory_space<vmem>>) target(%dma_start3A_410 : memref<8x8x128xf32, #tpu.memory_space<hbm>>) target_semaphore(%arg21 : memref<!tpu.dma_semaphore, #tpu.memory_space<semaphore_mem>>)
    %dma_wait3A_415 = arith.constant 196 : i32
    %dma_wait3A_416 = arith.constant 0 : i32
    %dma_wait3A_417 = arith.constant 0 : i32
    %dma_wait3A_418 = arith.constant 0 : i32
    %dma_wait3A_419 = tpu.memref_slice %arg10[%dma_wait3A_416, %dma_wait3A_417, %dma_wait3A_418] : memref<8x8x129xf32, #tpu.memory_space<vmem>> -> memref<8x8x128xf32, #tpu.memory_space<vmem>>
    %dma_wait3A_420 = arith.constant 0 : i32
    %dma_wait3A_421 = arith.constant 0 : i32
    %dma_wait3A_422 = arith.constant 0 : i32
    %dma_wait3A_423 = tpu.memref_slice %arg4[%dma_wait3A_415, %dma_wait3A_420, %add3A, %dma_wait3A_421, %dma_wait3A_422] : memref<200x8x32x8x128xf32, #tpu.memory_space<hbm>> -> memref<1x8x1x8x128xf32, #tpu.memory_space<hbm>>
    %dma_wait3A_424 = tpu.memref_squeeze %dma_wait3A_423 : memref<1x8x1x8x128xf32, #tpu.memory_space<hbm>> -> memref<8x8x128xf32, #tpu.memory_space<hbm>>
    %dma_wait3A_425 = arith.constant 0 : i32
    %dma_wait3A_426 = arith.constant 0 : i32
    %dma_wait3A_427 = arith.constant 0 : i32
    %dma_wait3A_428 = tpu.memref_slice %arg4[%dma_wait3A_415, %dma_wait3A_425, %add3A, %dma_wait3A_426, %dma_wait3A_427] : memref<200x8x32x8x128xf32, #tpu.memory_space<hbm>> -> memref<1x8x1x8x128xf32, #tpu.memory_space<hbm>>
    %dma_wait3A_429 = tpu.memref_squeeze %dma_wait3A_428 : memref<1x8x1x8x128xf32, #tpu.memory_space<hbm>> -> memref<8x8x128xf32, #tpu.memory_space<hbm>>
    %dma_wait3A_430 = arith.constant 0 : i32
    %dma_wait3A_431 = arith.constant 0 : i32
    %dma_wait3A_432 = arith.constant 0 : i32
    %dma_wait3A_433 = tpu.memref_slice %arg10[%dma_wait3A_430, %dma_wait3A_431, %dma_wait3A_432] : memref<8x8x129xf32, #tpu.memory_space<vmem>> -> memref<8x8x128xf32, #tpu.memory_space<vmem>>
    tpu.wait_dma2 semaphore(%arg18 : memref<!tpu.dma_semaphore, #tpu.memory_space<semaphore_mem>>) src(%dma_wait3A_433 : memref<8x8x128xf32, #tpu.memory_space<vmem>>) dst(%dma_wait3A_429 : memref<8x8x128xf32, #tpu.memory_space<hbm>>)
    %dma_wait3A_434 = arith.constant 197 : i32
    %dma_wait3A_435 = arith.constant 0 : i32
    %dma_wait3A_436 = arith.constant 0 : i32
    %dma_wait3A_437 = arith.constant 0 : i32
    %dma_wait3A_438 = tpu.memref_slice %arg11[%dma_wait3A_435, %dma_wait3A_436, %dma_wait3A_437] : memref<8x8x129xf32, #tpu.memory_space<vmem>> -> memref<8x8x128xf32, #tpu.memory_space<vmem>>
    %dma_wait3A_439 = arith.constant 0 : i32
    %dma_wait3A_440 = arith.constant 0 : i32
    %dma_wait3A_441 = arith.constant 0 : i32
    %dma_wait3A_442 = tpu.memref_slice %arg4[%dma_wait3A_434, %dma_wait3A_439, %add3A, %dma_wait3A_440, %dma_wait3A_441] : memref<200x8x32x8x128xf32, #tpu.memory_space<hbm>> -> memref<1x8x1x8x128xf32, #tpu.memory_space<hbm>>
    %dma_wait3A_443 = tpu.memref_squeeze %dma_wait3A_442 : memref<1x8x1x8x128xf32, #tpu.memory_space<hbm>> -> memref<8x8x128xf32, #tpu.memory_space<hbm>>
    %dma_wait3A_444 = arith.constant 0 : i32
    %dma_wait3A_445 = arith.constant 0 : i32
    %dma_wait3A_446 = arith.constant 0 : i32
    %dma_wait3A_447 = tpu.memref_slice %arg4[%dma_wait3A_434, %dma_wait3A_444, %add3A, %dma_wait3A_445, %dma_wait3A_446] : memref<200x8x32x8x128xf32, #tpu.memory_space<hbm>> -> memref<1x8x1x8x128xf32, #tpu.memory_space<hbm>>
    %dma_wait3A_448 = tpu.memref_squeeze %dma_wait3A_447 : memref<1x8x1x8x128xf32, #tpu.memory_space<hbm>> -> memref<8x8x128xf32, #tpu.memory_space<hbm>>
    %dma_wait3A_449 = arith.constant 0 : i32
    %dma_wait3A_450 = arith.constant 0 : i32
    %dma_wait3A_451 = arith.constant 0 : i32
    %dma_wait3A_452 = tpu.memref_slice %arg11[%dma_wait3A_449, %dma_wait3A_450, %dma_wait3A_451] : memref<8x8x129xf32, #tpu.memory_space<vmem>> -> memref<8x8x128xf32, #tpu.memory_space<vmem>>
    tpu.wait_dma2 semaphore(%arg19 : memref<!tpu.dma_semaphore, #tpu.memory_space<semaphore_mem>>) src(%dma_wait3A_452 : memref<8x8x128xf32, #tpu.memory_space<vmem>>) dst(%dma_wait3A_448 : memref<8x8x128xf32, #tpu.memory_space<hbm>>)
    %dma_wait3A_453 = arith.constant 198 : i32
    %dma_wait3A_454 = arith.constant 0 : i32
    %dma_wait3A_455 = arith.constant 0 : i32
    %dma_wait3A_456 = arith.constant 0 : i32
    %dma_wait3A_457 = tpu.memref_slice %arg12[%dma_wait3A_454, %dma_wait3A_455, %dma_wait3A_456] : memref<8x8x129xf32, #tpu.memory_space<vmem>> -> memref<8x8x128xf32, #tpu.memory_space<vmem>>
    %dma_wait3A_458 = arith.constant 0 : i32
    %dma_wait3A_459 = arith.constant 0 : i32
    %dma_wait3A_460 = arith.constant 0 : i32
    %dma_wait3A_461 = tpu.memref_slice %arg4[%dma_wait3A_453, %dma_wait3A_458, %add3A, %dma_wait3A_459, %dma_wait3A_460] : memref<200x8x32x8x128xf32, #tpu.memory_space<hbm>> -> memref<1x8x1x8x128xf32, #tpu.memory_space<hbm>>
    %dma_wait3A_462 = tpu.memref_squeeze %dma_wait3A_461 : memref<1x8x1x8x128xf32, #tpu.memory_space<hbm>> -> memref<8x8x128xf32, #tpu.memory_space<hbm>>
    %dma_wait3A_463 = arith.constant 0 : i32
    %dma_wait3A_464 = arith.constant 0 : i32
    %dma_wait3A_465 = arith.constant 0 : i32
    %dma_wait3A_466 = tpu.memref_slice %arg4[%dma_wait3A_453, %dma_wait3A_463, %add3A, %dma_wait3A_464, %dma_wait3A_465] : memref<200x8x32x8x128xf32, #tpu.memory_space<hbm>> -> memref<1x8x1x8x128xf32, #tpu.memory_space<hbm>>
    %dma_wait3A_467 = tpu.memref_squeeze %dma_wait3A_466 : memref<1x8x1x8x128xf32, #tpu.memory_space<hbm>> -> memref<8x8x128xf32, #tpu.memory_space<hbm>>
    %dma_wait3A_468 = arith.constant 0 : i32
    %dma_wait3A_469 = arith.constant 0 : i32
    %dma_wait3A_470 = arith.constant 0 : i32
    %dma_wait3A_471 = tpu.memref_slice %arg12[%dma_wait3A_468, %dma_wait3A_469, %dma_wait3A_470] : memref<8x8x129xf32, #tpu.memory_space<vmem>> -> memref<8x8x128xf32, #tpu.memory_space<vmem>>
    tpu.wait_dma2 semaphore(%arg20 : memref<!tpu.dma_semaphore, #tpu.memory_space<semaphore_mem>>) src(%dma_wait3A_471 : memref<8x8x128xf32, #tpu.memory_space<vmem>>) dst(%dma_wait3A_467 : memref<8x8x128xf32, #tpu.memory_space<hbm>>)
    %dma_wait3A_472 = arith.constant 199 : i32
    %dma_wait3A_473 = arith.constant 0 : i32
    %dma_wait3A_474 = arith.constant 0 : i32
    %dma_wait3A_475 = arith.constant 0 : i32
    %dma_wait3A_476 = tpu.memref_slice %arg13[%dma_wait3A_473, %dma_wait3A_474, %dma_wait3A_475] : memref<8x8x129xf32, #tpu.memory_space<vmem>> -> memref<8x8x128xf32, #tpu.memory_space<vmem>>
    %dma_wait3A_477 = arith.constant 0 : i32
    %dma_wait3A_478 = arith.constant 0 : i32
    %dma_wait3A_479 = arith.constant 0 : i32
    %dma_wait3A_480 = tpu.memref_slice %arg4[%dma_wait3A_472, %dma_wait3A_477, %add3A, %dma_wait3A_478, %dma_wait3A_479] : memref<200x8x32x8x128xf32, #tpu.memory_space<hbm>> -> memref<1x8x1x8x128xf32, #tpu.memory_space<hbm>>
    %dma_wait3A_481 = tpu.memref_squeeze %dma_wait3A_480 : memref<1x8x1x8x128xf32, #tpu.memory_space<hbm>> -> memref<8x8x128xf32, #tpu.memory_space<hbm>>
    %dma_wait3A_482 = arith.constant 0 : i32
    %dma_wait3A_483 = arith.constant 0 : i32
    %dma_wait3A_484 = arith.constant 0 : i32
    %dma_wait3A_485 = tpu.memref_slice %arg4[%dma_wait3A_472, %dma_wait3A_482, %add3A, %dma_wait3A_483, %dma_wait3A_484] : memref<200x8x32x8x128xf32, #tpu.memory_space<hbm>> -> memref<1x8x1x8x128xf32, #tpu.memory_space<hbm>>
    %dma_wait3A_486 = tpu.memref_squeeze %dma_wait3A_485 : memref<1x8x1x8x128xf32, #tpu.memory_space<hbm>> -> memref<8x8x128xf32, #tpu.memory_space<hbm>>
    %dma_wait3A_487 = arith.constant 0 : i32
    %dma_wait3A_488 = arith.constant 0 : i32
    %dma_wait3A_489 = arith.constant 0 : i32
    %dma_wait3A_490 = tpu.memref_slice %arg13[%dma_wait3A_487, %dma_wait3A_488, %dma_wait3A_489] : memref<8x8x129xf32, #tpu.memory_space<vmem>> -> memref<8x8x128xf32, #tpu.memory_space<vmem>>
    tpu.wait_dma2 semaphore(%arg21 : memref<!tpu.dma_semaphore, #tpu.memory_space<semaphore_mem>>) src(%dma_wait3A_490 : memref<8x8x128xf32, #tpu.memory_space<vmem>>) dst(%dma_wait3A_486 : memref<8x8x128xf32, #tpu.memory_space<hbm>>)
    return
  }
}

</mosaic_0001>

<sc_bundles>
// kernel: _emb_gather.3.cloned.1.call-start
scs
__scs_entry_jumppad:
0x0: {  	(pc) =	sbr.rel $0x88, $3  }
0x1: {  	(tag) =	ssettag $0x0;
	lr =	simm.s32 $0x1  }
0x2: {  	[smem:$0x3F9F] =	sst lr;
	_ =	strace $0xD0000000  }
0x3: {  	_ = 	snop  }
0x4: {  	_ = 	snop  }
0x5: {  	_ = 	snop  }
0x6: {  	_ = 	snop  }
0x7: {  	_ = 	snop  }
__scs_overlays_trampoline_lowered:
0x8: {  	[smem:$0x3FAE] =	sst s0  }
0x9: {  	[smem:$0x3FAF] =	sst s1  }
0xa: {  	[smem:$0x3FB0] =	sst s2  }
0xb: {  	[smem:$0x3FB1] =	sst s3  }
0xc: {  	[smem:$0x3FB2] =	sst s4  }
0xd: {  	[smem:$0x3FB3] =	sst s5  }
0xe: {  	[smem:$0x3FB4] =	sst s6  }
0xf: {  	[smem:$0x3FB5] =	sst s7  }
0x10: {  	[smem:$0x3FB6] =	sst s8  }
0x11: {  	[smem:$0x3FB7] =	sst s9;
	s0 =	simm.s32 @!p0 $0x0  }
0x12: {  	s1 =	sld [smem:$0x3F9D];
	s0 =	simm.s32 @p0 $0x1  }
0x13: {  	[smem:$0x3FB8] =	sst s0;
	s0 =	simm.s32 @!p1 $0x0  }
0x14: {  	s2 =	sld [smem:$0x3F9C];
	s0 =	simm.s32 @p1 $0x1  }
0x15: {  	[smem:$0x3FB9] =	sst s0;
	s0 =	simm.s32 @!p2 $0x0  }
0x16: {  	s3 =	sld [smem:$0x3FDB];
	s0 =	simm.s32 @p2 $0x1  }
0x17: {  	s4 =	simm.s32 $0x1BF5;
	[smem:$0x3FBB] =	sst s0  }
0x18: {  	s0 =	sld [smem:$0x3F9E];
	_ =	swait.ge [sflag:s4], $0x0  }
0x19: {  	s7 =	sld [smem:$0x3F9F]  }
0x1a: {  	s8 =	sadd.s32 $0xFFFFE003, lr  }
0x1b: {  	s9 =	sadd.s32 $0xFFFFFEF7, lr;
	s5 =	simm.s32 $0xFFFFFFFF;
	p2 =	slt.u32 s8, $0xFFFFF086  }
0x1c: {  	p1 =	slt.u32 s9, $0xF7A;
	s5 =	simm.s32 @!p2 $0x0  }
0x1d: {  	s5 =	simm.s32 @p1 $0x1;
	p0 =	seq.s32 s7, s2  }
0x1e: {  	s7 =	smul.u32 @!p0 $0xF7A, s2;
	p2 =	seq.s32 @!p0 s5, $0x0  }
0x1f: {  	s9 =	smul.u32 $0xF7A, s1;
	s8 =	simm.s32 @!p0 $0x1BF5;
	p2 =	por !p2, p0  }
0x20: {  	[sflag:s8] =	ssyncset.s32 @!p0 $0xFFFFF086;
	s6 =	sadd.s32 @!p0 s3, s7;
	s7 =	simm.s32 @!p0 $0x108  }
0x21: {  	s3 =	sadd.s32 s3, s9;
	s6 =	sadd.s32 @!p0 $0x88, s6;
	s7 =	simm.s32 @p2 $0x1082  }
0x22: {  	[simem:s7], [sflag:s8] =	dma.local @!p0 [hbm:s6], $0xF7A  }
0x23: {  	s9 =	sor.u32 $0xD0000000, s2;
	s6 =	simm.s32 $0x108;
	_ =	swait.ge @!p0 [sflag:s8], $0x0  }
0x24: {  	s3 =	sadd.s32 $0x88, s3;
	s6 =	simm.s32 @!p1 $0x1082;
	[sflag:s4] =	ssyncset.s32 $0xFFFFF086  }
0x25: {  	[simem:s6], [sflag:s4] =	dma.local [hbm:s3], $0xF7A  }
0x26: {  	[smem:$0x3F9F] =	sst s1;
	(tag) =	ssettag s2;
	_ =	strace s9  }
0x27: {  	s1 =	sld [smem:$0x3FAF]  }
0x28: {  	s2 =	sld [smem:$0x3FB0]  }
0x29: {  	s4 =	sld [smem:$0x3FB2]  }
0x2a: {  	p0 =	seq.s32 s5, $0x0;
	s5 =	sld [smem:$0x3FB3]  }
0x2b: {  	s6 =	sld [smem:$0x3FB4]  }
0x2c: {  	s7 =	sld [smem:$0x3FB5]  }
0x2d: {  	s3 =	simm.s32 $0x108;
	s8 =	sld [smem:$0x3FB6]  }
0x2e: {  	s3 =	simm.s32 @!p0 $0x1082;
	s9 =	sld [smem:$0x3FB7]  }
0x2f: {  	lr =	sadd.s32 s0, s3;
	s0 =	sld [smem:$0x3FAE]  }
0x30: {  	s3 =	sld [smem:$0x3FB1]  }
0x31: {  	[smem:$0x3FBA] =	sst s10  }
0x32: {  	s10 =	sld [smem:$0x3FB8];
	_ =	sdelay $0x3  }
0x33: {  	p0 =	seq.s32 s10, $0x1;
	s10 =	sld [smem:$0x3FBA];
	_ =	sdelay $0x3  }
0x34: {  	[smem:$0x3FBA] =	sst s10  }
0x35: {  	s10 =	sld [smem:$0x3FB9];
	_ =	sdelay $0x3  }
0x36: {  	p1 =	seq.s32 s10, $0x1;
	s10 =	sld [smem:$0x3FBA];
	_ =	sdelay $0x3  }
0x37: {  	[smem:$0x3FBA] =	sst s10  }
0x38: {  	s10 =	sld [smem:$0x3FBB]  }
0x39: {  	_ = 	snop;
	(pc) =	sbr.ind lr, $3  }
0x3a: {  	_ = 	snop  }
0x3b: {  	_ = 	snop  }
0x3c: {  	p2 =	seq.s32 s10, $0x1;
	s10 =	sld [smem:$0x3FBA]  }
0x3d: {  	_ =	shalt  }
0x3e: {  	_ =	shalt  }
0x3f: {  	_ =	shalt  }
0x40: {  	_ =	shalt  }
0x41: {  	_ =	shalt  }
0x42: {  	_ =	shalt  }
0x43: {  	_ =	shalt  }
0x44: {  	_ =	shalt  }
0x45: {  	_ =	shalt  }
0x46: {  	_ =	shalt  }
0x47: {  	_ =	shalt  }
0x48: {  	_ =	shalt  }
0x49: {  	_ =	shalt  }
0x4a: {  	_ =	shalt  }
0x4b: {  	_ =	shalt  }
0x4c: {  	_ =	shalt  }
0x4d: {  	_ =	shalt  }
0x4e: {  	_ =	shalt  }
0x4f: {  	_ =	shalt  }
0x50: {  	_ =	shalt  }
0x51: {  	_ =	shalt  }
0x52: {  	_ =	shalt  }
0x53: {  	_ =	shalt  }
0x54: {  	_ =	shalt  }
0x55: {  	_ =	shalt  }
0x56: {  	_ =	shalt  }
0x57: {  	_ =	shalt  }
0x58: {  	_ =	shalt  }
0x59: {  	_ =	shalt  }
0x5a: {  	_ =	shalt  }
0x5b: {  	_ =	shalt  }
0x5c: {  	_ =	shalt  }
0x5d: {  	_ =	shalt  }
0x5e: {  	_ =	shalt  }
0x5f: {  	_ =	shalt  }
0x60: {  	_ =	shalt  }
0x61: {  	_ =	shalt  }
0x62: {  	_ =	shalt  }
0x63: {  	_ =	shalt  }
0x64: {  	_ =	shalt  }
0x65: {  	_ =	shalt  }
0x66: {  	_ =	shalt  }
0x67: {  	_ =	shalt  }
0x68: {  	_ =	shalt  }
0x69: {  	_ =	shalt  }
0x6a: {  	_ =	shalt  }
0x6b: {  	_ =	shalt  }
0x6c: {  	_ =	shalt  }
0x6d: {  	_ =	shalt  }
0x6e: {  	_ =	shalt  }
0x6f: {  	_ =	shalt  }
0x70: {  	_ =	shalt  }
0x71: {  	_ =	shalt  }
0x72: {  	_ =	shalt  }
0x73: {  	_ =	shalt  }
0x74: {  	_ =	shalt  }
0x75: {  	_ =	shalt  }
0x76: {  	_ =	shalt  }
0x77: {  	_ =	shalt  }
0x78: {  	_ =	shalt  }
0x79: {  	_ =	shalt  }
0x7a: {  	_ =	shalt  }
0x7b: {  	_ =	shalt  }
0x7c: {  	_ =	shalt  }
0x7d: {  	_ =	shalt  }
0x7e: {  	_ =	shalt  }
0x7f: {  	_ =	shalt  }
0x80: {  	_ =	shalt  }
0x81: {  	_ =	shalt  }
0x82: {  	_ =	shalt  }
0x83: {  	_ =	shalt  }
0x84: {  	_ =	shalt  }
0x85: {  	_ =	shalt  }
0x86: {  	_ =	shalt  }
0x87: {  	_ =	shalt  }
.Lfunc_end0:
.L_simem_size_0:
called_computation_lowered:
.L_overlay_start_0:
0x88: {  	s2 =	sld [smem:$0x3FD9]  }
0x89: {  	s3 =	sld [smem:$0x3FFE];
	_ =	sdelay $0x1  }
0x8a: {  	s1 =	srdreg.scid  }
0x8b: {  	s0 =	sand.u32 $0x1, s1  }
0x8c: {  	s17 =	sshll.u32 s0, $0xA;
	s2 =	sadd.s32 s3, s2  }
0x8d: {  	s2 =	sadd.s32 s2, s17  }
0x8e: {  	[smem:$0x3FC6] =	sst s2  }
0x8f: {  	_ = 	snop  }
0x90: {  	s2 =	sld [smem:$0x3FD0];
	(tm) =	ssettm $0x1  }
0x91: {  	s18 =	sld [smem:$0x3FFB];
	_ =	sdelay $0x3  }
0x92: {  	_ =	strace s18  }
0x93: {  	s3 =	sld [smem:$0x3FFC];
	_ =	sdelay $0x3  }
0x94: {  	_ =	strace s3  }
0x95: {  	s3 =	sld [smem:$0x3FFD];
	_ =	sdelay $0x3  }
0x96: {  	_ =	strace s3  }
0x97: {  	_ =	strace $0x8FFFFFFF  }
0x98: {  	s19 =	sld [smem:$0x3FDB];
	_ =	sdelay $0x1  }
0x99: {  	s4 =	simm.s32 $_scs_section_size  }
0x9a: {  	s5 =	simm.s32 $_size__tile_overlayer_lowered;
	s6 =	simm.s32 $_tile_overlayer_lowered  }
0x9b: {  	s22 =	simm.s32 $0x1BFF;
	s21 =	sshll.u32 s6, $0x1;
	s3 =	sadd.s32 s4, s19  }
0x9c: {  	s7 =	simm.s32 $0x0;
	s20 =	sshll.u32 s5, $0x1;
	s5 =	sadd.s32 s21, s3  }
0x9d: {  	[timem:s7], [sflag:s22] =	dma.local [hbm:s5], s20  }
0x9e: {  	_ =	swait.ge [sflag:s22], s20  }
0x9f: {  	s4 =	ssub.s32 $0x0, s20;
	[sflag:s22] =	ssyncset.done $0x0  }
0xa0: {  	[sflag:s22] =	ssyncadd.s32 s4;
	_ =	sdelay $0x1  }
0xa1: {  	s23 =	simm.s32 $0x1B8B  }
0xa2: {  	_ =	swait.ge [sflag:s23], $0x1  }
0xa3: {  	[sflag:s23] =	ssyncset.done $0x0  }
0xa4: {  	s25 =	simm.s32 $0x1B8E;
	s24 =	sld [smem:$0x3FFE];
	[sflag:s23] =	ssyncadd.s32 $0xFFFFFFFF  }
0xa5: {  	s26 =	simm.s32 $execute0_lowered;
	[smem:$0x3FD2] =	sst s25  }
0xa6: {  	s5 =	sshll.u32 s26, $0x1;
	_ =	strace $0x80000046;
	[dreg:$0x1] =	wrdreg $0xFFFFFFFF  }
0xa7: {  	s28 =	simm.s32 $_size_execute0_lowered;
	s3 =	sadd.s32 s3, s5;
	[dreg:$0x0] =	wrdreg $0x0  }
0xa8: {  	s5 =	sshll.u32 s28, $0x1;
	[dreg:$0x2] =	wrdreg s3  }
0xa9: {  	[dreg:$0x3] =	wrdreg s5  }
0xaa: {  	[dreg:$0x4] =	wrdreg $0xC0  }
0xab: {  	_ =	task [dreg:s7], $0x5FFFF  }
0xac: {  	[dreg:$0x1] =	wrdreg $0xFFFFFFFF  }
0xad: {  	[dreg:$0x0] =	wrdreg $0x60  }
0xae: {  	[dreg:$0x2] =	wrdreg s24  }
0xaf: {  	[dreg:$0x3] =	wrdreg s2  }
0xb0: {  	[dreg:$0x4] =	wrdreg $0x9  }
0xb1: {  	_ =	task.clear_ibuf [dreg:s7], $0x5FFFF;
	_ =	strace $0x90000046  }
0xb2: {  	s29 =	simm.s32 $0x9;
	_ =	strace $0x80000048  }
0xb3: {  	_ =	swait.ge [sflag:s29], $0x1  }
0xb4: {  	[sflag:s29] =	ssyncadd.s32 $0xFFFFFFFF  }
0xb5: {  	_ =	strace $0x90000048  }
0xb6: {  	_ =	sfence  }
0xb7: {  	s30 =	sld [smem:$0x0];
	_ =	sdelay $0x2  }
0xb8: {  	s31 =	sshll.u32 s1, $0xD;
	s1 =	sshrl.u32 s1, $0x2  }
0xb9: {  	s3 =	sand.u32 $0x4000, s31;
	s1 =	sadd.s32 s1, s30  }
0xba: {  	s0 =	sor.u32 s3, s0;
	s1 =	sshll.u32 s1, $0x11  }
0xbb: {  	s0 =	sor.u32 s1, s0  }
0xbc: {  	s0 =	sadd.s32 $0x8F2B, s0  }
0xbd: {  	[sflag:s0] =	ssyncadd.remote.s32 $0x1  }
0xbe: {  	_ =	sfence.sel $0xFFFF  }
0xbf: {  	[dreg:$0x0] =	wrdreg $0xFFFFFFFF;
	(pc) =	sbr.abs _section_cstart, $3  }
0xc0: {  	[dreg:$0x1] =	wrdreg $0xFFFFFFFF  }
0xc1: {  	_ =	task.clear_ibuf [dreg:s7], $0x2FFFF;
	_ =	strace $0x9FFFFFFF  }
0xc2: {  	(tm) =	ssettm $0x7FFFFFFF  }
0xc3: {  	_ =	shalt  }
tec
execute0_lowered:
.L_overlay_start_1:
0x0: {  	(tag) =	ssettag $0x1  }
0x1: {  	s0 =	rddreg [dreg:$0x0]  }
0x2: {  	s1 =	srdreg.scid;
	s2 =	stileid.u32  }
0x3: {  	s7 =	rddreg [dreg:$0x1];
	s3 =	simm.s32 $0x0;
	s28 =	simm.s32 $0xC400  }
0x4: {  	s29 =	simm.s32 $0x1;
	s30 =	simm.s32 $0xE400;
	s31 =	simm.s32 $0x14A00  }
0x5: {  	s18 =	simm.s32 $0x6;
	s1 =	sand.u32 $0x1, s1;
	s2 =	sshll.u32 s2, $0x1  }
0x6: {  	s9 =	simm.s32 $0x8;
	[smem:$0x7FF] =	sst s3;
	s2 =	sor.u32 s1, s2  }
0x7: {  	s8 =	sadd.s32 $0x8000, s7;
	s1 =	ssub.s32 $0x2, s1;
	s4 =	sshll.u32 s2, $0x4  }
0x8: {  	s10 =	sadd.s32 $0x10000, s7;
	s5 =	sshrl.u32 s1, $0x1;
	s6 =	sadd.s32 s4, s0  }
0x9: {  	s19 =	ssub.s32 s1, s5;
	s5 =	sshll.u32 s2, $0x7;
	s20 =	sadd.s32 $0x400, s6  }
0xa: {  	_ =	strace $0x80000047;
	s2 =	sadd.s32 s5, s8;
	[dreg:$0x3] =	wrdreg s20  }
0xb: {  	s11 =	sadd.s32 $0x18000, s7;
	s22 =	sadd.s32 s5, s10;
	[dreg:$0x5] =	wrdreg s2  }
0xc: {  	s4 =	sadd.s32 $0x19400, s0;
	s23 =	sadd.s32 s5, s11;
	[dreg:$0x6] =	wrdreg s22  }
0xd: {  	s21 =	sadd.s32 s7, s5;
	s0 =	smax.u32 s19, $0x1;
	[dreg:$0x7] =	wrdreg s23  }
0xe: {  	s19 =	simm.s32 $0x80;
	s6 =	simm.s32 $0x5;
	[dreg:$0x4] =	wrdreg s21  }
0xf: {  	s7 =	simm.s32 $0x0;
	s24 =	sadd.s32 $0x620000, s21;
	[dreg:$0xc] =	wrdreg s0  }
0x10: {  	s25 =	sadd.s32 $0x628000, s21;
	s26 =	sadd.s32 $0x630000, s21;
	[dreg:$0x8] =	wrdreg s24  }
0x11: {  	v0 =	vlaneseq.u32;
	s1 =	sadd.s32 $0x638000, s21;
	s23 =	simm.s32 $0x8400;
	[dreg:$0x9] =	wrdreg s25  }
0x12: {  	v0 =	vmul.u32 $0x88, v0;
	s0 =	simm.s32 $0x10600;
	s20 =	simm.s32 $0x4;
	[dreg:$0xa] =	wrdreg s26  }
0x13: {  	s21 =	simm.s32 $0x7;
	[dreg:$0xb] =	wrdreg s1;
	s25 =	simm.s32 $0xA400  }
0x14: {  	v1 =	vadd.s32 $0x880, v0;
	v2 =	vadd.s32 $0x1100, v0;
	v3 =	vadd.s32 $0x1980, v0;
	s1 =	simm.s32 $0x2;
	s24 =	simm.s32 $0x3;
	s26 =	simm.s32 $0x12800  }
.LBB2_1:
0x15: {  	[dreg:$0xd] =	wrdreg s7  }
0x16: {  	s2 =	rddreg [dreg:$0x3];
	s14 =	simm.s32 $0x1000;
	s15 =	simm.s32 $0x9  }
0x17: {  	[tilespmem:s3], [sflag:$0x9] =	stream.strided.gather [hbm4b:s2+s19], $0x6400, s14, s19, $0x38;
	[tilespmem:$0x16C00] =	vst v63  }
0x18: {  	_ =	swait.ge [sflag:s15], $0x6400  }
0x19: {  	[sflag:s15] =	ssyncset.done $0x0  }
0x1a: {  	s16 =	simm.s32 $0x6400;
	[sflag:s15] =	ssyncadd.s32 $0xFFFF9C00  }
0x1b: {  	[tilespmem:s16], [sflag:$0x1] =	stream.indirect.gather [hbm4b:s4+s19], $0x40, s3, s19, $0xb8;
	[tilespmem:$0x16C00] =	vst v63  }
0x1c: {  	_ = 	snop  }
0x1d: {  	[tilespmem:s23], [sflag:$0x2] =	stream.indirect.gather [hbm4b:s4+s19], $0x40, s19, s19, $0xb8;
	[tilespmem:$0x16C00] =	vst v63  }
0x1e: {  	s17 =	simm.s32 $0x100  }
0x1f: {  	[tilespmem:s25], [sflag:$0x3] =	stream.indirect.gather [hbm4b:s4+s19], $0x40, s17, s19, $0xb8;
	[tilespmem:$0x16C00] =	vst v63  }
0x20: {  	s22 =	simm.s32 $0x180  }
0x21: {  	[tilespmem:s28], [sflag:$0x4] =	stream.indirect.gather [hbm4b:s4+s19], $0x40, s22, s19, $0xb8;
	[tilespmem:$0x16C00] =	vst v63  }
0x22: {  	s7 =	simm.s32 $0x3;
	_ =	swait.ge [sflag:s29], $0x2000  }
0x23: {  	v4 =	vmov s7;
	[sflag:s29] =	ssyncset.done $0x0  }
0x24: {  	s13 =	simm.s32 $0x6480;
	s12 =	simm.s32 $0x1;
	v5 =	vand.u32 $0x7F, v4;
	v4 =	vmov s3;
	[sflag:s29] =	ssyncadd.s32 $0xFFFFE000  }
0x25: {  	v8 =	vadd.s32 v0, v5;
	v6 =	vand.u32 $0x7C, v4;
	v4 =	vmov s12;
	v7 =	vld [tilespmem:s13+$0x40]  }
0x26: {  	v10 =	vadd.s32 v0, v6;
	v11 =	vand.u32 $0x7D, v4;
	v9 =	vld [tilespmem:s13+$0xFFFFFF80]  }
0x27: {  	s14 =	simm.s32 $0x2;
	v12 =	vadd.s32 v0, v11;
	v4 =	vld [tilespmem:s13+$0xFFFFFFC0]  }
0x28: {  	v13 =	vmov s14  }
0x29: {  	v13 =	vand.u32 $0x7E, v13  }
0x2a: {  	v15 =	vadd.s32 v0, v13;
	v14 =	vld [tilespmem:s13+$0x0];
	[tilespmem:v8+s30+$0x0] =	vst.idx.msk $0xffff, v7  }
0x2b: {  	v8 =	vadd.s32 v1, v5;
	[tilespmem:v10+s30+$0x0] =	vst.idx.msk $0xffff, v9;
	v7 =	vld [tilespmem:s13+$0x50]  }
0x2c: {  	v10 =	vadd.s32 v1, v6;
	[tilespmem:v12+s30+$0x0] =	vst.idx.msk $0xffff, v4;
	v9 =	vld [tilespmem:s13+$0xFFFFFF90]  }
0x2d: {  	v12 =	vadd.s32 v1, v11;
	v4 =	vld [tilespmem:s13+$0xFFFFFFD0];
	_ =	sdelay $0x1  }
0x2e: {  	[tilespmem:v15+s30+$0x0] =	vst.idx.msk $0xffff, v14  }
0x2f: {  	v16 =	vadd.s32 v1, v13;
	v15 =	vld [tilespmem:s13+$0x10];
	[tilespmem:v8+s30+$0x0] =	vst.idx.msk $0xffff, v7  }
0x30: {  	s15 =	simm.s32 $0x7;
	v14 =	vadd.s32 v2, v5;
	[tilespmem:v10+s30+$0x0] =	vst.idx.msk $0xffff, v9;
	v7 =	vld [tilespmem:s13+$0x60]  }
0x31: {  	v10 =	vadd.s32 v2, v6;
	v8 =	vmov s15;
	[tilespmem:v12+s30+$0x0] =	vst.idx.msk $0xffff, v4;
	v9 =	vld [tilespmem:s13+$0xFFFFFFA0]  }
0x32: {  	s12 =	simm.s32 $0x6580;
	v17 =	vadd.s32 v2, v11;
	v8 =	vand.u32 $0x7F, v8;
	v12 =	vld [tilespmem:s13+$0xFFFFFFE0]  }
0x33: {  	s16 =	simm.s32 $0x4;
	v18 =	vld [tilespmem:s12+$0x40];
	v19 =	vadd.s32 v0, v8  }
0x34: {  	s17 =	simm.s32 $0x5;
	v4 =	vmov s16;
	[tilespmem:v16+s30+$0x0] =	vst.idx.msk $0xffff, v15  }
0x35: {  	v22 =	vmov s17;
	v4 =	vand.u32 $0x7C, v4;
	[tilespmem:v14+s30+$0x0] =	vst.idx.msk $0xffff, v7  }
0x36: {  	s22 =	simm.s32 $0x6;
	v20 =	vld [tilespmem:s12+$0xFFFFFF80];
	v21 =	vadd.s32 v0, v4;
	v7 =	vand.u32 $0x7D, v22;
	[tilespmem:v10+s30+$0x0] =	vst.idx.msk $0xffff, v9  }
0x37: {  	v14 =	vmov s22;
	v9 =	vld [tilespmem:s12+$0xFFFFFFC0];
	[tilespmem:v17+s30+$0x0] =	vst.idx.msk $0xffff, v12;
	v10 =	vadd.s32 v0, v7  }
0x38: {  	v16 =	vadd.s32 v3, v5;
	v12 =	vld [tilespmem:s13+$0x20];
	v5 =	vand.u32 $0x7E, v14;
	[tilespmem:v19+s30+$0x0] =	vst.idx.msk $0xffff, v18;
	v18 =	vadd.s32 v2, v13  }
0x39: {  	v14 =	vld [tilespmem:s12+$0x0];
	v63 =	vadd.s32 v0, v5  }
0x3a: {  	v15 =	vld [tilespmem:s13+$0x70]  }
0x3b: {  	[tilespmem:v21+s30+$0x0] =	vst.idx.msk $0xffff, v20;
	v20 =	vadd.s32 v1, v8;
	v19 =	vld [tilespmem:s12+$0x50]  }
0x3c: {  	v23 =	vadd.s32 v1, v4;
	v21 =	vld [tilespmem:s12+$0xFFFFFF90];
	[tilespmem:v10+s30+$0x0] =	vst.idx.msk $0xffff, v9  }
0x3d: {  	v25 =	vadd.s32 v3, v11;
	v24 =	vld [tilespmem:s13+$0xFFFFFFF0];
	[tilespmem:v18+s30+$0x0] =	vst.idx.msk $0xffff, v12  }
0x3e: {  	v18 =	vadd.s32 v1, v7;
	v17 =	vld [tilespmem:s12+$0xFFFFFFD0];
	[tilespmem:v63+s30+$0x0] =	vst.idx.msk $0xffff, v14  }
0x3f: {  	[tilespmem:v16+s30+$0x0] =	vst.idx.msk $0xffff, v15;
	v16 =	vadd.s32 v1, v5;
	v15 =	vld [tilespmem:s12+$0x10]  }
0x40: {  	[tilespmem:v20+s30+$0x0] =	vst.idx.msk $0xffff, v19;
	v11 =	vld [tilespmem:s13+$0x30];
	v14 =	vadd.s32 v3, v13  }
0x41: {  	v12 =	vadd.s32 v2, v8;
	[tilespmem:v23+s30+$0x0] =	vst.idx.msk $0xffff, v21;
	v9 =	vld [tilespmem:s12+$0x60]  }
0x42: {  	s7 =	simm.s32 $0xB;
	s14 =	simm.s32 $0x8;
	s15 =	simm.s32 $0xC;
	[tilespmem:v25+s30+$0x0] =	vst.idx.msk $0xffff, v24;
	v13 =	vadd.s32 v2, v4;
	v10 =	vld [tilespmem:s12+$0xFFFFFFA0]  }
.LBB2_2:
0x43: {  	p0 =	slt.u32 s15, $0x7C;
	v19 =	vmov s7;
	[tilespmem:v18+s30+$0x0] =	vst.idx.msk $0xffff, v17;
	v17 =	vld [tilespmem:s13+$0xFFFFFFB0];
	v18 =	vadd.s32 v3, v6;
	v6 =	vmov v4;
	s13 =	smov.u32 s12  }
0x44: {  	v4 =	vmov s14;
	v21 =	vadd.s32 v2, v7;
	s12 =	sadd.s32 $0x100, s12;
	v19 =	vand.u32 $0x7F, v19;
	v20 =	vld [tilespmem:s13+$0xFFFFFFE0];
	[tilespmem:v16+s30+$0x0] =	vst.idx.msk $0xffff, v15  }
0x45: {  	s2 =	sadd.s32 $0x1, s14;
	v4 =	vand.u32 $0x7C, v4;
	v15 =	vld [tilespmem:s12+$0x40];
	v16 =	vadd.s32 v0, v19;
	[tilespmem:v14+s30+$0x0] =	vst.idx.msk $0xffff, v11  }
0x46: {  	v22 =	vmov s2;
	s2 =	sadd.s32 $0x2, s14;
	s14 =	smov.u32 s15;
	v14 =	vadd.s32 v0, v4;
	v11 =	vld [tilespmem:s12+$0xFFFFFF80];
	[tilespmem:v12+s30+$0x0] =	vst.idx.msk $0xffff, v9  }
0x47: {  	v9 =	vand.u32 $0x7D, v22;
	v12 =	vmov s2;
	[tilespmem:v13+s30+$0x0] =	vst.idx.msk $0xffff, v10;
	v10 =	vld [tilespmem:s13+$0x70];
	v13 =	vadd.s32 v3, v8;
	v8 =	vmovc v19  }
0x48: {  	v22 =	vadd.s32 v0, v9;
	v12 =	vand.u32 $0x7E, v12;
	v19 =	vld [tilespmem:s12+$0xFFFFFFC0];
	[tilespmem:v18+s30+$0x0] =	vst.idx.msk $0xffff, v17  }
0x49: {  	v24 =	vadd.s32 v0, v12;
	v23 =	vld [tilespmem:s12+$0x0];
	[tilespmem:v21+s30+$0x0] =	vst.idx.msk $0xffff, v20  }
0x4a: {  	v21 =	vadd.s32 v2, v5;
	[tilespmem:v16+s30+$0x0] =	vst.idx.msk $0xffff, v15;
	v20 =	vld [tilespmem:s13+$0x20]  }
0x4b: {  	[tilespmem:v14+s30+$0x0] =	vst.idx.msk $0xffff, v11;
	v11 =	vld [tilespmem:s12+$0x50];
	v14 =	vadd.s32 v1, v8  }
0x4c: {  	v26 =	vadd.s32 v1, v4;
	v25 =	vld [tilespmem:s12+$0xFFFFFF90];
	[tilespmem:v13+s30+$0x0] =	vst.idx.msk $0xffff, v10  }
0x4d: {  	[tilespmem:v22+s30+$0x0] =	vst.idx.msk $0xffff, v19;
	v19 =	vld [tilespmem:s13+$0xFFFFFFF0];
	v22 =	vadd.s32 v3, v7;
	v7 =	vmov v9  }
.Ltmp0:
0x4e: {  	v17 =	vld [tilespmem:s12+$0xFFFFFFD0];
	v18 =	vadd.s32 v1, v7;
	[tilespmem:v24+s30+$0x0] =	vst.idx.msk $0xffff, v23;
	(pc) =	sbr.rel @p0 .LBB2_2-.Ltmp0, $4  }
0x4f: {  	v16 =	vadd.s32 v1, v12;
	v15 =	vld [tilespmem:s12+$0x10];
	[tilespmem:v21+s30+$0x0] =	vst.idx.msk $0xffff, v20  }
0x50: {  	[tilespmem:v14+s30+$0x0] =	vst.idx.msk $0xffff, v11;
	v11 =	vld [tilespmem:s13+$0x30];
	v14 =	vadd.s32 v3, v5;
	v5 =	vmov v12  }
0x51: {  	v12 =	vadd.s32 v2, v8;
	[tilespmem:v26+s30+$0x0] =	vst.idx.msk $0xffff, v25;
	v9 =	vld [tilespmem:s12+$0x60]  }
0x52: {  	s15 =	sadd.s32 $0x4, s15;
	s7 =	sadd.s32 $0x3, s14;
	v13 =	vadd.s32 v2, v4;
	v10 =	vld [tilespmem:s12+$0xFFFFFFA0];
	[tilespmem:v22+s30+$0x0] =	vst.idx.msk $0xffff, v19  }
0x53: {  	_ =	sdelay $0x2  }
0x54: {  	v19 =	vmov s7  }
0x55: {  	s2 =	sadd.s32 $0x1, s14;
	[tilespmem:v18+s30+$0x0] =	vst.idx.msk $0xffff, v17;
	v30 =	vld [tilespmem:s13+$0xFFFFFFB0];
	v6 =	vadd.s32 v3, v6;
	s17 =	sadd.s32 $0x100, s12;
	v21 =	vmov s14;
	v31 =	vand.u32 $0x7F, v19  }
0x56: {  	s22 =	sadd.s32 $0x2, s14;
	v32 =	vmov s2;
	[tilespmem:v16+s30+$0x0] =	vst.idx.msk $0xffff, v15;
	v33 =	vld [tilespmem:s17+$0x40];
	v21 =	vand.u32 $0x7C, v21;
	v34 =	vadd.s32 v0, v31  }
0x57: {  	v20 =	vmov s22;
	v22 =	vld [tilespmem:s17+$0xFFFFFF80];
	v19 =	vand.u32 $0x7D, v32;
	[tilespmem:v14+s30+$0x0] =	vst.idx.msk $0xffff, v11;
	v39 =	vadd.s32 v0, v21  }
0x58: {  	v35 =	vld [tilespmem:s17+$0xFFFFFFC0];
	v20 =	vand.u32 $0x7E, v20;
	v36 =	vadd.s32 v0, v19;
	[tilespmem:v12+s30+$0x0] =	vst.idx.msk $0xffff, v9  }
0x59: {  	v37 =	vld [tilespmem:s17+$0x0];
	v38 =	vadd.s32 v0, v20;
	[tilespmem:v13+s30+$0x0] =	vst.idx.msk $0xffff, v10  }
0x5a: {  	v41 =	vadd.s32 v2, v7;
	v40 =	vld [tilespmem:s12+$0xFFFFFFE0];
	[tilespmem:v6+s30+$0x0] =	vst.idx.msk $0xffff, v30  }
0x5b: {  	v49 =	vadd.s32 v2, v5;
	v48 =	vld [tilespmem:s12+$0x20];
	[tilespmem:v34+s30+$0x0] =	vst.idx.msk $0xffff, v33  }
0x5c: {  	v43 =	vadd.s32 v1, v31;
	[tilespmem:v39+s30+$0x0] =	vst.idx.msk $0xffff, v22;
	v15 =	vld [tilespmem:s17+$0x50]  }
0x5d: {  	v47 =	vadd.s32 v1, v21;
	[tilespmem:v36+s30+$0x0] =	vst.idx.msk $0xffff, v35;
	v46 =	vld [tilespmem:s17+$0xFFFFFF90]  }
0x5e: {  	v44 =	vadd.s32 v1, v19;
	[tilespmem:v38+s30+$0x0] =	vst.idx.msk $0xffff, v37;
	v11 =	vld [tilespmem:s17+$0xFFFFFFD0]  }
0x5f: {  	v45 =	vadd.s32 v1, v20;
	[tilespmem:v41+s30+$0x0] =	vst.idx.msk $0xffff, v40;
	v9 =	vld [tilespmem:s17+$0x10]  }
0x60: {  	v8 =	vadd.s32 v3, v8;
	v42 =	vld [tilespmem:s12+$0x70];
	[tilespmem:v49+s30+$0x0] =	vst.idx.msk $0xffff, v48  }
0x61: {  	v5 =	vadd.s32 v3, v5;
	v13 =	vld [tilespmem:s12+$0x30];
	[tilespmem:v43+s30+$0x0] =	vst.idx.msk $0xffff, v15  }
0x62: {  	v52 =	vadd.s32 v2, v31;
	[tilespmem:v47+s30+$0x0] =	vst.idx.msk $0xffff, v46;
	v15 =	vld [tilespmem:s17+$0x60]  }
0x63: {  	v57 =	vadd.s32 v2, v21;
	[tilespmem:v44+s30+$0x0] =	vst.idx.msk $0xffff, v11;
	v56 =	vld [tilespmem:s17+$0xFFFFFFA0]  }
0x64: {  	v53 =	vadd.s32 v2, v19;
	[tilespmem:v45+s30+$0x0] =	vst.idx.msk $0xffff, v9;
	v11 =	vld [tilespmem:s17+$0xFFFFFFE0]  }
0x65: {  	v55 =	vadd.s32 v2, v20;
	[tilespmem:v8+s30+$0x0] =	vst.idx.msk $0xffff, v42;
	v54 =	vld [tilespmem:s17+$0x20]  }
0x66: {  	v4 =	vadd.s32 v3, v4;
	v58 =	vld [tilespmem:s12+$0xFFFFFFB0];
	[tilespmem:v5+s30+$0x0] =	vst.idx.msk $0xffff, v13  }
0x67: {  	v51 =	vadd.s32 v3, v7;
	v50 =	vld [tilespmem:s12+$0xFFFFFFF0];
	[tilespmem:v52+s30+$0x0] =	vst.idx.msk $0xffff, v15  }
0x68: {  	v60 =	vadd.s32 v3, v31;
	[tilespmem:v57+s30+$0x0] =	vst.idx.msk $0xffff, v56;
	v59 =	vld [tilespmem:s17+$0x70]  }
0x69: {  	v63 =	vadd.s32 v3, v21;
	[tilespmem:v53+s30+$0x0] =	vst.idx.msk $0xffff, v11;
	v5 =	vld [tilespmem:s17+$0xFFFFFFB0]  }
0x6a: {  	v61 =	vadd.s32 v3, v19;
	[tilespmem:v55+s30+$0x0] =	vst.idx.msk $0xffff, v54;
	v11 =	vld [tilespmem:s17+$0xFFFFFFF0]  }
0x6b: {  	v62 =	vadd.s32 v3, v20;
	[tilespmem:v4+s30+$0x0] =	vst.idx.msk $0xffff, v58;
	v6 =	vld [tilespmem:s17+$0x30]  }
0x6c: {  	[tilespmem:v51+s30+$0x0] =	vst.idx.msk $0xffff, v50  }
0x6d: {  	[tilespmem:v60+s30+$0x0] =	vst.idx.msk $0xffff, v59  }
0x6e: {  	[tilespmem:v63+s30+$0x0] =	vst.idx.msk $0xffff, v5  }
0x6f: {  	[tilespmem:v61+s30+$0x0] =	vst.idx.msk $0xffff, v11  }
0x70: {  	[tilespmem:v62+s30+$0x0] =	vst.idx.msk $0xffff, v6  }
0x71: {  	s7 =	simm.s32 $0xE400;
	s12 =	rddreg [dreg:$0x4]  }
0x72: {  	[hbm4b:s12+s3] =	stream.linear.scatter [tilespmem:s7], [sflag:$0x5], $0x80, $0x38;
	[tilespmem:$0x16C00] =	vst v63  }
0x73: {  	s13 =	simm.s32 $0xE488;
	s14 =	sadd.s32 $0x10, s12  }
0x74: {  	[hbm4b:s14+s3] =	stream.linear.scatter [tilespmem:s13], [sflag:$0x5], $0x80, $0x38;
	[tilespmem:$0x16C00] =	vst v63  }
0x75: {  	s15 =	simm.s32 $0xE510;
	s2 =	simm.s32 $0xE7B8;
	s16 =	sadd.s32 $0x20, s12  }
0x76: {  	[hbm4b:s16+s3] =	stream.linear.scatter [tilespmem:s15], [sflag:$0x5], $0x80, $0x38;
	[tilespmem:$0x16C00] =	vst v63  }
0x77: {  	s17 =	simm.s32 $0xE598;
	s22 =	sadd.s32 $0x30, s12;
	s7 =	simm.s32 $0x440  }
0x78: {  	[hbm4b:s22+s3] =	stream.linear.scatter [tilespmem:s17], [sflag:$0x5], $0x80, $0x38;
	[tilespmem:$0x16C00] =	vst v63  }
0x79: {  	s13 =	simm.s32 $0xE620;
	s14 =	sadd.s32 $0x40, s12;
	s15 =	simm.s32 $0xE6A8  }
0x7a: {  	[hbm4b:s14+s3] =	stream.linear.scatter [tilespmem:s13], [sflag:$0x5], $0x80, $0x38;
	[tilespmem:$0x16C00] =	vst v63  }
0x7b: {  	s16 =	sadd.s32 $0x50, s12;
	s17 =	simm.s32 $0xE730;
	s22 =	sadd.s32 $0x60, s12  }
0x7c: {  	[hbm4b:s16+s3] =	stream.linear.scatter [tilespmem:s15], [sflag:$0x5], $0x80, $0x38;
	[tilespmem:$0x16C00] =	vst v63  }
0x7d: {  	s13 =	simm.s32 $0x2200;
	s14 =	sadd.s32 $0x70, s12;
	s12 =	sadd.s32 $0x1000, s12  }
0x7e: {  	[hbm4b:s22+s3] =	stream.linear.scatter [tilespmem:s17], [sflag:$0x5], $0x80, $0x38;
	[tilespmem:$0x16C00] =	vst v63  }
.LBB2_4:
0x7f: {  	[hbm4b:s14+s3] =	stream.linear.scatter [tilespmem:s2], [sflag:$0x5], $0x80, $0x38;
	[tilespmem:$0x16C00] =	vst v63  }
0x80: {  	s2 =	smov.u32 s7;
	s7 =	smov.u32 s13  }
0x81: {  	s15 =	sadd.s32 $0x1100, s13;
	s7 =	sshra.s32 s7, $0x2;
	s14 =	sadd.s32 $0xE400, s2  }
0x82: {  	[hbm4b:s12+s3] =	stream.linear.scatter [tilespmem:s14], [sflag:$0x5], $0x80, $0x38;
	[tilespmem:$0x16C00] =	vst v63  }
0x83: {  	p0 =	sne.s32 s13, $0x7700;
	s13 =	sadd.s32 $0xE488, s2;
	s14 =	sadd.s32 $0x10, s12  }
0x84: {  	[hbm4b:s14+s3] =	stream.linear.scatter [tilespmem:s13], [sflag:$0x5], $0x80, $0x38;
	[tilespmem:$0x16C00] =	vst v63  }
0x85: {  	s13 =	sadd.s32 $0xE510, s2;
	s14 =	sadd.s32 $0x20, s12  }
0x86: {  	[hbm4b:s14+s3] =	stream.linear.scatter [tilespmem:s13], [sflag:$0x5], $0x80, $0x38;
	[tilespmem:$0x16C00] =	vst v63  }
0x87: {  	s13 =	sadd.s32 $0xE598, s2;
	s14 =	sadd.s32 $0x30, s12  }
0x88: {  	[hbm4b:s14+s3] =	stream.linear.scatter [tilespmem:s13], [sflag:$0x5], $0x80, $0x38;
	[tilespmem:$0x16C00] =	vst v63  }
0x89: {  	s13 =	sadd.s32 $0xE620, s2;
	s14 =	sadd.s32 $0x40, s12  }
0x8a: {  	[hbm4b:s14+s3] =	stream.linear.scatter [tilespmem:s13], [sflag:$0x5], $0x80, $0x38;
	[tilespmem:$0x16C00] =	vst v63  }
.Ltmp1:
0x8b: {  	s13 =	sadd.s32 $0xE6A8, s2;
	s14 =	sadd.s32 $0x50, s12;
	(pc) =	sbr.rel @p0 .LBB2_4-.Ltmp1, $4  }
0x8c: {  	[hbm4b:s14+s3] =	stream.linear.scatter [tilespmem:s13], [sflag:$0x5], $0x80, $0x38;
	[tilespmem:$0x16C00] =	vst v63  }
0x8d: {  	s13 =	sadd.s32 $0xE730, s2;
	s14 =	sadd.s32 $0x60, s12;
	s2 =	sadd.s32 $0xE7B8, s2  }
0x8e: {  	[hbm4b:s14+s3] =	stream.linear.scatter [tilespmem:s13], [sflag:$0x5], $0x80, $0x38;
	[tilespmem:$0x16C00] =	vst v63  }
0x8f: {  	s14 =	sadd.s32 $0x70, s12;
	s12 =	sadd.s32 $0x1000, s12;
	s13 =	smov.u32 s15  }
0x90: {  	[hbm4b:s14+s3] =	stream.linear.scatter [tilespmem:s2], [sflag:$0x5], $0x80, $0x38;
	[tilespmem:$0x16C00] =	vst v63  }
0x91: {  	s13 =	sadd.s32 $0xE400, s7  }
0x92: {  	[hbm4b:s12+s3] =	stream.linear.scatter [tilespmem:s13], [sflag:$0x5], $0x80, $0x38;
	[tilespmem:$0x16C00] =	vst v63  }
0x93: {  	s14 =	sadd.s32 $0xE488, s7;
	s13 =	sadd.s32 $0x10, s12  }
0x94: {  	[hbm4b:s13+s3] =	stream.linear.scatter [tilespmem:s14], [sflag:$0x5], $0x80, $0x38;
	[tilespmem:$0x16C00] =	vst v63  }
0x95: {  	s15 =	sadd.s32 $0xE510, s7;
	s16 =	sadd.s32 $0x20, s12  }
0x96: {  	[hbm4b:s16+s3] =	stream.linear.scatter [tilespmem:s15], [sflag:$0x5], $0x80, $0x38;
	[tilespmem:$0x16C00] =	vst v63  }
0x97: {  	s17 =	sadd.s32 $0xE598, s7;
	s22 =	sadd.s32 $0x30, s12  }
0x98: {  	[hbm4b:s22+s3] =	stream.linear.scatter [tilespmem:s17], [sflag:$0x5], $0x80, $0x38;
	[tilespmem:$0x16C00] =	vst v63  }
0x99: {  	s13 =	sadd.s32 $0xE620, s7;
	s14 =	sadd.s32 $0x40, s12  }
0x9a: {  	[hbm4b:s14+s3] =	stream.linear.scatter [tilespmem:s13], [sflag:$0x5], $0x80, $0x38;
	[tilespmem:$0x16C00] =	vst v63  }
0x9b: {  	s15 =	sadd.s32 $0xE6A8, s7;
	s16 =	sadd.s32 $0x50, s12  }
0x9c: {  	[hbm4b:s16+s3] =	stream.linear.scatter [tilespmem:s15], [sflag:$0x5], $0x80, $0x38;
	[tilespmem:$0x16C00] =	vst v63  }
0x9d: {  	s17 =	sadd.s32 $0xE730, s7;
	s22 =	sadd.s32 $0x60, s12  }
0x9e: {  	[hbm4b:s22+s3] =	stream.linear.scatter [tilespmem:s17], [sflag:$0x5], $0x80, $0x38;
	[tilespmem:$0x16C00] =	vst v63  }
0x9f: {  	s14 =	sadd.s32 $0xE7B8, s7;
	s15 =	sadd.s32 $0x70, s12  }
0xa0: {  	[hbm4b:s15+s3] =	stream.linear.scatter [tilespmem:s14], [sflag:$0x5], $0x80, $0x38;
	[tilespmem:$0x16C00] =	vst v63  }
0xa1: {  	s16 =	simm.s32 $0x6400;
	s17 =	simm.s32 $0x200  }
0xa2: {  	[tilespmem:s16], [sflag:$0x1] =	stream.indirect.gather [hbm4b:s4+s19], $0x40, s17, s19, $0xb8;
	[tilespmem:$0x16C00] =	vst v63  }
0xa3: {  	s22 =	simm.s32 $0x3;
	_ =	swait.ge [sflag:s1], $0x2000  }
0xa4: {  	s7 =	simm.s32 $0x0;
	v4 =	vmov s22;
	[sflag:s1] =	ssyncset.done $0x0  }
0xa5: {  	s13 =	simm.s32 $0x8480;
	s12 =	simm.s32 $0x1;
	v5 =	vand.u32 $0x7F, v4;
	v4 =	vmov s7;
	[sflag:s1] =	ssyncadd.s32 $0xFFFFE000  }
0xa6: {  	v8 =	vadd.s32 v0, v5;
	v6 =	vand.u32 $0x7C, v4;
	v4 =	vmov s12;
	v7 =	vld [tilespmem:s13+$0x40]  }
0xa7: {  	v10 =	vadd.s32 v0, v6;
	v11 =	vand.u32 $0x7D, v4;
	v9 =	vld [tilespmem:s13+$0xFFFFFF80]  }
0xa8: {  	s14 =	simm.s32 $0x2;
	v12 =	vadd.s32 v0, v11;
	v4 =	vld [tilespmem:s13+$0xFFFFFFC0]  }
0xa9: {  	v13 =	vmov s14  }
0xaa: {  	v13 =	vand.u32 $0x7E, v13  }
0xab: {  	v15 =	vadd.s32 v0, v13;
	v14 =	vld [tilespmem:s13+$0x0];
	[tilespmem:v8+s0+$0x0] =	vst.idx.msk $0xffff, v7  }
0xac: {  	v8 =	vadd.s32 v1, v5;
	[tilespmem:v10+s0+$0x0] =	vst.idx.msk $0xffff, v9;
	v7 =	vld [tilespmem:s13+$0x50]  }
0xad: {  	v10 =	vadd.s32 v1, v6;
	[tilespmem:v12+s0+$0x0] =	vst.idx.msk $0xffff, v4;
	v9 =	vld [tilespmem:s13+$0xFFFFFF90]  }
0xae: {  	v12 =	vadd.s32 v1, v11;
	v4 =	vld [tilespmem:s13+$0xFFFFFFD0];
	_ =	sdelay $0x1  }
0xaf: {  	[tilespmem:v15+s0+$0x0] =	vst.idx.msk $0xffff, v14  }
0xb0: {  	v16 =	vadd.s32 v1, v13;
	v15 =	vld [tilespmem:s13+$0x10];
	[tilespmem:v8+s0+$0x0] =	vst.idx.msk $0xffff, v7  }
0xb1: {  	s15 =	simm.s32 $0x7;
	v14 =	vadd.s32 v2, v5;
	[tilespmem:v10+s0+$0x0] =	vst.idx.msk $0xffff, v9;
	v7 =	vld [tilespmem:s13+$0x60]  }
0xb2: {  	v10 =	vadd.s32 v2, v6;
	v8 =	vmov s15;
	[tilespmem:v12+s0+$0x0] =	vst.idx.msk $0xffff, v4;
	v9 =	vld [tilespmem:s13+$0xFFFFFFA0]  }
0xb3: {  	s12 =	simm.s32 $0x8580;
	v17 =	vadd.s32 v2, v11;
	v8 =	vand.u32 $0x7F, v8;
	v12 =	vld [tilespmem:s13+$0xFFFFFFE0]  }
0xb4: {  	s16 =	simm.s32 $0x4;
	v18 =	vld [tilespmem:s12+$0x40];
	v19 =	vadd.s32 v0, v8  }
0xb5: {  	s17 =	simm.s32 $0x5;
	v4 =	vmov s16;
	[tilespmem:v16+s0+$0x0] =	vst.idx.msk $0xffff, v15  }
0xb6: {  	v22 =	vmov s17;
	v4 =	vand.u32 $0x7C, v4;
	[tilespmem:v14+s0+$0x0] =	vst.idx.msk $0xffff, v7  }
0xb7: {  	s22 =	simm.s32 $0x6;
	v20 =	vld [tilespmem:s12+$0xFFFFFF80];
	v21 =	vadd.s32 v0, v4;
	v7 =	vand.u32 $0x7D, v22;
	[tilespmem:v10+s0+$0x0] =	vst.idx.msk $0xffff, v9  }
0xb8: {  	v14 =	vmov s22;
	v9 =	vld [tilespmem:s12+$0xFFFFFFC0];
	[tilespmem:v17+s0+$0x0] =	vst.idx.msk $0xffff, v12;
	v10 =	vadd.s32 v0, v7  }
0xb9: {  	v16 =	vadd.s32 v3, v5;
	v12 =	vld [tilespmem:s13+$0x20];
	v5 =	vand.u32 $0x7E, v14;
	[tilespmem:v19+s0+$0x0] =	vst.idx.msk $0xffff, v18;
	v18 =	vadd.s32 v2, v13  }
0xba: {  	v14 =	vld [tilespmem:s12+$0x0];
	v63 =	vadd.s32 v0, v5  }
0xbb: {  	v15 =	vld [tilespmem:s13+$0x70]  }
0xbc: {  	[tilespmem:v21+s0+$0x0] =	vst.idx.msk $0xffff, v20;
	v20 =	vadd.s32 v1, v8;
	v19 =	vld [tilespmem:s12+$0x50]  }
0xbd: {  	v23 =	vadd.s32 v1, v4;
	v21 =	vld [tilespmem:s12+$0xFFFFFF90];
	[tilespmem:v10+s0+$0x0] =	vst.idx.msk $0xffff, v9  }
0xbe: {  	v25 =	vadd.s32 v3, v11;
	v24 =	vld [tilespmem:s13+$0xFFFFFFF0];
	[tilespmem:v18+s0+$0x0] =	vst.idx.msk $0xffff, v12  }
0xbf: {  	v18 =	vadd.s32 v1, v7;
	v17 =	vld [tilespmem:s12+$0xFFFFFFD0];
	[tilespmem:v63+s0+$0x0] =	vst.idx.msk $0xffff, v14  }
0xc0: {  	[tilespmem:v16+s0+$0x0] =	vst.idx.msk $0xffff, v15;
	v16 =	vadd.s32 v1, v5;
	v15 =	vld [tilespmem:s12+$0x10]  }
0xc1: {  	[tilespmem:v20+s0+$0x0] =	vst.idx.msk $0xffff, v19;
	v11 =	vld [tilespmem:s13+$0x30];
	v14 =	vadd.s32 v3, v13  }
0xc2: {  	v12 =	vadd.s32 v2, v8;
	[tilespmem:v23+s0+$0x0] =	vst.idx.msk $0xffff, v21;
	v9 =	vld [tilespmem:s12+$0x60]  }
0xc3: {  	s7 =	simm.s32 $0xB;
	s14 =	simm.s32 $0x8;
	s15 =	simm.s32 $0xC;
	[tilespmem:v25+s0+$0x0] =	vst.idx.msk $0xffff, v24;
	v13 =	vadd.s32 v2, v4;
	v10 =	vld [tilespmem:s12+$0xFFFFFFA0]  }
.LBB2_6:
0xc4: {  	p0 =	slt.u32 s15, $0x7C;
	v19 =	vmov s7;
	[tilespmem:v18+s0+$0x0] =	vst.idx.msk $0xffff, v17;
	v17 =	vld [tilespmem:s13+$0xFFFFFFB0];
	v18 =	vadd.s32 v3, v6;
	v6 =	vmov v4;
	s13 =	smov.u32 s12  }
0xc5: {  	v4 =	vmov s14;
	v21 =	vadd.s32 v2, v7;
	s12 =	sadd.s32 $0x100, s12;
	v19 =	vand.u32 $0x7F, v19;
	v20 =	vld [tilespmem:s13+$0xFFFFFFE0];
	[tilespmem:v16+s0+$0x0] =	vst.idx.msk $0xffff, v15  }
0xc6: {  	s2 =	sadd.s32 $0x1, s14;
	v4 =	vand.u32 $0x7C, v4;
	v15 =	vld [tilespmem:s12+$0x40];
	v16 =	vadd.s32 v0, v19;
	[tilespmem:v14+s0+$0x0] =	vst.idx.msk $0xffff, v11  }
0xc7: {  	v22 =	vmov s2;
	s2 =	sadd.s32 $0x2, s14;
	s14 =	smov.u32 s15;
	v14 =	vadd.s32 v0, v4;
	v11 =	vld [tilespmem:s12+$0xFFFFFF80];
	[tilespmem:v12+s0+$0x0] =	vst.idx.msk $0xffff, v9  }
0xc8: {  	v9 =	vand.u32 $0x7D, v22;
	v12 =	vmov s2;
	[tilespmem:v13+s0+$0x0] =	vst.idx.msk $0xffff, v10;
	v10 =	vld [tilespmem:s13+$0x70];
	v13 =	vadd.s32 v3, v8;
	v8 =	vmovc v19  }
0xc9: {  	v22 =	vadd.s32 v0, v9;
	v12 =	vand.u32 $0x7E, v12;
	v19 =	vld [tilespmem:s12+$0xFFFFFFC0];
	[tilespmem:v18+s0+$0x0] =	vst.idx.msk $0xffff, v17  }
0xca: {  	v24 =	vadd.s32 v0, v12;
	v23 =	vld [tilespmem:s12+$0x0];
	[tilespmem:v21+s0+$0x0] =	vst.idx.msk $0xffff, v20  }
0xcb: {  	v21 =	vadd.s32 v2, v5;
	[tilespmem:v16+s0+$0x0] =	vst.idx.msk $0xffff, v15;
	v20 =	vld [tilespmem:s13+$0x20]  }
0xcc: {  	[tilespmem:v14+s0+$0x0] =	vst.idx.msk $0xffff, v11;
	v11 =	vld [tilespmem:s12+$0x50];
	v14 =	vadd.s32 v1, v8  }
0xcd: {  	v26 =	vadd.s32 v1, v4;
	v25 =	vld [tilespmem:s12+$0xFFFFFF90];
	[tilespmem:v13+s0+$0x0] =	vst.idx.msk $0xffff, v10  }
0xce: {  	[tilespmem:v22+s0+$0x0] =	vst.idx.msk $0xffff, v19;
	v19 =	vld [tilespmem:s13+$0xFFFFFFF0];
	v22 =	vadd.s32 v3, v7;
	v7 =	vmov v9  }
.Ltmp2:
0xcf: {  	v17 =	vld [tilespmem:s12+$0xFFFFFFD0];
	v18 =	vadd.s32 v1, v7;
	[tilespmem:v24+s0+$0x0] =	vst.idx.msk $0xffff, v23;
	(pc) =	sbr.rel @p0 .LBB2_6-.Ltmp2, $4  }
0xd0: {  	v16 =	vadd.s32 v1, v12;
	v15 =	vld [tilespmem:s12+$0x10];
	[tilespmem:v21+s0+$0x0] =	vst.idx.msk $0xffff, v20  }
0xd1: {  	[tilespmem:v14+s0+$0x0] =	vst.idx.msk $0xffff, v11;
	v11 =	vld [tilespmem:s13+$0x30];
	v14 =	vadd.s32 v3, v5;
	v5 =	vmov v12  }
0xd2: {  	v12 =	vadd.s32 v2, v8;
	[tilespmem:v26+s0+$0x0] =	vst.idx.msk $0xffff, v25;
	v9 =	vld [tilespmem:s12+$0x60]  }
0xd3: {  	s15 =	sadd.s32 $0x4, s15;
	s7 =	sadd.s32 $0x3, s14;
	v13 =	vadd.s32 v2, v4;
	v10 =	vld [tilespmem:s12+$0xFFFFFFA0];
	[tilespmem:v22+s0+$0x0] =	vst.idx.msk $0xffff, v19  }
0xd4: {  	_ =	sdelay $0x2  }
0xd5: {  	v19 =	vmov s7  }
0xd6: {  	s2 =	sadd.s32 $0x1, s14;
	[tilespmem:v18+s0+$0x0] =	vst.idx.msk $0xffff, v17;
	v30 =	vld [tilespmem:s13+$0xFFFFFFB0];
	v6 =	vadd.s32 v3, v6;
	s17 =	sadd.s32 $0x100, s12;
	v21 =	vmov s14;
	v31 =	vand.u32 $0x7F, v19  }
0xd7: {  	s22 =	sadd.s32 $0x2, s14;
	v32 =	vmov s2;
	[tilespmem:v16+s0+$0x0] =	vst.idx.msk $0xffff, v15;
	v33 =	vld [tilespmem:s17+$0x40];
	v21 =	vand.u32 $0x7C, v21;
	v34 =	vadd.s32 v0, v31  }
0xd8: {  	v20 =	vmov s22;
	v22 =	vld [tilespmem:s17+$0xFFFFFF80];
	v19 =	vand.u32 $0x7D, v32;
	[tilespmem:v14+s0+$0x0] =	vst.idx.msk $0xffff, v11;
	v39 =	vadd.s32 v0, v21  }
0xd9: {  	v35 =	vld [tilespmem:s17+$0xFFFFFFC0];
	v20 =	vand.u32 $0x7E, v20;
	v36 =	vadd.s32 v0, v19;
	[tilespmem:v12+s0+$0x0] =	vst.idx.msk $0xffff, v9  }
0xda: {  	v37 =	vld [tilespmem:s17+$0x0];
	v38 =	vadd.s32 v0, v20;
	[tilespmem:v13+s0+$0x0] =	vst.idx.msk $0xffff, v10  }
0xdb: {  	v41 =	vadd.s32 v2, v7;
	v40 =	vld [tilespmem:s12+$0xFFFFFFE0];
	[tilespmem:v6+s0+$0x0] =	vst.idx.msk $0xffff, v30  }
0xdc: {  	v49 =	vadd.s32 v2, v5;
	v48 =	vld [tilespmem:s12+$0x20];
	[tilespmem:v34+s0+$0x0] =	vst.idx.msk $0xffff, v33  }
0xdd: {  	v43 =	vadd.s32 v1, v31;
	[tilespmem:v39+s0+$0x0] =	vst.idx.msk $0xffff, v22;
	v15 =	vld [tilespmem:s17+$0x50]  }
0xde: {  	v47 =	vadd.s32 v1, v21;
	[tilespmem:v36+s0+$0x0] =	vst.idx.msk $0xffff, v35;
	v46 =	vld [tilespmem:s17+$0xFFFFFF90]  }
0xdf: {  	v44 =	vadd.s32 v1, v19;
	[tilespmem:v38+s0+$0x0] =	vst.idx.msk $0xffff, v37;
	v11 =	vld [tilespmem:s17+$0xFFFFFFD0]  }
0xe0: {  	v45 =	vadd.s32 v1, v20;
	[tilespmem:v41+s0+$0x0] =	vst.idx.msk $0xffff, v40;
	v9 =	vld [tilespmem:s17+$0x10]  }
0xe1: {  	v8 =	vadd.s32 v3, v8;
	v42 =	vld [tilespmem:s12+$0x70];
	[tilespmem:v49+s0+$0x0] =	vst.idx.msk $0xffff, v48  }
0xe2: {  	v5 =	vadd.s32 v3, v5;
	v13 =	vld [tilespmem:s12+$0x30];
	[tilespmem:v43+s0+$0x0] =	vst.idx.msk $0xffff, v15  }
0xe3: {  	v52 =	vadd.s32 v2, v31;
	[tilespmem:v47+s0+$0x0] =	vst.idx.msk $0xffff, v46;
	v15 =	vld [tilespmem:s17+$0x60]  }
0xe4: {  	v57 =	vadd.s32 v2, v21;
	[tilespmem:v44+s0+$0x0] =	vst.idx.msk $0xffff, v11;
	v56 =	vld [tilespmem:s17+$0xFFFFFFA0]  }
0xe5: {  	v53 =	vadd.s32 v2, v19;
	[tilespmem:v45+s0+$0x0] =	vst.idx.msk $0xffff, v9;
	v11 =	vld [tilespmem:s17+$0xFFFFFFE0]  }
0xe6: {  	v55 =	vadd.s32 v2, v20;
	[tilespmem:v8+s0+$0x0] =	vst.idx.msk $0xffff, v42;
	v54 =	vld [tilespmem:s17+$0x20]  }
0xe7: {  	v4 =	vadd.s32 v3, v4;
	v58 =	vld [tilespmem:s12+$0xFFFFFFB0];
	[tilespmem:v5+s0+$0x0] =	vst.idx.msk $0xffff, v13  }
0xe8: {  	v51 =	vadd.s32 v3, v7;
	v50 =	vld [tilespmem:s12+$0xFFFFFFF0];
	[tilespmem:v52+s0+$0x0] =	vst.idx.msk $0xffff, v15  }
0xe9: {  	v60 =	vadd.s32 v3, v31;
	[tilespmem:v57+s0+$0x0] =	vst.idx.msk $0xffff, v56;
	v59 =	vld [tilespmem:s17+$0x70]  }
0xea: {  	v63 =	vadd.s32 v3, v21;
	[tilespmem:v53+s0+$0x0] =	vst.idx.msk $0xffff, v11;
	v5 =	vld [tilespmem:s17+$0xFFFFFFB0]  }
0xeb: {  	v61 =	vadd.s32 v3, v19;
	[tilespmem:v55+s0+$0x0] =	vst.idx.msk $0xffff, v54;
	v11 =	vld [tilespmem:s17+$0xFFFFFFF0]  }
0xec: {  	v62 =	vadd.s32 v3, v20;
	[tilespmem:v4+s0+$0x0] =	vst.idx.msk $0xffff, v58;
	v6 =	vld [tilespmem:s17+$0x30]  }
0xed: {  	[tilespmem:v51+s0+$0x0] =	vst.idx.msk $0xffff, v50  }
0xee: {  	[tilespmem:v60+s0+$0x0] =	vst.idx.msk $0xffff, v59  }
0xef: {  	[tilespmem:v63+s0+$0x0] =	vst.idx.msk $0xffff, v5  }
0xf0: {  	[tilespmem:v61+s0+$0x0] =	vst.idx.msk $0xffff, v11  }
0xf1: {  	[tilespmem:v62+s0+$0x0] =	vst.idx.msk $0xffff, v6  }
0xf2: {  	s7 =	simm.s32 $0x10600;
	s12 =	rddreg [dreg:$0x5]  }
0xf3: {  	[hbm4b:s12+s3] =	stream.linear.scatter [tilespmem:s7], [sflag:$0x6], $0x80, $0x38;
	[tilespmem:$0x16C00] =	vst v63  }
0xf4: {  	s13 =	simm.s32 $0x10688;
	s14 =	sadd.s32 $0x10, s12  }
0xf5: {  	[hbm4b:s14+s3] =	stream.linear.scatter [tilespmem:s13], [sflag:$0x6], $0x80, $0x38;
	[tilespmem:$0x16C00] =	vst v63  }
0xf6: {  	s15 =	simm.s32 $0x10710;
	s2 =	simm.s32 $0x109B8;
	s16 =	sadd.s32 $0x20, s12  }
0xf7: {  	[hbm4b:s16+s3] =	stream.linear.scatter [tilespmem:s15], [sflag:$0x6], $0x80, $0x38;
	[tilespmem:$0x16C00] =	vst v63  }
0xf8: {  	s17 =	simm.s32 $0x10798;
	s22 =	sadd.s32 $0x30, s12;
	s7 =	simm.s32 $0x440  }
0xf9: {  	[hbm4b:s22+s3] =	stream.linear.scatter [tilespmem:s17], [sflag:$0x6], $0x80, $0x38;
	[tilespmem:$0x16C00] =	vst v63  }
0xfa: {  	s13 =	simm.s32 $0x10820;
	s14 =	sadd.s32 $0x40, s12;
	s15 =	simm.s32 $0x108A8  }
0xfb: {  	[hbm4b:s14+s3] =	stream.linear.scatter [tilespmem:s13], [sflag:$0x6], $0x80, $0x38;
	[tilespmem:$0x16C00] =	vst v63  }
0xfc: {  	s16 =	sadd.s32 $0x50, s12;
	s17 =	simm.s32 $0x10930;
	s22 =	sadd.s32 $0x60, s12  }
0xfd: {  	[hbm4b:s16+s3] =	stream.linear.scatter [tilespmem:s15], [sflag:$0x6], $0x80, $0x38;
	[tilespmem:$0x16C00] =	vst v63  }
0xfe: {  	s13 =	simm.s32 $0x2200;
	s14 =	sadd.s32 $0x70, s12;
	s12 =	sadd.s32 $0x1000, s12  }
0xff: {  	[hbm4b:s22+s3] =	stream.linear.scatter [tilespmem:s17], [sflag:$0x6], $0x80, $0x38;
	[tilespmem:$0x16C00] =	vst v63  }
.LBB2_8:
0x100: {  	[hbm4b:s14+s3] =	stream.linear.scatter [tilespmem:s2], [sflag:$0x6], $0x80, $0x38;
	[tilespmem:$0x16C00] =	vst v63  }
0x101: {  	s2 =	smov.u32 s7;
	s7 =	smov.u32 s13  }
0x102: {  	s15 =	sadd.s32 $0x1100, s13;
	s7 =	sshra.s32 s7, $0x2;
	s14 =	sadd.s32 $0x10600, s2  }
0x103: {  	[hbm4b:s12+s3] =	stream.linear.scatter [tilespmem:s14], [sflag:$0x6], $0x80, $0x38;
	[tilespmem:$0x16C00] =	vst v63  }
0x104: {  	p0 =	sne.s32 s13, $0x7700;
	s13 =	sadd.s32 $0x10688, s2;
	s14 =	sadd.s32 $0x10, s12  }
0x105: {  	[hbm4b:s14+s3] =	stream.linear.scatter [tilespmem:s13], [sflag:$0x6], $0x80, $0x38;
	[tilespmem:$0x16C00] =	vst v63  }
0x106: {  	s13 =	sadd.s32 $0x10710, s2;
	s14 =	sadd.s32 $0x20, s12  }
0x107: {  	[hbm4b:s14+s3] =	stream.linear.scatter [tilespmem:s13], [sflag:$0x6], $0x80, $0x38;
	[tilespmem:$0x16C00] =	vst v63  }
0x108: {  	s13 =	sadd.s32 $0x10798, s2;
	s14 =	sadd.s32 $0x30, s12  }
0x109: {  	[hbm4b:s14+s3] =	stream.linear.scatter [tilespmem:s13], [sflag:$0x6], $0x80, $0x38;
	[tilespmem:$0x16C00] =	vst v63  }
0x10a: {  	s13 =	sadd.s32 $0x10820, s2;
	s14 =	sadd.s32 $0x40, s12  }
0x10b: {  	[hbm4b:s14+s3] =	stream.linear.scatter [tilespmem:s13], [sflag:$0x6], $0x80, $0x38;
	[tilespmem:$0x16C00] =	vst v63  }
.Ltmp3:
0x10c: {  	s13 =	sadd.s32 $0x108A8, s2;
	s14 =	sadd.s32 $0x50, s12;
	(pc) =	sbr.rel @p0 .LBB2_8-.Ltmp3, $4  }
0x10d: {  	[hbm4b:s14+s3] =	stream.linear.scatter [tilespmem:s13], [sflag:$0x6], $0x80, $0x38;
	[tilespmem:$0x16C00] =	vst v63  }
0x10e: {  	s13 =	sadd.s32 $0x10930, s2;
	s14 =	sadd.s32 $0x60, s12;
	s2 =	sadd.s32 $0x109B8, s2  }
0x10f: {  	[hbm4b:s14+s3] =	stream.linear.scatter [tilespmem:s13], [sflag:$0x6], $0x80, $0x38;
	[tilespmem:$0x16C00] =	vst v63  }
0x110: {  	s14 =	sadd.s32 $0x70, s12;
	s12 =	sadd.s32 $0x1000, s12;
	s13 =	smov.u32 s15  }
0x111: {  	[hbm4b:s14+s3] =	stream.linear.scatter [tilespmem:s2], [sflag:$0x6], $0x80, $0x38;
	[tilespmem:$0x16C00] =	vst v63  }
0x112: {  	s15 =	sadd.s32 $0x10600, s7  }
0x113: {  	[hbm4b:s12+s3] =	stream.linear.scatter [tilespmem:s15], [sflag:$0x6], $0x80, $0x38;
	[tilespmem:$0x16C00] =	vst v63  }
0x114: {  	s16 =	sadd.s32 $0x10688, s7;
	s13 =	sadd.s32 $0x10, s12  }
0x115: {  	[hbm4b:s13+s3] =	stream.linear.scatter [tilespmem:s16], [sflag:$0x6], $0x80, $0x38;
	[tilespmem:$0x16C00] =	vst v63  }
0x116: {  	s17 =	sadd.s32 $0x10710, s7;
	s22 =	sadd.s32 $0x20, s12  }
0x117: {  	[hbm4b:s22+s3] =	stream.linear.scatter [tilespmem:s17], [sflag:$0x6], $0x80, $0x38;
	[tilespmem:$0x16C00] =	vst v63  }
0x118: {  	s14 =	sadd.s32 $0x30, s12;
	s13 =	sadd.s32 $0x10798, s7  }
0x119: {  	[hbm4b:s14+s3] =	stream.linear.scatter [tilespmem:s13], [sflag:$0x6], $0x80, $0x38;
	[tilespmem:$0x16C00] =	vst v63  }
0x11a: {  	s15 =	sadd.s32 $0x10820, s7;
	s16 =	sadd.s32 $0x40, s12  }
0x11b: {  	[hbm4b:s16+s3] =	stream.linear.scatter [tilespmem:s15], [sflag:$0x6], $0x80, $0x38;
	[tilespmem:$0x16C00] =	vst v63  }
0x11c: {  	s17 =	sadd.s32 $0x108A8, s7;
	s22 =	sadd.s32 $0x50, s12  }
0x11d: {  	[hbm4b:s22+s3] =	stream.linear.scatter [tilespmem:s17], [sflag:$0x6], $0x80, $0x38;
	[tilespmem:$0x16C00] =	vst v63  }
0x11e: {  	s13 =	sadd.s32 $0x10930, s7;
	s14 =	sadd.s32 $0x60, s12  }
0x11f: {  	[hbm4b:s14+s3] =	stream.linear.scatter [tilespmem:s13], [sflag:$0x6], $0x80, $0x38;
	[tilespmem:$0x16C00] =	vst v63  }
0x120: {  	s15 =	sadd.s32 $0x109B8, s7;
	s16 =	sadd.s32 $0x70, s12  }
0x121: {  	[hbm4b:s16+s3] =	stream.linear.scatter [tilespmem:s15], [sflag:$0x6], $0x80, $0x38;
	[tilespmem:$0x16C00] =	vst v63  }
0x122: {  	s17 =	simm.s32 $0x280  }
0x123: {  	[tilespmem:s23], [sflag:$0x2] =	stream.indirect.gather [hbm4b:s4+s19], $0x40, s17, s19, $0xb8;
	[tilespmem:$0x16C00] =	vst v63  }
0x124: {  	s22 =	simm.s32 $0x3;
	_ =	swait.ge [sflag:s24], $0x2000  }
0x125: {  	s7 =	simm.s32 $0x0;
	v4 =	vmov s22;
	[sflag:s24] =	ssyncset.done $0x0  }
0x126: {  	s12 =	simm.s32 $0x1;
	s13 =	simm.s32 $0xA480;
	v5 =	vand.u32 $0x7F, v4;
	v4 =	vmov s7;
	[sflag:s24] =	ssyncadd.s32 $0xFFFFE000  }
0x127: {  	v8 =	vadd.s32 v0, v5;
	v6 =	vand.u32 $0x7C, v4;
	v4 =	vmov s12;
	v7 =	vld [tilespmem:s13+$0x40]  }
0x128: {  	v10 =	vadd.s32 v0, v6;
	v11 =	vand.u32 $0x7D, v4;
	v9 =	vld [tilespmem:s13+$0xFFFFFF80]  }
0x129: {  	s14 =	simm.s32 $0x2;
	v12 =	vadd.s32 v0, v11;
	v4 =	vld [tilespmem:s13+$0xFFFFFFC0]  }
0x12a: {  	v13 =	vmov s14  }
0x12b: {  	v13 =	vand.u32 $0x7E, v13  }
0x12c: {  	v15 =	vadd.s32 v0, v13;
	v14 =	vld [tilespmem:s13+$0x0];
	[tilespmem:v8+s26+$0x0] =	vst.idx.msk $0xffff, v7  }
0x12d: {  	v8 =	vadd.s32 v1, v5;
	[tilespmem:v10+s26+$0x0] =	vst.idx.msk $0xffff, v9;
	v7 =	vld [tilespmem:s13+$0x50]  }
0x12e: {  	v10 =	vadd.s32 v1, v6;
	[tilespmem:v12+s26+$0x0] =	vst.idx.msk $0xffff, v4;
	v9 =	vld [tilespmem:s13+$0xFFFFFF90]  }
0x12f: {  	v12 =	vadd.s32 v1, v11;
	v4 =	vld [tilespmem:s13+$0xFFFFFFD0];
	_ =	sdelay $0x1  }
0x130: {  	[tilespmem:v15+s26+$0x0] =	vst.idx.msk $0xffff, v14  }
0x131: {  	v16 =	vadd.s32 v1, v13;
	v15 =	vld [tilespmem:s13+$0x10];
	[tilespmem:v8+s26+$0x0] =	vst.idx.msk $0xffff, v7  }
0x132: {  	s15 =	simm.s32 $0x7;
	v14 =	vadd.s32 v2, v5;
	[tilespmem:v10+s26+$0x0] =	vst.idx.msk $0xffff, v9;
	v7 =	vld [tilespmem:s13+$0x60]  }
0x133: {  	v10 =	vadd.s32 v2, v6;
	v8 =	vmov s15;
	[tilespmem:v12+s26+$0x0] =	vst.idx.msk $0xffff, v4;
	v9 =	vld [tilespmem:s13+$0xFFFFFFA0]  }
0x134: {  	s12 =	simm.s32 $0xA580;
	v17 =	vadd.s32 v2, v11;
	v8 =	vand.u32 $0x7F, v8;
	v12 =	vld [tilespmem:s13+$0xFFFFFFE0]  }
0x135: {  	s16 =	simm.s32 $0x4;
	v18 =	vld [tilespmem:s12+$0x40];
	v19 =	vadd.s32 v0, v8  }
0x136: {  	s17 =	simm.s32 $0x5;
	v4 =	vmov s16;
	[tilespmem:v16+s26+$0x0] =	vst.idx.msk $0xffff, v15  }
0x137: {  	v22 =	vmov s17;
	v4 =	vand.u32 $0x7C, v4;
	[tilespmem:v14+s26+$0x0] =	vst.idx.msk $0xffff, v7  }
0x138: {  	s22 =	simm.s32 $0x6;
	v20 =	vld [tilespmem:s12+$0xFFFFFF80];
	v21 =	vadd.s32 v0, v4;
	v7 =	vand.u32 $0x7D, v22;
	[tilespmem:v10+s26+$0x0] =	vst.idx.msk $0xffff, v9  }
0x139: {  	v14 =	vmov s22;
	v9 =	vld [tilespmem:s12+$0xFFFFFFC0];
	[tilespmem:v17+s26+$0x0] =	vst.idx.msk $0xffff, v12;
	v10 =	vadd.s32 v0, v7  }
0x13a: {  	v16 =	vadd.s32 v3, v5;
	v12 =	vld [tilespmem:s13+$0x20];
	v5 =	vand.u32 $0x7E, v14;
	[tilespmem:v19+s26+$0x0] =	vst.idx.msk $0xffff, v18;
	v18 =	vadd.s32 v2, v13  }
0x13b: {  	v14 =	vld [tilespmem:s12+$0x0];
	v63 =	vadd.s32 v0, v5  }
0x13c: {  	v15 =	vld [tilespmem:s13+$0x70]  }
0x13d: {  	[tilespmem:v21+s26+$0x0] =	vst.idx.msk $0xffff, v20;
	v20 =	vadd.s32 v1, v8;
	v19 =	vld [tilespmem:s12+$0x50]  }
0x13e: {  	v23 =	vadd.s32 v1, v4;
	v21 =	vld [tilespmem:s12+$0xFFFFFF90];
	[tilespmem:v10+s26+$0x0] =	vst.idx.msk $0xffff, v9  }
0x13f: {  	v25 =	vadd.s32 v3, v11;
	v24 =	vld [tilespmem:s13+$0xFFFFFFF0];
	[tilespmem:v18+s26+$0x0] =	vst.idx.msk $0xffff, v12  }
0x140: {  	v18 =	vadd.s32 v1, v7;
	v17 =	vld [tilespmem:s12+$0xFFFFFFD0];
	[tilespmem:v63+s26+$0x0] =	vst.idx.msk $0xffff, v14  }
0x141: {  	[tilespmem:v16+s26+$0x0] =	vst.idx.msk $0xffff, v15;
	v16 =	vadd.s32 v1, v5;
	v15 =	vld [tilespmem:s12+$0x10]  }
0x142: {  	[tilespmem:v20+s26+$0x0] =	vst.idx.msk $0xffff, v19;
	v11 =	vld [tilespmem:s13+$0x30];
	v14 =	vadd.s32 v3, v13  }
0x143: {  	v12 =	vadd.s32 v2, v8;
	[tilespmem:v23+s26+$0x0] =	vst.idx.msk $0xffff, v21;
	v9 =	vld [tilespmem:s12+$0x60]  }
0x144: {  	s7 =	simm.s32 $0xB;
	s14 =	simm.s32 $0x8;
	s15 =	simm.s32 $0xC;
	[tilespmem:v25+s26+$0x0] =	vst.idx.msk $0xffff, v24;
	v13 =	vadd.s32 v2, v4;
	v10 =	vld [tilespmem:s12+$0xFFFFFFA0]  }
.LBB2_10:
0x145: {  	p0 =	slt.u32 s15, $0x7C;
	v19 =	vmov s7;
	[tilespmem:v18+s26+$0x0] =	vst.idx.msk $0xffff, v17;
	v17 =	vld [tilespmem:s13+$0xFFFFFFB0];
	v18 =	vadd.s32 v3, v6;
	v6 =	vmov v4;
	s13 =	smov.u32 s12  }
0x146: {  	v4 =	vmov s14;
	v21 =	vadd.s32 v2, v7;
	s12 =	sadd.s32 $0x100, s12;
	v19 =	vand.u32 $0x7F, v19;
	v20 =	vld [tilespmem:s13+$0xFFFFFFE0];
	[tilespmem:v16+s26+$0x0] =	vst.idx.msk $0xffff, v15  }
0x147: {  	s2 =	sadd.s32 $0x1, s14;
	v4 =	vand.u32 $0x7C, v4;
	v15 =	vld [tilespmem:s12+$0x40];
	v16 =	vadd.s32 v0, v19;
	[tilespmem:v14+s26+$0x0] =	vst.idx.msk $0xffff, v11  }
0x148: {  	v22 =	vmov s2;
	s2 =	sadd.s32 $0x2, s14;
	s14 =	smov.u32 s15;
	v14 =	vadd.s32 v0, v4;
	v11 =	vld [tilespmem:s12+$0xFFFFFF80];
	[tilespmem:v12+s26+$0x0] =	vst.idx.msk $0xffff, v9  }
0x149: {  	v9 =	vand.u32 $0x7D, v22;
	v12 =	vmov s2;
	[tilespmem:v13+s26+$0x0] =	vst.idx.msk $0xffff, v10;
	v10 =	vld [tilespmem:s13+$0x70];
	v13 =	vadd.s32 v3, v8;
	v8 =	vmovc v19  }
0x14a: {  	v22 =	vadd.s32 v0, v9;
	v12 =	vand.u32 $0x7E, v12;
	v19 =	vld [tilespmem:s12+$0xFFFFFFC0];
	[tilespmem:v18+s26+$0x0] =	vst.idx.msk $0xffff, v17  }
0x14b: {  	v24 =	vadd.s32 v0, v12;
	v23 =	vld [tilespmem:s12+$0x0];
	[tilespmem:v21+s26+$0x0] =	vst.idx.msk $0xffff, v20  }
0x14c: {  	v21 =	vadd.s32 v2, v5;
	[tilespmem:v16+s26+$0x0] =	vst.idx.msk $0xffff, v15;
	v20 =	vld [tilespmem:s13+$0x20]  }
0x14d: {  	[tilespmem:v14+s26+$0x0] =	vst.idx.msk $0xffff, v11;
	v11 =	vld [tilespmem:s12+$0x50];
	v14 =	vadd.s32 v1, v8  }
0x14e: {  	v26 =	vadd.s32 v1, v4;
	v25 =	vld [tilespmem:s12+$0xFFFFFF90];
	[tilespmem:v13+s26+$0x0] =	vst.idx.msk $0xffff, v10  }
0x14f: {  	[tilespmem:v22+s26+$0x0] =	vst.idx.msk $0xffff, v19;
	v19 =	vld [tilespmem:s13+$0xFFFFFFF0];
	v22 =	vadd.s32 v3, v7;
	v7 =	vmov v9  }
.Ltmp4:
0x150: {  	v17 =	vld [tilespmem:s12+$0xFFFFFFD0];
	v18 =	vadd.s32 v1, v7;
	[tilespmem:v24+s26+$0x0] =	vst.idx.msk $0xffff, v23;
	(pc) =	sbr.rel @p0 .LBB2_10-.Ltmp4, $4  }
0x151: {  	v16 =	vadd.s32 v1, v12;
	v15 =	vld [tilespmem:s12+$0x10];
	[tilespmem:v21+s26+$0x0] =	vst.idx.msk $0xffff, v20  }
0x152: {  	[tilespmem:v14+s26+$0x0] =	vst.idx.msk $0xffff, v11;
	v11 =	vld [tilespmem:s13+$0x30];
	v14 =	vadd.s32 v3, v5;
	v5 =	vmov v12  }
0x153: {  	v12 =	vadd.s32 v2, v8;
	[tilespmem:v26+s26+$0x0] =	vst.idx.msk $0xffff, v25;
	v9 =	vld [tilespmem:s12+$0x60]  }
0x154: {  	s15 =	sadd.s32 $0x4, s15;
	s7 =	sadd.s32 $0x3, s14;
	v13 =	vadd.s32 v2, v4;
	v10 =	vld [tilespmem:s12+$0xFFFFFFA0];
	[tilespmem:v22+s26+$0x0] =	vst.idx.msk $0xffff, v19  }
0x155: {  	_ =	sdelay $0x2  }
0x156: {  	v19 =	vmov s7  }
0x157: {  	s2 =	sadd.s32 $0x1, s14;
	[tilespmem:v18+s26+$0x0] =	vst.idx.msk $0xffff, v17;
	v30 =	vld [tilespmem:s13+$0xFFFFFFB0];
	v6 =	vadd.s32 v3, v6;
	s17 =	sadd.s32 $0x100, s12;
	v21 =	vmov s14;
	v31 =	vand.u32 $0x7F, v19  }
0x158: {  	s22 =	sadd.s32 $0x2, s14;
	v32 =	vmov s2;
	[tilespmem:v16+s26+$0x0] =	vst.idx.msk $0xffff, v15;
	v33 =	vld [tilespmem:s17+$0x40];
	v21 =	vand.u32 $0x7C, v21;
	v34 =	vadd.s32 v0, v31  }
0x159: {  	v20 =	vmov s22;
	v22 =	vld [tilespmem:s17+$0xFFFFFF80];
	v19 =	vand.u32 $0x7D, v32;
	[tilespmem:v14+s26+$0x0] =	vst.idx.msk $0xffff, v11;
	v39 =	vadd.s32 v0, v21  }
0x15a: {  	v35 =	vld [tilespmem:s17+$0xFFFFFFC0];
	v20 =	vand.u32 $0x7E, v20;
	v36 =	vadd.s32 v0, v19;
	[tilespmem:v12+s26+$0x0] =	vst.idx.msk $0xffff, v9  }
0x15b: {  	v37 =	vld [tilespmem:s17+$0x0];
	v38 =	vadd.s32 v0, v20;
	[tilespmem:v13+s26+$0x0] =	vst.idx.msk $0xffff, v10  }
0x15c: {  	v41 =	vadd.s32 v2, v7;
	v40 =	vld [tilespmem:s12+$0xFFFFFFE0];
	[tilespmem:v6+s26+$0x0] =	vst.idx.msk $0xffff, v30  }
0x15d: {  	v49 =	vadd.s32 v2, v5;
	v48 =	vld [tilespmem:s12+$0x20];
	[tilespmem:v34+s26+$0x0] =	vst.idx.msk $0xffff, v33  }
0x15e: {  	v43 =	vadd.s32 v1, v31;
	[tilespmem:v39+s26+$0x0] =	vst.idx.msk $0xffff, v22;
	v15 =	vld [tilespmem:s17+$0x50]  }
0x15f: {  	v47 =	vadd.s32 v1, v21;
	[tilespmem:v36+s26+$0x0] =	vst.idx.msk $0xffff, v35;
	v46 =	vld [tilespmem:s17+$0xFFFFFF90]  }
0x160: {  	v44 =	vadd.s32 v1, v19;
	[tilespmem:v38+s26+$0x0] =	vst.idx.msk $0xffff, v37;
	v11 =	vld [tilespmem:s17+$0xFFFFFFD0]  }
0x161: {  	v45 =	vadd.s32 v1, v20;
	[tilespmem:v41+s26+$0x0] =	vst.idx.msk $0xffff, v40;
	v9 =	vld [tilespmem:s17+$0x10]  }
0x162: {  	v8 =	vadd.s32 v3, v8;
	v42 =	vld [tilespmem:s12+$0x70];
	[tilespmem:v49+s26+$0x0] =	vst.idx.msk $0xffff, v48  }
0x163: {  	v5 =	vadd.s32 v3, v5;
	v13 =	vld [tilespmem:s12+$0x30];
	[tilespmem:v43+s26+$0x0] =	vst.idx.msk $0xffff, v15  }
0x164: {  	v52 =	vadd.s32 v2, v31;
	[tilespmem:v47+s26+$0x0] =	vst.idx.msk $0xffff, v46;
	v15 =	vld [tilespmem:s17+$0x60]  }
0x165: {  	v57 =	vadd.s32 v2, v21;
	[tilespmem:v44+s26+$0x0] =	vst.idx.msk $0xffff, v11;
	v56 =	vld [tilespmem:s17+$0xFFFFFFA0]  }
0x166: {  	v53 =	vadd.s32 v2, v19;
	[tilespmem:v45+s26+$0x0] =	vst.idx.msk $0xffff, v9;
	v11 =	vld [tilespmem:s17+$0xFFFFFFE0]  }
0x167: {  	v55 =	vadd.s32 v2, v20;
	[tilespmem:v8+s26+$0x0] =	vst.idx.msk $0xffff, v42;
	v54 =	vld [tilespmem:s17+$0x20]  }
0x168: {  	v4 =	vadd.s32 v3, v4;
	v58 =	vld [tilespmem:s12+$0xFFFFFFB0];
	[tilespmem:v5+s26+$0x0] =	vst.idx.msk $0xffff, v13  }
0x169: {  	v51 =	vadd.s32 v3, v7;
	v50 =	vld [tilespmem:s12+$0xFFFFFFF0];
	[tilespmem:v52+s26+$0x0] =	vst.idx.msk $0xffff, v15  }
0x16a: {  	v60 =	vadd.s32 v3, v31;
	[tilespmem:v57+s26+$0x0] =	vst.idx.msk $0xffff, v56;
	v59 =	vld [tilespmem:s17+$0x70]  }
0x16b: {  	v63 =	vadd.s32 v3, v21;
	[tilespmem:v53+s26+$0x0] =	vst.idx.msk $0xffff, v11;
	v5 =	vld [tilespmem:s17+$0xFFFFFFB0]  }
0x16c: {  	v61 =	vadd.s32 v3, v19;
	[tilespmem:v55+s26+$0x0] =	vst.idx.msk $0xffff, v54;
	v11 =	vld [tilespmem:s17+$0xFFFFFFF0]  }
0x16d: {  	v62 =	vadd.s32 v3, v20;
	[tilespmem:v4+s26+$0x0] =	vst.idx.msk $0xffff, v58;
	v6 =	vld [tilespmem:s17+$0x30]  }
0x16e: {  	[tilespmem:v51+s26+$0x0] =	vst.idx.msk $0xffff, v50  }
0x16f: {  	[tilespmem:v60+s26+$0x0] =	vst.idx.msk $0xffff, v59  }
0x170: {  	[tilespmem:v63+s26+$0x0] =	vst.idx.msk $0xffff, v5  }
0x171: {  	[tilespmem:v61+s26+$0x0] =	vst.idx.msk $0xffff, v11  }
0x172: {  	[tilespmem:v62+s26+$0x0] =	vst.idx.msk $0xffff, v6  }
0x173: {  	s7 =	simm.s32 $0x12800;
	s12 =	rddreg [dreg:$0x6]  }
0x174: {  	[hbm4b:s12+s3] =	stream.linear.scatter [tilespmem:s7], [sflag:$0x7], $0x80, $0x38;
	[tilespmem:$0x16C00] =	vst v63  }
0x175: {  	s13 =	simm.s32 $0x12888;
	s14 =	sadd.s32 $0x10, s12  }
0x176: {  	[hbm4b:s14+s3] =	stream.linear.scatter [tilespmem:s13], [sflag:$0x7], $0x80, $0x38;
	[tilespmem:$0x16C00] =	vst v63  }
0x177: {  	s15 =	simm.s32 $0x12910;
	s2 =	simm.s32 $0x12BB8;
	s16 =	sadd.s32 $0x20, s12  }
0x178: {  	[hbm4b:s16+s3] =	stream.linear.scatter [tilespmem:s15], [sflag:$0x7], $0x80, $0x38;
	[tilespmem:$0x16C00] =	vst v63  }
0x179: {  	s17 =	simm.s32 $0x12998;
	s22 =	sadd.s32 $0x30, s12;
	s7 =	simm.s32 $0x440  }
0x17a: {  	[hbm4b:s22+s3] =	stream.linear.scatter [tilespmem:s17], [sflag:$0x7], $0x80, $0x38;
	[tilespmem:$0x16C00] =	vst v63  }
0x17b: {  	s13 =	simm.s32 $0x12A20;
	s14 =	sadd.s32 $0x40, s12;
	s15 =	simm.s32 $0x12AA8  }
0x17c: {  	[hbm4b:s14+s3] =	stream.linear.scatter [tilespmem:s13], [sflag:$0x7], $0x80, $0x38;
	[tilespmem:$0x16C00] =	vst v63  }
0x17d: {  	s16 =	sadd.s32 $0x50, s12;
	s17 =	simm.s32 $0x12B30;
	s22 =	sadd.s32 $0x60, s12  }
0x17e: {  	[hbm4b:s16+s3] =	stream.linear.scatter [tilespmem:s15], [sflag:$0x7], $0x80, $0x38;
	[tilespmem:$0x16C00] =	vst v63  }
0x17f: {  	s13 =	simm.s32 $0x2200;
	s14 =	sadd.s32 $0x70, s12;
	s12 =	sadd.s32 $0x1000, s12  }
0x180: {  	[hbm4b:s22+s3] =	stream.linear.scatter [tilespmem:s17], [sflag:$0x7], $0x80, $0x38;
	[tilespmem:$0x16C00] =	vst v63  }
.LBB2_12:
0x181: {  	[hbm4b:s14+s3] =	stream.linear.scatter [tilespmem:s2], [sflag:$0x7], $0x80, $0x38;
	[tilespmem:$0x16C00] =	vst v63  }
0x182: {  	s2 =	smov.u32 s7;
	s7 =	smov.u32 s13  }
0x183: {  	s15 =	sadd.s32 $0x1100, s13;
	s7 =	sshra.s32 s7, $0x2;
	s14 =	sadd.s32 $0x12800, s2  }
0x184: {  	[hbm4b:s12+s3] =	stream.linear.scatter [tilespmem:s14], [sflag:$0x7], $0x80, $0x38;
	[tilespmem:$0x16C00] =	vst v63  }
0x185: {  	p0 =	sne.s32 s13, $0x7700;
	s13 =	sadd.s32 $0x12888, s2;
	s14 =	sadd.s32 $0x10, s12  }
0x186: {  	[hbm4b:s14+s3] =	stream.linear.scatter [tilespmem:s13], [sflag:$0x7], $0x80, $0x38;
	[tilespmem:$0x16C00] =	vst v63  }
0x187: {  	s13 =	sadd.s32 $0x12910, s2;
	s14 =	sadd.s32 $0x20, s12  }
0x188: {  	[hbm4b:s14+s3] =	stream.linear.scatter [tilespmem:s13], [sflag:$0x7], $0x80, $0x38;
	[tilespmem:$0x16C00] =	vst v63  }
0x189: {  	s13 =	sadd.s32 $0x12998, s2;
	s14 =	sadd.s32 $0x30, s12  }
0x18a: {  	[hbm4b:s14+s3] =	stream.linear.scatter [tilespmem:s13], [sflag:$0x7], $0x80, $0x38;
	[tilespmem:$0x16C00] =	vst v63  }
0x18b: {  	s13 =	sadd.s32 $0x12A20, s2;
	s14 =	sadd.s32 $0x40, s12  }
0x18c: {  	[hbm4b:s14+s3] =	stream.linear.scatter [tilespmem:s13], [sflag:$0x7], $0x80, $0x38;
	[tilespmem:$0x16C00] =	vst v63  }
.Ltmp5:
0x18d: {  	s13 =	sadd.s32 $0x12AA8, s2;
	s14 =	sadd.s32 $0x50, s12;
	(pc) =	sbr.rel @p0 .LBB2_12-.Ltmp5, $4  }
0x18e: {  	[hbm4b:s14+s3] =	stream.linear.scatter [tilespmem:s13], [sflag:$0x7], $0x80, $0x38;
	[tilespmem:$0x16C00] =	vst v63  }
0x18f: {  	s13 =	sadd.s32 $0x12B30, s2;
	s14 =	sadd.s32 $0x60, s12;
	s2 =	sadd.s32 $0x12BB8, s2  }
0x190: {  	[hbm4b:s14+s3] =	stream.linear.scatter [tilespmem:s13], [sflag:$0x7], $0x80, $0x38;
	[tilespmem:$0x16C00] =	vst v63  }
0x191: {  	s14 =	sadd.s32 $0x70, s12;
	s12 =	sadd.s32 $0x1000, s12;
	s13 =	smov.u32 s15  }
0x192: {  	[hbm4b:s14+s3] =	stream.linear.scatter [tilespmem:s2], [sflag:$0x7], $0x80, $0x38;
	[tilespmem:$0x16C00] =	vst v63  }
0x193: {  	s15 =	sadd.s32 $0x12800, s7  }
0x194: {  	[hbm4b:s12+s3] =	stream.linear.scatter [tilespmem:s15], [sflag:$0x7], $0x80, $0x38;
	[tilespmem:$0x16C00] =	vst v63  }
0x195: {  	s16 =	sadd.s32 $0x12888, s7;
	s13 =	sadd.s32 $0x10, s12  }
0x196: {  	[hbm4b:s13+s3] =	stream.linear.scatter [tilespmem:s16], [sflag:$0x7], $0x80, $0x38;
	[tilespmem:$0x16C00] =	vst v63  }
0x197: {  	s17 =	sadd.s32 $0x12910, s7;
	s22 =	sadd.s32 $0x20, s12  }
0x198: {  	[hbm4b:s22+s3] =	stream.linear.scatter [tilespmem:s17], [sflag:$0x7], $0x80, $0x38;
	[tilespmem:$0x16C00] =	vst v63  }
0x199: {  	s14 =	sadd.s32 $0x30, s12;
	s13 =	sadd.s32 $0x12998, s7  }
0x19a: {  	[hbm4b:s14+s3] =	stream.linear.scatter [tilespmem:s13], [sflag:$0x7], $0x80, $0x38;
	[tilespmem:$0x16C00] =	vst v63  }
0x19b: {  	s15 =	sadd.s32 $0x12A20, s7;
	s16 =	sadd.s32 $0x40, s12  }
0x19c: {  	[hbm4b:s16+s3] =	stream.linear.scatter [tilespmem:s15], [sflag:$0x7], $0x80, $0x38;
	[tilespmem:$0x16C00] =	vst v63  }
0x19d: {  	s17 =	sadd.s32 $0x12AA8, s7;
	s22 =	sadd.s32 $0x50, s12  }
0x19e: {  	[hbm4b:s22+s3] =	stream.linear.scatter [tilespmem:s17], [sflag:$0x7], $0x80, $0x38;
	[tilespmem:$0x16C00] =	vst v63  }
0x19f: {  	s13 =	sadd.s32 $0x12B30, s7;
	s14 =	sadd.s32 $0x60, s12  }
0x1a0: {  	[hbm4b:s14+s3] =	stream.linear.scatter [tilespmem:s13], [sflag:$0x7], $0x80, $0x38;
	[tilespmem:$0x16C00] =	vst v63  }
0x1a1: {  	s15 =	sadd.s32 $0x12BB8, s7;
	s16 =	sadd.s32 $0x70, s12  }
0x1a2: {  	[hbm4b:s16+s3] =	stream.linear.scatter [tilespmem:s15], [sflag:$0x7], $0x80, $0x38;
	[tilespmem:$0x16C00] =	vst v63  }
0x1a3: {  	s17 =	simm.s32 $0x300  }
0x1a4: {  	[tilespmem:s25], [sflag:$0x3] =	stream.indirect.gather [hbm4b:s4+s19], $0x40, s17, s19, $0xb8;
	[tilespmem:$0x16C00] =	vst v63  }
0x1a5: {  	s22 =	simm.s32 $0x3;
	_ =	swait.ge [sflag:s20], $0x2000  }
0x1a6: {  	s7 =	simm.s32 $0x0;
	v4 =	vmov s22;
	[sflag:s20] =	ssyncset.done $0x0  }
0x1a7: {  	s12 =	simm.s32 $0x1;
	s13 =	simm.s32 $0xC480;
	v5 =	vand.u32 $0x7F, v4;
	v4 =	vmov s7;
	[sflag:s20] =	ssyncadd.s32 $0xFFFFE000  }
0x1a8: {  	v8 =	vadd.s32 v0, v5;
	v6 =	vand.u32 $0x7C, v4;
	v4 =	vmov s12;
	v7 =	vld [tilespmem:s13+$0x40]  }
0x1a9: {  	v10 =	vadd.s32 v0, v6;
	v11 =	vand.u32 $0x7D, v4;
	v9 =	vld [tilespmem:s13+$0xFFFFFF80]  }
0x1aa: {  	s14 =	simm.s32 $0x2;
	v12 =	vadd.s32 v0, v11;
	v4 =	vld [tilespmem:s13+$0xFFFFFFC0]  }
0x1ab: {  	v13 =	vmov s14  }
0x1ac: {  	v13 =	vand.u32 $0x7E, v13  }
0x1ad: {  	v15 =	vadd.s32 v0, v13;
	v14 =	vld [tilespmem:s13+$0x0];
	[tilespmem:v8+s31+$0x0] =	vst.idx.msk $0xffff, v7  }
0x1ae: {  	v8 =	vadd.s32 v1, v5;
	[tilespmem:v10+s31+$0x0] =	vst.idx.msk $0xffff, v9;
	v7 =	vld [tilespmem:s13+$0x50]  }
0x1af: {  	v10 =	vadd.s32 v1, v6;
	[tilespmem:v12+s31+$0x0] =	vst.idx.msk $0xffff, v4;
	v9 =	vld [tilespmem:s13+$0xFFFFFF90]  }
0x1b0: {  	v12 =	vadd.s32 v1, v11;
	v4 =	vld [tilespmem:s13+$0xFFFFFFD0];
	_ =	sdelay $0x1  }
0x1b1: {  	[tilespmem:v15+s31+$0x0] =	vst.idx.msk $0xffff, v14  }
0x1b2: {  	v16 =	vadd.s32 v1, v13;
	v15 =	vld [tilespmem:s13+$0x10];
	[tilespmem:v8+s31+$0x0] =	vst.idx.msk $0xffff, v7  }
0x1b3: {  	s15 =	simm.s32 $0x7;
	v14 =	vadd.s32 v2, v5;
	[tilespmem:v10+s31+$0x0] =	vst.idx.msk $0xffff, v9;
	v7 =	vld [tilespmem:s13+$0x60]  }
0x1b4: {  	v10 =	vadd.s32 v2, v6;
	v8 =	vmov s15;
	[tilespmem:v12+s31+$0x0] =	vst.idx.msk $0xffff, v4;
	v9 =	vld [tilespmem:s13+$0xFFFFFFA0]  }
0x1b5: {  	s12 =	simm.s32 $0xC580;
	v17 =	vadd.s32 v2, v11;
	v8 =	vand.u32 $0x7F, v8;
	v12 =	vld [tilespmem:s13+$0xFFFFFFE0]  }
0x1b6: {  	s16 =	simm.s32 $0x4;
	v18 =	vld [tilespmem:s12+$0x40];
	v19 =	vadd.s32 v0, v8  }
0x1b7: {  	s17 =	simm.s32 $0x5;
	v4 =	vmov s16;
	[tilespmem:v16+s31+$0x0] =	vst.idx.msk $0xffff, v15  }
0x1b8: {  	v22 =	vmov s17;
	v4 =	vand.u32 $0x7C, v4;
	[tilespmem:v14+s31+$0x0] =	vst.idx.msk $0xffff, v7  }
0x1b9: {  	s22 =	simm.s32 $0x6;
	v20 =	vld [tilespmem:s12+$0xFFFFFF80];
	v21 =	vadd.s32 v0, v4;
	v7 =	vand.u32 $0x7D, v22;
	[tilespmem:v10+s31+$0x0] =	vst.idx.msk $0xffff, v9  }
0x1ba: {  	v14 =	vmov s22;
	v9 =	vld [tilespmem:s12+$0xFFFFFFC0];
	[tilespmem:v17+s31+$0x0] =	vst.idx.msk $0xffff, v12;
	v10 =	vadd.s32 v0, v7  }
0x1bb: {  	v16 =	vadd.s32 v3, v5;
	v12 =	vld [tilespmem:s13+$0x20];
	v5 =	vand.u32 $0x7E, v14;
	[tilespmem:v19+s31+$0x0] =	vst.idx.msk $0xffff, v18;
	v18 =	vadd.s32 v2, v13  }
0x1bc: {  	v14 =	vld [tilespmem:s12+$0x0];
	v63 =	vadd.s32 v0, v5  }
0x1bd: {  	v15 =	vld [tilespmem:s13+$0x70]  }
0x1be: {  	[tilespmem:v21+s31+$0x0] =	vst.idx.msk $0xffff, v20;
	v20 =	vadd.s32 v1, v8;
	v19 =	vld [tilespmem:s12+$0x50]  }
0x1bf: {  	v23 =	vadd.s32 v1, v4;
	v21 =	vld [tilespmem:s12+$0xFFFFFF90];
	[tilespmem:v10+s31+$0x0] =	vst.idx.msk $0xffff, v9  }
0x1c0: {  	v25 =	vadd.s32 v3, v11;
	v24 =	vld [tilespmem:s13+$0xFFFFFFF0];
	[tilespmem:v18+s31+$0x0] =	vst.idx.msk $0xffff, v12  }
0x1c1: {  	v18 =	vadd.s32 v1, v7;
	v17 =	vld [tilespmem:s12+$0xFFFFFFD0];
	[tilespmem:v63+s31+$0x0] =	vst.idx.msk $0xffff, v14  }
0x1c2: {  	[tilespmem:v16+s31+$0x0] =	vst.idx.msk $0xffff, v15;
	v16 =	vadd.s32 v1, v5;
	v15 =	vld [tilespmem:s12+$0x10]  }
0x1c3: {  	[tilespmem:v20+s31+$0x0] =	vst.idx.msk $0xffff, v19;
	v11 =	vld [tilespmem:s13+$0x30];
	v14 =	vadd.s32 v3, v13  }
0x1c4: {  	v12 =	vadd.s32 v2, v8;
	[tilespmem:v23+s31+$0x0] =	vst.idx.msk $0xffff, v21;
	v9 =	vld [tilespmem:s12+$0x60]  }
0x1c5: {  	s7 =	simm.s32 $0xB;
	s14 =	simm.s32 $0x8;
	s15 =	simm.s32 $0xC;
	[tilespmem:v25+s31+$0x0] =	vst.idx.msk $0xffff, v24;
	v13 =	vadd.s32 v2, v4;
	v10 =	vld [tilespmem:s12+$0xFFFFFFA0]  }
.LBB2_14:
0x1c6: {  	p0 =	slt.u32 s15, $0x7C;
	v19 =	vmov s7;
	[tilespmem:v18+s31+$0x0] =	vst.idx.msk $0xffff, v17;
	v17 =	vld [tilespmem:s13+$0xFFFFFFB0];
	v18 =	vadd.s32 v3, v6;
	v6 =	vmov v4;
	s13 =	smov.u32 s12  }
0x1c7: {  	v4 =	vmov s14;
	v21 =	vadd.s32 v2, v7;
	s12 =	sadd.s32 $0x100, s12;
	v19 =	vand.u32 $0x7F, v19;
	v20 =	vld [tilespmem:s13+$0xFFFFFFE0];
	[tilespmem:v16+s31+$0x0] =	vst.idx.msk $0xffff, v15  }
0x1c8: {  	s2 =	sadd.s32 $0x1, s14;
	v4 =	vand.u32 $0x7C, v4;
	v15 =	vld [tilespmem:s12+$0x40];
	v16 =	vadd.s32 v0, v19;
	[tilespmem:v14+s31+$0x0] =	vst.idx.msk $0xffff, v11  }
0x1c9: {  	v22 =	vmov s2;
	s2 =	sadd.s32 $0x2, s14;
	s14 =	smov.u32 s15;
	v14 =	vadd.s32 v0, v4;
	v11 =	vld [tilespmem:s12+$0xFFFFFF80];
	[tilespmem:v12+s31+$0x0] =	vst.idx.msk $0xffff, v9  }
0x1ca: {  	v9 =	vand.u32 $0x7D, v22;
	v12 =	vmov s2;
	[tilespmem:v13+s31+$0x0] =	vst.idx.msk $0xffff, v10;
	v10 =	vld [tilespmem:s13+$0x70];
	v13 =	vadd.s32 v3, v8;
	v8 =	vmovc v19  }
0x1cb: {  	v22 =	vadd.s32 v0, v9;
	v12 =	vand.u32 $0x7E, v12;
	v19 =	vld [tilespmem:s12+$0xFFFFFFC0];
	[tilespmem:v18+s31+$0x0] =	vst.idx.msk $0xffff, v17  }
0x1cc: {  	v24 =	vadd.s32 v0, v12;
	v23 =	vld [tilespmem:s12+$0x0];
	[tilespmem:v21+s31+$0x0] =	vst.idx.msk $0xffff, v20  }
0x1cd: {  	v21 =	vadd.s32 v2, v5;
	[tilespmem:v16+s31+$0x0] =	vst.idx.msk $0xffff, v15;
	v20 =	vld [tilespmem:s13+$0x20]  }
0x1ce: {  	[tilespmem:v14+s31+$0x0] =	vst.idx.msk $0xffff, v11;
	v11 =	vld [tilespmem:s12+$0x50];
	v14 =	vadd.s32 v1, v8  }
0x1cf: {  	v26 =	vadd.s32 v1, v4;
	v25 =	vld [tilespmem:s12+$0xFFFFFF90];
	[tilespmem:v13+s31+$0x0] =	vst.idx.msk $0xffff, v10  }
0x1d0: {  	[tilespmem:v22+s31+$0x0] =	vst.idx.msk $0xffff, v19;
	v19 =	vld [tilespmem:s13+$0xFFFFFFF0];
	v22 =	vadd.s32 v3, v7;
	v7 =	vmov v9  }
.Ltmp6:
0x1d1: {  	v17 =	vld [tilespmem:s12+$0xFFFFFFD0];
	v18 =	vadd.s32 v1, v7;
	[tilespmem:v24+s31+$0x0] =	vst.idx.msk $0xffff, v23;
	(pc) =	sbr.rel @p0 .LBB2_14-.Ltmp6, $4  }
0x1d2: {  	v16 =	vadd.s32 v1, v12;
	v15 =	vld [tilespmem:s12+$0x10];
	[tilespmem:v21+s31+$0x0] =	vst.idx.msk $0xffff, v20  }
0x1d3: {  	[tilespmem:v14+s31+$0x0] =	vst.idx.msk $0xffff, v11;
	v11 =	vld [tilespmem:s13+$0x30];
	v14 =	vadd.s32 v3, v5;
	v5 =	vmov v12  }
0x1d4: {  	v12 =	vadd.s32 v2, v8;
	[tilespmem:v26+s31+$0x0] =	vst.idx.msk $0xffff, v25;
	v9 =	vld [tilespmem:s12+$0x60]  }
0x1d5: {  	s15 =	sadd.s32 $0x4, s15;
	s7 =	sadd.s32 $0x3, s14;
	v13 =	vadd.s32 v2, v4;
	v10 =	vld [tilespmem:s12+$0xFFFFFFA0];
	[tilespmem:v22+s31+$0x0] =	vst.idx.msk $0xffff, v19  }
0x1d6: {  	_ =	sdelay $0x2  }
0x1d7: {  	v19 =	vmov s7  }
0x1d8: {  	s2 =	sadd.s32 $0x1, s14;
	[tilespmem:v18+s31+$0x0] =	vst.idx.msk $0xffff, v17;
	v30 =	vld [tilespmem:s13+$0xFFFFFFB0];
	v6 =	vadd.s32 v3, v6;
	s17 =	sadd.s32 $0x100, s12;
	v21 =	vmov s14;
	v31 =	vand.u32 $0x7F, v19  }
0x1d9: {  	s22 =	sadd.s32 $0x2, s14;
	v32 =	vmov s2;
	[tilespmem:v16+s31+$0x0] =	vst.idx.msk $0xffff, v15;
	v33 =	vld [tilespmem:s17+$0x40];
	v21 =	vand.u32 $0x7C, v21;
	v34 =	vadd.s32 v0, v31  }
0x1da: {  	v20 =	vmov s22;
	v22 =	vld [tilespmem:s17+$0xFFFFFF80];
	v19 =	vand.u32 $0x7D, v32;
	[tilespmem:v14+s31+$0x0] =	vst.idx.msk $0xffff, v11;
	v39 =	vadd.s32 v0, v21  }
0x1db: {  	v35 =	vld [tilespmem:s17+$0xFFFFFFC0];
	v20 =	vand.u32 $0x7E, v20;
	v36 =	vadd.s32 v0, v19;
	[tilespmem:v12+s31+$0x0] =	vst.idx.msk $0xffff, v9  }
0x1dc: {  	v37 =	vld [tilespmem:s17+$0x0];
	v38 =	vadd.s32 v0, v20;
	[tilespmem:v13+s31+$0x0] =	vst.idx.msk $0xffff, v10  }
0x1dd: {  	v41 =	vadd.s32 v2, v7;
	v40 =	vld [tilespmem:s12+$0xFFFFFFE0];
	[tilespmem:v6+s31+$0x0] =	vst.idx.msk $0xffff, v30  }
0x1de: {  	v49 =	vadd.s32 v2, v5;
	v48 =	vld [tilespmem:s12+$0x20];
	[tilespmem:v34+s31+$0x0] =	vst.idx.msk $0xffff, v33  }
0x1df: {  	v43 =	vadd.s32 v1, v31;
	[tilespmem:v39+s31+$0x0] =	vst.idx.msk $0xffff, v22;
	v15 =	vld [tilespmem:s17+$0x50]  }
0x1e0: {  	v47 =	vadd.s32 v1, v21;
	[tilespmem:v36+s31+$0x0] =	vst.idx.msk $0xffff, v35;
	v46 =	vld [tilespmem:s17+$0xFFFFFF90]  }
0x1e1: {  	v44 =	vadd.s32 v1, v19;
	[tilespmem:v38+s31+$0x0] =	vst.idx.msk $0xffff, v37;
	v11 =	vld [tilespmem:s17+$0xFFFFFFD0]  }
0x1e2: {  	v45 =	vadd.s32 v1, v20;
	[tilespmem:v41+s31+$0x0] =	vst.idx.msk $0xffff, v40;
	v9 =	vld [tilespmem:s17+$0x10]  }
0x1e3: {  	v8 =	vadd.s32 v3, v8;
	v42 =	vld [tilespmem:s12+$0x70];
	[tilespmem:v49+s31+$0x0] =	vst.idx.msk $0xffff, v48  }
0x1e4: {  	v5 =	vadd.s32 v3, v5;
	v13 =	vld [tilespmem:s12+$0x30];
	[tilespmem:v43+s31+$0x0] =	vst.idx.msk $0xffff, v15  }
0x1e5: {  	v52 =	vadd.s32 v2, v31;
	[tilespmem:v47+s31+$0x0] =	vst.idx.msk $0xffff, v46;
	v15 =	vld [tilespmem:s17+$0x60]  }
0x1e6: {  	v57 =	vadd.s32 v2, v21;
	[tilespmem:v44+s31+$0x0] =	vst.idx.msk $0xffff, v11;
	v56 =	vld [tilespmem:s17+$0xFFFFFFA0]  }
0x1e7: {  	v53 =	vadd.s32 v2, v19;
	[tilespmem:v45+s31+$0x0] =	vst.idx.msk $0xffff, v9;
	v11 =	vld [tilespmem:s17+$0xFFFFFFE0]  }
0x1e8: {  	v55 =	vadd.s32 v2, v20;
	[tilespmem:v8+s31+$0x0] =	vst.idx.msk $0xffff, v42;
	v54 =	vld [tilespmem:s17+$0x20]  }
0x1e9: {  	v4 =	vadd.s32 v3, v4;
	v58 =	vld [tilespmem:s12+$0xFFFFFFB0];
	[tilespmem:v5+s31+$0x0] =	vst.idx.msk $0xffff, v13  }
0x1ea: {  	v51 =	vadd.s32 v3, v7;
	v50 =	vld [tilespmem:s12+$0xFFFFFFF0];
	[tilespmem:v52+s31+$0x0] =	vst.idx.msk $0xffff, v15  }
0x1eb: {  	v60 =	vadd.s32 v3, v31;
	[tilespmem:v57+s31+$0x0] =	vst.idx.msk $0xffff, v56;
	v59 =	vld [tilespmem:s17+$0x70]  }
0x1ec: {  	v63 =	vadd.s32 v3, v21;
	[tilespmem:v53+s31+$0x0] =	vst.idx.msk $0xffff, v11;
	v5 =	vld [tilespmem:s17+$0xFFFFFFB0]  }
0x1ed: {  	v61 =	vadd.s32 v3, v19;
	[tilespmem:v55+s31+$0x0] =	vst.idx.msk $0xffff, v54;
	v11 =	vld [tilespmem:s17+$0xFFFFFFF0]  }
0x1ee: {  	v62 =	vadd.s32 v3, v20;
	[tilespmem:v4+s31+$0x0] =	vst.idx.msk $0xffff, v58;
	v6 =	vld [tilespmem:s17+$0x30]  }
0x1ef: {  	[tilespmem:v51+s31+$0x0] =	vst.idx.msk $0xffff, v50  }
0x1f0: {  	[tilespmem:v60+s31+$0x0] =	vst.idx.msk $0xffff, v59  }
0x1f1: {  	[tilespmem:v63+s31+$0x0] =	vst.idx.msk $0xffff, v5  }
0x1f2: {  	[tilespmem:v61+s31+$0x0] =	vst.idx.msk $0xffff, v11  }
0x1f3: {  	[tilespmem:v62+s31+$0x0] =	vst.idx.msk $0xffff, v6  }
0x1f4: {  	s7 =	simm.s32 $0x14A00;
	s12 =	rddreg [dreg:$0x7]  }
0x1f5: {  	[hbm4b:s12+s3] =	stream.linear.scatter [tilespmem:s7], [sflag:$0x8], $0x80, $0x38;
	[tilespmem:$0x16C00] =	vst v63  }
0x1f6: {  	s13 =	simm.s32 $0x14A88;
	s14 =	sadd.s32 $0x10, s12  }
0x1f7: {  	[hbm4b:s14+s3] =	stream.linear.scatter [tilespmem:s13], [sflag:$0x8], $0x80, $0x38;
	[tilespmem:$0x16C00] =	vst v63  }
0x1f8: {  	s15 =	simm.s32 $0x14B10;
	s2 =	simm.s32 $0x14DB8;
	s16 =	sadd.s32 $0x20, s12  }
0x1f9: {  	[hbm4b:s16+s3] =	stream.linear.scatter [tilespmem:s15], [sflag:$0x8], $0x80, $0x38;
	[tilespmem:$0x16C00] =	vst v63  }
0x1fa: {  	s17 =	simm.s32 $0x14B98;
	s22 =	sadd.s32 $0x30, s12;
	s7 =	simm.s32 $0x440  }
0x1fb: {  	[hbm4b:s22+s3] =	stream.linear.scatter [tilespmem:s17], [sflag:$0x8], $0x80, $0x38;
	[tilespmem:$0x16C00] =	vst v63  }
0x1fc: {  	s13 =	simm.s32 $0x14C20;
	s14 =	sadd.s32 $0x40, s12;
	s15 =	simm.s32 $0x14CA8  }
0x1fd: {  	[hbm4b:s14+s3] =	stream.linear.scatter [tilespmem:s13], [sflag:$0x8], $0x80, $0x38;
	[tilespmem:$0x16C00] =	vst v63  }
0x1fe: {  	s16 =	sadd.s32 $0x50, s12;
	s17 =	simm.s32 $0x14D30;
	s22 =	sadd.s32 $0x60, s12  }
0x1ff: {  	[hbm4b:s16+s3] =	stream.linear.scatter [tilespmem:s15], [sflag:$0x8], $0x80, $0x38;
	[tilespmem:$0x16C00] =	vst v63  }
0x200: {  	s13 =	simm.s32 $0x2200;
	s14 =	sadd.s32 $0x70, s12;
	s12 =	sadd.s32 $0x1000, s12  }
0x201: {  	[hbm4b:s22+s3] =	stream.linear.scatter [tilespmem:s17], [sflag:$0x8], $0x80, $0x38;
	[tilespmem:$0x16C00] =	vst v63  }
.LBB2_16:
0x202: {  	[hbm4b:s14+s3] =	stream.linear.scatter [tilespmem:s2], [sflag:$0x8], $0x80, $0x38;
	[tilespmem:$0x16C00] =	vst v63  }
0x203: {  	s2 =	smov.u32 s7;
	s7 =	smov.u32 s13  }
0x204: {  	s15 =	sadd.s32 $0x1100, s13;
	s7 =	sshra.s32 s7, $0x2;
	s14 =	sadd.s32 $0x14A00, s2  }
0x205: {  	[hbm4b:s12+s3] =	stream.linear.scatter [tilespmem:s14], [sflag:$0x8], $0x80, $0x38;
	[tilespmem:$0x16C00] =	vst v63  }
0x206: {  	p0 =	sne.s32 s13, $0x7700;
	s13 =	sadd.s32 $0x14A88, s2;
	s14 =	sadd.s32 $0x10, s12  }
0x207: {  	[hbm4b:s14+s3] =	stream.linear.scatter [tilespmem:s13], [sflag:$0x8], $0x80, $0x38;
	[tilespmem:$0x16C00] =	vst v63  }
0x208: {  	s13 =	sadd.s32 $0x14B10, s2;
	s14 =	sadd.s32 $0x20, s12  }
0x209: {  	[hbm4b:s14+s3] =	stream.linear.scatter [tilespmem:s13], [sflag:$0x8], $0x80, $0x38;
	[tilespmem:$0x16C00] =	vst v63  }
0x20a: {  	s13 =	sadd.s32 $0x14B98, s2;
	s14 =	sadd.s32 $0x30, s12  }
0x20b: {  	[hbm4b:s14+s3] =	stream.linear.scatter [tilespmem:s13], [sflag:$0x8], $0x80, $0x38;
	[tilespmem:$0x16C00] =	vst v63  }
0x20c: {  	s13 =	sadd.s32 $0x14C20, s2;
	s14 =	sadd.s32 $0x40, s12  }
0x20d: {  	[hbm4b:s14+s3] =	stream.linear.scatter [tilespmem:s13], [sflag:$0x8], $0x80, $0x38;
	[tilespmem:$0x16C00] =	vst v63  }
.Ltmp7:
0x20e: {  	s13 =	sadd.s32 $0x14CA8, s2;
	s14 =	sadd.s32 $0x50, s12;
	(pc) =	sbr.rel @p0 .LBB2_16-.Ltmp7, $4  }
0x20f: {  	[hbm4b:s14+s3] =	stream.linear.scatter [tilespmem:s13], [sflag:$0x8], $0x80, $0x38;
	[tilespmem:$0x16C00] =	vst v63  }
0x210: {  	s13 =	sadd.s32 $0x14D30, s2;
	s14 =	sadd.s32 $0x60, s12;
	s2 =	sadd.s32 $0x14DB8, s2  }
0x211: {  	[hbm4b:s14+s3] =	stream.linear.scatter [tilespmem:s13], [sflag:$0x8], $0x80, $0x38;
	[tilespmem:$0x16C00] =	vst v63  }
0x212: {  	s14 =	sadd.s32 $0x70, s12;
	s12 =	sadd.s32 $0x1000, s12;
	s13 =	smov.u32 s15  }
0x213: {  	[hbm4b:s14+s3] =	stream.linear.scatter [tilespmem:s2], [sflag:$0x8], $0x80, $0x38;
	[tilespmem:$0x16C00] =	vst v63  }
0x214: {  	s15 =	sadd.s32 $0x14A00, s7  }
0x215: {  	[hbm4b:s12+s3] =	stream.linear.scatter [tilespmem:s15], [sflag:$0x8], $0x80, $0x38;
	[tilespmem:$0x16C00] =	vst v63  }
0x216: {  	s16 =	sadd.s32 $0x14A88, s7;
	s13 =	sadd.s32 $0x10, s12  }
0x217: {  	[hbm4b:s13+s3] =	stream.linear.scatter [tilespmem:s16], [sflag:$0x8], $0x80, $0x38;
	[tilespmem:$0x16C00] =	vst v63  }
0x218: {  	s17 =	sadd.s32 $0x14B10, s7;
	s22 =	sadd.s32 $0x20, s12  }
0x219: {  	[hbm4b:s22+s3] =	stream.linear.scatter [tilespmem:s17], [sflag:$0x8], $0x80, $0x38;
	[tilespmem:$0x16C00] =	vst v63  }
0x21a: {  	s14 =	sadd.s32 $0x30, s12;
	s13 =	sadd.s32 $0x14B98, s7  }
0x21b: {  	[hbm4b:s14+s3] =	stream.linear.scatter [tilespmem:s13], [sflag:$0x8], $0x80, $0x38;
	[tilespmem:$0x16C00] =	vst v63  }
0x21c: {  	s15 =	sadd.s32 $0x14C20, s7;
	s16 =	sadd.s32 $0x40, s12  }
0x21d: {  	[hbm4b:s16+s3] =	stream.linear.scatter [tilespmem:s15], [sflag:$0x8], $0x80, $0x38;
	[tilespmem:$0x16C00] =	vst v63  }
0x21e: {  	s17 =	sadd.s32 $0x14CA8, s7;
	s22 =	sadd.s32 $0x50, s12  }
0x21f: {  	[hbm4b:s22+s3] =	stream.linear.scatter [tilespmem:s17], [sflag:$0x8], $0x80, $0x38;
	[tilespmem:$0x16C00] =	vst v63  }
0x220: {  	s14 =	sadd.s32 $0x14D30, s7;
	s15 =	sadd.s32 $0x60, s12  }
0x221: {  	[hbm4b:s15+s3] =	stream.linear.scatter [tilespmem:s14], [sflag:$0x8], $0x80, $0x38;
	[tilespmem:$0x16C00] =	vst v63  }
0x222: {  	s16 =	sadd.s32 $0x14DB8, s7;
	s17 =	sadd.s32 $0x70, s12  }
0x223: {  	[hbm4b:s17+s3] =	stream.linear.scatter [tilespmem:s16], [sflag:$0x8], $0x80, $0x38;
	[tilespmem:$0x16C00] =	vst v63  }
0x224: {  	s22 =	simm.s32 $0x380;
	s12 =	simm.s32 $0x1  }
0x225: {  	[tilespmem:s28], [sflag:$0x4] =	stream.indirect.gather [hbm4b:s4+s19], $0x40, s22, s19, $0xb8;
	[tilespmem:$0x16C00] =	vst v63  }
.LBB2_18:
0x226: {  	_ =	swait.ge [sflag:s29], $0x2000  }
0x227: {  	[sflag:s29] =	ssyncset.done $0x0  }
0x228: {  	[sflag:s29] =	ssyncadd.s32 $0xFFFFE000  }
0x229: {  	s2 =	simm.s32 $0x3;
	_ =	swait.ge [sflag:s6], $0x2000  }
0x22a: {  	s7 =	simm.s32 $0x0;
	v4 =	vmov s2;
	[sflag:s6] =	ssyncset.done $0x0  }
0x22b: {  	s14 =	simm.s32 $0x6480;
	s13 =	simm.s32 $0x1;
	v5 =	vand.u32 $0x7F, v4;
	v4 =	vmov s7;
	[sflag:s6] =	ssyncadd.s32 $0xFFFFE000  }
0x22c: {  	v8 =	vadd.s32 v0, v5;
	v6 =	vand.u32 $0x7C, v4;
	v4 =	vmov s13;
	v7 =	vld [tilespmem:s14+$0x40]  }
0x22d: {  	v10 =	vadd.s32 v0, v6;
	v11 =	vand.u32 $0x7D, v4;
	v9 =	vld [tilespmem:s14+$0xFFFFFF80]  }
0x22e: {  	s15 =	simm.s32 $0x2;
	v12 =	vadd.s32 v0, v11;
	v4 =	vld [tilespmem:s14+$0xFFFFFFC0]  }
0x22f: {  	v13 =	vmov s15  }
0x230: {  	v13 =	vand.u32 $0x7E, v13  }
0x231: {  	v15 =	vadd.s32 v0, v13;
	v14 =	vld [tilespmem:s14+$0x0];
	[tilespmem:v8+s30+$0x0] =	vst.idx.msk $0xffff, v7  }
0x232: {  	v8 =	vadd.s32 v1, v5;
	[tilespmem:v10+s30+$0x0] =	vst.idx.msk $0xffff, v9;
	v7 =	vld [tilespmem:s14+$0x50]  }
0x233: {  	v10 =	vadd.s32 v1, v6;
	[tilespmem:v12+s30+$0x0] =	vst.idx.msk $0xffff, v4;
	v9 =	vld [tilespmem:s14+$0xFFFFFF90]  }
0x234: {  	v12 =	vadd.s32 v1, v11;
	v4 =	vld [tilespmem:s14+$0xFFFFFFD0];
	_ =	sdelay $0x1  }
0x235: {  	[tilespmem:v15+s30+$0x0] =	vst.idx.msk $0xffff, v14  }
0x236: {  	v16 =	vadd.s32 v1, v13;
	v15 =	vld [tilespmem:s14+$0x10];
	[tilespmem:v8+s30+$0x0] =	vst.idx.msk $0xffff, v7  }
0x237: {  	s16 =	simm.s32 $0x7;
	v14 =	vadd.s32 v2, v5;
	[tilespmem:v10+s30+$0x0] =	vst.idx.msk $0xffff, v9;
	v7 =	vld [tilespmem:s14+$0x60]  }
0x238: {  	v10 =	vadd.s32 v2, v6;
	v8 =	vmov s16;
	[tilespmem:v12+s30+$0x0] =	vst.idx.msk $0xffff, v4;
	v9 =	vld [tilespmem:s14+$0xFFFFFFA0]  }
0x239: {  	s13 =	simm.s32 $0x6580;
	v17 =	vadd.s32 v2, v11;
	v8 =	vand.u32 $0x7F, v8;
	v12 =	vld [tilespmem:s14+$0xFFFFFFE0]  }
0x23a: {  	s7 =	simm.s32 $0x4;
	v18 =	vld [tilespmem:s13+$0x40];
	v19 =	vadd.s32 v0, v8  }
0x23b: {  	s17 =	simm.s32 $0x5;
	v4 =	vmov s7;
	[tilespmem:v16+s30+$0x0] =	vst.idx.msk $0xffff, v15  }
0x23c: {  	v22 =	vmov s17;
	v4 =	vand.u32 $0x7C, v4;
	[tilespmem:v14+s30+$0x0] =	vst.idx.msk $0xffff, v7  }
0x23d: {  	s22 =	simm.s32 $0x6;
	v20 =	vld [tilespmem:s13+$0xFFFFFF80];
	v21 =	vadd.s32 v0, v4;
	v7 =	vand.u32 $0x7D, v22;
	[tilespmem:v10+s30+$0x0] =	vst.idx.msk $0xffff, v9  }
0x23e: {  	v14 =	vmov s22;
	v9 =	vld [tilespmem:s13+$0xFFFFFFC0];
	[tilespmem:v17+s30+$0x0] =	vst.idx.msk $0xffff, v12;
	v10 =	vadd.s32 v0, v7  }
0x23f: {  	v16 =	vadd.s32 v3, v5;
	v12 =	vld [tilespmem:s14+$0x20];
	v5 =	vand.u32 $0x7E, v14;
	[tilespmem:v19+s30+$0x0] =	vst.idx.msk $0xffff, v18;
	v18 =	vadd.s32 v2, v13  }
0x240: {  	v14 =	vld [tilespmem:s13+$0x0];
	v63 =	vadd.s32 v0, v5  }
0x241: {  	v15 =	vld [tilespmem:s14+$0x70]  }
0x242: {  	[tilespmem:v21+s30+$0x0] =	vst.idx.msk $0xffff, v20;
	v20 =	vadd.s32 v1, v8;
	v19 =	vld [tilespmem:s13+$0x50]  }
0x243: {  	v23 =	vadd.s32 v1, v4;
	v21 =	vld [tilespmem:s13+$0xFFFFFF90];
	[tilespmem:v10+s30+$0x0] =	vst.idx.msk $0xffff, v9  }
0x244: {  	v25 =	vadd.s32 v3, v11;
	v24 =	vld [tilespmem:s14+$0xFFFFFFF0];
	[tilespmem:v18+s30+$0x0] =	vst.idx.msk $0xffff, v12  }
0x245: {  	v18 =	vadd.s32 v1, v7;
	v17 =	vld [tilespmem:s13+$0xFFFFFFD0];
	[tilespmem:v63+s30+$0x0] =	vst.idx.msk $0xffff, v14  }
0x246: {  	[tilespmem:v16+s30+$0x0] =	vst.idx.msk $0xffff, v15;
	v16 =	vadd.s32 v1, v5;
	v15 =	vld [tilespmem:s13+$0x10]  }
0x247: {  	[tilespmem:v20+s30+$0x0] =	vst.idx.msk $0xffff, v19;
	v11 =	vld [tilespmem:s14+$0x30];
	v14 =	vadd.s32 v3, v13  }
0x248: {  	v12 =	vadd.s32 v2, v8;
	[tilespmem:v23+s30+$0x0] =	vst.idx.msk $0xffff, v21;
	v9 =	vld [tilespmem:s13+$0x60]  }
0x249: {  	s15 =	simm.s32 $0x8;
	s7 =	simm.s32 $0xB;
	s16 =	simm.s32 $0xC;
	[tilespmem:v25+s30+$0x0] =	vst.idx.msk $0xffff, v24;
	v13 =	vadd.s32 v2, v4;
	v10 =	vld [tilespmem:s13+$0xFFFFFFA0]  }
.LBB2_19:
0x24a: {  	p0 =	slt.u32 s16, $0x7C;
	v19 =	vmov s7;
	[tilespmem:v18+s30+$0x0] =	vst.idx.msk $0xffff, v17;
	v17 =	vld [tilespmem:s14+$0xFFFFFFB0];
	v18 =	vadd.s32 v3, v6;
	v6 =	vmov v4;
	s14 =	smov.u32 s13  }
0x24b: {  	v4 =	vmov s15;
	v21 =	vadd.s32 v2, v7;
	s13 =	sadd.s32 $0x100, s13;
	v19 =	vand.u32 $0x7F, v19;
	v20 =	vld [tilespmem:s14+$0xFFFFFFE0];
	[tilespmem:v16+s30+$0x0] =	vst.idx.msk $0xffff, v15  }
0x24c: {  	s2 =	sadd.s32 $0x1, s15;
	v4 =	vand.u32 $0x7C, v4;
	v15 =	vld [tilespmem:s13+$0x40];
	v16 =	vadd.s32 v0, v19;
	[tilespmem:v14+s30+$0x0] =	vst.idx.msk $0xffff, v11  }
0x24d: {  	v22 =	vmov s2;
	s2 =	sadd.s32 $0x2, s15;
	s15 =	smov.u32 s16;
	v14 =	vadd.s32 v0, v4;
	v11 =	vld [tilespmem:s13+$0xFFFFFF80];
	[tilespmem:v12+s30+$0x0] =	vst.idx.msk $0xffff, v9  }
0x24e: {  	v9 =	vand.u32 $0x7D, v22;
	v12 =	vmov s2;
	[tilespmem:v13+s30+$0x0] =	vst.idx.msk $0xffff, v10;
	v10 =	vld [tilespmem:s14+$0x70];
	v13 =	vadd.s32 v3, v8;
	v8 =	vmovc v19  }
0x24f: {  	v22 =	vadd.s32 v0, v9;
	v12 =	vand.u32 $0x7E, v12;
	v19 =	vld [tilespmem:s13+$0xFFFFFFC0];
	[tilespmem:v18+s30+$0x0] =	vst.idx.msk $0xffff, v17  }
0x250: {  	v24 =	vadd.s32 v0, v12;
	v23 =	vld [tilespmem:s13+$0x0];
	[tilespmem:v21+s30+$0x0] =	vst.idx.msk $0xffff, v20  }
0x251: {  	v21 =	vadd.s32 v2, v5;
	[tilespmem:v16+s30+$0x0] =	vst.idx.msk $0xffff, v15;
	v20 =	vld [tilespmem:s14+$0x20]  }
0x252: {  	[tilespmem:v14+s30+$0x0] =	vst.idx.msk $0xffff, v11;
	v11 =	vld [tilespmem:s13+$0x50];
	v14 =	vadd.s32 v1, v8  }
0x253: {  	v26 =	vadd.s32 v1, v4;
	v25 =	vld [tilespmem:s13+$0xFFFFFF90];
	[tilespmem:v13+s30+$0x0] =	vst.idx.msk $0xffff, v10  }
0x254: {  	[tilespmem:v22+s30+$0x0] =	vst.idx.msk $0xffff, v19;
	v19 =	vld [tilespmem:s14+$0xFFFFFFF0];
	v22 =	vadd.s32 v3, v7;
	v7 =	vmov v9  }
.Ltmp8:
0x255: {  	v17 =	vld [tilespmem:s13+$0xFFFFFFD0];
	v18 =	vadd.s32 v1, v7;
	[tilespmem:v24+s30+$0x0] =	vst.idx.msk $0xffff, v23;
	(pc) =	sbr.rel @p0 .LBB2_19-.Ltmp8, $4  }
0x256: {  	v16 =	vadd.s32 v1, v12;
	v15 =	vld [tilespmem:s13+$0x10];
	[tilespmem:v21+s30+$0x0] =	vst.idx.msk $0xffff, v20  }
0x257: {  	[tilespmem:v14+s30+$0x0] =	vst.idx.msk $0xffff, v11;
	v11 =	vld [tilespmem:s14+$0x30];
	v14 =	vadd.s32 v3, v5;
	v5 =	vmov v12  }
0x258: {  	v12 =	vadd.s32 v2, v8;
	[tilespmem:v26+s30+$0x0] =	vst.idx.msk $0xffff, v25;
	v9 =	vld [tilespmem:s13+$0x60]  }
0x259: {  	s16 =	sadd.s32 $0x4, s16;
	s7 =	sadd.s32 $0x3, s15;
	v13 =	vadd.s32 v2, v4;
	v10 =	vld [tilespmem:s13+$0xFFFFFFA0];
	[tilespmem:v22+s30+$0x0] =	vst.idx.msk $0xffff, v19  }
0x25a: {  	_ =	sdelay $0x2  }
0x25b: {  	v19 =	vmov s7  }
0x25c: {  	s2 =	sadd.s32 $0x1, s15;
	[tilespmem:v18+s30+$0x0] =	vst.idx.msk $0xffff, v17;
	v30 =	vld [tilespmem:s14+$0xFFFFFFB0];
	v6 =	vadd.s32 v3, v6;
	s14 =	sadd.s32 $0x100, s13;
	v21 =	vmov s15;
	v31 =	vand.u32 $0x7F, v19  }
0x25d: {  	s16 =	sadd.s32 $0x2, s15;
	v32 =	vmov s2;
	[tilespmem:v16+s30+$0x0] =	vst.idx.msk $0xffff, v15;
	v33 =	vld [tilespmem:s14+$0x40];
	v21 =	vand.u32 $0x7C, v21;
	v34 =	vadd.s32 v0, v31  }
0x25e: {  	v20 =	vmov s16;
	v22 =	vld [tilespmem:s14+$0xFFFFFF80];
	v19 =	vand.u32 $0x7D, v32;
	[tilespmem:v14+s30+$0x0] =	vst.idx.msk $0xffff, v11;
	v39 =	vadd.s32 v0, v21  }
0x25f: {  	v35 =	vld [tilespmem:s14+$0xFFFFFFC0];
	v20 =	vand.u32 $0x7E, v20;
	v36 =	vadd.s32 v0, v19;
	[tilespmem:v12+s30+$0x0] =	vst.idx.msk $0xffff, v9  }
0x260: {  	v37 =	vld [tilespmem:s14+$0x0];
	v38 =	vadd.s32 v0, v20;
	[tilespmem:v13+s30+$0x0] =	vst.idx.msk $0xffff, v10  }
0x261: {  	v41 =	vadd.s32 v2, v7;
	v40 =	vld [tilespmem:s13+$0xFFFFFFE0];
	[tilespmem:v6+s30+$0x0] =	vst.idx.msk $0xffff, v30  }
0x262: {  	v49 =	vadd.s32 v2, v5;
	v48 =	vld [tilespmem:s13+$0x20];
	[tilespmem:v34+s30+$0x0] =	vst.idx.msk $0xffff, v33  }
0x263: {  	v43 =	vadd.s32 v1, v31;
	[tilespmem:v39+s30+$0x0] =	vst.idx.msk $0xffff, v22;
	v15 =	vld [tilespmem:s14+$0x50]  }
0x264: {  	v47 =	vadd.s32 v1, v21;
	[tilespmem:v36+s30+$0x0] =	vst.idx.msk $0xffff, v35;
	v46 =	vld [tilespmem:s14+$0xFFFFFF90]  }
0x265: {  	v44 =	vadd.s32 v1, v19;
	[tilespmem:v38+s30+$0x0] =	vst.idx.msk $0xffff, v37;
	v11 =	vld [tilespmem:s14+$0xFFFFFFD0]  }
0x266: {  	v45 =	vadd.s32 v1, v20;
	[tilespmem:v41+s30+$0x0] =	vst.idx.msk $0xffff, v40;
	v9 =	vld [tilespmem:s14+$0x10]  }
0x267: {  	v8 =	vadd.s32 v3, v8;
	v42 =	vld [tilespmem:s13+$0x70];
	[tilespmem:v49+s30+$0x0] =	vst.idx.msk $0xffff, v48  }
0x268: {  	v5 =	vadd.s32 v3, v5;
	v13 =	vld [tilespmem:s13+$0x30];
	[tilespmem:v43+s30+$0x0] =	vst.idx.msk $0xffff, v15  }
0x269: {  	v52 =	vadd.s32 v2, v31;
	[tilespmem:v47+s30+$0x0] =	vst.idx.msk $0xffff, v46;
	v15 =	vld [tilespmem:s14+$0x60]  }
0x26a: {  	v57 =	vadd.s32 v2, v21;
	[tilespmem:v44+s30+$0x0] =	vst.idx.msk $0xffff, v11;
	v56 =	vld [tilespmem:s14+$0xFFFFFFA0]  }
0x26b: {  	v53 =	vadd.s32 v2, v19;
	[tilespmem:v45+s30+$0x0] =	vst.idx.msk $0xffff, v9;
	v11 =	vld [tilespmem:s14+$0xFFFFFFE0]  }
0x26c: {  	v55 =	vadd.s32 v2, v20;
	[tilespmem:v8+s30+$0x0] =	vst.idx.msk $0xffff, v42;
	v54 =	vld [tilespmem:s14+$0x20]  }
0x26d: {  	v4 =	vadd.s32 v3, v4;
	v58 =	vld [tilespmem:s13+$0xFFFFFFB0];
	[tilespmem:v5+s30+$0x0] =	vst.idx.msk $0xffff, v13  }
0x26e: {  	v51 =	vadd.s32 v3, v7;
	v50 =	vld [tilespmem:s13+$0xFFFFFFF0];
	[tilespmem:v52+s30+$0x0] =	vst.idx.msk $0xffff, v15  }
0x26f: {  	v60 =	vadd.s32 v3, v31;
	[tilespmem:v57+s30+$0x0] =	vst.idx.msk $0xffff, v56;
	v59 =	vld [tilespmem:s14+$0x70]  }
0x270: {  	v63 =	vadd.s32 v3, v21;
	[tilespmem:v53+s30+$0x0] =	vst.idx.msk $0xffff, v11;
	v5 =	vld [tilespmem:s14+$0xFFFFFFB0]  }
0x271: {  	v61 =	vadd.s32 v3, v19;
	[tilespmem:v55+s30+$0x0] =	vst.idx.msk $0xffff, v54;
	v11 =	vld [tilespmem:s14+$0xFFFFFFF0]  }
0x272: {  	v62 =	vadd.s32 v3, v20;
	[tilespmem:v4+s30+$0x0] =	vst.idx.msk $0xffff, v58;
	v6 =	vld [tilespmem:s14+$0x30]  }
0x273: {  	[tilespmem:v51+s30+$0x0] =	vst.idx.msk $0xffff, v50  }
0x274: {  	[tilespmem:v60+s30+$0x0] =	vst.idx.msk $0xffff, v59  }
0x275: {  	s17 =	sshll.u32 s12, $0x11;
	[tilespmem:v63+s30+$0x0] =	vst.idx.msk $0xffff, v5  }
0x276: {  	s22 =	rddreg [dreg:$0x1];
	s13 =	sor.u32 s5, s17;
	[tilespmem:v61+s30+$0x0] =	vst.idx.msk $0xffff, v11  }
0x277: {  	s7 =	simm.s32 $0xE400;
	s14 =	sadd.s32 s22, s13;
	[tilespmem:v62+s30+$0x0] =	vst.idx.msk $0xffff, v6  }
0x278: {  	[hbm4b:s14+s3] =	stream.linear.scatter [tilespmem:s7], [sflag:$0x5], $0x80, $0x38;
	[tilespmem:$0x16C00] =	vst v63  }
0x279: {  	s15 =	simm.s32 $0xE488;
	s16 =	sadd.s32 $0x10, s14  }
0x27a: {  	[hbm4b:s16+s3] =	stream.linear.scatter [tilespmem:s15], [sflag:$0x5], $0x80, $0x38;
	[tilespmem:$0x16C00] =	vst v63  }
0x27b: {  	s2 =	simm.s32 $0xE7B8;
	s17 =	simm.s32 $0xE510;
	s22 =	sadd.s32 $0x20, s14  }
0x27c: {  	[hbm4b:s22+s3] =	stream.linear.scatter [tilespmem:s17], [sflag:$0x5], $0x80, $0x38;
	[tilespmem:$0x16C00] =	vst v63  }
0x27d: {  	s7 =	simm.s32 $0x440;
	s15 =	simm.s32 $0xE598;
	s16 =	sadd.s32 $0x30, s14  }
0x27e: {  	[hbm4b:s16+s3] =	stream.linear.scatter [tilespmem:s15], [sflag:$0x5], $0x80, $0x38;
	[tilespmem:$0x16C00] =	vst v63  }
0x27f: {  	s17 =	simm.s32 $0xE620;
	s22 =	sadd.s32 $0x40, s14;
	s15 =	simm.s32 $0xE6A8  }
0x280: {  	[hbm4b:s22+s3] =	stream.linear.scatter [tilespmem:s17], [sflag:$0x5], $0x80, $0x38;
	[tilespmem:$0x16C00] =	vst v63  }
0x281: {  	s16 =	sadd.s32 $0x50, s14;
	s17 =	simm.s32 $0xE730;
	s22 =	sadd.s32 $0x60, s14  }
0x282: {  	[hbm4b:s16+s3] =	stream.linear.scatter [tilespmem:s15], [sflag:$0x5], $0x80, $0x38;
	[tilespmem:$0x16C00] =	vst v63  }
0x283: {  	s15 =	simm.s32 $0x2200;
	s16 =	sadd.s32 $0x70, s14;
	s14 =	sadd.s32 $0x1000, s14  }
0x284: {  	[hbm4b:s22+s3] =	stream.linear.scatter [tilespmem:s17], [sflag:$0x5], $0x80, $0x38;
	[tilespmem:$0x16C00] =	vst v63  }
.LBB2_21:
0x285: {  	[hbm4b:s16+s3] =	stream.linear.scatter [tilespmem:s2], [sflag:$0x5], $0x80, $0x38;
	[tilespmem:$0x16C00] =	vst v63  }
0x286: {  	s2 =	smov.u32 s7;
	s7 =	smov.u32 s15  }
0x287: {  	s17 =	sadd.s32 $0x1100, s15;
	s7 =	sshra.s32 s7, $0x2;
	s16 =	sadd.s32 $0xE400, s2  }
0x288: {  	[hbm4b:s14+s3] =	stream.linear.scatter [tilespmem:s16], [sflag:$0x5], $0x80, $0x38;
	[tilespmem:$0x16C00] =	vst v63  }
0x289: {  	p0 =	sne.s32 s15, $0x7700;
	s15 =	sadd.s32 $0xE488, s2;
	s16 =	sadd.s32 $0x10, s14  }
0x28a: {  	[hbm4b:s16+s3] =	stream.linear.scatter [tilespmem:s15], [sflag:$0x5], $0x80, $0x38;
	[tilespmem:$0x16C00] =	vst v63  }
0x28b: {  	s15 =	sadd.s32 $0xE510, s2;
	s16 =	sadd.s32 $0x20, s14  }
0x28c: {  	[hbm4b:s16+s3] =	stream.linear.scatter [tilespmem:s15], [sflag:$0x5], $0x80, $0x38;
	[tilespmem:$0x16C00] =	vst v63  }
0x28d: {  	s15 =	sadd.s32 $0xE598, s2;
	s16 =	sadd.s32 $0x30, s14  }
0x28e: {  	[hbm4b:s16+s3] =	stream.linear.scatter [tilespmem:s15], [sflag:$0x5], $0x80, $0x38;
	[tilespmem:$0x16C00] =	vst v63  }
0x28f: {  	s15 =	sadd.s32 $0xE620, s2;
	s16 =	sadd.s32 $0x40, s14  }
0x290: {  	[hbm4b:s16+s3] =	stream.linear.scatter [tilespmem:s15], [sflag:$0x5], $0x80, $0x38;
	[tilespmem:$0x16C00] =	vst v63  }
.Ltmp9:
0x291: {  	s15 =	sadd.s32 $0xE6A8, s2;
	s16 =	sadd.s32 $0x50, s14;
	(pc) =	sbr.rel @p0 .LBB2_21-.Ltmp9, $4  }
0x292: {  	[hbm4b:s16+s3] =	stream.linear.scatter [tilespmem:s15], [sflag:$0x5], $0x80, $0x38;
	[tilespmem:$0x16C00] =	vst v63  }
0x293: {  	s15 =	sadd.s32 $0xE730, s2;
	s16 =	sadd.s32 $0x60, s14;
	s2 =	sadd.s32 $0xE7B8, s2  }
0x294: {  	[hbm4b:s16+s3] =	stream.linear.scatter [tilespmem:s15], [sflag:$0x5], $0x80, $0x38;
	[tilespmem:$0x16C00] =	vst v63  }
0x295: {  	s16 =	sadd.s32 $0x70, s14;
	s14 =	sadd.s32 $0x1000, s14;
	s15 =	smov.u32 s17  }
0x296: {  	[hbm4b:s16+s3] =	stream.linear.scatter [tilespmem:s2], [sflag:$0x5], $0x80, $0x38;
	[tilespmem:$0x16C00] =	vst v63  }
0x297: {  	s15 =	sadd.s32 $0xE400, s7  }
0x298: {  	[hbm4b:s14+s3] =	stream.linear.scatter [tilespmem:s15], [sflag:$0x5], $0x80, $0x38;
	[tilespmem:$0x16C00] =	vst v63  }
0x299: {  	s16 =	sadd.s32 $0xE488, s7;
	s15 =	sadd.s32 $0x10, s14  }
0x29a: {  	[hbm4b:s15+s3] =	stream.linear.scatter [tilespmem:s16], [sflag:$0x5], $0x80, $0x38;
	[tilespmem:$0x16C00] =	vst v63  }
0x29b: {  	s17 =	sadd.s32 $0xE510, s7;
	s22 =	sadd.s32 $0x20, s14  }
0x29c: {  	[hbm4b:s22+s3] =	stream.linear.scatter [tilespmem:s17], [sflag:$0x5], $0x80, $0x38;
	[tilespmem:$0x16C00] =	vst v63  }
0x29d: {  	s15 =	sadd.s32 $0xE598, s7;
	s16 =	sadd.s32 $0x30, s14  }
0x29e: {  	[hbm4b:s16+s3] =	stream.linear.scatter [tilespmem:s15], [sflag:$0x5], $0x80, $0x38;
	[tilespmem:$0x16C00] =	vst v63  }
0x29f: {  	s17 =	sadd.s32 $0xE620, s7;
	s22 =	sadd.s32 $0x40, s14  }
0x2a0: {  	[hbm4b:s22+s3] =	stream.linear.scatter [tilespmem:s17], [sflag:$0x5], $0x80, $0x38;
	[tilespmem:$0x16C00] =	vst v63  }
0x2a1: {  	s15 =	sadd.s32 $0xE6A8, s7;
	s16 =	sadd.s32 $0x50, s14  }
0x2a2: {  	[hbm4b:s16+s3] =	stream.linear.scatter [tilespmem:s15], [sflag:$0x5], $0x80, $0x38;
	[tilespmem:$0x16C00] =	vst v63  }
0x2a3: {  	s17 =	sadd.s32 $0xE730, s7;
	s22 =	sadd.s32 $0x60, s14  }
0x2a4: {  	[hbm4b:s22+s3] =	stream.linear.scatter [tilespmem:s17], [sflag:$0x5], $0x80, $0x38;
	[tilespmem:$0x16C00] =	vst v63  }
0x2a5: {  	s17 =	sshll.u32 s12, $0x9  }
0x2a6: {  	s15 =	sadd.s32 $0xE7B8, s7;
	s16 =	sadd.s32 $0x70, s14;
	s14 =	sand.u32 $0x3FFFFE00, s17  }
0x2a7: {  	[hbm4b:s16+s3] =	stream.linear.scatter [tilespmem:s15], [sflag:$0x5], $0x80, $0x38;
	[tilespmem:$0x16C00] =	vst v63  }
0x2a8: {  	s22 =	simm.s32 $0x6400;
	s2 =	sadd.s32 $0x200, s14  }
0x2a9: {  	[tilespmem:s22], [sflag:$0x1] =	stream.indirect.gather [hbm4b:s4+s19], $0x40, s2, s19, $0xb8;
	[tilespmem:$0x16C00] =	vst v63  }
0x2aa: {  	_ =	swait.ge [sflag:s1], $0x2000  }
0x2ab: {  	[sflag:s1] =	ssyncset.done $0x0  }
0x2ac: {  	[sflag:s1] =	ssyncadd.s32 $0xFFFFE000  }
0x2ad: {  	s7 =	simm.s32 $0x3;
	_ =	swait.ge [sflag:s18], $0x2000  }
0x2ae: {  	v4 =	vmov s7;
	s15 =	simm.s32 $0x0;
	[sflag:s18] =	ssyncset.done $0x0  }
0x2af: {  	v5 =	vand.u32 $0x7F, v4;
	s17 =	simm.s32 $0x1;
	s16 =	simm.s32 $0x8480;
	v4 =	vmov s15;
	[sflag:s18] =	ssyncadd.s32 $0xFFFFE000  }
0x2b0: {  	v8 =	vadd.s32 v0, v5;
	v6 =	vand.u32 $0x7C, v4;
	v4 =	vmov s17;
	v7 =	vld [tilespmem:s16+$0x40]  }
0x2b1: {  	v10 =	vadd.s32 v0, v6;
	v11 =	vand.u32 $0x7D, v4;
	v9 =	vld [tilespmem:s16+$0xFFFFFF80]  }
0x2b2: {  	s22 =	simm.s32 $0x2;
	v12 =	vadd.s32 v0, v11;
	v4 =	vld [tilespmem:s16+$0xFFFFFFC0]  }
0x2b3: {  	v13 =	vmov s22  }
0x2b4: {  	v13 =	vand.u32 $0x7E, v13  }
0x2b5: {  	v15 =	vadd.s32 v0, v13;
	v14 =	vld [tilespmem:s16+$0x0];
	[tilespmem:v8+s0+$0x0] =	vst.idx.msk $0xffff, v7  }
0x2b6: {  	v8 =	vadd.s32 v1, v5;
	[tilespmem:v10+s0+$0x0] =	vst.idx.msk $0xffff, v9;
	v7 =	vld [tilespmem:s16+$0x50]  }
0x2b7: {  	v10 =	vadd.s32 v1, v6;
	[tilespmem:v12+s0+$0x0] =	vst.idx.msk $0xffff, v4;
	v9 =	vld [tilespmem:s16+$0xFFFFFF90]  }
0x2b8: {  	v12 =	vadd.s32 v1, v11;
	v4 =	vld [tilespmem:s16+$0xFFFFFFD0];
	_ =	sdelay $0x1  }
0x2b9: {  	[tilespmem:v15+s0+$0x0] =	vst.idx.msk $0xffff, v14  }
0x2ba: {  	v16 =	vadd.s32 v1, v13;
	v15 =	vld [tilespmem:s16+$0x10];
	[tilespmem:v8+s0+$0x0] =	vst.idx.msk $0xffff, v7  }
0x2bb: {  	s7 =	simm.s32 $0x7;
	v14 =	vadd.s32 v2, v5;
	[tilespmem:v10+s0+$0x0] =	vst.idx.msk $0xffff, v9;
	v7 =	vld [tilespmem:s16+$0x60]  }
0x2bc: {  	s15 =	simm.s32 $0x4;
	v10 =	vadd.s32 v2, v6;
	v8 =	vmov s7;
	[tilespmem:v12+s0+$0x0] =	vst.idx.msk $0xffff, v4;
	v9 =	vld [tilespmem:s16+$0xFFFFFFA0]  }
0x2bd: {  	v17 =	vadd.s32 v2, v11;
	v4 =	vmov s15;
	s15 =	simm.s32 $0x8580;
	v8 =	vand.u32 $0x7F, v8;
	v12 =	vld [tilespmem:s16+$0xFFFFFFE0]  }
0x2be: {  	v18 =	vld [tilespmem:s15+$0x40];
	v19 =	vadd.s32 v0, v8  }
0x2bf: {  	s17 =	simm.s32 $0x5;
	[tilespmem:v16+s0+$0x0] =	vst.idx.msk $0xffff, v15  }
0x2c0: {  	v22 =	vmov s17;
	v4 =	vand.u32 $0x7C, v4;
	[tilespmem:v14+s0+$0x0] =	vst.idx.msk $0xffff, v7  }
0x2c1: {  	s22 =	simm.s32 $0x6;
	v20 =	vld [tilespmem:s15+$0xFFFFFF80];
	v21 =	vadd.s32 v0, v4;
	v7 =	vand.u32 $0x7D, v22;
	[tilespmem:v10+s0+$0x0] =	vst.idx.msk $0xffff, v9  }
0x2c2: {  	v14 =	vmov s22;
	v9 =	vld [tilespmem:s15+$0xFFFFFFC0];
	[tilespmem:v17+s0+$0x0] =	vst.idx.msk $0xffff, v12;
	v10 =	vadd.s32 v0, v7  }
0x2c3: {  	v16 =	vadd.s32 v3, v5;
	v12 =	vld [tilespmem:s16+$0x20];
	v5 =	vand.u32 $0x7E, v14;
	[tilespmem:v19+s0+$0x0] =	vst.idx.msk $0xffff, v18;
	v18 =	vadd.s32 v2, v13  }
0x2c4: {  	v14 =	vld [tilespmem:s15+$0x0];
	v63 =	vadd.s32 v0, v5  }
0x2c5: {  	v15 =	vld [tilespmem:s16+$0x70]  }
0x2c6: {  	[tilespmem:v21+s0+$0x0] =	vst.idx.msk $0xffff, v20;
	v20 =	vadd.s32 v1, v8;
	v19 =	vld [tilespmem:s15+$0x50]  }
0x2c7: {  	v23 =	vadd.s32 v1, v4;
	v21 =	vld [tilespmem:s15+$0xFFFFFF90];
	[tilespmem:v10+s0+$0x0] =	vst.idx.msk $0xffff, v9  }
0x2c8: {  	v25 =	vadd.s32 v3, v11;
	v24 =	vld [tilespmem:s16+$0xFFFFFFF0];
	[tilespmem:v18+s0+$0x0] =	vst.idx.msk $0xffff, v12  }
0x2c9: {  	v18 =	vadd.s32 v1, v7;
	v17 =	vld [tilespmem:s15+$0xFFFFFFD0];
	[tilespmem:v63+s0+$0x0] =	vst.idx.msk $0xffff, v14  }
0x2ca: {  	[tilespmem:v16+s0+$0x0] =	vst.idx.msk $0xffff, v15;
	v16 =	vadd.s32 v1, v5;
	v15 =	vld [tilespmem:s15+$0x10]  }
0x2cb: {  	[tilespmem:v20+s0+$0x0] =	vst.idx.msk $0xffff, v19;
	v11 =	vld [tilespmem:s16+$0x30];
	v14 =	vadd.s32 v3, v13  }
0x2cc: {  	v12 =	vadd.s32 v2, v8;
	[tilespmem:v23+s0+$0x0] =	vst.idx.msk $0xffff, v21;
	v9 =	vld [tilespmem:s15+$0x60]  }
0x2cd: {  	s2 =	simm.s32 $0xB;
	s17 =	simm.s32 $0x8;
	s7 =	simm.s32 $0xC;
	[tilespmem:v25+s0+$0x0] =	vst.idx.msk $0xffff, v24;
	v13 =	vadd.s32 v2, v4;
	v10 =	vld [tilespmem:s15+$0xFFFFFFA0]  }
.LBB2_23:
0x2ce: {  	p0 =	slt.u32 s7, $0x7C;
	v19 =	vmov s2;
	[tilespmem:v18+s0+$0x0] =	vst.idx.msk $0xffff, v17;
	v17 =	vld [tilespmem:s16+$0xFFFFFFB0];
	v18 =	vadd.s32 v3, v6;
	v6 =	vmov v4;
	s16 =	smov.u32 s15  }
0x2cf: {  	v4 =	vmov s17;
	v21 =	vadd.s32 v2, v7;
	s15 =	sadd.s32 $0x100, s15;
	v19 =	vand.u32 $0x7F, v19;
	v20 =	vld [tilespmem:s16+$0xFFFFFFE0];
	[tilespmem:v16+s0+$0x0] =	vst.idx.msk $0xffff, v15  }
0x2d0: {  	s2 =	sadd.s32 $0x1, s17;
	v4 =	vand.u32 $0x7C, v4;
	v15 =	vld [tilespmem:s15+$0x40];
	v16 =	vadd.s32 v0, v19;
	[tilespmem:v14+s0+$0x0] =	vst.idx.msk $0xffff, v11  }
0x2d1: {  	v22 =	vmov s2;
	s2 =	sadd.s32 $0x2, s17;
	s17 =	smov.u32 s7;
	v14 =	vadd.s32 v0, v4;
	v11 =	vld [tilespmem:s15+$0xFFFFFF80];
	[tilespmem:v12+s0+$0x0] =	vst.idx.msk $0xffff, v9  }
0x2d2: {  	v9 =	vand.u32 $0x7D, v22;
	v12 =	vmov s2;
	[tilespmem:v13+s0+$0x0] =	vst.idx.msk $0xffff, v10;
	v10 =	vld [tilespmem:s16+$0x70];
	v13 =	vadd.s32 v3, v8;
	v8 =	vmovc v19  }
0x2d3: {  	v22 =	vadd.s32 v0, v9;
	v12 =	vand.u32 $0x7E, v12;
	v19 =	vld [tilespmem:s15+$0xFFFFFFC0];
	[tilespmem:v18+s0+$0x0] =	vst.idx.msk $0xffff, v17  }
0x2d4: {  	v24 =	vadd.s32 v0, v12;
	v23 =	vld [tilespmem:s15+$0x0];
	[tilespmem:v21+s0+$0x0] =	vst.idx.msk $0xffff, v20  }
0x2d5: {  	v21 =	vadd.s32 v2, v5;
	[tilespmem:v16+s0+$0x0] =	vst.idx.msk $0xffff, v15;
	v20 =	vld [tilespmem:s16+$0x20]  }
0x2d6: {  	[tilespmem:v14+s0+$0x0] =	vst.idx.msk $0xffff, v11;
	v11 =	vld [tilespmem:s15+$0x50];
	v14 =	vadd.s32 v1, v8  }
0x2d7: {  	v26 =	vadd.s32 v1, v4;
	v25 =	vld [tilespmem:s15+$0xFFFFFF90];
	[tilespmem:v13+s0+$0x0] =	vst.idx.msk $0xffff, v10  }
0x2d8: {  	[tilespmem:v22+s0+$0x0] =	vst.idx.msk $0xffff, v19;
	v19 =	vld [tilespmem:s16+$0xFFFFFFF0];
	v22 =	vadd.s32 v3, v7;
	v7 =	vmov v9  }
.Ltmp10:
0x2d9: {  	v17 =	vld [tilespmem:s15+$0xFFFFFFD0];
	v18 =	vadd.s32 v1, v7;
	[tilespmem:v24+s0+$0x0] =	vst.idx.msk $0xffff, v23;
	(pc) =	sbr.rel @p0 .LBB2_23-.Ltmp10, $4  }
0x2da: {  	v16 =	vadd.s32 v1, v12;
	v15 =	vld [tilespmem:s15+$0x10];
	[tilespmem:v21+s0+$0x0] =	vst.idx.msk $0xffff, v20  }
0x2db: {  	[tilespmem:v14+s0+$0x0] =	vst.idx.msk $0xffff, v11;
	v11 =	vld [tilespmem:s16+$0x30];
	v14 =	vadd.s32 v3, v5;
	v5 =	vmov v12  }
0x2dc: {  	v12 =	vadd.s32 v2, v8;
	[tilespmem:v26+s0+$0x0] =	vst.idx.msk $0xffff, v25;
	v9 =	vld [tilespmem:s15+$0x60]  }
0x2dd: {  	s7 =	sadd.s32 $0x4, s7;
	s2 =	sadd.s32 $0x3, s17;
	v13 =	vadd.s32 v2, v4;
	v10 =	vld [tilespmem:s15+$0xFFFFFFA0];
	[tilespmem:v22+s0+$0x0] =	vst.idx.msk $0xffff, v19  }
0x2de: {  	_ =	sdelay $0x2  }
0x2df: {  	v19 =	vmov s2  }
0x2e0: {  	s22 =	sadd.s32 $0x1, s17;
	[tilespmem:v18+s0+$0x0] =	vst.idx.msk $0xffff, v17;
	v30 =	vld [tilespmem:s16+$0xFFFFFFB0];
	v6 =	vadd.s32 v3, v6;
	s7 =	sadd.s32 $0x100, s15;
	v21 =	vmov s17;
	v31 =	vand.u32 $0x7F, v19  }
0x2e1: {  	s16 =	sadd.s32 $0x2, s17;
	v32 =	vmov s22;
	[tilespmem:v16+s0+$0x0] =	vst.idx.msk $0xffff, v15;
	v33 =	vld [tilespmem:s7+$0x40];
	v21 =	vand.u32 $0x7C, v21;
	v34 =	vadd.s32 v0, v31  }
0x2e2: {  	v20 =	vmov s16;
	v22 =	vld [tilespmem:s7+$0xFFFFFF80];
	v19 =	vand.u32 $0x7D, v32;
	[tilespmem:v14+s0+$0x0] =	vst.idx.msk $0xffff, v11;
	v39 =	vadd.s32 v0, v21  }
0x2e3: {  	v35 =	vld [tilespmem:s7+$0xFFFFFFC0];
	v20 =	vand.u32 $0x7E, v20;
	v36 =	vadd.s32 v0, v19;
	[tilespmem:v12+s0+$0x0] =	vst.idx.msk $0xffff, v9  }
0x2e4: {  	v37 =	vld [tilespmem:s7+$0x0];
	v38 =	vadd.s32 v0, v20;
	[tilespmem:v13+s0+$0x0] =	vst.idx.msk $0xffff, v10  }
0x2e5: {  	v41 =	vadd.s32 v2, v7;
	v40 =	vld [tilespmem:s15+$0xFFFFFFE0];
	[tilespmem:v6+s0+$0x0] =	vst.idx.msk $0xffff, v30  }
0x2e6: {  	v49 =	vadd.s32 v2, v5;
	v48 =	vld [tilespmem:s15+$0x20];
	[tilespmem:v34+s0+$0x0] =	vst.idx.msk $0xffff, v33  }
0x2e7: {  	v43 =	vadd.s32 v1, v31;
	[tilespmem:v39+s0+$0x0] =	vst.idx.msk $0xffff, v22;
	v15 =	vld [tilespmem:s7+$0x50]  }
0x2e8: {  	v47 =	vadd.s32 v1, v21;
	[tilespmem:v36+s0+$0x0] =	vst.idx.msk $0xffff, v35;
	v46 =	vld [tilespmem:s7+$0xFFFFFF90]  }
0x2e9: {  	v44 =	vadd.s32 v1, v19;
	[tilespmem:v38+s0+$0x0] =	vst.idx.msk $0xffff, v37;
	v11 =	vld [tilespmem:s7+$0xFFFFFFD0]  }
0x2ea: {  	v45 =	vadd.s32 v1, v20;
	[tilespmem:v41+s0+$0x0] =	vst.idx.msk $0xffff, v40;
	v9 =	vld [tilespmem:s7+$0x10]  }
0x2eb: {  	v8 =	vadd.s32 v3, v8;
	v42 =	vld [tilespmem:s15+$0x70];
	[tilespmem:v49+s0+$0x0] =	vst.idx.msk $0xffff, v48  }
0x2ec: {  	v5 =	vadd.s32 v3, v5;
	v13 =	vld [tilespmem:s15+$0x30];
	[tilespmem:v43+s0+$0x0] =	vst.idx.msk $0xffff, v15  }
0x2ed: {  	v52 =	vadd.s32 v2, v31;
	[tilespmem:v47+s0+$0x0] =	vst.idx.msk $0xffff, v46;
	v15 =	vld [tilespmem:s7+$0x60]  }
0x2ee: {  	v57 =	vadd.s32 v2, v21;
	[tilespmem:v44+s0+$0x0] =	vst.idx.msk $0xffff, v11;
	v56 =	vld [tilespmem:s7+$0xFFFFFFA0]  }
0x2ef: {  	v53 =	vadd.s32 v2, v19;
	[tilespmem:v45+s0+$0x0] =	vst.idx.msk $0xffff, v9;
	v11 =	vld [tilespmem:s7+$0xFFFFFFE0]  }
0x2f0: {  	v55 =	vadd.s32 v2, v20;
	[tilespmem:v8+s0+$0x0] =	vst.idx.msk $0xffff, v42;
	v54 =	vld [tilespmem:s7+$0x20]  }
0x2f1: {  	v4 =	vadd.s32 v3, v4;
	v58 =	vld [tilespmem:s15+$0xFFFFFFB0];
	[tilespmem:v5+s0+$0x0] =	vst.idx.msk $0xffff, v13  }
0x2f2: {  	v51 =	vadd.s32 v3, v7;
	v50 =	vld [tilespmem:s15+$0xFFFFFFF0];
	[tilespmem:v52+s0+$0x0] =	vst.idx.msk $0xffff, v15  }
0x2f3: {  	v60 =	vadd.s32 v3, v31;
	[tilespmem:v57+s0+$0x0] =	vst.idx.msk $0xffff, v56;
	v59 =	vld [tilespmem:s7+$0x70]  }
0x2f4: {  	v63 =	vadd.s32 v3, v21;
	[tilespmem:v53+s0+$0x0] =	vst.idx.msk $0xffff, v11;
	v5 =	vld [tilespmem:s7+$0xFFFFFFB0]  }
0x2f5: {  	v61 =	vadd.s32 v3, v19;
	[tilespmem:v55+s0+$0x0] =	vst.idx.msk $0xffff, v54;
	v11 =	vld [tilespmem:s7+$0xFFFFFFF0]  }
0x2f6: {  	v62 =	vadd.s32 v3, v20;
	[tilespmem:v4+s0+$0x0] =	vst.idx.msk $0xffff, v58;
	v6 =	vld [tilespmem:s7+$0x30]  }
0x2f7: {  	[tilespmem:v51+s0+$0x0] =	vst.idx.msk $0xffff, v50  }
0x2f8: {  	[tilespmem:v60+s0+$0x0] =	vst.idx.msk $0xffff, v59  }
0x2f9: {  	[tilespmem:v63+s0+$0x0] =	vst.idx.msk $0xffff, v5  }
0x2fa: {  	[tilespmem:v61+s0+$0x0] =	vst.idx.msk $0xffff, v11  }
0x2fb: {  	s22 =	simm.s32 $0x10600;
	s15 =	sadd.s32 s13, s8;
	[tilespmem:v62+s0+$0x0] =	vst.idx.msk $0xffff, v6  }
0x2fc: {  	[hbm4b:s15+s3] =	stream.linear.scatter [tilespmem:s22], [sflag:$0x6], $0x80, $0x38;
	[tilespmem:$0x16C00] =	vst v63  }
0x2fd: {  	s16 =	sadd.s32 $0x10, s15;
	s7 =	simm.s32 $0x10688  }
0x2fe: {  	[hbm4b:s16+s3] =	stream.linear.scatter [tilespmem:s7], [sflag:$0x6], $0x80, $0x38;
	[tilespmem:$0x16C00] =	vst v63  }
0x2ff: {  	s17 =	simm.s32 $0x10710;
	s22 =	sadd.s32 $0x20, s15  }
0x300: {  	[hbm4b:s22+s3] =	stream.linear.scatter [tilespmem:s17], [sflag:$0x6], $0x80, $0x38;
	[tilespmem:$0x16C00] =	vst v63  }
0x301: {  	s7 =	simm.s32 $0x10798;
	s16 =	sadd.s32 $0x30, s15  }
0x302: {  	[hbm4b:s16+s3] =	stream.linear.scatter [tilespmem:s7], [sflag:$0x6], $0x80, $0x38;
	[tilespmem:$0x16C00] =	vst v63  }
0x303: {  	s17 =	simm.s32 $0x10820;
	s22 =	sadd.s32 $0x40, s15  }
0x304: {  	[hbm4b:s22+s3] =	stream.linear.scatter [tilespmem:s17], [sflag:$0x6], $0x80, $0x38;
	[tilespmem:$0x16C00] =	vst v63  }
0x305: {  	s2 =	simm.s32 $0x109B8;
	s7 =	simm.s32 $0x108A8;
	s16 =	sadd.s32 $0x50, s15  }
0x306: {  	[hbm4b:s16+s3] =	stream.linear.scatter [tilespmem:s7], [sflag:$0x6], $0x80, $0x38;
	[tilespmem:$0x16C00] =	vst v63  }
0x307: {  	s17 =	simm.s32 $0x10930;
	s22 =	sadd.s32 $0x60, s15;
	s7 =	simm.s32 $0x440  }
0x308: {  	[hbm4b:s22+s3] =	stream.linear.scatter [tilespmem:s17], [sflag:$0x6], $0x80, $0x38;
	[tilespmem:$0x16C00] =	vst v63  }
0x309: {  	s16 =	simm.s32 $0x2200;
	s17 =	sadd.s32 $0x70, s15;
	s15 =	sadd.s32 $0x1000, s15  }
.LBB2_25:
0x30a: {  	[hbm4b:s17+s3] =	stream.linear.scatter [tilespmem:s2], [sflag:$0x6], $0x80, $0x38;
	[tilespmem:$0x16C00] =	vst v63  }
0x30b: {  	s2 =	smov.u32 s7;
	s7 =	smov.u32 s16  }
0x30c: {  	s22 =	sadd.s32 $0x1100, s16;
	s7 =	sshra.s32 s7, $0x2;
	s17 =	sadd.s32 $0x10600, s2  }
0x30d: {  	[hbm4b:s15+s3] =	stream.linear.scatter [tilespmem:s17], [sflag:$0x6], $0x80, $0x38;
	[tilespmem:$0x16C00] =	vst v63  }
0x30e: {  	p0 =	sne.s32 s16, $0x7700;
	s16 =	sadd.s32 $0x10688, s2;
	s17 =	sadd.s32 $0x10, s15  }
0x30f: {  	[hbm4b:s17+s3] =	stream.linear.scatter [tilespmem:s16], [sflag:$0x6], $0x80, $0x38;
	[tilespmem:$0x16C00] =	vst v63  }
0x310: {  	s16 =	sadd.s32 $0x10710, s2;
	s17 =	sadd.s32 $0x20, s15  }
0x311: {  	[hbm4b:s17+s3] =	stream.linear.scatter [tilespmem:s16], [sflag:$0x6], $0x80, $0x38;
	[tilespmem:$0x16C00] =	vst v63  }
0x312: {  	s16 =	sadd.s32 $0x10798, s2;
	s17 =	sadd.s32 $0x30, s15  }
0x313: {  	[hbm4b:s17+s3] =	stream.linear.scatter [tilespmem:s16], [sflag:$0x6], $0x80, $0x38;
	[tilespmem:$0x16C00] =	vst v63  }
0x314: {  	s16 =	sadd.s32 $0x10820, s2;
	s17 =	sadd.s32 $0x40, s15  }
0x315: {  	[hbm4b:s17+s3] =	stream.linear.scatter [tilespmem:s16], [sflag:$0x6], $0x80, $0x38;
	[tilespmem:$0x16C00] =	vst v63  }
.Ltmp11:
0x316: {  	s16 =	sadd.s32 $0x108A8, s2;
	s17 =	sadd.s32 $0x50, s15;
	(pc) =	sbr.rel @p0 .LBB2_25-.Ltmp11, $4  }
0x317: {  	[hbm4b:s17+s3] =	stream.linear.scatter [tilespmem:s16], [sflag:$0x6], $0x80, $0x38;
	[tilespmem:$0x16C00] =	vst v63  }
0x318: {  	s16 =	sadd.s32 $0x10930, s2;
	s17 =	sadd.s32 $0x60, s15;
	s2 =	sadd.s32 $0x109B8, s2  }
0x319: {  	[hbm4b:s17+s3] =	stream.linear.scatter [tilespmem:s16], [sflag:$0x6], $0x80, $0x38;
	[tilespmem:$0x16C00] =	vst v63  }
0x31a: {  	s17 =	sadd.s32 $0x70, s15;
	s15 =	sadd.s32 $0x1000, s15;
	s16 =	smov.u32 s22  }
0x31b: {  	[hbm4b:s17+s3] =	stream.linear.scatter [tilespmem:s2], [sflag:$0x6], $0x80, $0x38;
	[tilespmem:$0x16C00] =	vst v63  }
0x31c: {  	s17 =	sadd.s32 $0x10600, s7  }
0x31d: {  	[hbm4b:s15+s3] =	stream.linear.scatter [tilespmem:s17], [sflag:$0x6], $0x80, $0x38;
	[tilespmem:$0x16C00] =	vst v63  }
0x31e: {  	s22 =	sadd.s32 $0x10688, s7;
	s16 =	sadd.s32 $0x10, s15  }
0x31f: {  	[hbm4b:s16+s3] =	stream.linear.scatter [tilespmem:s22], [sflag:$0x6], $0x80, $0x38;
	[tilespmem:$0x16C00] =	vst v63  }
0x320: {  	s17 =	sadd.s32 $0x10710, s7;
	s22 =	sadd.s32 $0x20, s15  }
0x321: {  	[hbm4b:s22+s3] =	stream.linear.scatter [tilespmem:s17], [sflag:$0x6], $0x80, $0x38;
	[tilespmem:$0x16C00] =	vst v63  }
0x322: {  	s17 =	sadd.s32 $0x10798, s7;
	s22 =	sadd.s32 $0x30, s15  }
0x323: {  	[hbm4b:s22+s3] =	stream.linear.scatter [tilespmem:s17], [sflag:$0x6], $0x80, $0x38;
	[tilespmem:$0x16C00] =	vst v63  }
0x324: {  	s17 =	sadd.s32 $0x10820, s7;
	s22 =	sadd.s32 $0x40, s15  }
0x325: {  	[hbm4b:s22+s3] =	stream.linear.scatter [tilespmem:s17], [sflag:$0x6], $0x80, $0x38;
	[tilespmem:$0x16C00] =	vst v63  }
0x326: {  	s17 =	sadd.s32 $0x108A8, s7;
	s22 =	sadd.s32 $0x50, s15  }
0x327: {  	[hbm4b:s22+s3] =	stream.linear.scatter [tilespmem:s17], [sflag:$0x6], $0x80, $0x38;
	[tilespmem:$0x16C00] =	vst v63  }
0x328: {  	s17 =	sadd.s32 $0x10930, s7;
	s22 =	sadd.s32 $0x60, s15  }
0x329: {  	[hbm4b:s22+s3] =	stream.linear.scatter [tilespmem:s17], [sflag:$0x6], $0x80, $0x38;
	[tilespmem:$0x16C00] =	vst v63  }
0x32a: {  	s16 =	sadd.s32 $0x109B8, s7;
	s17 =	sadd.s32 $0x70, s15  }
0x32b: {  	[hbm4b:s17+s3] =	stream.linear.scatter [tilespmem:s16], [sflag:$0x6], $0x80, $0x38;
	[tilespmem:$0x16C00] =	vst v63  }
0x32c: {  	s22 =	sadd.s32 $0x280, s14  }
0x32d: {  	[tilespmem:s23], [sflag:$0x2] =	stream.indirect.gather [hbm4b:s4+s19], $0x40, s22, s19, $0xb8;
	[tilespmem:$0x16C00] =	vst v63  }
0x32e: {  	_ =	swait.ge [sflag:s24], $0x2000  }
0x32f: {  	[sflag:s24] =	ssyncset.done $0x0  }
0x330: {  	[sflag:s24] =	ssyncadd.s32 $0xFFFFE000  }
0x331: {  	s7 =	simm.s32 $0x3;
	_ =	swait.ge [sflag:s21], $0x2000  }
0x332: {  	v4 =	vmov s7;
	s15 =	simm.s32 $0x0;
	[sflag:s21] =	ssyncset.done $0x0  }
0x333: {  	v5 =	vand.u32 $0x7F, v4;
	v4 =	vmov s15;
	s16 =	simm.s32 $0xA480;
	s17 =	simm.s32 $0x1;
	[sflag:s21] =	ssyncadd.s32 $0xFFFFE000  }
0x334: {  	v8 =	vadd.s32 v0, v5;
	v6 =	vand.u32 $0x7C, v4;
	v4 =	vmov s17;
	v7 =	vld [tilespmem:s16+$0x40]  }
0x335: {  	v10 =	vadd.s32 v0, v6;
	v11 =	vand.u32 $0x7D, v4;
	v9 =	vld [tilespmem:s16+$0xFFFFFF80]  }
0x336: {  	s22 =	simm.s32 $0x2;
	v12 =	vadd.s32 v0, v11;
	v4 =	vld [tilespmem:s16+$0xFFFFFFC0]  }
0x337: {  	v13 =	vmov s22  }
0x338: {  	v13 =	vand.u32 $0x7E, v13  }
0x339: {  	v15 =	vadd.s32 v0, v13;
	v14 =	vld [tilespmem:s16+$0x0];
	[tilespmem:v8+s26+$0x0] =	vst.idx.msk $0xffff, v7  }
0x33a: {  	v8 =	vadd.s32 v1, v5;
	[tilespmem:v10+s26+$0x0] =	vst.idx.msk $0xffff, v9;
	v7 =	vld [tilespmem:s16+$0x50]  }
0x33b: {  	v10 =	vadd.s32 v1, v6;
	[tilespmem:v12+s26+$0x0] =	vst.idx.msk $0xffff, v4;
	v9 =	vld [tilespmem:s16+$0xFFFFFF90]  }
0x33c: {  	v12 =	vadd.s32 v1, v11;
	v4 =	vld [tilespmem:s16+$0xFFFFFFD0];
	_ =	sdelay $0x1  }
0x33d: {  	[tilespmem:v15+s26+$0x0] =	vst.idx.msk $0xffff, v14  }
0x33e: {  	v16 =	vadd.s32 v1, v13;
	v15 =	vld [tilespmem:s16+$0x10];
	[tilespmem:v8+s26+$0x0] =	vst.idx.msk $0xffff, v7  }
0x33f: {  	s7 =	simm.s32 $0x7;
	v14 =	vadd.s32 v2, v5;
	[tilespmem:v10+s26+$0x0] =	vst.idx.msk $0xffff, v9;
	v7 =	vld [tilespmem:s16+$0x60]  }
0x340: {  	s15 =	simm.s32 $0x4;
	v10 =	vadd.s32 v2, v6;
	v8 =	vmov s7;
	[tilespmem:v12+s26+$0x0] =	vst.idx.msk $0xffff, v4;
	v9 =	vld [tilespmem:s16+$0xFFFFFFA0]  }
0x341: {  	v17 =	vadd.s32 v2, v11;
	v4 =	vmov s15;
	s15 =	simm.s32 $0xA580;
	v8 =	vand.u32 $0x7F, v8;
	v12 =	vld [tilespmem:s16+$0xFFFFFFE0]  }
0x342: {  	v18 =	vld [tilespmem:s15+$0x40];
	v19 =	vadd.s32 v0, v8  }
0x343: {  	s17 =	simm.s32 $0x5;
	[tilespmem:v16+s26+$0x0] =	vst.idx.msk $0xffff, v15  }
0x344: {  	v22 =	vmov s17;
	v4 =	vand.u32 $0x7C, v4;
	[tilespmem:v14+s26+$0x0] =	vst.idx.msk $0xffff, v7  }
0x345: {  	s22 =	simm.s32 $0x6;
	v20 =	vld [tilespmem:s15+$0xFFFFFF80];
	v21 =	vadd.s32 v0, v4;
	v7 =	vand.u32 $0x7D, v22;
	[tilespmem:v10+s26+$0x0] =	vst.idx.msk $0xffff, v9  }
0x346: {  	v14 =	vmov s22;
	v9 =	vld [tilespmem:s15+$0xFFFFFFC0];
	[tilespmem:v17+s26+$0x0] =	vst.idx.msk $0xffff, v12;
	v10 =	vadd.s32 v0, v7  }
0x347: {  	v16 =	vadd.s32 v3, v5;
	v12 =	vld [tilespmem:s16+$0x20];
	v5 =	vand.u32 $0x7E, v14;
	[tilespmem:v19+s26+$0x0] =	vst.idx.msk $0xffff, v18;
	v18 =	vadd.s32 v2, v13  }
0x348: {  	v14 =	vld [tilespmem:s15+$0x0];
	v63 =	vadd.s32 v0, v5  }
0x349: {  	v15 =	vld [tilespmem:s16+$0x70]  }
0x34a: {  	[tilespmem:v21+s26+$0x0] =	vst.idx.msk $0xffff, v20;
	v20 =	vadd.s32 v1, v8;
	v19 =	vld [tilespmem:s15+$0x50]  }
0x34b: {  	v23 =	vadd.s32 v1, v4;
	v21 =	vld [tilespmem:s15+$0xFFFFFF90];
	[tilespmem:v10+s26+$0x0] =	vst.idx.msk $0xffff, v9  }
0x34c: {  	v25 =	vadd.s32 v3, v11;
	v24 =	vld [tilespmem:s16+$0xFFFFFFF0];
	[tilespmem:v18+s26+$0x0] =	vst.idx.msk $0xffff, v12  }
0x34d: {  	v18 =	vadd.s32 v1, v7;
	v17 =	vld [tilespmem:s15+$0xFFFFFFD0];
	[tilespmem:v63+s26+$0x0] =	vst.idx.msk $0xffff, v14  }
0x34e: {  	[tilespmem:v16+s26+$0x0] =	vst.idx.msk $0xffff, v15;
	v16 =	vadd.s32 v1, v5;
	v15 =	vld [tilespmem:s15+$0x10]  }
0x34f: {  	[tilespmem:v20+s26+$0x0] =	vst.idx.msk $0xffff, v19;
	v11 =	vld [tilespmem:s16+$0x30];
	v14 =	vadd.s32 v3, v13  }
0x350: {  	v12 =	vadd.s32 v2, v8;
	[tilespmem:v23+s26+$0x0] =	vst.idx.msk $0xffff, v21;
	v9 =	vld [tilespmem:s15+$0x60]  }
0x351: {  	s2 =	simm.s32 $0xB;
	s17 =	simm.s32 $0x8;
	s7 =	simm.s32 $0xC;
	[tilespmem:v25+s26+$0x0] =	vst.idx.msk $0xffff, v24;
	v13 =	vadd.s32 v2, v4;
	v10 =	vld [tilespmem:s15+$0xFFFFFFA0]  }
.LBB2_27:
0x352: {  	p0 =	slt.u32 s7, $0x7C;
	v19 =	vmov s2;
	[tilespmem:v18+s26+$0x0] =	vst.idx.msk $0xffff, v17;
	v17 =	vld [tilespmem:s16+$0xFFFFFFB0];
	v18 =	vadd.s32 v3, v6;
	v6 =	vmov v4;
	s16 =	smov.u32 s15  }
0x353: {  	v4 =	vmov s17;
	v21 =	vadd.s32 v2, v7;
	s15 =	sadd.s32 $0x100, s15;
	v19 =	vand.u32 $0x7F, v19;
	v20 =	vld [tilespmem:s16+$0xFFFFFFE0];
	[tilespmem:v16+s26+$0x0] =	vst.idx.msk $0xffff, v15  }
0x354: {  	s2 =	sadd.s32 $0x1, s17;
	v4 =	vand.u32 $0x7C, v4;
	v15 =	vld [tilespmem:s15+$0x40];
	v16 =	vadd.s32 v0, v19;
	[tilespmem:v14+s26+$0x0] =	vst.idx.msk $0xffff, v11  }
0x355: {  	v22 =	vmov s2;
	s2 =	sadd.s32 $0x2, s17;
	s17 =	smov.u32 s7;
	v14 =	vadd.s32 v0, v4;
	v11 =	vld [tilespmem:s15+$0xFFFFFF80];
	[tilespmem:v12+s26+$0x0] =	vst.idx.msk $0xffff, v9  }
0x356: {  	v9 =	vand.u32 $0x7D, v22;
	v12 =	vmov s2;
	[tilespmem:v13+s26+$0x0] =	vst.idx.msk $0xffff, v10;
	v10 =	vld [tilespmem:s16+$0x70];
	v13 =	vadd.s32 v3, v8;
	v8 =	vmovc v19  }
0x357: {  	v22 =	vadd.s32 v0, v9;
	v12 =	vand.u32 $0x7E, v12;
	v19 =	vld [tilespmem:s15+$0xFFFFFFC0];
	[tilespmem:v18+s26+$0x0] =	vst.idx.msk $0xffff, v17  }
0x358: {  	v24 =	vadd.s32 v0, v12;
	v23 =	vld [tilespmem:s15+$0x0];
	[tilespmem:v21+s26+$0x0] =	vst.idx.msk $0xffff, v20  }
0x359: {  	v21 =	vadd.s32 v2, v5;
	[tilespmem:v16+s26+$0x0] =	vst.idx.msk $0xffff, v15;
	v20 =	vld [tilespmem:s16+$0x20]  }
0x35a: {  	[tilespmem:v14+s26+$0x0] =	vst.idx.msk $0xffff, v11;
	v11 =	vld [tilespmem:s15+$0x50];
	v14 =	vadd.s32 v1, v8  }
0x35b: {  	v26 =	vadd.s32 v1, v4;
	v25 =	vld [tilespmem:s15+$0xFFFFFF90];
	[tilespmem:v13+s26+$0x0] =	vst.idx.msk $0xffff, v10  }
0x35c: {  	[tilespmem:v22+s26+$0x0] =	vst.idx.msk $0xffff, v19;
	v19 =	vld [tilespmem:s16+$0xFFFFFFF0];
	v22 =	vadd.s32 v3, v7;
	v7 =	vmov v9  }
.Ltmp12:
0x35d: {  	v17 =	vld [tilespmem:s15+$0xFFFFFFD0];
	v18 =	vadd.s32 v1, v7;
	[tilespmem:v24+s26+$0x0] =	vst.idx.msk $0xffff, v23;
	(pc) =	sbr.rel @p0 .LBB2_27-.Ltmp12, $4  }
0x35e: {  	v16 =	vadd.s32 v1, v12;
	v15 =	vld [tilespmem:s15+$0x10];
	[tilespmem:v21+s26+$0x0] =	vst.idx.msk $0xffff, v20  }
0x35f: {  	[tilespmem:v14+s26+$0x0] =	vst.idx.msk $0xffff, v11;
	v11 =	vld [tilespmem:s16+$0x30];
	v14 =	vadd.s32 v3, v5;
	v5 =	vmov v12  }
0x360: {  	v12 =	vadd.s32 v2, v8;
	[tilespmem:v26+s26+$0x0] =	vst.idx.msk $0xffff, v25;
	v9 =	vld [tilespmem:s15+$0x60]  }
0x361: {  	s7 =	sadd.s32 $0x4, s7;
	s2 =	sadd.s32 $0x3, s17;
	v13 =	vadd.s32 v2, v4;
	v10 =	vld [tilespmem:s15+$0xFFFFFFA0];
	[tilespmem:v22+s26+$0x0] =	vst.idx.msk $0xffff, v19  }
0x362: {  	_ =	sdelay $0x2  }
0x363: {  	v19 =	vmov s2  }
0x364: {  	s22 =	sadd.s32 $0x1, s17;
	[tilespmem:v18+s26+$0x0] =	vst.idx.msk $0xffff, v17;
	v30 =	vld [tilespmem:s16+$0xFFFFFFB0];
	v6 =	vadd.s32 v3, v6;
	s7 =	sadd.s32 $0x100, s15;
	v21 =	vmov s17;
	v31 =	vand.u32 $0x7F, v19  }
0x365: {  	s16 =	sadd.s32 $0x2, s17;
	v32 =	vmov s22;
	[tilespmem:v16+s26+$0x0] =	vst.idx.msk $0xffff, v15;
	v33 =	vld [tilespmem:s7+$0x40];
	v21 =	vand.u32 $0x7C, v21;
	v34 =	vadd.s32 v0, v31  }
0x366: {  	v20 =	vmov s16;
	v22 =	vld [tilespmem:s7+$0xFFFFFF80];
	v19 =	vand.u32 $0x7D, v32;
	[tilespmem:v14+s26+$0x0] =	vst.idx.msk $0xffff, v11;
	v39 =	vadd.s32 v0, v21  }
0x367: {  	v35 =	vld [tilespmem:s7+$0xFFFFFFC0];
	v20 =	vand.u32 $0x7E, v20;
	v36 =	vadd.s32 v0, v19;
	[tilespmem:v12+s26+$0x0] =	vst.idx.msk $0xffff, v9  }
0x368: {  	v37 =	vld [tilespmem:s7+$0x0];
	v38 =	vadd.s32 v0, v20;
	[tilespmem:v13+s26+$0x0] =	vst.idx.msk $0xffff, v10  }
0x369: {  	v41 =	vadd.s32 v2, v7;
	v40 =	vld [tilespmem:s15+$0xFFFFFFE0];
	[tilespmem:v6+s26+$0x0] =	vst.idx.msk $0xffff, v30  }
0x36a: {  	v49 =	vadd.s32 v2, v5;
	v48 =	vld [tilespmem:s15+$0x20];
	[tilespmem:v34+s26+$0x0] =	vst.idx.msk $0xffff, v33  }
0x36b: {  	v43 =	vadd.s32 v1, v31;
	[tilespmem:v39+s26+$0x0] =	vst.idx.msk $0xffff, v22;
	v15 =	vld [tilespmem:s7+$0x50]  }
0x36c: {  	v47 =	vadd.s32 v1, v21;
	[tilespmem:v36+s26+$0x0] =	vst.idx.msk $0xffff, v35;
	v46 =	vld [tilespmem:s7+$0xFFFFFF90]  }
0x36d: {  	v44 =	vadd.s32 v1, v19;
	[tilespmem:v38+s26+$0x0] =	vst.idx.msk $0xffff, v37;
	v11 =	vld [tilespmem:s7+$0xFFFFFFD0]  }
0x36e: {  	v45 =	vadd.s32 v1, v20;
	[tilespmem:v41+s26+$0x0] =	vst.idx.msk $0xffff, v40;
	v9 =	vld [tilespmem:s7+$0x10]  }
0x36f: {  	v8 =	vadd.s32 v3, v8;
	v42 =	vld [tilespmem:s15+$0x70];
	[tilespmem:v49+s26+$0x0] =	vst.idx.msk $0xffff, v48  }
0x370: {  	v5 =	vadd.s32 v3, v5;
	v13 =	vld [tilespmem:s15+$0x30];
	[tilespmem:v43+s26+$0x0] =	vst.idx.msk $0xffff, v15  }
0x371: {  	v52 =	vadd.s32 v2, v31;
	[tilespmem:v47+s26+$0x0] =	vst.idx.msk $0xffff, v46;
	v15 =	vld [tilespmem:s7+$0x60]  }
0x372: {  	v57 =	vadd.s32 v2, v21;
	[tilespmem:v44+s26+$0x0] =	vst.idx.msk $0xffff, v11;
	v56 =	vld [tilespmem:s7+$0xFFFFFFA0]  }
0x373: {  	v53 =	vadd.s32 v2, v19;
	[tilespmem:v45+s26+$0x0] =	vst.idx.msk $0xffff, v9;
	v11 =	vld [tilespmem:s7+$0xFFFFFFE0]  }
0x374: {  	v55 =	vadd.s32 v2, v20;
	[tilespmem:v8+s26+$0x0] =	vst.idx.msk $0xffff, v42;
	v54 =	vld [tilespmem:s7+$0x20]  }
0x375: {  	v4 =	vadd.s32 v3, v4;
	v58 =	vld [tilespmem:s15+$0xFFFFFFB0];
	[tilespmem:v5+s26+$0x0] =	vst.idx.msk $0xffff, v13  }
0x376: {  	v51 =	vadd.s32 v3, v7;
	v50 =	vld [tilespmem:s15+$0xFFFFFFF0];
	[tilespmem:v52+s26+$0x0] =	vst.idx.msk $0xffff, v15  }
0x377: {  	v60 =	vadd.s32 v3, v31;
	[tilespmem:v57+s26+$0x0] =	vst.idx.msk $0xffff, v56;
	v59 =	vld [tilespmem:s7+$0x70]  }
0x378: {  	v63 =	vadd.s32 v3, v21;
	[tilespmem:v53+s26+$0x0] =	vst.idx.msk $0xffff, v11;
	v5 =	vld [tilespmem:s7+$0xFFFFFFB0]  }
0x379: {  	v61 =	vadd.s32 v3, v19;
	[tilespmem:v55+s26+$0x0] =	vst.idx.msk $0xffff, v54;
	v11 =	vld [tilespmem:s7+$0xFFFFFFF0]  }
0x37a: {  	v62 =	vadd.s32 v3, v20;
	[tilespmem:v4+s26+$0x0] =	vst.idx.msk $0xffff, v58;
	v6 =	vld [tilespmem:s7+$0x30]  }
0x37b: {  	[tilespmem:v51+s26+$0x0] =	vst.idx.msk $0xffff, v50  }
0x37c: {  	[tilespmem:v60+s26+$0x0] =	vst.idx.msk $0xffff, v59  }
0x37d: {  	[tilespmem:v63+s26+$0x0] =	vst.idx.msk $0xffff, v5  }
0x37e: {  	[tilespmem:v61+s26+$0x0] =	vst.idx.msk $0xffff, v11  }
0x37f: {  	s22 =	simm.s32 $0x12800;
	s15 =	sadd.s32 s13, s10;
	[tilespmem:v62+s26+$0x0] =	vst.idx.msk $0xffff, v6  }
0x380: {  	[hbm4b:s15+s3] =	stream.linear.scatter [tilespmem:s22], [sflag:$0x7], $0x80, $0x38;
	[tilespmem:$0x16C00] =	vst v63  }
0x381: {  	s16 =	sadd.s32 $0x10, s15;
	s7 =	simm.s32 $0x12888  }
0x382: {  	[hbm4b:s16+s3] =	stream.linear.scatter [tilespmem:s7], [sflag:$0x7], $0x80, $0x38;
	[tilespmem:$0x16C00] =	vst v63  }
0x383: {  	s17 =	simm.s32 $0x12910;
	s22 =	sadd.s32 $0x20, s15  }
0x384: {  	[hbm4b:s22+s3] =	stream.linear.scatter [tilespmem:s17], [sflag:$0x7], $0x80, $0x38;
	[tilespmem:$0x16C00] =	vst v63  }
0x385: {  	s7 =	simm.s32 $0x12998;
	s16 =	sadd.s32 $0x30, s15  }
0x386: {  	[hbm4b:s16+s3] =	stream.linear.scatter [tilespmem:s7], [sflag:$0x7], $0x80, $0x38;
	[tilespmem:$0x16C00] =	vst v63  }
0x387: {  	s17 =	simm.s32 $0x12A20;
	s22 =	sadd.s32 $0x40, s15  }
0x388: {  	[hbm4b:s22+s3] =	stream.linear.scatter [tilespmem:s17], [sflag:$0x7], $0x80, $0x38;
	[tilespmem:$0x16C00] =	vst v63  }
0x389: {  	s2 =	simm.s32 $0x12BB8;
	s7 =	simm.s32 $0x12AA8;
	s16 =	sadd.s32 $0x50, s15  }
0x38a: {  	[hbm4b:s16+s3] =	stream.linear.scatter [tilespmem:s7], [sflag:$0x7], $0x80, $0x38;
	[tilespmem:$0x16C00] =	vst v63  }
0x38b: {  	s17 =	simm.s32 $0x12B30;
	s22 =	sadd.s32 $0x60, s15;
	s7 =	simm.s32 $0x440  }
0x38c: {  	[hbm4b:s22+s3] =	stream.linear.scatter [tilespmem:s17], [sflag:$0x7], $0x80, $0x38;
	[tilespmem:$0x16C00] =	vst v63  }
0x38d: {  	s16 =	simm.s32 $0x2200;
	s17 =	sadd.s32 $0x70, s15;
	s15 =	sadd.s32 $0x1000, s15  }
.LBB2_29:
0x38e: {  	[hbm4b:s17+s3] =	stream.linear.scatter [tilespmem:s2], [sflag:$0x7], $0x80, $0x38;
	[tilespmem:$0x16C00] =	vst v63  }
0x38f: {  	s2 =	smov.u32 s7;
	s7 =	smov.u32 s16  }
0x390: {  	s22 =	sadd.s32 $0x1100, s16;
	s7 =	sshra.s32 s7, $0x2;
	s17 =	sadd.s32 $0x12800, s2  }
0x391: {  	[hbm4b:s15+s3] =	stream.linear.scatter [tilespmem:s17], [sflag:$0x7], $0x80, $0x38;
	[tilespmem:$0x16C00] =	vst v63  }
0x392: {  	p0 =	sne.s32 s16, $0x7700;
	s16 =	sadd.s32 $0x12888, s2;
	s17 =	sadd.s32 $0x10, s15  }
0x393: {  	[hbm4b:s17+s3] =	stream.linear.scatter [tilespmem:s16], [sflag:$0x7], $0x80, $0x38;
	[tilespmem:$0x16C00] =	vst v63  }
0x394: {  	s16 =	sadd.s32 $0x12910, s2;
	s17 =	sadd.s32 $0x20, s15  }
0x395: {  	[hbm4b:s17+s3] =	stream.linear.scatter [tilespmem:s16], [sflag:$0x7], $0x80, $0x38;
	[tilespmem:$0x16C00] =	vst v63  }
0x396: {  	s16 =	sadd.s32 $0x12998, s2;
	s17 =	sadd.s32 $0x30, s15  }
0x397: {  	[hbm4b:s17+s3] =	stream.linear.scatter [tilespmem:s16], [sflag:$0x7], $0x80, $0x38;
	[tilespmem:$0x16C00] =	vst v63  }
0x398: {  	s16 =	sadd.s32 $0x12A20, s2;
	s17 =	sadd.s32 $0x40, s15  }
0x399: {  	[hbm4b:s17+s3] =	stream.linear.scatter [tilespmem:s16], [sflag:$0x7], $0x80, $0x38;
	[tilespmem:$0x16C00] =	vst v63  }
.Ltmp13:
0x39a: {  	s16 =	sadd.s32 $0x12AA8, s2;
	s17 =	sadd.s32 $0x50, s15;
	(pc) =	sbr.rel @p0 .LBB2_29-.Ltmp13, $4  }
0x39b: {  	[hbm4b:s17+s3] =	stream.linear.scatter [tilespmem:s16], [sflag:$0x7], $0x80, $0x38;
	[tilespmem:$0x16C00] =	vst v63  }
0x39c: {  	s16 =	sadd.s32 $0x12B30, s2;
	s17 =	sadd.s32 $0x60, s15;
	s2 =	sadd.s32 $0x12BB8, s2  }
0x39d: {  	[hbm4b:s17+s3] =	stream.linear.scatter [tilespmem:s16], [sflag:$0x7], $0x80, $0x38;
	[tilespmem:$0x16C00] =	vst v63  }
0x39e: {  	s17 =	sadd.s32 $0x70, s15;
	s15 =	sadd.s32 $0x1000, s15;
	s16 =	smov.u32 s22  }
0x39f: {  	[hbm4b:s17+s3] =	stream.linear.scatter [tilespmem:s2], [sflag:$0x7], $0x80, $0x38;
	[tilespmem:$0x16C00] =	vst v63  }
0x3a0: {  	s17 =	sadd.s32 $0x12800, s7  }
0x3a1: {  	[hbm4b:s15+s3] =	stream.linear.scatter [tilespmem:s17], [sflag:$0x7], $0x80, $0x38;
	[tilespmem:$0x16C00] =	vst v63  }
0x3a2: {  	s22 =	sadd.s32 $0x12888, s7;
	s16 =	sadd.s32 $0x10, s15  }
0x3a3: {  	[hbm4b:s16+s3] =	stream.linear.scatter [tilespmem:s22], [sflag:$0x7], $0x80, $0x38;
	[tilespmem:$0x16C00] =	vst v63  }
0x3a4: {  	s17 =	sadd.s32 $0x12910, s7;
	s22 =	sadd.s32 $0x20, s15  }
0x3a5: {  	[hbm4b:s22+s3] =	stream.linear.scatter [tilespmem:s17], [sflag:$0x7], $0x80, $0x38;
	[tilespmem:$0x16C00] =	vst v63  }
0x3a6: {  	s17 =	sadd.s32 $0x12998, s7;
	s22 =	sadd.s32 $0x30, s15  }
0x3a7: {  	[hbm4b:s22+s3] =	stream.linear.scatter [tilespmem:s17], [sflag:$0x7], $0x80, $0x38;
	[tilespmem:$0x16C00] =	vst v63  }
0x3a8: {  	s17 =	sadd.s32 $0x12A20, s7;
	s22 =	sadd.s32 $0x40, s15  }
0x3a9: {  	[hbm4b:s22+s3] =	stream.linear.scatter [tilespmem:s17], [sflag:$0x7], $0x80, $0x38;
	[tilespmem:$0x16C00] =	vst v63  }
0x3aa: {  	s17 =	sadd.s32 $0x12AA8, s7;
	s22 =	sadd.s32 $0x50, s15  }
0x3ab: {  	[hbm4b:s22+s3] =	stream.linear.scatter [tilespmem:s17], [sflag:$0x7], $0x80, $0x38;
	[tilespmem:$0x16C00] =	vst v63  }
0x3ac: {  	s17 =	sadd.s32 $0x12B30, s7;
	s22 =	sadd.s32 $0x60, s15  }
0x3ad: {  	[hbm4b:s22+s3] =	stream.linear.scatter [tilespmem:s17], [sflag:$0x7], $0x80, $0x38;
	[tilespmem:$0x16C00] =	vst v63  }
0x3ae: {  	s16 =	sadd.s32 $0x12BB8, s7;
	s17 =	sadd.s32 $0x70, s15  }
0x3af: {  	[hbm4b:s17+s3] =	stream.linear.scatter [tilespmem:s16], [sflag:$0x7], $0x80, $0x38;
	[tilespmem:$0x16C00] =	vst v63  }
0x3b0: {  	s22 =	sadd.s32 $0x300, s14  }
0x3b1: {  	[tilespmem:s25], [sflag:$0x3] =	stream.indirect.gather [hbm4b:s4+s19], $0x40, s22, s19, $0xb8;
	[tilespmem:$0x16C00] =	vst v63  }
0x3b2: {  	_ =	swait.ge [sflag:s20], $0x2000  }
0x3b3: {  	[sflag:s20] =	ssyncset.done $0x0  }
0x3b4: {  	[sflag:s20] =	ssyncadd.s32 $0xFFFFE000  }
0x3b5: {  	s7 =	simm.s32 $0x3;
	_ =	swait.ge [sflag:s9], $0x2000  }
0x3b6: {  	v4 =	vmov s7;
	s15 =	simm.s32 $0x0;
	[sflag:s9] =	ssyncset.done $0x0  }
0x3b7: {  	v5 =	vand.u32 $0x7F, v4;
	v4 =	vmov s15;
	s16 =	simm.s32 $0xC480;
	s17 =	simm.s32 $0x1;
	[sflag:s9] =	ssyncadd.s32 $0xFFFFE000  }
0x3b8: {  	v8 =	vadd.s32 v0, v5;
	v6 =	vand.u32 $0x7C, v4;
	v4 =	vmov s17;
	v7 =	vld [tilespmem:s16+$0x40]  }
0x3b9: {  	v10 =	vadd.s32 v0, v6;
	v11 =	vand.u32 $0x7D, v4;
	v9 =	vld [tilespmem:s16+$0xFFFFFF80]  }
0x3ba: {  	s22 =	simm.s32 $0x2;
	v12 =	vadd.s32 v0, v11;
	v4 =	vld [tilespmem:s16+$0xFFFFFFC0]  }
0x3bb: {  	v13 =	vmov s22  }
0x3bc: {  	v13 =	vand.u32 $0x7E, v13  }
0x3bd: {  	v15 =	vadd.s32 v0, v13;
	v14 =	vld [tilespmem:s16+$0x0];
	[tilespmem:v8+s31+$0x0] =	vst.idx.msk $0xffff, v7  }
0x3be: {  	v8 =	vadd.s32 v1, v5;
	[tilespmem:v10+s31+$0x0] =	vst.idx.msk $0xffff, v9;
	v7 =	vld [tilespmem:s16+$0x50]  }
0x3bf: {  	v10 =	vadd.s32 v1, v6;
	[tilespmem:v12+s31+$0x0] =	vst.idx.msk $0xffff, v4;
	v9 =	vld [tilespmem:s16+$0xFFFFFF90]  }
0x3c0: {  	v12 =	vadd.s32 v1, v11;
	v4 =	vld [tilespmem:s16+$0xFFFFFFD0];
	_ =	sdelay $0x1  }
0x3c1: {  	[tilespmem:v15+s31+$0x0] =	vst.idx.msk $0xffff, v14  }
0x3c2: {  	v16 =	vadd.s32 v1, v13;
	v15 =	vld [tilespmem:s16+$0x10];
	[tilespmem:v8+s31+$0x0] =	vst.idx.msk $0xffff, v7  }
0x3c3: {  	s7 =	simm.s32 $0x7;
	v14 =	vadd.s32 v2, v5;
	[tilespmem:v10+s31+$0x0] =	vst.idx.msk $0xffff, v9;
	v7 =	vld [tilespmem:s16+$0x60]  }
0x3c4: {  	s15 =	simm.s32 $0x4;
	v10 =	vadd.s32 v2, v6;
	v8 =	vmov s7;
	[tilespmem:v12+s31+$0x0] =	vst.idx.msk $0xffff, v4;
	v9 =	vld [tilespmem:s16+$0xFFFFFFA0]  }
0x3c5: {  	v17 =	vadd.s32 v2, v11;
	v4 =	vmov s15;
	s15 =	simm.s32 $0xC580;
	v8 =	vand.u32 $0x7F, v8;
	v12 =	vld [tilespmem:s16+$0xFFFFFFE0]  }
0x3c6: {  	v18 =	vld [tilespmem:s15+$0x40];
	v19 =	vadd.s32 v0, v8  }
0x3c7: {  	s17 =	simm.s32 $0x5;
	[tilespmem:v16+s31+$0x0] =	vst.idx.msk $0xffff, v15  }
0x3c8: {  	v22 =	vmov s17;
	v4 =	vand.u32 $0x7C, v4;
	[tilespmem:v14+s31+$0x0] =	vst.idx.msk $0xffff, v7  }
0x3c9: {  	s22 =	simm.s32 $0x6;
	v20 =	vld [tilespmem:s15+$0xFFFFFF80];
	v21 =	vadd.s32 v0, v4;
	v7 =	vand.u32 $0x7D, v22;
	[tilespmem:v10+s31+$0x0] =	vst.idx.msk $0xffff, v9  }
0x3ca: {  	v14 =	vmov s22;
	v9 =	vld [tilespmem:s15+$0xFFFFFFC0];
	[tilespmem:v17+s31+$0x0] =	vst.idx.msk $0xffff, v12;
	v10 =	vadd.s32 v0, v7  }
0x3cb: {  	v16 =	vadd.s32 v3, v5;
	v12 =	vld [tilespmem:s16+$0x20];
	v5 =	vand.u32 $0x7E, v14;
	[tilespmem:v19+s31+$0x0] =	vst.idx.msk $0xffff, v18;
	v18 =	vadd.s32 v2, v13  }
0x3cc: {  	v14 =	vld [tilespmem:s15+$0x0];
	v63 =	vadd.s32 v0, v5  }
0x3cd: {  	v15 =	vld [tilespmem:s16+$0x70]  }
0x3ce: {  	[tilespmem:v21+s31+$0x0] =	vst.idx.msk $0xffff, v20;
	v20 =	vadd.s32 v1, v8;
	v19 =	vld [tilespmem:s15+$0x50]  }
0x3cf: {  	v23 =	vadd.s32 v1, v4;
	v21 =	vld [tilespmem:s15+$0xFFFFFF90];
	[tilespmem:v10+s31+$0x0] =	vst.idx.msk $0xffff, v9  }
0x3d0: {  	v25 =	vadd.s32 v3, v11;
	v24 =	vld [tilespmem:s16+$0xFFFFFFF0];
	[tilespmem:v18+s31+$0x0] =	vst.idx.msk $0xffff, v12  }
0x3d1: {  	v18 =	vadd.s32 v1, v7;
	v17 =	vld [tilespmem:s15+$0xFFFFFFD0];
	[tilespmem:v63+s31+$0x0] =	vst.idx.msk $0xffff, v14  }
0x3d2: {  	[tilespmem:v16+s31+$0x0] =	vst.idx.msk $0xffff, v15;
	v16 =	vadd.s32 v1, v5;
	v15 =	vld [tilespmem:s15+$0x10]  }
0x3d3: {  	[tilespmem:v20+s31+$0x0] =	vst.idx.msk $0xffff, v19;
	v11 =	vld [tilespmem:s16+$0x30];
	v14 =	vadd.s32 v3, v13  }
0x3d4: {  	v12 =	vadd.s32 v2, v8;
	[tilespmem:v23+s31+$0x0] =	vst.idx.msk $0xffff, v21;
	v9 =	vld [tilespmem:s15+$0x60]  }
0x3d5: {  	s2 =	simm.s32 $0xB;
	s17 =	simm.s32 $0x8;
	s7 =	simm.s32 $0xC;
	[tilespmem:v25+s31+$0x0] =	vst.idx.msk $0xffff, v24;
	v13 =	vadd.s32 v2, v4;
	v10 =	vld [tilespmem:s15+$0xFFFFFFA0]  }
.LBB2_31:
0x3d6: {  	p0 =	slt.u32 s7, $0x7C;
	v19 =	vmov s2;
	[tilespmem:v18+s31+$0x0] =	vst.idx.msk $0xffff, v17;
	v17 =	vld [tilespmem:s16+$0xFFFFFFB0];
	v18 =	vadd.s32 v3, v6;
	v6 =	vmov v4;
	s16 =	smov.u32 s15  }
0x3d7: {  	v4 =	vmov s17;
	v21 =	vadd.s32 v2, v7;
	s15 =	sadd.s32 $0x100, s15;
	v19 =	vand.u32 $0x7F, v19;
	v20 =	vld [tilespmem:s16+$0xFFFFFFE0];
	[tilespmem:v16+s31+$0x0] =	vst.idx.msk $0xffff, v15  }
0x3d8: {  	s2 =	sadd.s32 $0x1, s17;
	v4 =	vand.u32 $0x7C, v4;
	v15 =	vld [tilespmem:s15+$0x40];
	v16 =	vadd.s32 v0, v19;
	[tilespmem:v14+s31+$0x0] =	vst.idx.msk $0xffff, v11  }
0x3d9: {  	v22 =	vmov s2;
	s2 =	sadd.s32 $0x2, s17;
	s17 =	smov.u32 s7;
	v14 =	vadd.s32 v0, v4;
	v11 =	vld [tilespmem:s15+$0xFFFFFF80];
	[tilespmem:v12+s31+$0x0] =	vst.idx.msk $0xffff, v9  }
0x3da: {  	v9 =	vand.u32 $0x7D, v22;
	v12 =	vmov s2;
	[tilespmem:v13+s31+$0x0] =	vst.idx.msk $0xffff, v10;
	v10 =	vld [tilespmem:s16+$0x70];
	v13 =	vadd.s32 v3, v8;
	v8 =	vmovc v19  }
0x3db: {  	v22 =	vadd.s32 v0, v9;
	v12 =	vand.u32 $0x7E, v12;
	v19 =	vld [tilespmem:s15+$0xFFFFFFC0];
	[tilespmem:v18+s31+$0x0] =	vst.idx.msk $0xffff, v17  }
0x3dc: {  	v24 =	vadd.s32 v0, v12;
	v23 =	vld [tilespmem:s15+$0x0];
	[tilespmem:v21+s31+$0x0] =	vst.idx.msk $0xffff, v20  }
0x3dd: {  	v21 =	vadd.s32 v2, v5;
	[tilespmem:v16+s31+$0x0] =	vst.idx.msk $0xffff, v15;
	v20 =	vld [tilespmem:s16+$0x20]  }
0x3de: {  	[tilespmem:v14+s31+$0x0] =	vst.idx.msk $0xffff, v11;
	v11 =	vld [tilespmem:s15+$0x50];
	v14 =	vadd.s32 v1, v8  }
0x3df: {  	v26 =	vadd.s32 v1, v4;
	v25 =	vld [tilespmem:s15+$0xFFFFFF90];
	[tilespmem:v13+s31+$0x0] =	vst.idx.msk $0xffff, v10  }
0x3e0: {  	[tilespmem:v22+s31+$0x0] =	vst.idx.msk $0xffff, v19;
	v19 =	vld [tilespmem:s16+$0xFFFFFFF0];
	v22 =	vadd.s32 v3, v7;
	v7 =	vmov v9  }
.Ltmp14:
0x3e1: {  	v17 =	vld [tilespmem:s15+$0xFFFFFFD0];
	v18 =	vadd.s32 v1, v7;
	[tilespmem:v24+s31+$0x0] =	vst.idx.msk $0xffff, v23;
	(pc) =	sbr.rel @p0 .LBB2_31-.Ltmp14, $4  }
0x3e2: {  	v16 =	vadd.s32 v1, v12;
	v15 =	vld [tilespmem:s15+$0x10];
	[tilespmem:v21+s31+$0x0] =	vst.idx.msk $0xffff, v20  }
0x3e3: {  	[tilespmem:v14+s31+$0x0] =	vst.idx.msk $0xffff, v11;
	v11 =	vld [tilespmem:s16+$0x30];
	v14 =	vadd.s32 v3, v5;
	v5 =	vmov v12  }
0x3e4: {  	v12 =	vadd.s32 v2, v8;
	[tilespmem:v26+s31+$0x0] =	vst.idx.msk $0xffff, v25;
	v9 =	vld [tilespmem:s15+$0x60]  }
0x3e5: {  	s7 =	sadd.s32 $0x4, s7;
	s2 =	sadd.s32 $0x3, s17;
	v13 =	vadd.s32 v2, v4;
	v10 =	vld [tilespmem:s15+$0xFFFFFFA0];
	[tilespmem:v22+s31+$0x0] =	vst.idx.msk $0xffff, v19  }
0x3e6: {  	_ =	sdelay $0x2  }
0x3e7: {  	v19 =	vmov s2  }
0x3e8: {  	s22 =	sadd.s32 $0x1, s17;
	[tilespmem:v18+s31+$0x0] =	vst.idx.msk $0xffff, v17;
	v30 =	vld [tilespmem:s16+$0xFFFFFFB0];
	v6 =	vadd.s32 v3, v6;
	s7 =	sadd.s32 $0x100, s15;
	v21 =	vmov s17;
	v31 =	vand.u32 $0x7F, v19  }
0x3e9: {  	v32 =	vmov s22;
	s22 =	sadd.s32 $0x2, s17;
	[tilespmem:v16+s31+$0x0] =	vst.idx.msk $0xffff, v15;
	v33 =	vld [tilespmem:s7+$0x40];
	v21 =	vand.u32 $0x7C, v21;
	v34 =	vadd.s32 v0, v31  }
0x3ea: {  	v22 =	vld [tilespmem:s7+$0xFFFFFF80];
	v19 =	vand.u32 $0x7D, v32;
	v20 =	vmov s22;
	[tilespmem:v14+s31+$0x0] =	vst.idx.msk $0xffff, v11;
	v39 =	vadd.s32 v0, v21  }
0x3eb: {  	v35 =	vld [tilespmem:s7+$0xFFFFFFC0];
	v36 =	vadd.s32 v0, v19;
	v20 =	vand.u32 $0x7E, v20;
	[tilespmem:v12+s31+$0x0] =	vst.idx.msk $0xffff, v9  }
0x3ec: {  	v37 =	vld [tilespmem:s7+$0x0];
	v38 =	vadd.s32 v0, v20;
	[tilespmem:v13+s31+$0x0] =	vst.idx.msk $0xffff, v10  }
0x3ed: {  	v41 =	vadd.s32 v2, v7;
	v40 =	vld [tilespmem:s15+$0xFFFFFFE0];
	[tilespmem:v6+s31+$0x0] =	vst.idx.msk $0xffff, v30  }
0x3ee: {  	v49 =	vadd.s32 v2, v5;
	v48 =	vld [tilespmem:s15+$0x20];
	[tilespmem:v34+s31+$0x0] =	vst.idx.msk $0xffff, v33  }
0x3ef: {  	v43 =	vadd.s32 v1, v31;
	[tilespmem:v39+s31+$0x0] =	vst.idx.msk $0xffff, v22;
	v15 =	vld [tilespmem:s7+$0x50]  }
0x3f0: {  	v47 =	vadd.s32 v1, v21;
	[tilespmem:v36+s31+$0x0] =	vst.idx.msk $0xffff, v35;
	v46 =	vld [tilespmem:s7+$0xFFFFFF90]  }
0x3f1: {  	v44 =	vadd.s32 v1, v19;
	v11 =	vld [tilespmem:s7+$0xFFFFFFD0];
	[tilespmem:v38+s31+$0x0] =	vst.idx.msk $0xffff, v37  }
0x3f2: {  	v45 =	vadd.s32 v1, v20;
	[tilespmem:v41+s31+$0x0] =	vst.idx.msk $0xffff, v40;
	v9 =	vld [tilespmem:s7+$0x10]  }
0x3f3: {  	v8 =	vadd.s32 v3, v8;
	v42 =	vld [tilespmem:s15+$0x70];
	[tilespmem:v49+s31+$0x0] =	vst.idx.msk $0xffff, v48  }
0x3f4: {  	v5 =	vadd.s32 v3, v5;
	v13 =	vld [tilespmem:s15+$0x30];
	[tilespmem:v43+s31+$0x0] =	vst.idx.msk $0xffff, v15  }
0x3f5: {  	v52 =	vadd.s32 v2, v31;
	[tilespmem:v47+s31+$0x0] =	vst.idx.msk $0xffff, v46;
	v15 =	vld [tilespmem:s7+$0x60]  }
0x3f6: {  	v57 =	vadd.s32 v2, v21;
	[tilespmem:v44+s31+$0x0] =	vst.idx.msk $0xffff, v11;
	v56 =	vld [tilespmem:s7+$0xFFFFFFA0]  }
0x3f7: {  	v53 =	vadd.s32 v2, v19;
	v11 =	vld [tilespmem:s7+$0xFFFFFFE0];
	[tilespmem:v45+s31+$0x0] =	vst.idx.msk $0xffff, v9  }
0x3f8: {  	v55 =	vadd.s32 v2, v20;
	[tilespmem:v8+s31+$0x0] =	vst.idx.msk $0xffff, v42;
	v54 =	vld [tilespmem:s7+$0x20]  }
0x3f9: {  	v4 =	vadd.s32 v3, v4;
	v58 =	vld [tilespmem:s15+$0xFFFFFFB0];
	[tilespmem:v5+s31+$0x0] =	vst.idx.msk $0xffff, v13  }
0x3fa: {  	v51 =	vadd.s32 v3, v7;
	v50 =	vld [tilespmem:s15+$0xFFFFFFF0];
	[tilespmem:v52+s31+$0x0] =	vst.idx.msk $0xffff, v15  }
0x3fb: {  	v60 =	vadd.s32 v3, v31;
	[tilespmem:v57+s31+$0x0] =	vst.idx.msk $0xffff, v56;
	v59 =	vld [tilespmem:s7+$0x70]  }
0x3fc: {  	v63 =	vadd.s32 v3, v21;
	[tilespmem:v53+s31+$0x0] =	vst.idx.msk $0xffff, v11;
	v5 =	vld [tilespmem:s7+$0xFFFFFFB0]  }
0x3fd: {  	v61 =	vadd.s32 v3, v19;
	v11 =	vld [tilespmem:s7+$0xFFFFFFF0];
	[tilespmem:v55+s31+$0x0] =	vst.idx.msk $0xffff, v54  }
0x3fe: {  	v62 =	vadd.s32 v3, v20;
	[tilespmem:v4+s31+$0x0] =	vst.idx.msk $0xffff, v58;
	v6 =	vld [tilespmem:s7+$0x30]  }
0x3ff: {  	[tilespmem:v51+s31+$0x0] =	vst.idx.msk $0xffff, v50  }
0x400: {  	[tilespmem:v60+s31+$0x0] =	vst.idx.msk $0xffff, v59  }
0x401: {  	[tilespmem:v63+s31+$0x0] =	vst.idx.msk $0xffff, v5  }
0x402: {  	[tilespmem:v61+s31+$0x0] =	vst.idx.msk $0xffff, v11  }
0x403: {  	s13 =	sadd.s32 s13, s11;
	s7 =	simm.s32 $0x14A00;
	[tilespmem:v62+s31+$0x0] =	vst.idx.msk $0xffff, v6  }
0x404: {  	[hbm4b:s13+s3] =	stream.linear.scatter [tilespmem:s7], [sflag:$0x8], $0x80, $0x38;
	[tilespmem:$0x16C00] =	vst v63  }
0x405: {  	s16 =	sadd.s32 $0x10, s13;
	s15 =	simm.s32 $0x14A88  }
0x406: {  	[hbm4b:s16+s3] =	stream.linear.scatter [tilespmem:s15], [sflag:$0x8], $0x80, $0x38;
	[tilespmem:$0x16C00] =	vst v63  }
0x407: {  	s2 =	simm.s32 $0x14DB8;
	s17 =	simm.s32 $0x14B10;
	s22 =	sadd.s32 $0x20, s13  }
0x408: {  	[hbm4b:s22+s3] =	stream.linear.scatter [tilespmem:s17], [sflag:$0x8], $0x80, $0x38;
	[tilespmem:$0x16C00] =	vst v63  }
0x409: {  	s7 =	simm.s32 $0x440;
	s15 =	simm.s32 $0x14B98;
	s16 =	sadd.s32 $0x30, s13  }
0x40a: {  	[hbm4b:s16+s3] =	stream.linear.scatter [tilespmem:s15], [sflag:$0x8], $0x80, $0x38;
	[tilespmem:$0x16C00] =	vst v63  }
0x40b: {  	s17 =	simm.s32 $0x14C20;
	s22 =	sadd.s32 $0x40, s13;
	s15 =	simm.s32 $0x14CA8  }
0x40c: {  	[hbm4b:s22+s3] =	stream.linear.scatter [tilespmem:s17], [sflag:$0x8], $0x80, $0x38;
	[tilespmem:$0x16C00] =	vst v63  }
0x40d: {  	s16 =	sadd.s32 $0x50, s13;
	s17 =	simm.s32 $0x14D30;
	s22 =	sadd.s32 $0x60, s13  }
0x40e: {  	[hbm4b:s16+s3] =	stream.linear.scatter [tilespmem:s15], [sflag:$0x8], $0x80, $0x38;
	[tilespmem:$0x16C00] =	vst v63  }
0x40f: {  	s15 =	simm.s32 $0x2200;
	s16 =	sadd.s32 $0x70, s13;
	s13 =	sadd.s32 $0x1000, s13  }
0x410: {  	[hbm4b:s22+s3] =	stream.linear.scatter [tilespmem:s17], [sflag:$0x8], $0x80, $0x38;
	[tilespmem:$0x16C00] =	vst v63  }
.LBB2_33:
0x411: {  	[hbm4b:s16+s3] =	stream.linear.scatter [tilespmem:s2], [sflag:$0x8], $0x80, $0x38;
	[tilespmem:$0x16C00] =	vst v63  }
0x412: {  	s2 =	smov.u32 s7;
	s7 =	smov.u32 s15  }
0x413: {  	s17 =	sadd.s32 $0x1100, s15;
	s7 =	sshra.s32 s7, $0x2;
	s16 =	sadd.s32 $0x14A00, s2  }
0x414: {  	[hbm4b:s13+s3] =	stream.linear.scatter [tilespmem:s16], [sflag:$0x8], $0x80, $0x38;
	[tilespmem:$0x16C00] =	vst v63  }
0x415: {  	p0 =	sne.s32 s15, $0x7700;
	s15 =	sadd.s32 $0x14A88, s2;
	s16 =	sadd.s32 $0x10, s13  }
0x416: {  	[hbm4b:s16+s3] =	stream.linear.scatter [tilespmem:s15], [sflag:$0x8], $0x80, $0x38;
	[tilespmem:$0x16C00] =	vst v63  }
0x417: {  	s15 =	sadd.s32 $0x14B10, s2;
	s16 =	sadd.s32 $0x20, s13  }
0x418: {  	[hbm4b:s16+s3] =	stream.linear.scatter [tilespmem:s15], [sflag:$0x8], $0x80, $0x38;
	[tilespmem:$0x16C00] =	vst v63  }
0x419: {  	s15 =	sadd.s32 $0x14B98, s2;
	s16 =	sadd.s32 $0x30, s13  }
0x41a: {  	[hbm4b:s16+s3] =	stream.linear.scatter [tilespmem:s15], [sflag:$0x8], $0x80, $0x38;
	[tilespmem:$0x16C00] =	vst v63  }
0x41b: {  	s15 =	sadd.s32 $0x14C20, s2;
	s16 =	sadd.s32 $0x40, s13  }
0x41c: {  	[hbm4b:s16+s3] =	stream.linear.scatter [tilespmem:s15], [sflag:$0x8], $0x80, $0x38;
	[tilespmem:$0x16C00] =	vst v63  }
.Ltmp15:
0x41d: {  	s15 =	sadd.s32 $0x14CA8, s2;
	s16 =	sadd.s32 $0x50, s13;
	(pc) =	sbr.rel @p0 .LBB2_33-.Ltmp15, $4  }
0x41e: {  	[hbm4b:s16+s3] =	stream.linear.scatter [tilespmem:s15], [sflag:$0x8], $0x80, $0x38;
	[tilespmem:$0x16C00] =	vst v63  }
0x41f: {  	s15 =	sadd.s32 $0x14D30, s2;
	s16 =	sadd.s32 $0x60, s13;
	s2 =	sadd.s32 $0x14DB8, s2  }
0x420: {  	[hbm4b:s16+s3] =	stream.linear.scatter [tilespmem:s15], [sflag:$0x8], $0x80, $0x38;
	[tilespmem:$0x16C00] =	vst v63  }
0x421: {  	s16 =	sadd.s32 $0x70, s13;
	s13 =	sadd.s32 $0x1000, s13;
	s15 =	smov.u32 s17  }
0x422: {  	[hbm4b:s16+s3] =	stream.linear.scatter [tilespmem:s2], [sflag:$0x8], $0x80, $0x38;
	[tilespmem:$0x16C00] =	vst v63  }
0x423: {  	s15 =	sadd.s32 $0x14A00, s7  }
0x424: {  	[hbm4b:s13+s3] =	stream.linear.scatter [tilespmem:s15], [sflag:$0x8], $0x80, $0x38;
	[tilespmem:$0x16C00] =	vst v63  }
0x425: {  	s16 =	sadd.s32 $0x14A88, s7;
	s15 =	sadd.s32 $0x10, s13  }
0x426: {  	[hbm4b:s15+s3] =	stream.linear.scatter [tilespmem:s16], [sflag:$0x8], $0x80, $0x38;
	[tilespmem:$0x16C00] =	vst v63  }
0x427: {  	s17 =	sadd.s32 $0x14B10, s7;
	s22 =	sadd.s32 $0x20, s13  }
0x428: {  	[hbm4b:s22+s3] =	stream.linear.scatter [tilespmem:s17], [sflag:$0x8], $0x80, $0x38;
	[tilespmem:$0x16C00] =	vst v63  }
0x429: {  	s15 =	sadd.s32 $0x14B98, s7;
	s16 =	sadd.s32 $0x30, s13  }
0x42a: {  	[hbm4b:s16+s3] =	stream.linear.scatter [tilespmem:s15], [sflag:$0x8], $0x80, $0x38;
	[tilespmem:$0x16C00] =	vst v63  }
0x42b: {  	s17 =	sadd.s32 $0x14C20, s7;
	s22 =	sadd.s32 $0x40, s13  }
0x42c: {  	[hbm4b:s22+s3] =	stream.linear.scatter [tilespmem:s17], [sflag:$0x8], $0x80, $0x38;
	[tilespmem:$0x16C00] =	vst v63  }
0x42d: {  	s12 =	sadd.s32 $0x1, s12;
	s15 =	sadd.s32 $0x14CA8, s7;
	s16 =	sadd.s32 $0x50, s13  }
0x42e: {  	[hbm4b:s16+s3] =	stream.linear.scatter [tilespmem:s15], [sflag:$0x8], $0x80, $0x38;
	[tilespmem:$0x16C00] =	vst v63  }
0x42f: {  	p0 =	sne.s32 s12, $0x31;
	s17 =	sadd.s32 $0x14D30, s7;
	s22 =	sadd.s32 $0x60, s13  }
0x430: {  	[hbm4b:s22+s3] =	stream.linear.scatter [tilespmem:s17], [sflag:$0x8], $0x80, $0x38;
	[tilespmem:$0x16C00] =	vst v63  }
.Ltmp16:
0x431: {  	_ = 	snop;
	(pc) =	sbr.rel @p0 .LBB2_18-.Ltmp16, $4  }
0x432: {  	s16 =	sadd.s32 $0x14DB8, s7;
	s17 =	sadd.s32 $0x70, s13  }
0x433: {  	[hbm4b:s17+s3] =	stream.linear.scatter [tilespmem:s16], [sflag:$0x8], $0x80, $0x38;
	[tilespmem:$0x16C00] =	vst v63  }
0x434: {  	s22 =	sadd.s32 $0x380, s14  }
0x435: {  	[tilespmem:s28], [sflag:$0x4] =	stream.indirect.gather [hbm4b:s4+s19], $0x40, s22, s19, $0xb8;
	[tilespmem:$0x16C00] =	vst v63  }
0x436: {  	_ =	swait.ge [sflag:s29], $0x2000  }
0x437: {  	[sflag:s29] =	ssyncset.done $0x0  }
0x438: {  	[sflag:s29] =	ssyncadd.s32 $0xFFFFE000  }
0x439: {  	s2 =	simm.s32 $0x3;
	_ =	swait.ge [sflag:s6], $0x2000  }
0x43a: {  	s12 =	simm.s32 $0x0;
	v4 =	vmov s2;
	[sflag:s6] =	ssyncset.done $0x0  }
0x43b: {  	s13 =	simm.s32 $0x6480;
	s14 =	simm.s32 $0x1;
	v5 =	vand.u32 $0x7F, v4;
	v4 =	vmov s12;
	[sflag:s6] =	ssyncadd.s32 $0xFFFFE000  }
0x43c: {  	v8 =	vadd.s32 v0, v5;
	v6 =	vand.u32 $0x7C, v4;
	v4 =	vmov s14;
	v7 =	vld [tilespmem:s13+$0x40]  }
0x43d: {  	v10 =	vadd.s32 v0, v6;
	v11 =	vand.u32 $0x7D, v4;
	v9 =	vld [tilespmem:s13+$0xFFFFFF80]  }
0x43e: {  	s15 =	simm.s32 $0x2;
	v12 =	vadd.s32 v0, v11;
	v4 =	vld [tilespmem:s13+$0xFFFFFFC0]  }
0x43f: {  	v13 =	vmov s15  }
0x440: {  	v13 =	vand.u32 $0x7E, v13  }
0x441: {  	v15 =	vadd.s32 v0, v13;
	v14 =	vld [tilespmem:s13+$0x0];
	[tilespmem:v8+s30+$0x0] =	vst.idx.msk $0xffff, v7  }
0x442: {  	v8 =	vadd.s32 v1, v5;
	[tilespmem:v10+s30+$0x0] =	vst.idx.msk $0xffff, v9;
	v7 =	vld [tilespmem:s13+$0x50]  }
0x443: {  	v10 =	vadd.s32 v1, v6;
	[tilespmem:v12+s30+$0x0] =	vst.idx.msk $0xffff, v4;
	v9 =	vld [tilespmem:s13+$0xFFFFFF90]  }
0x444: {  	v12 =	vadd.s32 v1, v11;
	v4 =	vld [tilespmem:s13+$0xFFFFFFD0];
	_ =	sdelay $0x1  }
0x445: {  	[tilespmem:v15+s30+$0x0] =	vst.idx.msk $0xffff, v14  }
0x446: {  	v16 =	vadd.s32 v1, v13;
	v15 =	vld [tilespmem:s13+$0x10];
	[tilespmem:v8+s30+$0x0] =	vst.idx.msk $0xffff, v7  }
0x447: {  	s16 =	simm.s32 $0x7;
	v14 =	vadd.s32 v2, v5;
	[tilespmem:v10+s30+$0x0] =	vst.idx.msk $0xffff, v9;
	v7 =	vld [tilespmem:s13+$0x60]  }
0x448: {  	v10 =	vadd.s32 v2, v6;
	v8 =	vmov s16;
	[tilespmem:v12+s30+$0x0] =	vst.idx.msk $0xffff, v4;
	v9 =	vld [tilespmem:s13+$0xFFFFFFA0]  }
0x449: {  	s12 =	simm.s32 $0x6580;
	v17 =	vadd.s32 v2, v11;
	v8 =	vand.u32 $0x7F, v8;
	v12 =	vld [tilespmem:s13+$0xFFFFFFE0]  }
0x44a: {  	s7 =	simm.s32 $0x4;
	v18 =	vld [tilespmem:s12+$0x40];
	v19 =	vadd.s32 v0, v8  }
0x44b: {  	s17 =	simm.s32 $0x5;
	v4 =	vmov s7;
	[tilespmem:v16+s30+$0x0] =	vst.idx.msk $0xffff, v15  }
0x44c: {  	v22 =	vmov s17;
	v4 =	vand.u32 $0x7C, v4;
	[tilespmem:v14+s30+$0x0] =	vst.idx.msk $0xffff, v7  }
0x44d: {  	s22 =	simm.s32 $0x6;
	v20 =	vld [tilespmem:s12+$0xFFFFFF80];
	v21 =	vadd.s32 v0, v4;
	v7 =	vand.u32 $0x7D, v22;
	[tilespmem:v10+s30+$0x0] =	vst.idx.msk $0xffff, v9  }
0x44e: {  	v14 =	vmov s22;
	v9 =	vld [tilespmem:s12+$0xFFFFFFC0];
	[tilespmem:v17+s30+$0x0] =	vst.idx.msk $0xffff, v12;
	v10 =	vadd.s32 v0, v7  }
0x44f: {  	v16 =	vadd.s32 v3, v5;
	v12 =	vld [tilespmem:s13+$0x20];
	v5 =	vand.u32 $0x7E, v14;
	[tilespmem:v19+s30+$0x0] =	vst.idx.msk $0xffff, v18;
	v18 =	vadd.s32 v2, v13  }
0x450: {  	v14 =	vld [tilespmem:s12+$0x0];
	v63 =	vadd.s32 v0, v5  }
0x451: {  	v15 =	vld [tilespmem:s13+$0x70]  }
0x452: {  	[tilespmem:v21+s30+$0x0] =	vst.idx.msk $0xffff, v20;
	v20 =	vadd.s32 v1, v8;
	v19 =	vld [tilespmem:s12+$0x50]  }
0x453: {  	v23 =	vadd.s32 v1, v4;
	v21 =	vld [tilespmem:s12+$0xFFFFFF90];
	[tilespmem:v10+s30+$0x0] =	vst.idx.msk $0xffff, v9  }
0x454: {  	v25 =	vadd.s32 v3, v11;
	v24 =	vld [tilespmem:s13+$0xFFFFFFF0];
	[tilespmem:v18+s30+$0x0] =	vst.idx.msk $0xffff, v12  }
0x455: {  	v18 =	vadd.s32 v1, v7;
	v17 =	vld [tilespmem:s12+$0xFFFFFFD0];
	[tilespmem:v63+s30+$0x0] =	vst.idx.msk $0xffff, v14  }
0x456: {  	[tilespmem:v16+s30+$0x0] =	vst.idx.msk $0xffff, v15;
	v16 =	vadd.s32 v1, v5;
	v15 =	vld [tilespmem:s12+$0x10]  }
0x457: {  	[tilespmem:v20+s30+$0x0] =	vst.idx.msk $0xffff, v19;
	v11 =	vld [tilespmem:s13+$0x30];
	v14 =	vadd.s32 v3, v13  }
0x458: {  	v12 =	vadd.s32 v2, v8;
	[tilespmem:v23+s30+$0x0] =	vst.idx.msk $0xffff, v21;
	v9 =	vld [tilespmem:s12+$0x60]  }
0x459: {  	s2 =	simm.s32 $0xB;
	s14 =	simm.s32 $0x8;
	s7 =	simm.s32 $0xC;
	[tilespmem:v25+s30+$0x0] =	vst.idx.msk $0xffff, v24;
	v13 =	vadd.s32 v2, v4;
	v10 =	vld [tilespmem:s12+$0xFFFFFFA0]  }
.LBB2_36:
0x45a: {  	p0 =	slt.u32 s7, $0x7C;
	v19 =	vmov s2;
	[tilespmem:v18+s30+$0x0] =	vst.idx.msk $0xffff, v17;
	v17 =	vld [tilespmem:s13+$0xFFFFFFB0];
	v18 =	vadd.s32 v3, v6;
	v6 =	vmov v4;
	s13 =	smov.u32 s12  }
0x45b: {  	v4 =	vmov s14;
	v21 =	vadd.s32 v2, v7;
	s12 =	sadd.s32 $0x100, s12;
	v19 =	vand.u32 $0x7F, v19;
	v20 =	vld [tilespmem:s13+$0xFFFFFFE0];
	[tilespmem:v16+s30+$0x0] =	vst.idx.msk $0xffff, v15  }
0x45c: {  	s2 =	sadd.s32 $0x1, s14;
	v4 =	vand.u32 $0x7C, v4;
	v15 =	vld [tilespmem:s12+$0x40];
	v16 =	vadd.s32 v0, v19;
	[tilespmem:v14+s30+$0x0] =	vst.idx.msk $0xffff, v11  }
0x45d: {  	v22 =	vmov s2;
	s2 =	sadd.s32 $0x2, s14;
	s14 =	smov.u32 s7;
	v14 =	vadd.s32 v0, v4;
	v11 =	vld [tilespmem:s12+$0xFFFFFF80];
	[tilespmem:v12+s30+$0x0] =	vst.idx.msk $0xffff, v9  }
0x45e: {  	v9 =	vand.u32 $0x7D, v22;
	v12 =	vmov s2;
	[tilespmem:v13+s30+$0x0] =	vst.idx.msk $0xffff, v10;
	v10 =	vld [tilespmem:s13+$0x70];
	v13 =	vadd.s32 v3, v8;
	v8 =	vmovc v19  }
0x45f: {  	v22 =	vadd.s32 v0, v9;
	v12 =	vand.u32 $0x7E, v12;
	v19 =	vld [tilespmem:s12+$0xFFFFFFC0];
	[tilespmem:v18+s30+$0x0] =	vst.idx.msk $0xffff, v17  }
0x460: {  	v24 =	vadd.s32 v0, v12;
	v23 =	vld [tilespmem:s12+$0x0];
	[tilespmem:v21+s30+$0x0] =	vst.idx.msk $0xffff, v20  }
0x461: {  	v21 =	vadd.s32 v2, v5;
	[tilespmem:v16+s30+$0x0] =	vst.idx.msk $0xffff, v15;
	v20 =	vld [tilespmem:s13+$0x20]  }
0x462: {  	[tilespmem:v14+s30+$0x0] =	vst.idx.msk $0xffff, v11;
	v11 =	vld [tilespmem:s12+$0x50];
	v14 =	vadd.s32 v1, v8  }
0x463: {  	v26 =	vadd.s32 v1, v4;
	v25 =	vld [tilespmem:s12+$0xFFFFFF90];
	[tilespmem:v13+s30+$0x0] =	vst.idx.msk $0xffff, v10  }
0x464: {  	[tilespmem:v22+s30+$0x0] =	vst.idx.msk $0xffff, v19;
	v19 =	vld [tilespmem:s13+$0xFFFFFFF0];
	v22 =	vadd.s32 v3, v7;
	v7 =	vmov v9  }
.Ltmp17:
0x465: {  	v17 =	vld [tilespmem:s12+$0xFFFFFFD0];
	v18 =	vadd.s32 v1, v7;
	[tilespmem:v24+s30+$0x0] =	vst.idx.msk $0xffff, v23;
	(pc) =	sbr.rel @p0 .LBB2_36-.Ltmp17, $4  }
0x466: {  	v16 =	vadd.s32 v1, v12;
	v15 =	vld [tilespmem:s12+$0x10];
	[tilespmem:v21+s30+$0x0] =	vst.idx.msk $0xffff, v20  }
0x467: {  	[tilespmem:v14+s30+$0x0] =	vst.idx.msk $0xffff, v11;
	v11 =	vld [tilespmem:s13+$0x30];
	v14 =	vadd.s32 v3, v5;
	v5 =	vmov v12  }
0x468: {  	v12 =	vadd.s32 v2, v8;
	[tilespmem:v26+s30+$0x0] =	vst.idx.msk $0xffff, v25;
	v9 =	vld [tilespmem:s12+$0x60]  }
0x469: {  	s7 =	sadd.s32 $0x4, s7;
	s2 =	sadd.s32 $0x3, s14;
	v13 =	vadd.s32 v2, v4;
	v10 =	vld [tilespmem:s12+$0xFFFFFFA0];
	[tilespmem:v22+s30+$0x0] =	vst.idx.msk $0xffff, v19  }
0x46a: {  	_ =	sdelay $0x2  }
0x46b: {  	v19 =	vmov s2  }
0x46c: {  	s17 =	sadd.s32 $0x1, s14;
	[tilespmem:v18+s30+$0x0] =	vst.idx.msk $0xffff, v17;
	v30 =	vld [tilespmem:s13+$0xFFFFFFB0];
	v6 =	vadd.s32 v3, v6;
	s7 =	sadd.s32 $0x100, s12;
	v21 =	vmov s14;
	v31 =	vand.u32 $0x7F, v19  }
0x46d: {  	s22 =	sadd.s32 $0x2, s14;
	v32 =	vmov s17;
	[tilespmem:v16+s30+$0x0] =	vst.idx.msk $0xffff, v15;
	v33 =	vld [tilespmem:s7+$0x40];
	v21 =	vand.u32 $0x7C, v21;
	v34 =	vadd.s32 v0, v31  }
0x46e: {  	v20 =	vmov s22;
	v22 =	vld [tilespmem:s7+$0xFFFFFF80];
	v19 =	vand.u32 $0x7D, v32;
	[tilespmem:v14+s30+$0x0] =	vst.idx.msk $0xffff, v11;
	v39 =	vadd.s32 v0, v21  }
0x46f: {  	v35 =	vld [tilespmem:s7+$0xFFFFFFC0];
	v20 =	vand.u32 $0x7E, v20;
	v36 =	vadd.s32 v0, v19;
	[tilespmem:v12+s30+$0x0] =	vst.idx.msk $0xffff, v9  }
0x470: {  	v37 =	vld [tilespmem:s7+$0x0];
	v38 =	vadd.s32 v0, v20;
	[tilespmem:v13+s30+$0x0] =	vst.idx.msk $0xffff, v10  }
0x471: {  	v41 =	vadd.s32 v2, v7;
	v40 =	vld [tilespmem:s12+$0xFFFFFFE0];
	[tilespmem:v6+s30+$0x0] =	vst.idx.msk $0xffff, v30  }
0x472: {  	v49 =	vadd.s32 v2, v5;
	v48 =	vld [tilespmem:s12+$0x20];
	[tilespmem:v34+s30+$0x0] =	vst.idx.msk $0xffff, v33  }
0x473: {  	v43 =	vadd.s32 v1, v31;
	[tilespmem:v39+s30+$0x0] =	vst.idx.msk $0xffff, v22;
	v15 =	vld [tilespmem:s7+$0x50]  }
0x474: {  	v47 =	vadd.s32 v1, v21;
	[tilespmem:v36+s30+$0x0] =	vst.idx.msk $0xffff, v35;
	v46 =	vld [tilespmem:s7+$0xFFFFFF90]  }
0x475: {  	v44 =	vadd.s32 v1, v19;
	[tilespmem:v38+s30+$0x0] =	vst.idx.msk $0xffff, v37;
	v11 =	vld [tilespmem:s7+$0xFFFFFFD0]  }
0x476: {  	v45 =	vadd.s32 v1, v20;
	[tilespmem:v41+s30+$0x0] =	vst.idx.msk $0xffff, v40;
	v9 =	vld [tilespmem:s7+$0x10]  }
0x477: {  	v8 =	vadd.s32 v3, v8;
	v42 =	vld [tilespmem:s12+$0x70];
	[tilespmem:v49+s30+$0x0] =	vst.idx.msk $0xffff, v48  }
0x478: {  	v5 =	vadd.s32 v3, v5;
	v13 =	vld [tilespmem:s12+$0x30];
	[tilespmem:v43+s30+$0x0] =	vst.idx.msk $0xffff, v15  }
0x479: {  	v52 =	vadd.s32 v2, v31;
	[tilespmem:v47+s30+$0x0] =	vst.idx.msk $0xffff, v46;
	v15 =	vld [tilespmem:s7+$0x60]  }
0x47a: {  	v57 =	vadd.s32 v2, v21;
	[tilespmem:v44+s30+$0x0] =	vst.idx.msk $0xffff, v11;
	v56 =	vld [tilespmem:s7+$0xFFFFFFA0]  }
0x47b: {  	v53 =	vadd.s32 v2, v19;
	[tilespmem:v45+s30+$0x0] =	vst.idx.msk $0xffff, v9;
	v11 =	vld [tilespmem:s7+$0xFFFFFFE0]  }
0x47c: {  	v55 =	vadd.s32 v2, v20;
	[tilespmem:v8+s30+$0x0] =	vst.idx.msk $0xffff, v42;
	v54 =	vld [tilespmem:s7+$0x20]  }
0x47d: {  	v4 =	vadd.s32 v3, v4;
	v58 =	vld [tilespmem:s12+$0xFFFFFFB0];
	[tilespmem:v5+s30+$0x0] =	vst.idx.msk $0xffff, v13  }
0x47e: {  	v51 =	vadd.s32 v3, v7;
	v50 =	vld [tilespmem:s12+$0xFFFFFFF0];
	[tilespmem:v52+s30+$0x0] =	vst.idx.msk $0xffff, v15  }
0x47f: {  	v60 =	vadd.s32 v3, v31;
	[tilespmem:v57+s30+$0x0] =	vst.idx.msk $0xffff, v56;
	v59 =	vld [tilespmem:s7+$0x70]  }
0x480: {  	v63 =	vadd.s32 v3, v21;
	[tilespmem:v53+s30+$0x0] =	vst.idx.msk $0xffff, v11;
	v5 =	vld [tilespmem:s7+$0xFFFFFFB0]  }
0x481: {  	v61 =	vadd.s32 v3, v19;
	[tilespmem:v55+s30+$0x0] =	vst.idx.msk $0xffff, v54;
	v11 =	vld [tilespmem:s7+$0xFFFFFFF0]  }
0x482: {  	v62 =	vadd.s32 v3, v20;
	[tilespmem:v4+s30+$0x0] =	vst.idx.msk $0xffff, v58;
	v6 =	vld [tilespmem:s7+$0x30]  }
0x483: {  	[tilespmem:v51+s30+$0x0] =	vst.idx.msk $0xffff, v50  }
0x484: {  	[tilespmem:v60+s30+$0x0] =	vst.idx.msk $0xffff, v59  }
0x485: {  	[tilespmem:v63+s30+$0x0] =	vst.idx.msk $0xffff, v5  }
0x486: {  	[tilespmem:v61+s30+$0x0] =	vst.idx.msk $0xffff, v11  }
0x487: {  	[tilespmem:v62+s30+$0x0] =	vst.idx.msk $0xffff, v6  }
0x488: {  	s7 =	simm.s32 $0xE400;
	s12 =	rddreg [dreg:$0x8]  }
0x489: {  	[hbm4b:s12+s3] =	stream.linear.scatter [tilespmem:s7], [sflag:$0x5], $0x80, $0x38;
	[tilespmem:$0x16C00] =	vst v63  }
0x48a: {  	s13 =	simm.s32 $0xE488;
	s14 =	sadd.s32 $0x10, s12  }
0x48b: {  	[hbm4b:s14+s3] =	stream.linear.scatter [tilespmem:s13], [sflag:$0x5], $0x80, $0x38;
	[tilespmem:$0x16C00] =	vst v63  }
0x48c: {  	s15 =	simm.s32 $0xE510;
	s2 =	simm.s32 $0xE7B8;
	s16 =	sadd.s32 $0x20, s12  }
0x48d: {  	[hbm4b:s16+s3] =	stream.linear.scatter [tilespmem:s15], [sflag:$0x5], $0x80, $0x38;
	[tilespmem:$0x16C00] =	vst v63  }
0x48e: {  	s17 =	simm.s32 $0xE598;
	s22 =	sadd.s32 $0x30, s12;
	s7 =	simm.s32 $0x440  }
0x48f: {  	[hbm4b:s22+s3] =	stream.linear.scatter [tilespmem:s17], [sflag:$0x5], $0x80, $0x38;
	[tilespmem:$0x16C00] =	vst v63  }
0x490: {  	s13 =	simm.s32 $0xE620;
	s14 =	sadd.s32 $0x40, s12;
	s15 =	simm.s32 $0xE6A8  }
0x491: {  	[hbm4b:s14+s3] =	stream.linear.scatter [tilespmem:s13], [sflag:$0x5], $0x80, $0x38;
	[tilespmem:$0x16C00] =	vst v63  }
0x492: {  	s16 =	sadd.s32 $0x50, s12;
	s17 =	simm.s32 $0xE730;
	s22 =	sadd.s32 $0x60, s12  }
0x493: {  	[hbm4b:s16+s3] =	stream.linear.scatter [tilespmem:s15], [sflag:$0x5], $0x80, $0x38;
	[tilespmem:$0x16C00] =	vst v63  }
0x494: {  	s13 =	simm.s32 $0x2200;
	s14 =	sadd.s32 $0x70, s12;
	s12 =	sadd.s32 $0x1000, s12  }
0x495: {  	[hbm4b:s22+s3] =	stream.linear.scatter [tilespmem:s17], [sflag:$0x5], $0x80, $0x38;
	[tilespmem:$0x16C00] =	vst v63  }
.LBB2_38:
0x496: {  	[hbm4b:s14+s3] =	stream.linear.scatter [tilespmem:s2], [sflag:$0x5], $0x80, $0x38;
	[tilespmem:$0x16C00] =	vst v63  }
0x497: {  	s2 =	smov.u32 s7;
	s7 =	smov.u32 s13  }
0x498: {  	s15 =	sadd.s32 $0x1100, s13;
	s7 =	sshra.s32 s7, $0x2;
	s14 =	sadd.s32 $0xE400, s2  }
0x499: {  	[hbm4b:s12+s3] =	stream.linear.scatter [tilespmem:s14], [sflag:$0x5], $0x80, $0x38;
	[tilespmem:$0x16C00] =	vst v63  }
0x49a: {  	p0 =	sne.s32 s13, $0x7700;
	s13 =	sadd.s32 $0xE488, s2;
	s14 =	sadd.s32 $0x10, s12  }
0x49b: {  	[hbm4b:s14+s3] =	stream.linear.scatter [tilespmem:s13], [sflag:$0x5], $0x80, $0x38;
	[tilespmem:$0x16C00] =	vst v63  }
0x49c: {  	s13 =	sadd.s32 $0xE510, s2;
	s14 =	sadd.s32 $0x20, s12  }
0x49d: {  	[hbm4b:s14+s3] =	stream.linear.scatter [tilespmem:s13], [sflag:$0x5], $0x80, $0x38;
	[tilespmem:$0x16C00] =	vst v63  }
0x49e: {  	s13 =	sadd.s32 $0xE598, s2;
	s14 =	sadd.s32 $0x30, s12  }
0x49f: {  	[hbm4b:s14+s3] =	stream.linear.scatter [tilespmem:s13], [sflag:$0x5], $0x80, $0x38;
	[tilespmem:$0x16C00] =	vst v63  }
0x4a0: {  	s13 =	sadd.s32 $0xE620, s2;
	s14 =	sadd.s32 $0x40, s12  }
0x4a1: {  	[hbm4b:s14+s3] =	stream.linear.scatter [tilespmem:s13], [sflag:$0x5], $0x80, $0x38;
	[tilespmem:$0x16C00] =	vst v63  }
.Ltmp18:
0x4a2: {  	s13 =	sadd.s32 $0xE6A8, s2;
	s14 =	sadd.s32 $0x50, s12;
	(pc) =	sbr.rel @p0 .LBB2_38-.Ltmp18, $4  }
0x4a3: {  	[hbm4b:s14+s3] =	stream.linear.scatter [tilespmem:s13], [sflag:$0x5], $0x80, $0x38;
	[tilespmem:$0x16C00] =	vst v63  }
0x4a4: {  	s13 =	sadd.s32 $0xE730, s2;
	s14 =	sadd.s32 $0x60, s12;
	s2 =	sadd.s32 $0xE7B8, s2  }
0x4a5: {  	[hbm4b:s14+s3] =	stream.linear.scatter [tilespmem:s13], [sflag:$0x5], $0x80, $0x38;
	[tilespmem:$0x16C00] =	vst v63  }
0x4a6: {  	s14 =	sadd.s32 $0x70, s12;
	s12 =	sadd.s32 $0x1000, s12;
	s13 =	smov.u32 s15  }
0x4a7: {  	[hbm4b:s14+s3] =	stream.linear.scatter [tilespmem:s2], [sflag:$0x5], $0x80, $0x38;
	[tilespmem:$0x16C00] =	vst v63  }
0x4a8: {  	s15 =	sadd.s32 $0xE400, s7  }
0x4a9: {  	[hbm4b:s12+s3] =	stream.linear.scatter [tilespmem:s15], [sflag:$0x5], $0x80, $0x38;
	[tilespmem:$0x16C00] =	vst v63  }
0x4aa: {  	s16 =	sadd.s32 $0xE488, s7;
	s13 =	sadd.s32 $0x10, s12  }
0x4ab: {  	[hbm4b:s13+s3] =	stream.linear.scatter [tilespmem:s16], [sflag:$0x5], $0x80, $0x38;
	[tilespmem:$0x16C00] =	vst v63  }
0x4ac: {  	s17 =	sadd.s32 $0xE510, s7;
	s22 =	sadd.s32 $0x20, s12  }
0x4ad: {  	[hbm4b:s22+s3] =	stream.linear.scatter [tilespmem:s17], [sflag:$0x5], $0x80, $0x38;
	[tilespmem:$0x16C00] =	vst v63  }
0x4ae: {  	s14 =	sadd.s32 $0x30, s12;
	s13 =	sadd.s32 $0xE598, s7  }
0x4af: {  	[hbm4b:s14+s3] =	stream.linear.scatter [tilespmem:s13], [sflag:$0x5], $0x80, $0x38;
	[tilespmem:$0x16C00] =	vst v63  }
0x4b0: {  	s15 =	sadd.s32 $0xE620, s7;
	s16 =	sadd.s32 $0x40, s12  }
0x4b1: {  	[hbm4b:s16+s3] =	stream.linear.scatter [tilespmem:s15], [sflag:$0x5], $0x80, $0x38;
	[tilespmem:$0x16C00] =	vst v63  }
0x4b2: {  	s17 =	sadd.s32 $0xE6A8, s7;
	s22 =	sadd.s32 $0x50, s12  }
0x4b3: {  	[hbm4b:s22+s3] =	stream.linear.scatter [tilespmem:s17], [sflag:$0x5], $0x80, $0x38;
	[tilespmem:$0x16C00] =	vst v63  }
0x4b4: {  	s14 =	sadd.s32 $0xE730, s7;
	s15 =	sadd.s32 $0x60, s12  }
0x4b5: {  	[hbm4b:s15+s3] =	stream.linear.scatter [tilespmem:s14], [sflag:$0x5], $0x80, $0x38;
	[tilespmem:$0x16C00] =	vst v63  }
0x4b6: {  	s16 =	sadd.s32 $0xE7B8, s7;
	s17 =	sadd.s32 $0x70, s12  }
0x4b7: {  	[hbm4b:s17+s3] =	stream.linear.scatter [tilespmem:s16], [sflag:$0x5], $0x80, $0x38;
	[tilespmem:$0x16C00] =	vst v63  }
0x4b8: {  	_ =	swait.ge [sflag:s1], $0x2000  }
0x4b9: {  	[sflag:s1] =	ssyncset.done $0x0  }
0x4ba: {  	[sflag:s1] =	ssyncadd.s32 $0xFFFFE000  }
0x4bb: {  	s22 =	simm.s32 $0x3;
	_ =	swait.ge [sflag:s18], $0x2000  }
0x4bc: {  	s7 =	simm.s32 $0x0;
	v4 =	vmov s22;
	[sflag:s18] =	ssyncset.done $0x0  }
0x4bd: {  	s13 =	simm.s32 $0x8480;
	s12 =	simm.s32 $0x1;
	v5 =	vand.u32 $0x7F, v4;
	v4 =	vmov s7;
	[sflag:s18] =	ssyncadd.s32 $0xFFFFE000  }
0x4be: {  	v8 =	vadd.s32 v0, v5;
	v6 =	vand.u32 $0x7C, v4;
	v4 =	vmov s12;
	v7 =	vld [tilespmem:s13+$0x40]  }
0x4bf: {  	v10 =	vadd.s32 v0, v6;
	v11 =	vand.u32 $0x7D, v4;
	v9 =	vld [tilespmem:s13+$0xFFFFFF80]  }
0x4c0: {  	s14 =	simm.s32 $0x2;
	v12 =	vadd.s32 v0, v11;
	v4 =	vld [tilespmem:s13+$0xFFFFFFC0]  }
0x4c1: {  	v13 =	vmov s14  }
0x4c2: {  	v13 =	vand.u32 $0x7E, v13  }
0x4c3: {  	v15 =	vadd.s32 v0, v13;
	v14 =	vld [tilespmem:s13+$0x0];
	[tilespmem:v8+s0+$0x0] =	vst.idx.msk $0xffff, v7  }
0x4c4: {  	v8 =	vadd.s32 v1, v5;
	[tilespmem:v10+s0+$0x0] =	vst.idx.msk $0xffff, v9;
	v7 =	vld [tilespmem:s13+$0x50]  }
0x4c5: {  	v10 =	vadd.s32 v1, v6;
	[tilespmem:v12+s0+$0x0] =	vst.idx.msk $0xffff, v4;
	v9 =	vld [tilespmem:s13+$0xFFFFFF90]  }
0x4c6: {  	v12 =	vadd.s32 v1, v11;
	v4 =	vld [tilespmem:s13+$0xFFFFFFD0];
	_ =	sdelay $0x1  }
0x4c7: {  	[tilespmem:v15+s0+$0x0] =	vst.idx.msk $0xffff, v14  }
0x4c8: {  	v16 =	vadd.s32 v1, v13;
	v15 =	vld [tilespmem:s13+$0x10];
	[tilespmem:v8+s0+$0x0] =	vst.idx.msk $0xffff, v7  }
0x4c9: {  	s15 =	simm.s32 $0x7;
	v14 =	vadd.s32 v2, v5;
	[tilespmem:v10+s0+$0x0] =	vst.idx.msk $0xffff, v9;
	v7 =	vld [tilespmem:s13+$0x60]  }
0x4ca: {  	v10 =	vadd.s32 v2, v6;
	v8 =	vmov s15;
	[tilespmem:v12+s0+$0x0] =	vst.idx.msk $0xffff, v4;
	v9 =	vld [tilespmem:s13+$0xFFFFFFA0]  }
0x4cb: {  	s12 =	simm.s32 $0x8580;
	v17 =	vadd.s32 v2, v11;
	v8 =	vand.u32 $0x7F, v8;
	v12 =	vld [tilespmem:s13+$0xFFFFFFE0]  }
0x4cc: {  	s16 =	simm.s32 $0x4;
	v18 =	vld [tilespmem:s12+$0x40];
	v19 =	vadd.s32 v0, v8  }
0x4cd: {  	s17 =	simm.s32 $0x5;
	v4 =	vmov s16;
	[tilespmem:v16+s0+$0x0] =	vst.idx.msk $0xffff, v15  }
0x4ce: {  	v22 =	vmov s17;
	v4 =	vand.u32 $0x7C, v4;
	[tilespmem:v14+s0+$0x0] =	vst.idx.msk $0xffff, v7  }
0x4cf: {  	s22 =	simm.s32 $0x6;
	v20 =	vld [tilespmem:s12+$0xFFFFFF80];
	v21 =	vadd.s32 v0, v4;
	v7 =	vand.u32 $0x7D, v22;
	[tilespmem:v10+s0+$0x0] =	vst.idx.msk $0xffff, v9  }
0x4d0: {  	v14 =	vmov s22;
	v9 =	vld [tilespmem:s12+$0xFFFFFFC0];
	[tilespmem:v17+s0+$0x0] =	vst.idx.msk $0xffff, v12;
	v10 =	vadd.s32 v0, v7  }
0x4d1: {  	v16 =	vadd.s32 v3, v5;
	v12 =	vld [tilespmem:s13+$0x20];
	v5 =	vand.u32 $0x7E, v14;
	[tilespmem:v19+s0+$0x0] =	vst.idx.msk $0xffff, v18;
	v18 =	vadd.s32 v2, v13  }
0x4d2: {  	v14 =	vld [tilespmem:s12+$0x0];
	v63 =	vadd.s32 v0, v5  }
0x4d3: {  	v15 =	vld [tilespmem:s13+$0x70]  }
0x4d4: {  	[tilespmem:v21+s0+$0x0] =	vst.idx.msk $0xffff, v20;
	v20 =	vadd.s32 v1, v8;
	v19 =	vld [tilespmem:s12+$0x50]  }
0x4d5: {  	v23 =	vadd.s32 v1, v4;
	v21 =	vld [tilespmem:s12+$0xFFFFFF90];
	[tilespmem:v10+s0+$0x0] =	vst.idx.msk $0xffff, v9  }
0x4d6: {  	v25 =	vadd.s32 v3, v11;
	v24 =	vld [tilespmem:s13+$0xFFFFFFF0];
	[tilespmem:v18+s0+$0x0] =	vst.idx.msk $0xffff, v12  }
0x4d7: {  	v18 =	vadd.s32 v1, v7;
	v17 =	vld [tilespmem:s12+$0xFFFFFFD0];
	[tilespmem:v63+s0+$0x0] =	vst.idx.msk $0xffff, v14  }
0x4d8: {  	[tilespmem:v16+s0+$0x0] =	vst.idx.msk $0xffff, v15;
	v16 =	vadd.s32 v1, v5;
	v15 =	vld [tilespmem:s12+$0x10]  }
0x4d9: {  	[tilespmem:v20+s0+$0x0] =	vst.idx.msk $0xffff, v19;
	v11 =	vld [tilespmem:s13+$0x30];
	v14 =	vadd.s32 v3, v13  }
0x4da: {  	v12 =	vadd.s32 v2, v8;
	[tilespmem:v23+s0+$0x0] =	vst.idx.msk $0xffff, v21;
	v9 =	vld [tilespmem:s12+$0x60]  }
0x4db: {  	s2 =	simm.s32 $0xB;
	s7 =	simm.s32 $0xC;
	s14 =	simm.s32 $0x8;
	[tilespmem:v25+s0+$0x0] =	vst.idx.msk $0xffff, v24;
	v13 =	vadd.s32 v2, v4;
	v10 =	vld [tilespmem:s12+$0xFFFFFFA0]  }
.LBB2_40:
0x4dc: {  	p0 =	slt.u32 s7, $0x7C;
	v19 =	vmov s2;
	[tilespmem:v18+s0+$0x0] =	vst.idx.msk $0xffff, v17;
	v17 =	vld [tilespmem:s13+$0xFFFFFFB0];
	v18 =	vadd.s32 v3, v6;
	v6 =	vmov v4;
	s13 =	smov.u32 s12  }
0x4dd: {  	v4 =	vmov s14;
	v21 =	vadd.s32 v2, v7;
	s12 =	sadd.s32 $0x100, s12;
	v19 =	vand.u32 $0x7F, v19;
	v20 =	vld [tilespmem:s13+$0xFFFFFFE0];
	[tilespmem:v16+s0+$0x0] =	vst.idx.msk $0xffff, v15  }
0x4de: {  	s2 =	sadd.s32 $0x1, s14;
	v4 =	vand.u32 $0x7C, v4;
	v15 =	vld [tilespmem:s12+$0x40];
	v16 =	vadd.s32 v0, v19;
	[tilespmem:v14+s0+$0x0] =	vst.idx.msk $0xffff, v11  }
0x4df: {  	v22 =	vmov s2;
	s2 =	sadd.s32 $0x2, s14;
	s14 =	smov.u32 s7;
	v14 =	vadd.s32 v0, v4;
	v11 =	vld [tilespmem:s12+$0xFFFFFF80];
	[tilespmem:v12+s0+$0x0] =	vst.idx.msk $0xffff, v9  }
0x4e0: {  	v9 =	vand.u32 $0x7D, v22;
	v12 =	vmov s2;
	[tilespmem:v13+s0+$0x0] =	vst.idx.msk $0xffff, v10;
	v10 =	vld [tilespmem:s13+$0x70];
	v13 =	vadd.s32 v3, v8;
	v8 =	vmovc v19  }
0x4e1: {  	v22 =	vadd.s32 v0, v9;
	v12 =	vand.u32 $0x7E, v12;
	v19 =	vld [tilespmem:s12+$0xFFFFFFC0];
	[tilespmem:v18+s0+$0x0] =	vst.idx.msk $0xffff, v17  }
0x4e2: {  	v24 =	vadd.s32 v0, v12;
	v23 =	vld [tilespmem:s12+$0x0];
	[tilespmem:v21+s0+$0x0] =	vst.idx.msk $0xffff, v20  }
0x4e3: {  	v21 =	vadd.s32 v2, v5;
	[tilespmem:v16+s0+$0x0] =	vst.idx.msk $0xffff, v15;
	v20 =	vld [tilespmem:s13+$0x20]  }
0x4e4: {  	[tilespmem:v14+s0+$0x0] =	vst.idx.msk $0xffff, v11;
	v11 =	vld [tilespmem:s12+$0x50];
	v14 =	vadd.s32 v1, v8  }
0x4e5: {  	v26 =	vadd.s32 v1, v4;
	v25 =	vld [tilespmem:s12+$0xFFFFFF90];
	[tilespmem:v13+s0+$0x0] =	vst.idx.msk $0xffff, v10  }
0x4e6: {  	[tilespmem:v22+s0+$0x0] =	vst.idx.msk $0xffff, v19;
	v19 =	vld [tilespmem:s13+$0xFFFFFFF0];
	v22 =	vadd.s32 v3, v7;
	v7 =	vmov v9  }
.Ltmp19:
0x4e7: {  	v17 =	vld [tilespmem:s12+$0xFFFFFFD0];
	v18 =	vadd.s32 v1, v7;
	[tilespmem:v24+s0+$0x0] =	vst.idx.msk $0xffff, v23;
	(pc) =	sbr.rel @p0 .LBB2_40-.Ltmp19, $4  }
0x4e8: {  	v16 =	vadd.s32 v1, v12;
	v15 =	vld [tilespmem:s12+$0x10];
	[tilespmem:v21+s0+$0x0] =	vst.idx.msk $0xffff, v20  }
0x4e9: {  	[tilespmem:v14+s0+$0x0] =	vst.idx.msk $0xffff, v11;
	v11 =	vld [tilespmem:s13+$0x30];
	v14 =	vadd.s32 v3, v5;
	v5 =	vmov v12  }
0x4ea: {  	v12 =	vadd.s32 v2, v8;
	[tilespmem:v26+s0+$0x0] =	vst.idx.msk $0xffff, v25;
	v9 =	vld [tilespmem:s12+$0x60]  }
0x4eb: {  	s7 =	sadd.s32 $0x4, s7;
	s2 =	sadd.s32 $0x3, s14;
	v13 =	vadd.s32 v2, v4;
	v10 =	vld [tilespmem:s12+$0xFFFFFFA0];
	[tilespmem:v22+s0+$0x0] =	vst.idx.msk $0xffff, v19  }
0x4ec: {  	_ =	sdelay $0x2  }
0x4ed: {  	v19 =	vmov s2  }
0x4ee: {  	s17 =	sadd.s32 $0x1, s14;
	[tilespmem:v18+s0+$0x0] =	vst.idx.msk $0xffff, v17;
	v30 =	vld [tilespmem:s13+$0xFFFFFFB0];
	v6 =	vadd.s32 v3, v6;
	s7 =	sadd.s32 $0x100, s12;
	v21 =	vmov s14;
	v31 =	vand.u32 $0x7F, v19  }
0x4ef: {  	s22 =	sadd.s32 $0x2, s14;
	v32 =	vmov s17;
	[tilespmem:v16+s0+$0x0] =	vst.idx.msk $0xffff, v15;
	v33 =	vld [tilespmem:s7+$0x40];
	v21 =	vand.u32 $0x7C, v21;
	v34 =	vadd.s32 v0, v31  }
0x4f0: {  	v20 =	vmov s22;
	v22 =	vld [tilespmem:s7+$0xFFFFFF80];
	v19 =	vand.u32 $0x7D, v32;
	[tilespmem:v14+s0+$0x0] =	vst.idx.msk $0xffff, v11;
	v39 =	vadd.s32 v0, v21  }
0x4f1: {  	v35 =	vld [tilespmem:s7+$0xFFFFFFC0];
	v20 =	vand.u32 $0x7E, v20;
	v36 =	vadd.s32 v0, v19;
	[tilespmem:v12+s0+$0x0] =	vst.idx.msk $0xffff, v9  }
0x4f2: {  	v37 =	vld [tilespmem:s7+$0x0];
	v38 =	vadd.s32 v0, v20;
	[tilespmem:v13+s0+$0x0] =	vst.idx.msk $0xffff, v10  }
0x4f3: {  	v41 =	vadd.s32 v2, v7;
	v40 =	vld [tilespmem:s12+$0xFFFFFFE0];
	[tilespmem:v6+s0+$0x0] =	vst.idx.msk $0xffff, v30  }
0x4f4: {  	v49 =	vadd.s32 v2, v5;
	v48 =	vld [tilespmem:s12+$0x20];
	[tilespmem:v34+s0+$0x0] =	vst.idx.msk $0xffff, v33  }
0x4f5: {  	v43 =	vadd.s32 v1, v31;
	[tilespmem:v39+s0+$0x0] =	vst.idx.msk $0xffff, v22;
	v15 =	vld [tilespmem:s7+$0x50]  }
0x4f6: {  	v47 =	vadd.s32 v1, v21;
	[tilespmem:v36+s0+$0x0] =	vst.idx.msk $0xffff, v35;
	v46 =	vld [tilespmem:s7+$0xFFFFFF90]  }
0x4f7: {  	v44 =	vadd.s32 v1, v19;
	[tilespmem:v38+s0+$0x0] =	vst.idx.msk $0xffff, v37;
	v11 =	vld [tilespmem:s7+$0xFFFFFFD0]  }
0x4f8: {  	v45 =	vadd.s32 v1, v20;
	[tilespmem:v41+s0+$0x0] =	vst.idx.msk $0xffff, v40;
	v9 =	vld [tilespmem:s7+$0x10]  }
0x4f9: {  	v8 =	vadd.s32 v3, v8;
	v42 =	vld [tilespmem:s12+$0x70];
	[tilespmem:v49+s0+$0x0] =	vst.idx.msk $0xffff, v48  }
0x4fa: {  	v5 =	vadd.s32 v3, v5;
	v13 =	vld [tilespmem:s12+$0x30];
	[tilespmem:v43+s0+$0x0] =	vst.idx.msk $0xffff, v15  }
0x4fb: {  	v52 =	vadd.s32 v2, v31;
	[tilespmem:v47+s0+$0x0] =	vst.idx.msk $0xffff, v46;
	v15 =	vld [tilespmem:s7+$0x60]  }
0x4fc: {  	v57 =	vadd.s32 v2, v21;
	[tilespmem:v44+s0+$0x0] =	vst.idx.msk $0xffff, v11;
	v56 =	vld [tilespmem:s7+$0xFFFFFFA0]  }
0x4fd: {  	v53 =	vadd.s32 v2, v19;
	[tilespmem:v45+s0+$0x0] =	vst.idx.msk $0xffff, v9;
	v11 =	vld [tilespmem:s7+$0xFFFFFFE0]  }
0x4fe: {  	v55 =	vadd.s32 v2, v20;
	[tilespmem:v8+s0+$0x0] =	vst.idx.msk $0xffff, v42;
	v54 =	vld [tilespmem:s7+$0x20]  }
0x4ff: {  	v4 =	vadd.s32 v3, v4;
	v58 =	vld [tilespmem:s12+$0xFFFFFFB0];
	[tilespmem:v5+s0+$0x0] =	vst.idx.msk $0xffff, v13  }
0x500: {  	v51 =	vadd.s32 v3, v7;
	v50 =	vld [tilespmem:s12+$0xFFFFFFF0];
	[tilespmem:v52+s0+$0x0] =	vst.idx.msk $0xffff, v15  }
0x501: {  	v60 =	vadd.s32 v3, v31;
	[tilespmem:v57+s0+$0x0] =	vst.idx.msk $0xffff, v56;
	v59 =	vld [tilespmem:s7+$0x70]  }
0x502: {  	v63 =	vadd.s32 v3, v21;
	[tilespmem:v53+s0+$0x0] =	vst.idx.msk $0xffff, v11;
	v5 =	vld [tilespmem:s7+$0xFFFFFFB0]  }
0x503: {  	v61 =	vadd.s32 v3, v19;
	[tilespmem:v55+s0+$0x0] =	vst.idx.msk $0xffff, v54;
	v11 =	vld [tilespmem:s7+$0xFFFFFFF0]  }
0x504: {  	v62 =	vadd.s32 v3, v20;
	[tilespmem:v4+s0+$0x0] =	vst.idx.msk $0xffff, v58;
	v6 =	vld [tilespmem:s7+$0x30]  }
0x505: {  	[tilespmem:v51+s0+$0x0] =	vst.idx.msk $0xffff, v50  }
0x506: {  	[tilespmem:v60+s0+$0x0] =	vst.idx.msk $0xffff, v59  }
0x507: {  	[tilespmem:v63+s0+$0x0] =	vst.idx.msk $0xffff, v5  }
0x508: {  	[tilespmem:v61+s0+$0x0] =	vst.idx.msk $0xffff, v11  }
0x509: {  	[tilespmem:v62+s0+$0x0] =	vst.idx.msk $0xffff, v6  }
0x50a: {  	s7 =	simm.s32 $0x10600;
	s12 =	rddreg [dreg:$0x9]  }
0x50b: {  	[hbm4b:s12+s3] =	stream.linear.scatter [tilespmem:s7], [sflag:$0x6], $0x80, $0x38;
	[tilespmem:$0x16C00] =	vst v63  }
0x50c: {  	s13 =	simm.s32 $0x10688;
	s14 =	sadd.s32 $0x10, s12  }
0x50d: {  	[hbm4b:s14+s3] =	stream.linear.scatter [tilespmem:s13], [sflag:$0x6], $0x80, $0x38;
	[tilespmem:$0x16C00] =	vst v63  }
0x50e: {  	s15 =	simm.s32 $0x10710;
	s2 =	simm.s32 $0x109B8;
	s16 =	sadd.s32 $0x20, s12  }
0x50f: {  	[hbm4b:s16+s3] =	stream.linear.scatter [tilespmem:s15], [sflag:$0x6], $0x80, $0x38;
	[tilespmem:$0x16C00] =	vst v63  }
0x510: {  	s17 =	simm.s32 $0x10798;
	s22 =	sadd.s32 $0x30, s12;
	s7 =	simm.s32 $0x440  }
0x511: {  	[hbm4b:s22+s3] =	stream.linear.scatter [tilespmem:s17], [sflag:$0x6], $0x80, $0x38;
	[tilespmem:$0x16C00] =	vst v63  }
0x512: {  	s13 =	simm.s32 $0x10820;
	s14 =	sadd.s32 $0x40, s12;
	s15 =	simm.s32 $0x108A8  }
0x513: {  	[hbm4b:s14+s3] =	stream.linear.scatter [tilespmem:s13], [sflag:$0x6], $0x80, $0x38;
	[tilespmem:$0x16C00] =	vst v63  }
0x514: {  	s16 =	sadd.s32 $0x50, s12;
	s17 =	simm.s32 $0x10930;
	s22 =	sadd.s32 $0x60, s12  }
0x515: {  	[hbm4b:s16+s3] =	stream.linear.scatter [tilespmem:s15], [sflag:$0x6], $0x80, $0x38;
	[tilespmem:$0x16C00] =	vst v63  }
0x516: {  	s13 =	simm.s32 $0x2200;
	s14 =	sadd.s32 $0x70, s12;
	s12 =	sadd.s32 $0x1000, s12  }
0x517: {  	[hbm4b:s22+s3] =	stream.linear.scatter [tilespmem:s17], [sflag:$0x6], $0x80, $0x38;
	[tilespmem:$0x16C00] =	vst v63  }
.LBB2_42:
0x518: {  	[hbm4b:s14+s3] =	stream.linear.scatter [tilespmem:s2], [sflag:$0x6], $0x80, $0x38;
	[tilespmem:$0x16C00] =	vst v63  }
0x519: {  	s2 =	smov.u32 s7;
	s7 =	smov.u32 s13  }
0x51a: {  	s15 =	sadd.s32 $0x1100, s13;
	s7 =	sshra.s32 s7, $0x2;
	s14 =	sadd.s32 $0x10600, s2  }
0x51b: {  	[hbm4b:s12+s3] =	stream.linear.scatter [tilespmem:s14], [sflag:$0x6], $0x80, $0x38;
	[tilespmem:$0x16C00] =	vst v63  }
0x51c: {  	p0 =	sne.s32 s13, $0x7700;
	s13 =	sadd.s32 $0x10688, s2;
	s14 =	sadd.s32 $0x10, s12  }
0x51d: {  	[hbm4b:s14+s3] =	stream.linear.scatter [tilespmem:s13], [sflag:$0x6], $0x80, $0x38;
	[tilespmem:$0x16C00] =	vst v63  }
0x51e: {  	s13 =	sadd.s32 $0x10710, s2;
	s14 =	sadd.s32 $0x20, s12  }
0x51f: {  	[hbm4b:s14+s3] =	stream.linear.scatter [tilespmem:s13], [sflag:$0x6], $0x80, $0x38;
	[tilespmem:$0x16C00] =	vst v63  }
0x520: {  	s13 =	sadd.s32 $0x10798, s2;
	s14 =	sadd.s32 $0x30, s12  }
0x521: {  	[hbm4b:s14+s3] =	stream.linear.scatter [tilespmem:s13], [sflag:$0x6], $0x80, $0x38;
	[tilespmem:$0x16C00] =	vst v63  }
0x522: {  	s13 =	sadd.s32 $0x10820, s2;
	s14 =	sadd.s32 $0x40, s12  }
0x523: {  	[hbm4b:s14+s3] =	stream.linear.scatter [tilespmem:s13], [sflag:$0x6], $0x80, $0x38;
	[tilespmem:$0x16C00] =	vst v63  }
.Ltmp20:
0x524: {  	s13 =	sadd.s32 $0x108A8, s2;
	s14 =	sadd.s32 $0x50, s12;
	(pc) =	sbr.rel @p0 .LBB2_42-.Ltmp20, $4  }
0x525: {  	[hbm4b:s14+s3] =	stream.linear.scatter [tilespmem:s13], [sflag:$0x6], $0x80, $0x38;
	[tilespmem:$0x16C00] =	vst v63  }
0x526: {  	s13 =	sadd.s32 $0x10930, s2;
	s14 =	sadd.s32 $0x60, s12;
	s2 =	sadd.s32 $0x109B8, s2  }
0x527: {  	[hbm4b:s14+s3] =	stream.linear.scatter [tilespmem:s13], [sflag:$0x6], $0x80, $0x38;
	[tilespmem:$0x16C00] =	vst v63  }
0x528: {  	s14 =	sadd.s32 $0x70, s12;
	s12 =	sadd.s32 $0x1000, s12;
	s13 =	smov.u32 s15  }
0x529: {  	[hbm4b:s14+s3] =	stream.linear.scatter [tilespmem:s2], [sflag:$0x6], $0x80, $0x38;
	[tilespmem:$0x16C00] =	vst v63  }
0x52a: {  	s15 =	sadd.s32 $0x10600, s7  }
0x52b: {  	[hbm4b:s12+s3] =	stream.linear.scatter [tilespmem:s15], [sflag:$0x6], $0x80, $0x38;
	[tilespmem:$0x16C00] =	vst v63  }
0x52c: {  	s16 =	sadd.s32 $0x10688, s7;
	s13 =	sadd.s32 $0x10, s12  }
0x52d: {  	[hbm4b:s13+s3] =	stream.linear.scatter [tilespmem:s16], [sflag:$0x6], $0x80, $0x38;
	[tilespmem:$0x16C00] =	vst v63  }
0x52e: {  	s17 =	sadd.s32 $0x10710, s7;
	s22 =	sadd.s32 $0x20, s12  }
0x52f: {  	[hbm4b:s22+s3] =	stream.linear.scatter [tilespmem:s17], [sflag:$0x6], $0x80, $0x38;
	[tilespmem:$0x16C00] =	vst v63  }
0x530: {  	s14 =	sadd.s32 $0x30, s12;
	s13 =	sadd.s32 $0x10798, s7  }
0x531: {  	[hbm4b:s14+s3] =	stream.linear.scatter [tilespmem:s13], [sflag:$0x6], $0x80, $0x38;
	[tilespmem:$0x16C00] =	vst v63  }
0x532: {  	s15 =	sadd.s32 $0x10820, s7;
	s16 =	sadd.s32 $0x40, s12  }
0x533: {  	[hbm4b:s16+s3] =	stream.linear.scatter [tilespmem:s15], [sflag:$0x6], $0x80, $0x38;
	[tilespmem:$0x16C00] =	vst v63  }
0x534: {  	s17 =	sadd.s32 $0x108A8, s7;
	s22 =	sadd.s32 $0x50, s12  }
0x535: {  	[hbm4b:s22+s3] =	stream.linear.scatter [tilespmem:s17], [sflag:$0x6], $0x80, $0x38;
	[tilespmem:$0x16C00] =	vst v63  }
0x536: {  	s14 =	sadd.s32 $0x10930, s7;
	s15 =	sadd.s32 $0x60, s12  }
0x537: {  	[hbm4b:s15+s3] =	stream.linear.scatter [tilespmem:s14], [sflag:$0x6], $0x80, $0x38;
	[tilespmem:$0x16C00] =	vst v63  }
0x538: {  	s16 =	sadd.s32 $0x109B8, s7;
	s17 =	sadd.s32 $0x70, s12  }
0x539: {  	[hbm4b:s17+s3] =	stream.linear.scatter [tilespmem:s16], [sflag:$0x6], $0x80, $0x38;
	[tilespmem:$0x16C00] =	vst v63  }
0x53a: {  	_ =	swait.ge [sflag:s24], $0x2000  }
0x53b: {  	[sflag:s24] =	ssyncset.done $0x0  }
0x53c: {  	[sflag:s24] =	ssyncadd.s32 $0xFFFFE000  }
0x53d: {  	s22 =	simm.s32 $0x3;
	_ =	swait.ge [sflag:s21], $0x2000  }
0x53e: {  	s7 =	simm.s32 $0x0;
	v4 =	vmov s22;
	[sflag:s21] =	ssyncset.done $0x0  }
0x53f: {  	s13 =	simm.s32 $0xA480;
	s12 =	simm.s32 $0x1;
	v5 =	vand.u32 $0x7F, v4;
	v4 =	vmov s7;
	[sflag:s21] =	ssyncadd.s32 $0xFFFFE000  }
0x540: {  	v8 =	vadd.s32 v0, v5;
	v6 =	vand.u32 $0x7C, v4;
	v4 =	vmov s12;
	v7 =	vld [tilespmem:s13+$0x40]  }
0x541: {  	v10 =	vadd.s32 v0, v6;
	v11 =	vand.u32 $0x7D, v4;
	v9 =	vld [tilespmem:s13+$0xFFFFFF80]  }
0x542: {  	s14 =	simm.s32 $0x2;
	v12 =	vadd.s32 v0, v11;
	v4 =	vld [tilespmem:s13+$0xFFFFFFC0]  }
0x543: {  	v13 =	vmov s14  }
0x544: {  	v13 =	vand.u32 $0x7E, v13  }
0x545: {  	v15 =	vadd.s32 v0, v13;
	v14 =	vld [tilespmem:s13+$0x0];
	[tilespmem:v8+s26+$0x0] =	vst.idx.msk $0xffff, v7  }
0x546: {  	v8 =	vadd.s32 v1, v5;
	[tilespmem:v10+s26+$0x0] =	vst.idx.msk $0xffff, v9;
	v7 =	vld [tilespmem:s13+$0x50]  }
0x547: {  	v10 =	vadd.s32 v1, v6;
	[tilespmem:v12+s26+$0x0] =	vst.idx.msk $0xffff, v4;
	v9 =	vld [tilespmem:s13+$0xFFFFFF90]  }
0x548: {  	v12 =	vadd.s32 v1, v11;
	v4 =	vld [tilespmem:s13+$0xFFFFFFD0];
	_ =	sdelay $0x1  }
0x549: {  	[tilespmem:v15+s26+$0x0] =	vst.idx.msk $0xffff, v14  }
0x54a: {  	v16 =	vadd.s32 v1, v13;
	v15 =	vld [tilespmem:s13+$0x10];
	[tilespmem:v8+s26+$0x0] =	vst.idx.msk $0xffff, v7  }
0x54b: {  	s15 =	simm.s32 $0x7;
	v14 =	vadd.s32 v2, v5;
	[tilespmem:v10+s26+$0x0] =	vst.idx.msk $0xffff, v9;
	v7 =	vld [tilespmem:s13+$0x60]  }
0x54c: {  	v10 =	vadd.s32 v2, v6;
	v8 =	vmov s15;
	[tilespmem:v12+s26+$0x0] =	vst.idx.msk $0xffff, v4;
	v9 =	vld [tilespmem:s13+$0xFFFFFFA0]  }
0x54d: {  	s12 =	simm.s32 $0xA580;
	v17 =	vadd.s32 v2, v11;
	v8 =	vand.u32 $0x7F, v8;
	v12 =	vld [tilespmem:s13+$0xFFFFFFE0]  }
0x54e: {  	s16 =	simm.s32 $0x4;
	v18 =	vld [tilespmem:s12+$0x40];
	v19 =	vadd.s32 v0, v8  }
0x54f: {  	s17 =	simm.s32 $0x5;
	v4 =	vmov s16;
	[tilespmem:v16+s26+$0x0] =	vst.idx.msk $0xffff, v15  }
0x550: {  	v22 =	vmov s17;
	v4 =	vand.u32 $0x7C, v4;
	[tilespmem:v14+s26+$0x0] =	vst.idx.msk $0xffff, v7  }
0x551: {  	s22 =	simm.s32 $0x6;
	v20 =	vld [tilespmem:s12+$0xFFFFFF80];
	v21 =	vadd.s32 v0, v4;
	v7 =	vand.u32 $0x7D, v22;
	[tilespmem:v10+s26+$0x0] =	vst.idx.msk $0xffff, v9  }
0x552: {  	v14 =	vmov s22;
	v9 =	vld [tilespmem:s12+$0xFFFFFFC0];
	[tilespmem:v17+s26+$0x0] =	vst.idx.msk $0xffff, v12;
	v10 =	vadd.s32 v0, v7  }
0x553: {  	v16 =	vadd.s32 v3, v5;
	v12 =	vld [tilespmem:s13+$0x20];
	v5 =	vand.u32 $0x7E, v14;
	[tilespmem:v19+s26+$0x0] =	vst.idx.msk $0xffff, v18;
	v18 =	vadd.s32 v2, v13  }
0x554: {  	v14 =	vld [tilespmem:s12+$0x0];
	v63 =	vadd.s32 v0, v5  }
0x555: {  	v15 =	vld [tilespmem:s13+$0x70]  }
0x556: {  	[tilespmem:v21+s26+$0x0] =	vst.idx.msk $0xffff, v20;
	v20 =	vadd.s32 v1, v8;
	v19 =	vld [tilespmem:s12+$0x50]  }
0x557: {  	v23 =	vadd.s32 v1, v4;
	v21 =	vld [tilespmem:s12+$0xFFFFFF90];
	[tilespmem:v10+s26+$0x0] =	vst.idx.msk $0xffff, v9  }
0x558: {  	v25 =	vadd.s32 v3, v11;
	v24 =	vld [tilespmem:s13+$0xFFFFFFF0];
	[tilespmem:v18+s26+$0x0] =	vst.idx.msk $0xffff, v12  }
0x559: {  	v18 =	vadd.s32 v1, v7;
	v17 =	vld [tilespmem:s12+$0xFFFFFFD0];
	[tilespmem:v63+s26+$0x0] =	vst.idx.msk $0xffff, v14  }
0x55a: {  	[tilespmem:v16+s26+$0x0] =	vst.idx.msk $0xffff, v15;
	v16 =	vadd.s32 v1, v5;
	v15 =	vld [tilespmem:s12+$0x10]  }
0x55b: {  	[tilespmem:v20+s26+$0x0] =	vst.idx.msk $0xffff, v19;
	v11 =	vld [tilespmem:s13+$0x30];
	v14 =	vadd.s32 v3, v13  }
0x55c: {  	v12 =	vadd.s32 v2, v8;
	[tilespmem:v23+s26+$0x0] =	vst.idx.msk $0xffff, v21;
	v9 =	vld [tilespmem:s12+$0x60]  }
0x55d: {  	s2 =	simm.s32 $0xB;
	s7 =	simm.s32 $0xC;
	s14 =	simm.s32 $0x8;
	[tilespmem:v25+s26+$0x0] =	vst.idx.msk $0xffff, v24;
	v13 =	vadd.s32 v2, v4;
	v10 =	vld [tilespmem:s12+$0xFFFFFFA0]  }
.LBB2_44:
0x55e: {  	p0 =	slt.u32 s7, $0x7C;
	v19 =	vmov s2;
	[tilespmem:v18+s26+$0x0] =	vst.idx.msk $0xffff, v17;
	v17 =	vld [tilespmem:s13+$0xFFFFFFB0];
	v18 =	vadd.s32 v3, v6;
	v6 =	vmov v4;
	s13 =	smov.u32 s12  }
0x55f: {  	v4 =	vmov s14;
	v21 =	vadd.s32 v2, v7;
	s12 =	sadd.s32 $0x100, s12;
	v19 =	vand.u32 $0x7F, v19;
	v20 =	vld [tilespmem:s13+$0xFFFFFFE0];
	[tilespmem:v16+s26+$0x0] =	vst.idx.msk $0xffff, v15  }
0x560: {  	s2 =	sadd.s32 $0x1, s14;
	v4 =	vand.u32 $0x7C, v4;
	v15 =	vld [tilespmem:s12+$0x40];
	v16 =	vadd.s32 v0, v19;
	[tilespmem:v14+s26+$0x0] =	vst.idx.msk $0xffff, v11  }
0x561: {  	v22 =	vmov s2;
	s2 =	sadd.s32 $0x2, s14;
	s14 =	smov.u32 s7;
	v14 =	vadd.s32 v0, v4;
	v11 =	vld [tilespmem:s12+$0xFFFFFF80];
	[tilespmem:v12+s26+$0x0] =	vst.idx.msk $0xffff, v9  }
0x562: {  	v9 =	vand.u32 $0x7D, v22;
	v12 =	vmov s2;
	[tilespmem:v13+s26+$0x0] =	vst.idx.msk $0xffff, v10;
	v10 =	vld [tilespmem:s13+$0x70];
	v13 =	vadd.s32 v3, v8;
	v8 =	vmovc v19  }
0x563: {  	v22 =	vadd.s32 v0, v9;
	v12 =	vand.u32 $0x7E, v12;
	v19 =	vld [tilespmem:s12+$0xFFFFFFC0];
	[tilespmem:v18+s26+$0x0] =	vst.idx.msk $0xffff, v17  }
0x564: {  	v24 =	vadd.s32 v0, v12;
	v23 =	vld [tilespmem:s12+$0x0];
	[tilespmem:v21+s26+$0x0] =	vst.idx.msk $0xffff, v20  }
0x565: {  	v21 =	vadd.s32 v2, v5;
	[tilespmem:v16+s26+$0x0] =	vst.idx.msk $0xffff, v15;
	v20 =	vld [tilespmem:s13+$0x20]  }
0x566: {  	[tilespmem:v14+s26+$0x0] =	vst.idx.msk $0xffff, v11;
	v11 =	vld [tilespmem:s12+$0x50];
	v14 =	vadd.s32 v1, v8  }
0x567: {  	v26 =	vadd.s32 v1, v4;
	v25 =	vld [tilespmem:s12+$0xFFFFFF90];
	[tilespmem:v13+s26+$0x0] =	vst.idx.msk $0xffff, v10  }
0x568: {  	[tilespmem:v22+s26+$0x0] =	vst.idx.msk $0xffff, v19;
	v19 =	vld [tilespmem:s13+$0xFFFFFFF0];
	v22 =	vadd.s32 v3, v7;
	v7 =	vmov v9  }
.Ltmp21:
0x569: {  	v17 =	vld [tilespmem:s12+$0xFFFFFFD0];
	v18 =	vadd.s32 v1, v7;
	[tilespmem:v24+s26+$0x0] =	vst.idx.msk $0xffff, v23;
	(pc) =	sbr.rel @p0 .LBB2_44-.Ltmp21, $4  }
0x56a: {  	v16 =	vadd.s32 v1, v12;
	v15 =	vld [tilespmem:s12+$0x10];
	[tilespmem:v21+s26+$0x0] =	vst.idx.msk $0xffff, v20  }
0x56b: {  	[tilespmem:v14+s26+$0x0] =	vst.idx.msk $0xffff, v11;
	v11 =	vld [tilespmem:s13+$0x30];
	v14 =	vadd.s32 v3, v5;
	v5 =	vmov v12  }
0x56c: {  	v12 =	vadd.s32 v2, v8;
	[tilespmem:v26+s26+$0x0] =	vst.idx.msk $0xffff, v25;
	v9 =	vld [tilespmem:s12+$0x60]  }
0x56d: {  	s7 =	sadd.s32 $0x4, s7;
	s2 =	sadd.s32 $0x3, s14;
	v13 =	vadd.s32 v2, v4;
	v10 =	vld [tilespmem:s12+$0xFFFFFFA0];
	[tilespmem:v22+s26+$0x0] =	vst.idx.msk $0xffff, v19  }
0x56e: {  	_ =	sdelay $0x2  }
0x56f: {  	v19 =	vmov s2  }
0x570: {  	s17 =	sadd.s32 $0x1, s14;
	[tilespmem:v18+s26+$0x0] =	vst.idx.msk $0xffff, v17;
	v30 =	vld [tilespmem:s13+$0xFFFFFFB0];
	v6 =	vadd.s32 v3, v6;
	s7 =	sadd.s32 $0x100, s12;
	v21 =	vmov s14;
	v31 =	vand.u32 $0x7F, v19  }
0x571: {  	s22 =	sadd.s32 $0x2, s14;
	v32 =	vmov s17;
	[tilespmem:v16+s26+$0x0] =	vst.idx.msk $0xffff, v15;
	v33 =	vld [tilespmem:s7+$0x40];
	v21 =	vand.u32 $0x7C, v21;
	v34 =	vadd.s32 v0, v31  }
0x572: {  	v20 =	vmov s22;
	v22 =	vld [tilespmem:s7+$0xFFFFFF80];
	v19 =	vand.u32 $0x7D, v32;
	[tilespmem:v14+s26+$0x0] =	vst.idx.msk $0xffff, v11;
	v39 =	vadd.s32 v0, v21  }
0x573: {  	v35 =	vld [tilespmem:s7+$0xFFFFFFC0];
	v20 =	vand.u32 $0x7E, v20;
	v36 =	vadd.s32 v0, v19;
	[tilespmem:v12+s26+$0x0] =	vst.idx.msk $0xffff, v9  }
0x574: {  	v37 =	vld [tilespmem:s7+$0x0];
	v38 =	vadd.s32 v0, v20;
	[tilespmem:v13+s26+$0x0] =	vst.idx.msk $0xffff, v10  }
0x575: {  	v41 =	vadd.s32 v2, v7;
	v40 =	vld [tilespmem:s12+$0xFFFFFFE0];
	[tilespmem:v6+s26+$0x0] =	vst.idx.msk $0xffff, v30  }
0x576: {  	v49 =	vadd.s32 v2, v5;
	v48 =	vld [tilespmem:s12+$0x20];
	[tilespmem:v34+s26+$0x0] =	vst.idx.msk $0xffff, v33  }
0x577: {  	v43 =	vadd.s32 v1, v31;
	[tilespmem:v39+s26+$0x0] =	vst.idx.msk $0xffff, v22;
	v15 =	vld [tilespmem:s7+$0x50]  }
0x578: {  	v47 =	vadd.s32 v1, v21;
	[tilespmem:v36+s26+$0x0] =	vst.idx.msk $0xffff, v35;
	v46 =	vld [tilespmem:s7+$0xFFFFFF90]  }
0x579: {  	v44 =	vadd.s32 v1, v19;
	[tilespmem:v38+s26+$0x0] =	vst.idx.msk $0xffff, v37;
	v11 =	vld [tilespmem:s7+$0xFFFFFFD0]  }
0x57a: {  	v45 =	vadd.s32 v1, v20;
	[tilespmem:v41+s26+$0x0] =	vst.idx.msk $0xffff, v40;
	v9 =	vld [tilespmem:s7+$0x10]  }
0x57b: {  	v8 =	vadd.s32 v3, v8;
	v42 =	vld [tilespmem:s12+$0x70];
	[tilespmem:v49+s26+$0x0] =	vst.idx.msk $0xffff, v48  }
0x57c: {  	v5 =	vadd.s32 v3, v5;
	v13 =	vld [tilespmem:s12+$0x30];
	[tilespmem:v43+s26+$0x0] =	vst.idx.msk $0xffff, v15  }
0x57d: {  	v52 =	vadd.s32 v2, v31;
	[tilespmem:v47+s26+$0x0] =	vst.idx.msk $0xffff, v46;
	v15 =	vld [tilespmem:s7+$0x60]  }
0x57e: {  	v57 =	vadd.s32 v2, v21;
	[tilespmem:v44+s26+$0x0] =	vst.idx.msk $0xffff, v11;
	v56 =	vld [tilespmem:s7+$0xFFFFFFA0]  }
0x57f: {  	v53 =	vadd.s32 v2, v19;
	[tilespmem:v45+s26+$0x0] =	vst.idx.msk $0xffff, v9;
	v11 =	vld [tilespmem:s7+$0xFFFFFFE0]  }
0x580: {  	v55 =	vadd.s32 v2, v20;
	[tilespmem:v8+s26+$0x0] =	vst.idx.msk $0xffff, v42;
	v54 =	vld [tilespmem:s7+$0x20]  }
0x581: {  	v4 =	vadd.s32 v3, v4;
	v58 =	vld [tilespmem:s12+$0xFFFFFFB0];
	[tilespmem:v5+s26+$0x0] =	vst.idx.msk $0xffff, v13  }
0x582: {  	v51 =	vadd.s32 v3, v7;
	v50 =	vld [tilespmem:s12+$0xFFFFFFF0];
	[tilespmem:v52+s26+$0x0] =	vst.idx.msk $0xffff, v15  }
0x583: {  	v60 =	vadd.s32 v3, v31;
	[tilespmem:v57+s26+$0x0] =	vst.idx.msk $0xffff, v56;
	v59 =	vld [tilespmem:s7+$0x70]  }
0x584: {  	v63 =	vadd.s32 v3, v21;
	[tilespmem:v53+s26+$0x0] =	vst.idx.msk $0xffff, v11;
	v5 =	vld [tilespmem:s7+$0xFFFFFFB0]  }
0x585: {  	v61 =	vadd.s32 v3, v19;
	[tilespmem:v55+s26+$0x0] =	vst.idx.msk $0xffff, v54;
	v11 =	vld [tilespmem:s7+$0xFFFFFFF0]  }
0x586: {  	v62 =	vadd.s32 v3, v20;
	[tilespmem:v4+s26+$0x0] =	vst.idx.msk $0xffff, v58;
	v6 =	vld [tilespmem:s7+$0x30]  }
0x587: {  	[tilespmem:v51+s26+$0x0] =	vst.idx.msk $0xffff, v50  }
0x588: {  	[tilespmem:v60+s26+$0x0] =	vst.idx.msk $0xffff, v59  }
0x589: {  	[tilespmem:v63+s26+$0x0] =	vst.idx.msk $0xffff, v5  }
0x58a: {  	[tilespmem:v61+s26+$0x0] =	vst.idx.msk $0xffff, v11  }
0x58b: {  	[tilespmem:v62+s26+$0x0] =	vst.idx.msk $0xffff, v6  }
0x58c: {  	s7 =	simm.s32 $0x12800;
	s12 =	rddreg [dreg:$0xa]  }
0x58d: {  	[hbm4b:s12+s3] =	stream.linear.scatter [tilespmem:s7], [sflag:$0x7], $0x80, $0x38;
	[tilespmem:$0x16C00] =	vst v63  }
0x58e: {  	s13 =	simm.s32 $0x12888;
	s14 =	sadd.s32 $0x10, s12  }
0x58f: {  	[hbm4b:s14+s3] =	stream.linear.scatter [tilespmem:s13], [sflag:$0x7], $0x80, $0x38;
	[tilespmem:$0x16C00] =	vst v63  }
0x590: {  	s15 =	simm.s32 $0x12910;
	s2 =	simm.s32 $0x12BB8;
	s16 =	sadd.s32 $0x20, s12  }
0x591: {  	[hbm4b:s16+s3] =	stream.linear.scatter [tilespmem:s15], [sflag:$0x7], $0x80, $0x38;
	[tilespmem:$0x16C00] =	vst v63  }
0x592: {  	s17 =	simm.s32 $0x12998;
	s22 =	sadd.s32 $0x30, s12;
	s7 =	simm.s32 $0x440  }
0x593: {  	[hbm4b:s22+s3] =	stream.linear.scatter [tilespmem:s17], [sflag:$0x7], $0x80, $0x38;
	[tilespmem:$0x16C00] =	vst v63  }
0x594: {  	s13 =	simm.s32 $0x12A20;
	s14 =	sadd.s32 $0x40, s12;
	s15 =	simm.s32 $0x12AA8  }
0x595: {  	[hbm4b:s14+s3] =	stream.linear.scatter [tilespmem:s13], [sflag:$0x7], $0x80, $0x38;
	[tilespmem:$0x16C00] =	vst v63  }
0x596: {  	s16 =	sadd.s32 $0x50, s12;
	s17 =	simm.s32 $0x12B30;
	s22 =	sadd.s32 $0x60, s12  }
0x597: {  	[hbm4b:s16+s3] =	stream.linear.scatter [tilespmem:s15], [sflag:$0x7], $0x80, $0x38;
	[tilespmem:$0x16C00] =	vst v63  }
0x598: {  	s13 =	simm.s32 $0x2200;
	s14 =	sadd.s32 $0x70, s12;
	s12 =	sadd.s32 $0x1000, s12  }
0x599: {  	[hbm4b:s22+s3] =	stream.linear.scatter [tilespmem:s17], [sflag:$0x7], $0x80, $0x38;
	[tilespmem:$0x16C00] =	vst v63  }
.LBB2_46:
0x59a: {  	[hbm4b:s14+s3] =	stream.linear.scatter [tilespmem:s2], [sflag:$0x7], $0x80, $0x38;
	[tilespmem:$0x16C00] =	vst v63  }
0x59b: {  	s2 =	smov.u32 s7;
	s7 =	smov.u32 s13  }
0x59c: {  	s15 =	sadd.s32 $0x1100, s13;
	s7 =	sshra.s32 s7, $0x2;
	s14 =	sadd.s32 $0x12800, s2  }
0x59d: {  	[hbm4b:s12+s3] =	stream.linear.scatter [tilespmem:s14], [sflag:$0x7], $0x80, $0x38;
	[tilespmem:$0x16C00] =	vst v63  }
0x59e: {  	p0 =	sne.s32 s13, $0x7700;
	s13 =	sadd.s32 $0x12888, s2;
	s14 =	sadd.s32 $0x10, s12  }
0x59f: {  	[hbm4b:s14+s3] =	stream.linear.scatter [tilespmem:s13], [sflag:$0x7], $0x80, $0x38;
	[tilespmem:$0x16C00] =	vst v63  }
0x5a0: {  	s13 =	sadd.s32 $0x12910, s2;
	s14 =	sadd.s32 $0x20, s12  }
0x5a1: {  	[hbm4b:s14+s3] =	stream.linear.scatter [tilespmem:s13], [sflag:$0x7], $0x80, $0x38;
	[tilespmem:$0x16C00] =	vst v63  }
0x5a2: {  	s13 =	sadd.s32 $0x12998, s2;
	s14 =	sadd.s32 $0x30, s12  }
0x5a3: {  	[hbm4b:s14+s3] =	stream.linear.scatter [tilespmem:s13], [sflag:$0x7], $0x80, $0x38;
	[tilespmem:$0x16C00] =	vst v63  }
0x5a4: {  	s13 =	sadd.s32 $0x12A20, s2;
	s14 =	sadd.s32 $0x40, s12  }
0x5a5: {  	[hbm4b:s14+s3] =	stream.linear.scatter [tilespmem:s13], [sflag:$0x7], $0x80, $0x38;
	[tilespmem:$0x16C00] =	vst v63  }
.Ltmp22:
0x5a6: {  	s13 =	sadd.s32 $0x12AA8, s2;
	s14 =	sadd.s32 $0x50, s12;
	(pc) =	sbr.rel @p0 .LBB2_46-.Ltmp22, $4  }
0x5a7: {  	[hbm4b:s14+s3] =	stream.linear.scatter [tilespmem:s13], [sflag:$0x7], $0x80, $0x38;
	[tilespmem:$0x16C00] =	vst v63  }
0x5a8: {  	s13 =	sadd.s32 $0x12B30, s2;
	s14 =	sadd.s32 $0x60, s12;
	s2 =	sadd.s32 $0x12BB8, s2  }
0x5a9: {  	[hbm4b:s14+s3] =	stream.linear.scatter [tilespmem:s13], [sflag:$0x7], $0x80, $0x38;
	[tilespmem:$0x16C00] =	vst v63  }
0x5aa: {  	s14 =	sadd.s32 $0x70, s12;
	s12 =	sadd.s32 $0x1000, s12;
	s13 =	smov.u32 s15  }
0x5ab: {  	[hbm4b:s14+s3] =	stream.linear.scatter [tilespmem:s2], [sflag:$0x7], $0x80, $0x38;
	[tilespmem:$0x16C00] =	vst v63  }
0x5ac: {  	s15 =	sadd.s32 $0x12800, s7  }
0x5ad: {  	[hbm4b:s12+s3] =	stream.linear.scatter [tilespmem:s15], [sflag:$0x7], $0x80, $0x38;
	[tilespmem:$0x16C00] =	vst v63  }
0x5ae: {  	s16 =	sadd.s32 $0x12888, s7;
	s13 =	sadd.s32 $0x10, s12  }
0x5af: {  	[hbm4b:s13+s3] =	stream.linear.scatter [tilespmem:s16], [sflag:$0x7], $0x80, $0x38;
	[tilespmem:$0x16C00] =	vst v63  }
0x5b0: {  	s17 =	sadd.s32 $0x12910, s7;
	s22 =	sadd.s32 $0x20, s12  }
0x5b1: {  	[hbm4b:s22+s3] =	stream.linear.scatter [tilespmem:s17], [sflag:$0x7], $0x80, $0x38;
	[tilespmem:$0x16C00] =	vst v63  }
0x5b2: {  	s14 =	sadd.s32 $0x30, s12;
	s13 =	sadd.s32 $0x12998, s7  }
0x5b3: {  	[hbm4b:s14+s3] =	stream.linear.scatter [tilespmem:s13], [sflag:$0x7], $0x80, $0x38;
	[tilespmem:$0x16C00] =	vst v63  }
0x5b4: {  	s15 =	sadd.s32 $0x12A20, s7;
	s16 =	sadd.s32 $0x40, s12  }
0x5b5: {  	[hbm4b:s16+s3] =	stream.linear.scatter [tilespmem:s15], [sflag:$0x7], $0x80, $0x38;
	[tilespmem:$0x16C00] =	vst v63  }
0x5b6: {  	s17 =	sadd.s32 $0x12AA8, s7;
	s22 =	sadd.s32 $0x50, s12  }
0x5b7: {  	[hbm4b:s22+s3] =	stream.linear.scatter [tilespmem:s17], [sflag:$0x7], $0x80, $0x38;
	[tilespmem:$0x16C00] =	vst v63  }
0x5b8: {  	s14 =	sadd.s32 $0x12B30, s7;
	s15 =	sadd.s32 $0x60, s12  }
0x5b9: {  	[hbm4b:s15+s3] =	stream.linear.scatter [tilespmem:s14], [sflag:$0x7], $0x80, $0x38;
	[tilespmem:$0x16C00] =	vst v63  }
0x5ba: {  	s16 =	sadd.s32 $0x12BB8, s7;
	s17 =	sadd.s32 $0x70, s12  }
0x5bb: {  	[hbm4b:s17+s3] =	stream.linear.scatter [tilespmem:s16], [sflag:$0x7], $0x80, $0x38;
	[tilespmem:$0x16C00] =	vst v63  }
0x5bc: {  	_ =	swait.ge [sflag:s20], $0x2000  }
0x5bd: {  	[sflag:s20] =	ssyncset.done $0x0  }
0x5be: {  	[sflag:s20] =	ssyncadd.s32 $0xFFFFE000  }
0x5bf: {  	s22 =	simm.s32 $0x3;
	_ =	swait.ge [sflag:s9], $0x2000  }
0x5c0: {  	s7 =	simm.s32 $0x0;
	v4 =	vmov s22;
	[sflag:s9] =	ssyncset.done $0x0  }
0x5c1: {  	s13 =	simm.s32 $0xC480;
	s12 =	simm.s32 $0x1;
	v5 =	vand.u32 $0x7F, v4;
	v4 =	vmov s7;
	[sflag:s9] =	ssyncadd.s32 $0xFFFFE000  }
0x5c2: {  	v8 =	vadd.s32 v0, v5;
	v6 =	vand.u32 $0x7C, v4;
	v4 =	vmov s12;
	v7 =	vld [tilespmem:s13+$0x40]  }
0x5c3: {  	v10 =	vadd.s32 v0, v6;
	v11 =	vand.u32 $0x7D, v4;
	v9 =	vld [tilespmem:s13+$0xFFFFFF80]  }
0x5c4: {  	s14 =	simm.s32 $0x2;
	v12 =	vadd.s32 v0, v11;
	v4 =	vld [tilespmem:s13+$0xFFFFFFC0]  }
0x5c5: {  	v13 =	vmov s14  }
0x5c6: {  	v13 =	vand.u32 $0x7E, v13  }
0x5c7: {  	v15 =	vadd.s32 v0, v13;
	v14 =	vld [tilespmem:s13+$0x0];
	[tilespmem:v8+s31+$0x0] =	vst.idx.msk $0xffff, v7  }
0x5c8: {  	v8 =	vadd.s32 v1, v5;
	[tilespmem:v10+s31+$0x0] =	vst.idx.msk $0xffff, v9;
	v7 =	vld [tilespmem:s13+$0x50]  }
0x5c9: {  	v10 =	vadd.s32 v1, v6;
	[tilespmem:v12+s31+$0x0] =	vst.idx.msk $0xffff, v4;
	v9 =	vld [tilespmem:s13+$0xFFFFFF90]  }
0x5ca: {  	v12 =	vadd.s32 v1, v11;
	v4 =	vld [tilespmem:s13+$0xFFFFFFD0];
	_ =	sdelay $0x1  }
0x5cb: {  	[tilespmem:v15+s31+$0x0] =	vst.idx.msk $0xffff, v14  }
0x5cc: {  	v16 =	vadd.s32 v1, v13;
	v15 =	vld [tilespmem:s13+$0x10];
	[tilespmem:v8+s31+$0x0] =	vst.idx.msk $0xffff, v7  }
0x5cd: {  	s15 =	simm.s32 $0x7;
	v14 =	vadd.s32 v2, v5;
	[tilespmem:v10+s31+$0x0] =	vst.idx.msk $0xffff, v9;
	v7 =	vld [tilespmem:s13+$0x60]  }
0x5ce: {  	v10 =	vadd.s32 v2, v6;
	v8 =	vmov s15;
	[tilespmem:v12+s31+$0x0] =	vst.idx.msk $0xffff, v4;
	v9 =	vld [tilespmem:s13+$0xFFFFFFA0]  }
0x5cf: {  	s12 =	simm.s32 $0xC580;
	v17 =	vadd.s32 v2, v11;
	v8 =	vand.u32 $0x7F, v8;
	v12 =	vld [tilespmem:s13+$0xFFFFFFE0]  }
0x5d0: {  	s16 =	simm.s32 $0x4;
	v18 =	vld [tilespmem:s12+$0x40];
	v19 =	vadd.s32 v0, v8  }
0x5d1: {  	s17 =	simm.s32 $0x5;
	v4 =	vmov s16;
	[tilespmem:v16+s31+$0x0] =	vst.idx.msk $0xffff, v15  }
0x5d2: {  	v22 =	vmov s17;
	v4 =	vand.u32 $0x7C, v4;
	[tilespmem:v14+s31+$0x0] =	vst.idx.msk $0xffff, v7  }
0x5d3: {  	s22 =	simm.s32 $0x6;
	v20 =	vld [tilespmem:s12+$0xFFFFFF80];
	v21 =	vadd.s32 v0, v4;
	v7 =	vand.u32 $0x7D, v22;
	[tilespmem:v10+s31+$0x0] =	vst.idx.msk $0xffff, v9  }
0x5d4: {  	v14 =	vmov s22;
	v9 =	vld [tilespmem:s12+$0xFFFFFFC0];
	[tilespmem:v17+s31+$0x0] =	vst.idx.msk $0xffff, v12;
	v10 =	vadd.s32 v0, v7  }
0x5d5: {  	v16 =	vadd.s32 v3, v5;
	v12 =	vld [tilespmem:s13+$0x20];
	v5 =	vand.u32 $0x7E, v14;
	[tilespmem:v19+s31+$0x0] =	vst.idx.msk $0xffff, v18;
	v18 =	vadd.s32 v2, v13  }
0x5d6: {  	v14 =	vld [tilespmem:s12+$0x0];
	v63 =	vadd.s32 v0, v5  }
0x5d7: {  	v15 =	vld [tilespmem:s13+$0x70]  }
0x5d8: {  	[tilespmem:v21+s31+$0x0] =	vst.idx.msk $0xffff, v20;
	v20 =	vadd.s32 v1, v8;
	v19 =	vld [tilespmem:s12+$0x50]  }
0x5d9: {  	v23 =	vadd.s32 v1, v4;
	v21 =	vld [tilespmem:s12+$0xFFFFFF90];
	[tilespmem:v10+s31+$0x0] =	vst.idx.msk $0xffff, v9  }
0x5da: {  	v25 =	vadd.s32 v3, v11;
	v24 =	vld [tilespmem:s13+$0xFFFFFFF0];
	[tilespmem:v18+s31+$0x0] =	vst.idx.msk $0xffff, v12  }
0x5db: {  	v18 =	vadd.s32 v1, v7;
	v17 =	vld [tilespmem:s12+$0xFFFFFFD0];
	[tilespmem:v63+s31+$0x0] =	vst.idx.msk $0xffff, v14  }
0x5dc: {  	[tilespmem:v16+s31+$0x0] =	vst.idx.msk $0xffff, v15;
	v16 =	vadd.s32 v1, v5;
	v15 =	vld [tilespmem:s12+$0x10]  }
0x5dd: {  	[tilespmem:v20+s31+$0x0] =	vst.idx.msk $0xffff, v19;
	v11 =	vld [tilespmem:s13+$0x30];
	v14 =	vadd.s32 v3, v13  }
0x5de: {  	v12 =	vadd.s32 v2, v8;
	[tilespmem:v23+s31+$0x0] =	vst.idx.msk $0xffff, v21;
	v9 =	vld [tilespmem:s12+$0x60]  }
0x5df: {  	s2 =	simm.s32 $0xB;
	s7 =	simm.s32 $0xC;
	s14 =	simm.s32 $0x8;
	[tilespmem:v25+s31+$0x0] =	vst.idx.msk $0xffff, v24;
	v13 =	vadd.s32 v2, v4;
	v10 =	vld [tilespmem:s12+$0xFFFFFFA0]  }
.LBB2_48:
0x5e0: {  	p0 =	slt.u32 s7, $0x7C;
	v19 =	vmov s2;
	[tilespmem:v18+s31+$0x0] =	vst.idx.msk $0xffff, v17;
	v17 =	vld [tilespmem:s13+$0xFFFFFFB0];
	v18 =	vadd.s32 v3, v6;
	v6 =	vmov v4;
	s13 =	smov.u32 s12  }
0x5e1: {  	v4 =	vmov s14;
	v21 =	vadd.s32 v2, v7;
	s12 =	sadd.s32 $0x100, s12;
	v19 =	vand.u32 $0x7F, v19;
	v20 =	vld [tilespmem:s13+$0xFFFFFFE0];
	[tilespmem:v16+s31+$0x0] =	vst.idx.msk $0xffff, v15  }
0x5e2: {  	s2 =	sadd.s32 $0x1, s14;
	v4 =	vand.u32 $0x7C, v4;
	v15 =	vld [tilespmem:s12+$0x40];
	v16 =	vadd.s32 v0, v19;
	[tilespmem:v14+s31+$0x0] =	vst.idx.msk $0xffff, v11  }
0x5e3: {  	v22 =	vmov s2;
	s2 =	sadd.s32 $0x2, s14;
	s14 =	smov.u32 s7;
	v14 =	vadd.s32 v0, v4;
	v11 =	vld [tilespmem:s12+$0xFFFFFF80];
	[tilespmem:v12+s31+$0x0] =	vst.idx.msk $0xffff, v9  }
0x5e4: {  	v9 =	vand.u32 $0x7D, v22;
	v12 =	vmov s2;
	[tilespmem:v13+s31+$0x0] =	vst.idx.msk $0xffff, v10;
	v10 =	vld [tilespmem:s13+$0x70];
	v13 =	vadd.s32 v3, v8;
	v8 =	vmovc v19  }
0x5e5: {  	v22 =	vadd.s32 v0, v9;
	v12 =	vand.u32 $0x7E, v12;
	v19 =	vld [tilespmem:s12+$0xFFFFFFC0];
	[tilespmem:v18+s31+$0x0] =	vst.idx.msk $0xffff, v17  }
0x5e6: {  	v24 =	vadd.s32 v0, v12;
	v23 =	vld [tilespmem:s12+$0x0];
	[tilespmem:v21+s31+$0x0] =	vst.idx.msk $0xffff, v20  }
0x5e7: {  	v21 =	vadd.s32 v2, v5;
	[tilespmem:v16+s31+$0x0] =	vst.idx.msk $0xffff, v15;
	v20 =	vld [tilespmem:s13+$0x20]  }
0x5e8: {  	[tilespmem:v14+s31+$0x0] =	vst.idx.msk $0xffff, v11;
	v11 =	vld [tilespmem:s12+$0x50];
	v14 =	vadd.s32 v1, v8  }
0x5e9: {  	v26 =	vadd.s32 v1, v4;
	v25 =	vld [tilespmem:s12+$0xFFFFFF90];
	[tilespmem:v13+s31+$0x0] =	vst.idx.msk $0xffff, v10  }
0x5ea: {  	[tilespmem:v22+s31+$0x0] =	vst.idx.msk $0xffff, v19;
	v19 =	vld [tilespmem:s13+$0xFFFFFFF0];
	v22 =	vadd.s32 v3, v7;
	v7 =	vmov v9  }
.Ltmp23:
0x5eb: {  	v17 =	vld [tilespmem:s12+$0xFFFFFFD0];
	v18 =	vadd.s32 v1, v7;
	[tilespmem:v24+s31+$0x0] =	vst.idx.msk $0xffff, v23;
	(pc) =	sbr.rel @p0 .LBB2_48-.Ltmp23, $4  }
0x5ec: {  	v16 =	vadd.s32 v1, v12;
	v15 =	vld [tilespmem:s12+$0x10];
	[tilespmem:v21+s31+$0x0] =	vst.idx.msk $0xffff, v20  }
0x5ed: {  	[tilespmem:v14+s31+$0x0] =	vst.idx.msk $0xffff, v11;
	v11 =	vld [tilespmem:s13+$0x30];
	v14 =	vadd.s32 v3, v5;
	v5 =	vmov v12  }
0x5ee: {  	v12 =	vadd.s32 v2, v8;
	[tilespmem:v26+s31+$0x0] =	vst.idx.msk $0xffff, v25;
	v9 =	vld [tilespmem:s12+$0x60]  }
0x5ef: {  	s7 =	sadd.s32 $0x4, s7;
	s2 =	sadd.s32 $0x3, s14;
	v13 =	vadd.s32 v2, v4;
	v10 =	vld [tilespmem:s12+$0xFFFFFFA0];
	[tilespmem:v22+s31+$0x0] =	vst.idx.msk $0xffff, v19  }
0x5f0: {  	_ =	sdelay $0x2  }
0x5f1: {  	v19 =	vmov s2  }
0x5f2: {  	s17 =	sadd.s32 $0x1, s14;
	[tilespmem:v18+s31+$0x0] =	vst.idx.msk $0xffff, v17;
	v30 =	vld [tilespmem:s13+$0xFFFFFFB0];
	v6 =	vadd.s32 v3, v6;
	s7 =	sadd.s32 $0x100, s12;
	v21 =	vmov s14;
	v31 =	vand.u32 $0x7F, v19  }
0x5f3: {  	s22 =	sadd.s32 $0x2, s14;
	v32 =	vmov s17;
	[tilespmem:v16+s31+$0x0] =	vst.idx.msk $0xffff, v15;
	v33 =	vld [tilespmem:s7+$0x40];
	v21 =	vand.u32 $0x7C, v21;
	v34 =	vadd.s32 v0, v31  }
0x5f4: {  	v20 =	vmov s22;
	v22 =	vld [tilespmem:s7+$0xFFFFFF80];
	v19 =	vand.u32 $0x7D, v32;
	[tilespmem:v14+s31+$0x0] =	vst.idx.msk $0xffff, v11;
	v39 =	vadd.s32 v0, v21  }
0x5f5: {  	v35 =	vld [tilespmem:s7+$0xFFFFFFC0];
	v20 =	vand.u32 $0x7E, v20;
	v36 =	vadd.s32 v0, v19;
	[tilespmem:v12+s31+$0x0] =	vst.idx.msk $0xffff, v9  }
0x5f6: {  	v37 =	vld [tilespmem:s7+$0x0];
	v38 =	vadd.s32 v0, v20;
	[tilespmem:v13+s31+$0x0] =	vst.idx.msk $0xffff, v10  }
0x5f7: {  	v41 =	vadd.s32 v2, v7;
	v40 =	vld [tilespmem:s12+$0xFFFFFFE0];
	[tilespmem:v6+s31+$0x0] =	vst.idx.msk $0xffff, v30  }
0x5f8: {  	v49 =	vadd.s32 v2, v5;
	v48 =	vld [tilespmem:s12+$0x20];
	[tilespmem:v34+s31+$0x0] =	vst.idx.msk $0xffff, v33  }
0x5f9: {  	v43 =	vadd.s32 v1, v31;
	[tilespmem:v39+s31+$0x0] =	vst.idx.msk $0xffff, v22;
	v15 =	vld [tilespmem:s7+$0x50]  }
0x5fa: {  	v47 =	vadd.s32 v1, v21;
	[tilespmem:v36+s31+$0x0] =	vst.idx.msk $0xffff, v35;
	v46 =	vld [tilespmem:s7+$0xFFFFFF90]  }
0x5fb: {  	v44 =	vadd.s32 v1, v19;
	[tilespmem:v38+s31+$0x0] =	vst.idx.msk $0xffff, v37;
	v11 =	vld [tilespmem:s7+$0xFFFFFFD0]  }
0x5fc: {  	v45 =	vadd.s32 v1, v20;
	[tilespmem:v41+s31+$0x0] =	vst.idx.msk $0xffff, v40;
	v9 =	vld [tilespmem:s7+$0x10]  }
0x5fd: {  	v8 =	vadd.s32 v3, v8;
	v42 =	vld [tilespmem:s12+$0x70];
	[tilespmem:v49+s31+$0x0] =	vst.idx.msk $0xffff, v48  }
0x5fe: {  	v5 =	vadd.s32 v3, v5;
	v13 =	vld [tilespmem:s12+$0x30];
	[tilespmem:v43+s31+$0x0] =	vst.idx.msk $0xffff, v15  }
0x5ff: {  	v52 =	vadd.s32 v2, v31;
	[tilespmem:v47+s31+$0x0] =	vst.idx.msk $0xffff, v46;
	v15 =	vld [tilespmem:s7+$0x60]  }
0x600: {  	v57 =	vadd.s32 v2, v21;
	[tilespmem:v44+s31+$0x0] =	vst.idx.msk $0xffff, v11;
	v56 =	vld [tilespmem:s7+$0xFFFFFFA0]  }
0x601: {  	v53 =	vadd.s32 v2, v19;
	[tilespmem:v45+s31+$0x0] =	vst.idx.msk $0xffff, v9;
	v11 =	vld [tilespmem:s7+$0xFFFFFFE0]  }
0x602: {  	v55 =	vadd.s32 v2, v20;
	[tilespmem:v8+s31+$0x0] =	vst.idx.msk $0xffff, v42;
	v54 =	vld [tilespmem:s7+$0x20]  }
0x603: {  	v4 =	vadd.s32 v3, v4;
	v58 =	vld [tilespmem:s12+$0xFFFFFFB0];
	[tilespmem:v5+s31+$0x0] =	vst.idx.msk $0xffff, v13  }
0x604: {  	v51 =	vadd.s32 v3, v7;
	v50 =	vld [tilespmem:s12+$0xFFFFFFF0];
	[tilespmem:v52+s31+$0x0] =	vst.idx.msk $0xffff, v15  }
0x605: {  	v60 =	vadd.s32 v3, v31;
	[tilespmem:v57+s31+$0x0] =	vst.idx.msk $0xffff, v56;
	v59 =	vld [tilespmem:s7+$0x70]  }
0x606: {  	v63 =	vadd.s32 v3, v21;
	[tilespmem:v53+s31+$0x0] =	vst.idx.msk $0xffff, v11;
	v5 =	vld [tilespmem:s7+$0xFFFFFFB0]  }
0x607: {  	v61 =	vadd.s32 v3, v19;
	[tilespmem:v55+s31+$0x0] =	vst.idx.msk $0xffff, v54;
	v11 =	vld [tilespmem:s7+$0xFFFFFFF0]  }
0x608: {  	v62 =	vadd.s32 v3, v20;
	[tilespmem:v4+s31+$0x0] =	vst.idx.msk $0xffff, v58;
	v6 =	vld [tilespmem:s7+$0x30]  }
0x609: {  	[tilespmem:v51+s31+$0x0] =	vst.idx.msk $0xffff, v50  }
0x60a: {  	[tilespmem:v60+s31+$0x0] =	vst.idx.msk $0xffff, v59  }
0x60b: {  	[tilespmem:v63+s31+$0x0] =	vst.idx.msk $0xffff, v5  }
0x60c: {  	[tilespmem:v61+s31+$0x0] =	vst.idx.msk $0xffff, v11  }
0x60d: {  	[tilespmem:v62+s31+$0x0] =	vst.idx.msk $0xffff, v6  }
0x60e: {  	s7 =	simm.s32 $0x14A00;
	s12 =	rddreg [dreg:$0xb]  }
0x60f: {  	[hbm4b:s12+s3] =	stream.linear.scatter [tilespmem:s7], [sflag:$0x8], $0x80, $0x38;
	[tilespmem:$0x16C00] =	vst v63  }
0x610: {  	s13 =	simm.s32 $0x14A88;
	s14 =	sadd.s32 $0x10, s12  }
0x611: {  	[hbm4b:s14+s3] =	stream.linear.scatter [tilespmem:s13], [sflag:$0x8], $0x80, $0x38;
	[tilespmem:$0x16C00] =	vst v63  }
0x612: {  	s15 =	simm.s32 $0x14B10;
	s2 =	simm.s32 $0x14DB8;
	s16 =	sadd.s32 $0x20, s12  }
0x613: {  	[hbm4b:s16+s3] =	stream.linear.scatter [tilespmem:s15], [sflag:$0x8], $0x80, $0x38;
	[tilespmem:$0x16C00] =	vst v63  }
0x614: {  	s17 =	simm.s32 $0x14B98;
	s22 =	sadd.s32 $0x30, s12;
	s7 =	simm.s32 $0x440  }
0x615: {  	[hbm4b:s22+s3] =	stream.linear.scatter [tilespmem:s17], [sflag:$0x8], $0x80, $0x38;
	[tilespmem:$0x16C00] =	vst v63  }
0x616: {  	s13 =	simm.s32 $0x14C20;
	s14 =	sadd.s32 $0x40, s12;
	s15 =	simm.s32 $0x14CA8  }
0x617: {  	[hbm4b:s14+s3] =	stream.linear.scatter [tilespmem:s13], [sflag:$0x8], $0x80, $0x38;
	[tilespmem:$0x16C00] =	vst v63  }
0x618: {  	s16 =	sadd.s32 $0x50, s12;
	s17 =	simm.s32 $0x14D30;
	s22 =	sadd.s32 $0x60, s12  }
0x619: {  	[hbm4b:s16+s3] =	stream.linear.scatter [tilespmem:s15], [sflag:$0x8], $0x80, $0x38;
	[tilespmem:$0x16C00] =	vst v63  }
0x61a: {  	s13 =	simm.s32 $0x2200;
	s14 =	sadd.s32 $0x70, s12;
	s12 =	sadd.s32 $0x1000, s12  }
0x61b: {  	[hbm4b:s22+s3] =	stream.linear.scatter [tilespmem:s17], [sflag:$0x8], $0x80, $0x38;
	[tilespmem:$0x16C00] =	vst v63  }
.LBB2_50:
0x61c: {  	[hbm4b:s14+s3] =	stream.linear.scatter [tilespmem:s2], [sflag:$0x8], $0x80, $0x38;
	[tilespmem:$0x16C00] =	vst v63  }
0x61d: {  	s2 =	smov.u32 s7;
	s7 =	smov.u32 s13  }
0x61e: {  	s15 =	sadd.s32 $0x1100, s13;
	s7 =	sshra.s32 s7, $0x2;
	s14 =	sadd.s32 $0x14A00, s2  }
0x61f: {  	[hbm4b:s12+s3] =	stream.linear.scatter [tilespmem:s14], [sflag:$0x8], $0x80, $0x38;
	[tilespmem:$0x16C00] =	vst v63  }
0x620: {  	p0 =	sne.s32 s13, $0x7700;
	s13 =	sadd.s32 $0x14A88, s2;
	s14 =	sadd.s32 $0x10, s12  }
0x621: {  	[hbm4b:s14+s3] =	stream.linear.scatter [tilespmem:s13], [sflag:$0x8], $0x80, $0x38;
	[tilespmem:$0x16C00] =	vst v63  }
0x622: {  	s13 =	sadd.s32 $0x14B10, s2;
	s14 =	sadd.s32 $0x20, s12  }
0x623: {  	[hbm4b:s14+s3] =	stream.linear.scatter [tilespmem:s13], [sflag:$0x8], $0x80, $0x38;
	[tilespmem:$0x16C00] =	vst v63  }
0x624: {  	s13 =	sadd.s32 $0x14B98, s2;
	s14 =	sadd.s32 $0x30, s12  }
0x625: {  	[hbm4b:s14+s3] =	stream.linear.scatter [tilespmem:s13], [sflag:$0x8], $0x80, $0x38;
	[tilespmem:$0x16C00] =	vst v63  }
0x626: {  	s13 =	sadd.s32 $0x14C20, s2;
	s14 =	sadd.s32 $0x40, s12  }
0x627: {  	[hbm4b:s14+s3] =	stream.linear.scatter [tilespmem:s13], [sflag:$0x8], $0x80, $0x38;
	[tilespmem:$0x16C00] =	vst v63  }
.Ltmp24:
0x628: {  	s13 =	sadd.s32 $0x14CA8, s2;
	s14 =	sadd.s32 $0x50, s12;
	(pc) =	sbr.rel @p0 .LBB2_50-.Ltmp24, $4  }
0x629: {  	[hbm4b:s14+s3] =	stream.linear.scatter [tilespmem:s13], [sflag:$0x8], $0x80, $0x38;
	[tilespmem:$0x16C00] =	vst v63  }
0x62a: {  	s13 =	sadd.s32 $0x14D30, s2;
	s14 =	sadd.s32 $0x60, s12;
	s2 =	sadd.s32 $0x14DB8, s2  }
0x62b: {  	[hbm4b:s14+s3] =	stream.linear.scatter [tilespmem:s13], [sflag:$0x8], $0x80, $0x38;
	[tilespmem:$0x16C00] =	vst v63  }
0x62c: {  	s14 =	sadd.s32 $0x70, s12;
	s12 =	sadd.s32 $0x1000, s12;
	s13 =	smov.u32 s15  }
0x62d: {  	[hbm4b:s14+s3] =	stream.linear.scatter [tilespmem:s2], [sflag:$0x8], $0x80, $0x38;
	[tilespmem:$0x16C00] =	vst v63  }
0x62e: {  	s15 =	sadd.s32 $0x14A00, s7  }
0x62f: {  	[hbm4b:s12+s3] =	stream.linear.scatter [tilespmem:s15], [sflag:$0x8], $0x80, $0x38;
	[tilespmem:$0x16C00] =	vst v63  }
0x630: {  	s16 =	sadd.s32 $0x14A88, s7;
	s13 =	sadd.s32 $0x10, s12  }
0x631: {  	[hbm4b:s13+s3] =	stream.linear.scatter [tilespmem:s16], [sflag:$0x8], $0x80, $0x38;
	[tilespmem:$0x16C00] =	vst v63  }
0x632: {  	s17 =	sadd.s32 $0x14B10, s7;
	s22 =	sadd.s32 $0x20, s12  }
0x633: {  	[hbm4b:s22+s3] =	stream.linear.scatter [tilespmem:s17], [sflag:$0x8], $0x80, $0x38;
	[tilespmem:$0x16C00] =	vst v63  }
0x634: {  	s14 =	sadd.s32 $0x30, s12;
	s13 =	sadd.s32 $0x14B98, s7  }
0x635: {  	[hbm4b:s14+s3] =	stream.linear.scatter [tilespmem:s13], [sflag:$0x8], $0x80, $0x38;
	[tilespmem:$0x16C00] =	vst v63  }
0x636: {  	s15 =	sadd.s32 $0x14C20, s7;
	s16 =	sadd.s32 $0x40, s12  }
0x637: {  	[hbm4b:s16+s3] =	stream.linear.scatter [tilespmem:s15], [sflag:$0x8], $0x80, $0x38;
	[tilespmem:$0x16C00] =	vst v63  }
0x638: {  	s17 =	sadd.s32 $0x14CA8, s7;
	s22 =	sadd.s32 $0x50, s12  }
0x639: {  	[hbm4b:s22+s3] =	stream.linear.scatter [tilespmem:s17], [sflag:$0x8], $0x80, $0x38;
	[tilespmem:$0x16C00] =	vst v63  }
0x63a: {  	s13 =	sadd.s32 $0x14D30, s7;
	s14 =	sadd.s32 $0x60, s12  }
0x63b: {  	[hbm4b:s14+s3] =	stream.linear.scatter [tilespmem:s13], [sflag:$0x8], $0x80, $0x38;
	[tilespmem:$0x16C00] =	vst v63  }
0x63c: {  	s15 =	sadd.s32 $0x14DB8, s7;
	s16 =	sadd.s32 $0x70, s12  }
0x63d: {  	[hbm4b:s16+s3] =	stream.linear.scatter [tilespmem:s15], [sflag:$0x8], $0x80, $0x38;
	[tilespmem:$0x16C00] =	vst v63  }
0x63e: {  	_ =	swait.ge [sflag:s6], $0x2000  }
0x63f: {  	[sflag:s6] =	ssyncset.done $0x0  }
0x640: {  	[sflag:s6] =	ssyncadd.s32 $0xFFFFE000  }
0x641: {  	_ =	swait.ge [sflag:s18], $0x2000  }
0x642: {  	[sflag:s18] =	ssyncset.done $0x0  }
0x643: {  	[sflag:s18] =	ssyncadd.s32 $0xFFFFE000  }
0x644: {  	_ =	swait.ge [sflag:s21], $0x2000  }
0x645: {  	[sflag:s21] =	ssyncset.done $0x0  }
0x646: {  	[sflag:s21] =	ssyncadd.s32 $0xFFFFE000  }
0x647: {  	_ =	swait.ge [sflag:s9], $0x2000  }
0x648: {  	s17 =	rddreg [dreg:$0xd]  }
0x649: {  	s22 =	rddreg [dreg:$0xc];
	s7 =	sadd.s32 $0x1, s17  }
0x64a: {  	p0 =	sne.s32 s7, s22  }
.Ltmp25:
0x64b: {  	_ = 	snop;
	(pc) =	sbr.rel @p0 .LBB2_1-.Ltmp25, $3  }
0x64c: {  	_ =	sdelay $0x1  }
0x64d: {  	[sflag:s9] =	ssyncset.done $0x0  }
0x64e: {  	[sflag:s9] =	ssyncadd.s32 $0xFFFFE000  }
0x64f: {  	_ =	sfence.sel $0x180000  }
0x650: {  	[bflag:$0x0] =	sbarrier.arrive $0xFFFF  }
0x651: {  	_ =	strace $0x90000047  }
0x652: {  	s0 =	stileid.u32;
	[bflag:$0x2] =	sbarrier.arrive $0xFFFF  }
0x653: {  	p0 =	sne.s32 s0, $0x0;
	s0 =	rddreg [dreg:$0x2]  }
0x654: {  	s0 =	sadd.s32 @!p0 $0x100000, s0  }
0x655: {  	[sflag:s0] =	ssyncadd.tile.s32 @!p0 $0x1;
	_ =	shalt  }
.Lfunc_end2:
_tile_overlayer_lowered:
.L_overlay_start_2:
0x656: {  	(tag) =	ssettag $0x2  }
0x657: {  	s0 =	rddreg [dreg:$0x0];
	s2 =	stileid.u32  }
0x658: {  	s1 =	rddreg [dreg:$0x1];
	p0 =	sne.s32 s2, $0x0  }
0x659: {  	s3 =	rddreg [dreg:$0x2];
	[bflag:$0x3] =	sbarrier.arrive $0xFFFF;
	s2 =	simm.s32 @!p0 $0x1C09  }
0x65a: {  	[timem:s3], [sflag:s2] =	dma.local @!p0 [hbm:s0], s1  }
0x65b: {  	s0 =	simm.s32 @!p0 $0x9  }
0x65c: {  	_ =	swait.ge @!p0 [sflag:s0], s1  }
0x65d: {  	s1 =	ssub.s32 @!p0 $0x0, s1;
	[sflag:s0] =	ssyncset.done @!p0 $0x0  }
0x65e: {  	[sflag:s0] =	ssyncadd.s32 @!p0 s1  }
0x65f: {  	[bflag:$0x3] =	sbarrier.arrive $0xFFFF  }
0x660: {  	_ =	shalt  }

</sc_bundles>
